<compile_context>
chip_gen: v7x
topology: tpu7x:2x2x1
jax: 0.10.2.dev20260603
libtpu: 0.0.44.dev20260713+nightly
codegen_flags: <defaults>
</compile_context>

<pallas_src>
import jax
import jax.numpy as jnp
from jax import lax
from jax.experimental import pallas as pl
from jax.experimental.pallas import tpu as pltpu
from jax.experimental.pallas import tpu_sc as plsc

BATCH = 4096
SEQ = 100
DIM = 128
NC = 2
NS = 16
L = 16
NW = NC * NS
CHUNK = BATCH // NW
NBUF = 4


def _body(ids_hbm, table_hbm, pos_hbm, cls_hbm, out_hbm,
          pos_v, ids_all, obuf, cbuf, table_s, gsems, osems, csem,
          tsem, isem, psem):
    sid = lax.axis_index("s")
    wid = sid * NC + lax.axis_index("c")
    cbase = wid * CHUNK

    @pl.when(sid == 0)
    def _stage():
        pltpu.async_copy(table_hbm, table_s, tsem)

    pltpu.async_copy(ids_hbm.at[:, pl.ds(cbase, CHUNK)], ids_all, isem)
    pltpu.async_copy(pos_hbm, pos_v, psem)

    pltpu.sync_copy(cls_hbm, cbuf.at[pl.ds(0, 1)])
    cls_regs = [cbuf[0, pl.ds(j * L, L)] for j in range(DIM // L)]

    @pl.loop(1, CHUNK)
    def cls_fill(r):
        for j in range(DIM // L):
            cbuf[r, pl.ds(j * L, L)] = cls_regs[j]

    pltpu.async_copy(cbuf, out_hbm.at[0, pl.ds(cbase, CHUNK)], csem)

    pltpu.make_async_copy(ids_hbm.at[:, pl.ds(cbase, CHUNK)], ids_all, isem).wait()
    pltpu.make_async_copy(pos_hbm, pos_v, psem).wait()

    @pl.when(sid == 0)
    def _stage_wait():
        pltpu.make_async_copy(table_hbm, table_s, tsem).wait()

    plsc.subcore_barrier()

    def fire_g(c, b):
        pltpu.async_copy(table_s.at[ids_all.at[c - 1]], obuf.at[b], gsems[b])

    def wait_g(c, b):
        pltpu.make_async_copy(
            table_s.at[ids_all.at[c - 1]], obuf.at[b], gsems[b]).wait()

    def fire_out(c, b):
        pltpu.async_copy(
            obuf.at[b], out_hbm.at[c, pl.ds(cbase, CHUNK)], osems[b])

    def wait_out(c, b):
        pltpu.make_async_copy(
            obuf.at[b], out_hbm.at[c, pl.ds(cbase, CHUNK)], osems[b]).wait()

    def compute(c, b):
        p = [pos_v[c - 1, pl.ds(j * L, L)] for j in range(DIM // L)]

        @plsc.parallel_loop(0, CHUNK, unroll=8)
        def add_pos(r):
            for j in range(DIM // L):
                v = obuf[b, r, pl.ds(j * L, L)]
                obuf[b, r, pl.ds(j * L, L)] = v + p[j]

    def step(c, b, do_wait_out, do_fire_g):
        if do_wait_out:
            wait_out(c + 2 - NBUF, (b + 2) % NBUF)
        if do_fire_g:
            fire_g(c + 2, (b + 2) % NBUF)
        wait_g(c, b)
        compute(c, b)
        fire_out(c, b)

    fire_g(1, 0)
    fire_g(2, 1)
    step(1, 0, do_wait_out=False, do_fire_g=True)
    step(2, 1, do_wait_out=False, do_fire_g=True)

    @pl.loop(3, SEQ - 1, step=NBUF)
    def main(i):
        for k in range(NBUF):
            step(i + k, (k + 2) % NBUF, do_wait_out=True, do_fire_g=True)

    step(SEQ - 1, (SEQ - 2) % NBUF, do_wait_out=True, do_fire_g=False)
    step(SEQ, (SEQ - 1) % NBUF, do_wait_out=True, do_fire_g=False)
    wait_out(SEQ - 1, (SEQ - 2) % NBUF)
    wait_out(SEQ, (SEQ - 1) % NBUF)
    pltpu.make_async_copy(cbuf, out_hbm.at[0, pl.ds(cbase, CHUNK)], csem).wait()


def kernel(bin_ids, bin_table, pos_table, cls_table):
    ids_t = jnp.transpose(bin_ids)
    mesh = plsc.VectorSubcoreMesh(
        core_axis_name="c", subcore_axis_name="s",
        num_cores=NC, num_subcores=NS,
    )
    f = pl.kernel(
        _body,
        out_type=jax.ShapeDtypeStruct((SEQ + 1, BATCH, DIM), jnp.float32),
        mesh=mesh,
        scratch_types=[
            pltpu.VMEM((SEQ, DIM), jnp.float32),
            pltpu.VMEM((SEQ, CHUNK), jnp.int32),
            pltpu.VMEM((NBUF, CHUNK, DIM), jnp.float32),
            pltpu.VMEM((CHUNK, DIM), jnp.float32),
            pltpu.VMEM_SHARED((1000, DIM), jnp.float32),

            [pltpu.SemaphoreType.DMA] * NBUF,
            [pltpu.SemaphoreType.DMA] * NBUF,
            pltpu.SemaphoreType.DMA,
            pltpu.SemaphoreType.DMA,
            pltpu.SemaphoreType.DMA,
            pltpu.SemaphoreType.DMA,
        ],
    )
    out_t = f(ids_t, bin_table, pos_table, cls_table)
    return jnp.transpose(out_t, (1, 0, 2))

# --- scband reference (transcript-rebuilt; emitter-appended) ---
"""Pipeline reference for scband-num-embedding-40544491274623 (READ-ONLY COPY).

The authoritative reference and input builder live on the scoring server;
editing this copy changes nothing except your own understanding.
"""

import jax, jax.numpy as jnp
import numpy as np

MAX_LEN = 1000
MAX_POSITION = 100
EMBED_DIM = 128
BATCH = 4096
SEQ = 100


def setup_inputs(seed: int = 0) -> dict:
    key = jax.random.key(seed)
    k1, k2, k3, k4 = jax.random.split(key, 4)
    bin_ids = jax.random.randint(k1, (BATCH, SEQ), 0, MAX_LEN, dtype=jnp.int64 if jax.config.jax_enable_x64 else jnp.int32)
    bin_table = jax.random.normal(k2, (MAX_LEN, EMBED_DIM), dtype=jnp.float32)
    pos_table = jax.random.normal(k3, (MAX_POSITION, EMBED_DIM), dtype=jnp.float32)
    cls_table = jax.random.normal(k4, (1, EMBED_DIM), dtype=jnp.float32)
    return {"bin_ids": bin_ids, "bin_table": bin_table, "pos_table": pos_table, "cls_table": cls_table}


def reference(bin_ids, bin_table, pos_table, cls_table):
    batch_size, seq_len = bin_ids.shape
    # cls token embedding: cls_token is zeros[1,1] expanded to (batch,1)
    cls_token = jnp.zeros((batch_size, 1), dtype=bin_ids.dtype)
    cls_embedded = jnp.take(cls_table, cls_token, axis=0)  # (batch, 1, dim)
    # positional embedding
    positions = jnp.arange(seq_len)
    positions = jnp.broadcast_to(positions[None, :], (batch_size, seq_len))
    positional_embedded = jnp.take(pos_table, positions, axis=0)  # (batch, seq, dim)
    # bin embedding
    bin_embedded = jnp.take(bin_table, bin_ids, axis=0)  # (batch, seq, dim)
    embedded = bin_embedded + positional_embedded
    embedded = jnp.concatenate([cls_embedded, embedded], axis=1)
    return embedded

if __name__ == "__main__":
    import jax
    _d = setup_inputs()
    print(jax.jit(kernel)(*tuple(_d.values())))

</pallas_src>

<mosaic_0001>
#map = affine_map<(d0, d1) -> (0, 0)>
#map1 = affine_map<(d0, d1) -> (0, 0, 0)>
module attributes {stable_mosaic.version = 14 : i64} {
  func.func @_body(%arg0: i32, %arg1: i32, %arg2: memref<100x4096xi32, #tpu.memory_space<hbm>>, %arg3: memref<1000x128xf32, #tpu.memory_space<hbm>>, %arg4: memref<100x128xf32, #tpu.memory_space<hbm>>, %arg5: memref<1x128xf32, #tpu.memory_space<hbm>>, %arg6: memref<101x4096x128xf32, #tpu.memory_space<hbm>>, %arg7: memref<100x128xf32, #tpu.memory_space<vmem>>, %arg8: memref<100x128xi32, #tpu.memory_space<vmem>>, %arg9: memref<4x128x128xf32, #tpu.memory_space<vmem>>, %arg10: memref<128x128xf32, #tpu.memory_space<vmem>>, %arg11: memref<1000x128xf32, #tpu.memory_space<vmem_shared>>, %arg12: memref<!tpu.dma_semaphore, #tpu.memory_space<semaphore_mem>>, %arg13: memref<!tpu.dma_semaphore, #tpu.memory_space<semaphore_mem>>, %arg14: memref<!tpu.dma_semaphore, #tpu.memory_space<semaphore_mem>>, %arg15: memref<!tpu.dma_semaphore, #tpu.memory_space<semaphore_mem>>, %arg16: memref<!tpu.dma_semaphore, #tpu.memory_space<semaphore_mem>>, %arg17: memref<!tpu.dma_semaphore, #tpu.memory_space<semaphore_mem>>, %arg18: memref<!tpu.dma_semaphore, #tpu.memory_space<semaphore_mem>>, %arg19: memref<!tpu.dma_semaphore, #tpu.memory_space<semaphore_mem>>, %arg20: memref<!tpu.dma_semaphore, #tpu.memory_space<semaphore_mem>>, %arg21: memref<!tpu.dma_semaphore, #tpu.memory_space<semaphore_mem>>, %arg22: memref<!tpu.dma_semaphore, #tpu.memory_space<semaphore_mem>>, %arg23: memref<!tpu.dma_semaphore, #tpu.memory_space<semaphore_mem>>) attributes {dimension_semantics = [#tpu.dimension_semantics<core_parallel>, #tpu.dimension_semantics<subcore_parallel>], iteration_bounds = array<i64: 2, 16>, scalar_prefetch = 0 : i64, scratch_operands = 17 : i64, tpu.core_type = #tpu.core_type<sc_vector_subcore>, window_params = [{transform_indices = #map}, {transform_indices = #map}, {transform_indices = #map}, {transform_indices = #map}, {transform_indices = #map1}]} {
    %mul3A = arith.constant 2 : i32
    %mul3A_0 = arith.muli %arg1, %mul3A : i32
    %add3A = arith.addi %mul3A_0, %arg0 : i32
    %mul3A_1 = arith.constant 128 : i32
    %mul3A_2 = arith.muli %add3A, %mul3A_1 : i32
    %eq3A = arith.constant 0 : i32
    %eq3A_3 = arith.cmpi eq, %arg1, %eq3A : i32
    %convert_element_type3A = arith.extui %eq3A_3 : i1 to i32
    %cond3A = arith.constant 0 : i32
    %cond3A_4 = arith.cmpi ne, %convert_element_type3A, %cond3A : i32
    scf.if %cond3A_4 {
      tpu.enqueue_dma source(%arg3 : memref<1000x128xf32, #tpu.memory_space<hbm>>) target(%arg11 : memref<1000x128xf32, #tpu.memory_space<vmem_shared>>) target_semaphore(%arg21 : memref<!tpu.dma_semaphore, #tpu.memory_space<semaphore_mem>>)
    } else {
    }
    %dma_start3A = arith.constant 0 : i32
    %dma_start3A_5 = tpu.memref_slice %arg2[%dma_start3A, %mul3A_2] : memref<100x4096xi32, #tpu.memory_space<hbm>> -> memref<100x128xi32, #tpu.memory_space<hbm>>
    %dma_start3A_6 = arith.constant 0 : i32
    %dma_start3A_7 = tpu.memref_slice %arg2[%dma_start3A_6, %mul3A_2] : memref<100x4096xi32, #tpu.memory_space<hbm>> -> memref<100x128xi32, #tpu.memory_space<hbm>>
    tpu.enqueue_dma source(%dma_start3A_7 : memref<100x128xi32, #tpu.memory_space<hbm>>) target(%arg8 : memref<100x128xi32, #tpu.memory_space<vmem>>) target_semaphore(%arg22 : memref<!tpu.dma_semaphore, #tpu.memory_space<semaphore_mem>>)
    tpu.enqueue_dma source(%arg4 : memref<100x128xf32, #tpu.memory_space<hbm>>) target(%arg7 : memref<100x128xf32, #tpu.memory_space<vmem>>) target_semaphore(%arg23 : memref<!tpu.dma_semaphore, #tpu.memory_space<semaphore_mem>>)
    "tpu.region"() ({
      %run_scoped3A = tpu.sem_alloc : memref<!tpu.dma_semaphore, #tpu.memory_space<semaphore_mem>>
      %dma_start3A_473 = arith.constant 0 : i32
      %dma_start3A_474 = arith.constant 0 : i32
      %dma_start3A_475 = tpu.memref_slice %arg10[%dma_start3A_473, %dma_start3A_474] : memref<128x128xf32, #tpu.memory_space<vmem>> -> memref<1x128xf32, #tpu.memory_space<vmem>>
      %dma_start3A_476 = arith.constant 0 : i32
      %dma_start3A_477 = arith.constant 0 : i32
      %dma_start3A_478 = tpu.memref_slice %arg10[%dma_start3A_476, %dma_start3A_477] : memref<128x128xf32, #tpu.memory_space<vmem>> -> memref<1x128xf32, #tpu.memory_space<vmem>>
      tpu.enqueue_dma source(%arg5 : memref<1x128xf32, #tpu.memory_space<hbm>>) target(%dma_start3A_478 : memref<1x128xf32, #tpu.memory_space<vmem>>) target_semaphore(%run_scoped3A : memref<!tpu.dma_semaphore, #tpu.memory_space<semaphore_mem>>)
      %dma_wait3A_479 = arith.constant 0 : i32
      %dma_wait3A_480 = arith.constant 0 : i32
      %dma_wait3A_481 = tpu.memref_slice %arg10[%dma_wait3A_479, %dma_wait3A_480] : memref<128x128xf32, #tpu.memory_space<vmem>> -> memref<1x128xf32, #tpu.memory_space<vmem>>
      %dma_wait3A_482 = arith.constant 0 : i32
      %dma_wait3A_483 = arith.constant 0 : i32
      %dma_wait3A_484 = tpu.memref_slice %arg10[%dma_wait3A_482, %dma_wait3A_483] : memref<128x128xf32, #tpu.memory_space<vmem>> -> memref<1x128xf32, #tpu.memory_space<vmem>>
      tpu.wait_dma2 semaphore(%run_scoped3A : memref<!tpu.dma_semaphore, #tpu.memory_space<semaphore_mem>>) src(%arg5 : memref<1x128xf32, #tpu.memory_space<hbm>>) dst(%dma_wait3A_484 : memref<1x128xf32, #tpu.memory_space<vmem>>)
      tpu.yield
    }) : () -> ()
    %get3A = arith.constant 0 : i32
    %get3A_8 = arith.index_cast %get3A : i32 to index
    %get3A_9 = arith.constant 0 : index
    %get3A_10 = tpu.vector_load %arg10[%get3A_8, %get3A_9] {strides = array<i32>} : memref<128x128xf32, #tpu.memory_space<vmem>>, vector<1x16xf32>,
    %get3A_11 = vector.shape_cast %get3A_10 : vector<1x16xf32> to vector<16xf32>
    %get3A_12 = arith.constant 0 : i32
    %get3A_13 = arith.index_cast %get3A_12 : i32 to index
    %get3A_14 = arith.constant 16 : index
    %get3A_15 = tpu.vector_load %arg10[%get3A_13, %get3A_14] {strides = array<i32>} : memref<128x128xf32, #tpu.memory_space<vmem>>, vector<1x16xf32>,
    %get3A_16 = vector.shape_cast %get3A_15 : vector<1x16xf32> to vector<16xf32>
    %get3A_17 = arith.constant 0 : i32
    %get3A_18 = arith.index_cast %get3A_17 : i32 to index
    %get3A_19 = arith.constant 32 : index
    %get3A_20 = tpu.vector_load %arg10[%get3A_18, %get3A_19] {strides = array<i32>} : memref<128x128xf32, #tpu.memory_space<vmem>>, vector<1x16xf32>,
    %get3A_21 = vector.shape_cast %get3A_20 : vector<1x16xf32> to vector<16xf32>
    %get3A_22 = arith.constant 0 : i32
    %get3A_23 = arith.index_cast %get3A_22 : i32 to index
    %get3A_24 = arith.constant 48 : index
    %get3A_25 = tpu.vector_load %arg10[%get3A_23, %get3A_24] {strides = array<i32>} : memref<128x128xf32, #tpu.memory_space<vmem>>, vector<1x16xf32>,
    %get3A_26 = vector.shape_cast %get3A_25 : vector<1x16xf32> to vector<16xf32>
    %get3A_27 = arith.constant 0 : i32
    %get3A_28 = arith.index_cast %get3A_27 : i32 to index
    %get3A_29 = arith.constant 64 : index
    %get3A_30 = tpu.vector_load %arg10[%get3A_28, %get3A_29] {strides = array<i32>} : memref<128x128xf32, #tpu.memory_space<vmem>>, vector<1x16xf32>,
    %get3A_31 = vector.shape_cast %get3A_30 : vector<1x16xf32> to vector<16xf32>
    %get3A_32 = arith.constant 0 : i32
    %get3A_33 = arith.index_cast %get3A_32 : i32 to index
    %get3A_34 = arith.constant 80 : index
    %get3A_35 = tpu.vector_load %arg10[%get3A_33, %get3A_34] {strides = array<i32>} : memref<128x128xf32, #tpu.memory_space<vmem>>, vector<1x16xf32>,
    %get3A_36 = vector.shape_cast %get3A_35 : vector<1x16xf32> to vector<16xf32>
    %get3A_37 = arith.constant 0 : i32
    %get3A_38 = arith.index_cast %get3A_37 : i32 to index
    %get3A_39 = arith.constant 96 : index
    %get3A_40 = tpu.vector_load %arg10[%get3A_38, %get3A_39] {strides = array<i32>} : memref<128x128xf32, #tpu.memory_space<vmem>>, vector<1x16xf32>,
    %get3A_41 = vector.shape_cast %get3A_40 : vector<1x16xf32> to vector<16xf32>
    %get3A_42 = arith.constant 0 : i32
    %get3A_43 = arith.index_cast %get3A_42 : i32 to index
    %get3A_44 = arith.constant 112 : index
    %get3A_45 = tpu.vector_load %arg10[%get3A_43, %get3A_44] {strides = array<i32>} : memref<128x128xf32, #tpu.memory_space<vmem>>, vector<1x16xf32>,
    %get3A_46 = vector.shape_cast %get3A_45 : vector<1x16xf32> to vector<16xf32>
    %scan3A = arith.constant 0 : i32
    %scan3A_47 = arith.constant 127 : i32
    %scan3A_48 = arith.addi %scan3A, %scan3A_47 : i32
    %scan3A_49 = arith.constant 1 : i32
    scf.for %scan3A_473 = %scan3A to %scan3A_48 step %scan3A_49  : i32 {
      %mul3A_474 = arith.constant 1 : i32
      %mul3A_475 = arith.muli %scan3A_473, %mul3A_474 : i32
      %add3A_476 = arith.constant 1 : i32
      %add3A_477 = arith.addi %add3A_476, %mul3A_475 : i32
      %swap3A = arith.index_cast %add3A_477 : i32 to index
      %swap3A_478 = arith.constant 0 : index
      %swap3A_479 = tpu.vector_load %arg10[%swap3A, %swap3A_478] {strides = array<i32>} : memref<128x128xf32, #tpu.memory_space<vmem>>, vector<1x16xf32>,
      %swap3A_480 = vector.shape_cast %swap3A_479 : vector<1x16xf32> to vector<16xf32>
      %swap3A_481 = vector.shape_cast %get3A_11 : vector<16xf32> to vector<1x16xf32>
      tpu.vector_store %arg10[%swap3A, %swap3A_478], %swap3A_481 {strides = array<i32>} : memref<128x128xf32, #tpu.memory_space<vmem>>, vector<1x16xf32>,
      %swap3A_482 = arith.index_cast %add3A_477 : i32 to index
      %swap3A_483 = arith.constant 16 : index
      %swap3A_484 = tpu.vector_load %arg10[%swap3A_482, %swap3A_483] {strides = array<i32>} : memref<128x128xf32, #tpu.memory_space<vmem>>, vector<1x16xf32>,
      %swap3A_485 = vector.shape_cast %swap3A_484 : vector<1x16xf32> to vector<16xf32>
      %swap3A_486 = vector.shape_cast %get3A_16 : vector<16xf32> to vector<1x16xf32>
      tpu.vector_store %arg10[%swap3A_482, %swap3A_483], %swap3A_486 {strides = array<i32>} : memref<128x128xf32, #tpu.memory_space<vmem>>, vector<1x16xf32>,
      %swap3A_487 = arith.index_cast %add3A_477 : i32 to index
      %swap3A_488 = arith.constant 32 : index
      %swap3A_489 = tpu.vector_load %arg10[%swap3A_487, %swap3A_488] {strides = array<i32>} : memref<128x128xf32, #tpu.memory_space<vmem>>, vector<1x16xf32>,
      %swap3A_490 = vector.shape_cast %swap3A_489 : vector<1x16xf32> to vector<16xf32>
      %swap3A_491 = vector.shape_cast %get3A_21 : vector<16xf32> to vector<1x16xf32>
      tpu.vector_store %arg10[%swap3A_487, %swap3A_488], %swap3A_491 {strides = array<i32>} : memref<128x128xf32, #tpu.memory_space<vmem>>, vector<1x16xf32>,
      %swap3A_492 = arith.index_cast %add3A_477 : i32 to index
      %swap3A_493 = arith.constant 48 : index
      %swap3A_494 = tpu.vector_load %arg10[%swap3A_492, %swap3A_493] {strides = array<i32>} : memref<128x128xf32, #tpu.memory_space<vmem>>, vector<1x16xf32>,
      %swap3A_495 = vector.shape_cast %swap3A_494 : vector<1x16xf32> to vector<16xf32>
      %swap3A_496 = vector.shape_cast %get3A_26 : vector<16xf32> to vector<1x16xf32>
      tpu.vector_store %arg10[%swap3A_492, %swap3A_493], %swap3A_496 {strides = array<i32>} : memref<128x128xf32, #tpu.memory_space<vmem>>, vector<1x16xf32>,
      %swap3A_497 = arith.index_cast %add3A_477 : i32 to index
      %swap3A_498 = arith.constant 64 : index
      %swap3A_499 = tpu.vector_load %arg10[%swap3A_497, %swap3A_498] {strides = array<i32>} : memref<128x128xf32, #tpu.memory_space<vmem>>, vector<1x16xf32>,
      %swap3A_500 = vector.shape_cast %swap3A_499 : vector<1x16xf32> to vector<16xf32>
      %swap3A_501 = vector.shape_cast %get3A_31 : vector<16xf32> to vector<1x16xf32>
      tpu.vector_store %arg10[%swap3A_497, %swap3A_498], %swap3A_501 {strides = array<i32>} : memref<128x128xf32, #tpu.memory_space<vmem>>, vector<1x16xf32>,
      %swap3A_502 = arith.index_cast %add3A_477 : i32 to index
      %swap3A_503 = arith.constant 80 : index
      %swap3A_504 = tpu.vector_load %arg10[%swap3A_502, %swap3A_503] {strides = array<i32>} : memref<128x128xf32, #tpu.memory_space<vmem>>, vector<1x16xf32>,
      %swap3A_505 = vector.shape_cast %swap3A_504 : vector<1x16xf32> to vector<16xf32>
      %swap3A_506 = vector.shape_cast %get3A_36 : vector<16xf32> to vector<1x16xf32>
      tpu.vector_store %arg10[%swap3A_502, %swap3A_503], %swap3A_506 {strides = array<i32>} : memref<128x128xf32, #tpu.memory_space<vmem>>, vector<1x16xf32>,
      %swap3A_507 = arith.index_cast %add3A_477 : i32 to index
      %swap3A_508 = arith.constant 96 : index
      %swap3A_509 = tpu.vector_load %arg10[%swap3A_507, %swap3A_508] {strides = array<i32>} : memref<128x128xf32, #tpu.memory_space<vmem>>, vector<1x16xf32>,
      %swap3A_510 = vector.shape_cast %swap3A_509 : vector<1x16xf32> to vector<16xf32>
      %swap3A_511 = vector.shape_cast %get3A_41 : vector<16xf32> to vector<1x16xf32>
      tpu.vector_store %arg10[%swap3A_507, %swap3A_508], %swap3A_511 {strides = array<i32>} : memref<128x128xf32, #tpu.memory_space<vmem>>, vector<1x16xf32>,
      %swap3A_512 = arith.index_cast %add3A_477 : i32 to index
      %swap3A_513 = arith.constant 112 : index
      %swap3A_514 = tpu.vector_load %arg10[%swap3A_512, %swap3A_513] {strides = array<i32>} : memref<128x128xf32, #tpu.memory_space<vmem>>, vector<1x16xf32>,
      %swap3A_515 = vector.shape_cast %swap3A_514 : vector<1x16xf32> to vector<16xf32>
      %swap3A_516 = vector.shape_cast %get3A_46 : vector<16xf32> to vector<1x16xf32>
      tpu.vector_store %arg10[%swap3A_512, %swap3A_513], %swap3A_516 {strides = array<i32>} : memref<128x128xf32, #tpu.memory_space<vmem>>, vector<1x16xf32>,
    }
    %scan3A_50 = arith.constant 127 : i32
    %dma_start3A_51 = arith.constant 0 : i32
    %dma_start3A_52 = arith.constant 0 : i32
    %dma_start3A_53 = tpu.memref_slice %arg6[%dma_start3A_51, %mul3A_2, %dma_start3A_52] : memref<101x4096x128xf32, #tpu.memory_space<hbm>> -> memref<1x128x128xf32, #tpu.memory_space<hbm>>
    %dma_start3A_54 = tpu.memref_squeeze %dma_start3A_53 : memref<1x128x128xf32, #tpu.memory_space<hbm>> -> memref<128x128xf32, #tpu.memory_space<hbm>>
    %dma_start3A_55 = arith.constant 0 : i32
    %dma_start3A_56 = tpu.memref_slice %arg6[%dma_start3A_51, %mul3A_2, %dma_start3A_55] : memref<101x4096x128xf32, #tpu.memory_space<hbm>> -> memref<1x128x128xf32, #tpu.memory_space<hbm>>
    %dma_start3A_57 = tpu.memref_squeeze %dma_start3A_56 : memref<1x128x128xf32, #tpu.memory_space<hbm>> -> memref<128x128xf32, #tpu.memory_space<hbm>>
    tpu.enqueue_dma source(%arg10 : memref<128x128xf32, #tpu.memory_space<vmem>>) target(%dma_start3A_57 : memref<128x128xf32, #tpu.memory_space<hbm>>) target_semaphore(%arg20 : memref<!tpu.dma_semaphore, #tpu.memory_space<semaphore_mem>>)
    %dma_wait3A = arith.constant 0 : i32
    %dma_wait3A_58 = tpu.memref_slice %arg2[%dma_wait3A, %mul3A_2] : memref<100x4096xi32, #tpu.memory_space<hbm>> -> memref<100x128xi32, #tpu.memory_space<hbm>>
    %dma_wait3A_59 = arith.constant 0 : i32
    %dma_wait3A_60 = tpu.memref_slice %arg2[%dma_wait3A_59, %mul3A_2] : memref<100x4096xi32, #tpu.memory_space<hbm>> -> memref<100x128xi32, #tpu.memory_space<hbm>>
    tpu.wait_dma2 semaphore(%arg22 : memref<!tpu.dma_semaphore, #tpu.memory_space<semaphore_mem>>) src(%dma_wait3A_60 : memref<100x128xi32, #tpu.memory_space<hbm>>) dst(%arg8 : memref<100x128xi32, #tpu.memory_space<vmem>>)
    tpu.wait_dma2 semaphore(%arg23 : memref<!tpu.dma_semaphore, #tpu.memory_space<semaphore_mem>>) src(%arg4 : memref<100x128xf32, #tpu.memory_space<hbm>>) dst(%arg7 : memref<100x128xf32, #tpu.memory_space<vmem>>)
    %eq3A_61 = arith.constant 0 : i32
    %eq3A_62 = arith.cmpi eq, %arg1, %eq3A_61 : i32
    %convert_element_type3A_63 = arith.extui %eq3A_62 : i1 to i32
    %cond3A_64 = arith.constant 0 : i32
    %cond3A_65 = arith.cmpi ne, %convert_element_type3A_63, %cond3A_64 : i32
    scf.if %cond3A_65 {
      tpu.wait_dma2 semaphore(%arg21 : memref<!tpu.dma_semaphore, #tpu.memory_space<semaphore_mem>>) src(%arg3 : memref<1000x128xf32, #tpu.memory_space<hbm>>) dst(%arg11 : memref<1000x128xf32, #tpu.memory_space<vmem_shared>>)
    } else {
    }
    %barrier3A = arith.constant 0 : index
    tpu.barrier barrier_id(%barrier3A)
    %dma_start3A_66 = arith.constant 0 : i32
    %dma_start3A_67 = arith.constant 0 : i32
    %dma_start3A_68 = arith.constant 0 : i32
    %dma_start3A_69 = arith.constant 0 : i32
    %dma_start3A_70 = tpu.memref_slice %arg9[%dma_start3A_67, %dma_start3A_68, %dma_start3A_69] : memref<4x128x128xf32, #tpu.memory_space<vmem>> -> memref<1x128x128xf32, #tpu.memory_space<vmem>>
    %dma_start3A_71 = tpu.memref_squeeze %dma_start3A_70 : memref<1x128x128xf32, #tpu.memory_space<vmem>> -> memref<128x128xf32, #tpu.memory_space<vmem>>
    %dma_start3A_72 = arith.constant 0 : i32
    %dma_start3A_73 = tpu.memref_slice %arg8[%dma_start3A_66, %dma_start3A_72] : memref<100x128xi32, #tpu.memory_space<vmem>> -> memref<1x128xi32, #tpu.memory_space<vmem>>
    %dma_start3A_74 = tpu.memref_squeeze %dma_start3A_73 : memref<1x128xi32, #tpu.memory_space<vmem>> -> memref<128xi32, #tpu.memory_space<vmem>>
    %dma_start3A_75 = arith.constant 0 : i32
    %dma_start3A_76 = arith.constant 0 : i32
    %dma_start3A_77 = tpu.memref_slice %arg11[%dma_start3A_75, %dma_start3A_76] : memref<1000x128xf32, #tpu.memory_space<vmem_shared>> -> memref<1000x128xf32, #tpu.memory_space<vmem_shared>>
    tpu.enqueue_indirect_dma source(%dma_start3A_77 : memref<1000x128xf32, #tpu.memory_space<vmem_shared>>) target(%dma_start3A_71 : memref<128x128xf32, #tpu.memory_space<vmem>>) offsets(%dma_start3A_74 : memref<128xi32, #tpu.memory_space<vmem>>) semaphore(%arg12 : memref<!tpu.dma_semaphore, #tpu.memory_space<semaphore_mem>>)
    %dma_start3A_78 = arith.constant 1 : i32
    %dma_start3A_79 = arith.constant 1 : i32
    %dma_start3A_80 = arith.constant 0 : i32
    %dma_start3A_81 = arith.constant 0 : i32
    %dma_start3A_82 = tpu.memref_slice %arg9[%dma_start3A_79, %dma_start3A_80, %dma_start3A_81] : memref<4x128x128xf32, #tpu.memory_space<vmem>> -> memref<1x128x128xf32, #tpu.memory_space<vmem>>
    %dma_start3A_83 = tpu.memref_squeeze %dma_start3A_82 : memref<1x128x128xf32, #tpu.memory_space<vmem>> -> memref<128x128xf32, #tpu.memory_space<vmem>>
    %dma_start3A_84 = arith.constant 0 : i32
    %dma_start3A_85 = tpu.memref_slice %arg8[%dma_start3A_78, %dma_start3A_84] : memref<100x128xi32, #tpu.memory_space<vmem>> -> memref<1x128xi32, #tpu.memory_space<vmem>>
    %dma_start3A_86 = tpu.memref_squeeze %dma_start3A_85 : memref<1x128xi32, #tpu.memory_space<vmem>> -> memref<128xi32, #tpu.memory_space<vmem>>
    %dma_start3A_87 = arith.constant 0 : i32
    %dma_start3A_88 = arith.constant 0 : i32
    %dma_start3A_89 = tpu.memref_slice %arg11[%dma_start3A_87, %dma_start3A_88] : memref<1000x128xf32, #tpu.memory_space<vmem_shared>> -> memref<1000x128xf32, #tpu.memory_space<vmem_shared>>
    tpu.enqueue_indirect_dma source(%dma_start3A_89 : memref<1000x128xf32, #tpu.memory_space<vmem_shared>>) target(%dma_start3A_83 : memref<128x128xf32, #tpu.memory_space<vmem>>) offsets(%dma_start3A_86 : memref<128xi32, #tpu.memory_space<vmem>>) semaphore(%arg13 : memref<!tpu.dma_semaphore, #tpu.memory_space<semaphore_mem>>)
    %dma_start3A_90 = arith.constant 2 : i32
    %dma_start3A_91 = arith.constant 2 : i32
    %dma_start3A_92 = arith.constant 0 : i32
    %dma_start3A_93 = arith.constant 0 : i32
    %dma_start3A_94 = tpu.memref_slice %arg9[%dma_start3A_91, %dma_start3A_92, %dma_start3A_93] : memref<4x128x128xf32, #tpu.memory_space<vmem>> -> memref<1x128x128xf32, #tpu.memory_space<vmem>>
    %dma_start3A_95 = tpu.memref_squeeze %dma_start3A_94 : memref<1x128x128xf32, #tpu.memory_space<vmem>> -> memref<128x128xf32, #tpu.memory_space<vmem>>
    %dma_start3A_96 = arith.constant 0 : i32
    %dma_start3A_97 = tpu.memref_slice %arg8[%dma_start3A_90, %dma_start3A_96] : memref<100x128xi32, #tpu.memory_space<vmem>> -> memref<1x128xi32, #tpu.memory_space<vmem>>
    %dma_start3A_98 = tpu.memref_squeeze %dma_start3A_97 : memref<1x128xi32, #tpu.memory_space<vmem>> -> memref<128xi32, #tpu.memory_space<vmem>>
    %dma_start3A_99 = arith.constant 0 : i32
    %dma_start3A_100 = arith.constant 0 : i32
    %dma_start3A_101 = tpu.memref_slice %arg11[%dma_start3A_99, %dma_start3A_100] : memref<1000x128xf32, #tpu.memory_space<vmem_shared>> -> memref<1000x128xf32, #tpu.memory_space<vmem_shared>>
    tpu.enqueue_indirect_dma source(%dma_start3A_101 : memref<1000x128xf32, #tpu.memory_space<vmem_shared>>) target(%dma_start3A_95 : memref<128x128xf32, #tpu.memory_space<vmem>>) offsets(%dma_start3A_98 : memref<128xi32, #tpu.memory_space<vmem>>) semaphore(%arg14 : memref<!tpu.dma_semaphore, #tpu.memory_space<semaphore_mem>>)
    %dma_wait3A_102 = arith.constant 0 : i32
    %dma_wait3A_103 = arith.constant 0 : i32
    %dma_wait3A_104 = arith.constant 0 : i32
    %dma_wait3A_105 = arith.constant 0 : i32
    %dma_wait3A_106 = tpu.memref_slice %arg9[%dma_wait3A_103, %dma_wait3A_104, %dma_wait3A_105] : memref<4x128x128xf32, #tpu.memory_space<vmem>> -> memref<1x128x128xf32, #tpu.memory_space<vmem>>
    %dma_wait3A_107 = tpu.memref_squeeze %dma_wait3A_106 : memref<1x128x128xf32, #tpu.memory_space<vmem>> -> memref<128x128xf32, #tpu.memory_space<vmem>>
    %dma_wait3A_108 = arith.constant 0 : i32
    %dma_wait3A_109 = tpu.memref_slice %arg8[%dma_wait3A_102, %dma_wait3A_108] : memref<100x128xi32, #tpu.memory_space<vmem>> -> memref<1x128xi32, #tpu.memory_space<vmem>>
    %dma_wait3A_110 = tpu.memref_squeeze %dma_wait3A_109 : memref<1x128xi32, #tpu.memory_space<vmem>> -> memref<128xi32, #tpu.memory_space<vmem>>
    %dma_wait3A_111 = arith.constant 0 : i32
    %dma_wait3A_112 = arith.constant 0 : i32
    %dma_wait3A_113 = tpu.memref_slice %arg11[%dma_wait3A_111, %dma_wait3A_112] : memref<1000x128xf32, #tpu.memory_space<vmem_shared>> -> memref<1000x128xf32, #tpu.memory_space<vmem_shared>>
    tpu.wait_indirect_dma semaphore(%arg12 : memref<!tpu.dma_semaphore, #tpu.memory_space<semaphore_mem>>) src(%dma_wait3A_113 : memref<1000x128xf32, #tpu.memory_space<vmem_shared>>) dst(%dma_wait3A_107 : memref<128x128xf32, #tpu.memory_space<vmem>>)
    %get3A_114 = arith.constant 0 : i32
    %get3A_115 = arith.index_cast %get3A_114 : i32 to index
    %get3A_116 = arith.constant 0 : index
    %get3A_117 = tpu.vector_load %arg7[%get3A_115, %get3A_116] {strides = array<i32>} : memref<100x128xf32, #tpu.memory_space<vmem>>, vector<1x16xf32>,
    %get3A_118 = vector.shape_cast %get3A_117 : vector<1x16xf32> to vector<16xf32>
    %get3A_119 = arith.constant 0 : i32
    %get3A_120 = arith.index_cast %get3A_119 : i32 to index
    %get3A_121 = arith.constant 16 : index
    %get3A_122 = tpu.vector_load %arg7[%get3A_120, %get3A_121] {strides = array<i32>} : memref<100x128xf32, #tpu.memory_space<vmem>>, vector<1x16xf32>,
    %get3A_123 = vector.shape_cast %get3A_122 : vector<1x16xf32> to vector<16xf32>
    %get3A_124 = arith.constant 0 : i32
    %get3A_125 = arith.index_cast %get3A_124 : i32 to index
    %get3A_126 = arith.constant 32 : index
    %get3A_127 = tpu.vector_load %arg7[%get3A_125, %get3A_126] {strides = array<i32>} : memref<100x128xf32, #tpu.memory_space<vmem>>, vector<1x16xf32>,
    %get3A_128 = vector.shape_cast %get3A_127 : vector<1x16xf32> to vector<16xf32>
    %get3A_129 = arith.constant 0 : i32
    %get3A_130 = arith.index_cast %get3A_129 : i32 to index
    %get3A_131 = arith.constant 48 : index
    %get3A_132 = tpu.vector_load %arg7[%get3A_130, %get3A_131] {strides = array<i32>} : memref<100x128xf32, #tpu.memory_space<vmem>>, vector<1x16xf32>,
    %get3A_133 = vector.shape_cast %get3A_132 : vector<1x16xf32> to vector<16xf32>
    %get3A_134 = arith.constant 0 : i32
    %get3A_135 = arith.index_cast %get3A_134 : i32 to index
    %get3A_136 = arith.constant 64 : index
    %get3A_137 = tpu.vector_load %arg7[%get3A_135, %get3A_136] {strides = array<i32>} : memref<100x128xf32, #tpu.memory_space<vmem>>, vector<1x16xf32>,
    %get3A_138 = vector.shape_cast %get3A_137 : vector<1x16xf32> to vector<16xf32>
    %get3A_139 = arith.constant 0 : i32
    %get3A_140 = arith.index_cast %get3A_139 : i32 to index
    %get3A_141 = arith.constant 80 : index
    %get3A_142 = tpu.vector_load %arg7[%get3A_140, %get3A_141] {strides = array<i32>} : memref<100x128xf32, #tpu.memory_space<vmem>>, vector<1x16xf32>,
    %get3A_143 = vector.shape_cast %get3A_142 : vector<1x16xf32> to vector<16xf32>
    %get3A_144 = arith.constant 0 : i32
    %get3A_145 = arith.index_cast %get3A_144 : i32 to index
    %get3A_146 = arith.constant 96 : index
    %get3A_147 = tpu.vector_load %arg7[%get3A_145, %get3A_146] {strides = array<i32>} : memref<100x128xf32, #tpu.memory_space<vmem>>, vector<1x16xf32>,
    %get3A_148 = vector.shape_cast %get3A_147 : vector<1x16xf32> to vector<16xf32>
    %get3A_149 = arith.constant 0 : i32
    %get3A_150 = arith.index_cast %get3A_149 : i32 to index
    %get3A_151 = arith.constant 112 : index
    %get3A_152 = tpu.vector_load %arg7[%get3A_150, %get3A_151] {strides = array<i32>} : memref<100x128xf32, #tpu.memory_space<vmem>>, vector<1x16xf32>,
    %get3A_153 = vector.shape_cast %get3A_152 : vector<1x16xf32> to vector<16xf32>
    %parallel_loop3A = arith.constant 0 : i32
    %parallel_loop3A_154 = arith.constant 128 : i32
    %parallel_loop3A_155 = arith.constant 1 : i32
    scf.for %parallel_loop3A_473 = %parallel_loop3A to %parallel_loop3A_154 step %parallel_loop3A_155  : i32 {
      %parallel_loop3A_474 = arith.constant 0 : i32
      %parallel_loop3A_475 = arith.index_cast %parallel_loop3A_474 : i32 to index
      %parallel_loop3A_476 = arith.index_cast %parallel_loop3A_473 : i32 to index
      %parallel_loop3A_477 = arith.constant 0 : index
      %parallel_loop3A_478 = tpu.vector_load %arg9[%parallel_loop3A_475, %parallel_loop3A_476, %parallel_loop3A_477] {strides = array<i32>} : memref<4x128x128xf32, #tpu.memory_space<vmem>>, vector<1x1x16xf32>,
      %parallel_loop3A_479 = vector.shape_cast %parallel_loop3A_478 : vector<1x1x16xf32> to vector<16xf32>
      %parallel_loop3A_480 = arith.addf %parallel_loop3A_479, %get3A_118 : vector<16xf32>
      %parallel_loop3A_481 = arith.constant 0 : i32
      %parallel_loop3A_482 = arith.index_cast %parallel_loop3A_481 : i32 to index
      %parallel_loop3A_483 = arith.index_cast %parallel_loop3A_473 : i32 to index
      %parallel_loop3A_484 = arith.constant 0 : index
      %parallel_loop3A_485 = tpu.vector_load %arg9[%parallel_loop3A_482, %parallel_loop3A_483, %parallel_loop3A_484] {strides = array<i32>} : memref<4x128x128xf32, #tpu.memory_space<vmem>>, vector<1x1x16xf32>,
      %parallel_loop3A_486 = vector.shape_cast %parallel_loop3A_485 : vector<1x1x16xf32> to vector<16xf32>
      %parallel_loop3A_487 = vector.shape_cast %parallel_loop3A_480 : vector<16xf32> to vector<1x1x16xf32>
      tpu.vector_store %arg9[%parallel_loop3A_482, %parallel_loop3A_483, %parallel_loop3A_484], %parallel_loop3A_487 {strides = array<i32>} : memref<4x128x128xf32, #tpu.memory_space<vmem>>, vector<1x1x16xf32>,
      %parallel_loop3A_488 = arith.constant 0 : i32
      %parallel_loop3A_489 = arith.index_cast %parallel_loop3A_488 : i32 to index
      %parallel_loop3A_490 = arith.index_cast %parallel_loop3A_473 : i32 to index
      %parallel_loop3A_491 = arith.constant 16 : index
      %parallel_loop3A_492 = tpu.vector_load %arg9[%parallel_loop3A_489, %parallel_loop3A_490, %parallel_loop3A_491] {strides = array<i32>} : memref<4x128x128xf32, #tpu.memory_space<vmem>>, vector<1x1x16xf32>,
      %parallel_loop3A_493 = vector.shape_cast %parallel_loop3A_492 : vector<1x1x16xf32> to vector<16xf32>
      %parallel_loop3A_494 = arith.addf %parallel_loop3A_493, %get3A_123 : vector<16xf32>
      %parallel_loop3A_495 = arith.constant 0 : i32
      %parallel_loop3A_496 = arith.index_cast %parallel_loop3A_495 : i32 to index
      %parallel_loop3A_497 = arith.index_cast %parallel_loop3A_473 : i32 to index
      %parallel_loop3A_498 = arith.constant 16 : index
      %parallel_loop3A_499 = tpu.vector_load %arg9[%parallel_loop3A_496, %parallel_loop3A_497, %parallel_loop3A_498] {strides = array<i32>} : memref<4x128x128xf32, #tpu.memory_space<vmem>>, vector<1x1x16xf32>,
      %parallel_loop3A_500 = vector.shape_cast %parallel_loop3A_499 : vector<1x1x16xf32> to vector<16xf32>
      %parallel_loop3A_501 = vector.shape_cast %parallel_loop3A_494 : vector<16xf32> to vector<1x1x16xf32>
      tpu.vector_store %arg9[%parallel_loop3A_496, %parallel_loop3A_497, %parallel_loop3A_498], %parallel_loop3A_501 {strides = array<i32>} : memref<4x128x128xf32, #tpu.memory_space<vmem>>, vector<1x1x16xf32>,
      %parallel_loop3A_502 = arith.constant 0 : i32
      %parallel_loop3A_503 = arith.index_cast %parallel_loop3A_502 : i32 to index
      %parallel_loop3A_504 = arith.index_cast %parallel_loop3A_473 : i32 to index
      %parallel_loop3A_505 = arith.constant 32 : index
      %parallel_loop3A_506 = tpu.vector_load %arg9[%parallel_loop3A_503, %parallel_loop3A_504, %parallel_loop3A_505] {strides = array<i32>} : memref<4x128x128xf32, #tpu.memory_space<vmem>>, vector<1x1x16xf32>,
      %parallel_loop3A_507 = vector.shape_cast %parallel_loop3A_506 : vector<1x1x16xf32> to vector<16xf32>
      %parallel_loop3A_508 = arith.addf %parallel_loop3A_507, %get3A_128 : vector<16xf32>
      %parallel_loop3A_509 = arith.constant 0 : i32
      %parallel_loop3A_510 = arith.index_cast %parallel_loop3A_509 : i32 to index
      %parallel_loop3A_511 = arith.index_cast %parallel_loop3A_473 : i32 to index
      %parallel_loop3A_512 = arith.constant 32 : index
      %parallel_loop3A_513 = tpu.vector_load %arg9[%parallel_loop3A_510, %parallel_loop3A_511, %parallel_loop3A_512] {strides = array<i32>} : memref<4x128x128xf32, #tpu.memory_space<vmem>>, vector<1x1x16xf32>,
      %parallel_loop3A_514 = vector.shape_cast %parallel_loop3A_513 : vector<1x1x16xf32> to vector<16xf32>
      %parallel_loop3A_515 = vector.shape_cast %parallel_loop3A_508 : vector<16xf32> to vector<1x1x16xf32>
      tpu.vector_store %arg9[%parallel_loop3A_510, %parallel_loop3A_511, %parallel_loop3A_512], %parallel_loop3A_515 {strides = array<i32>} : memref<4x128x128xf32, #tpu.memory_space<vmem>>, vector<1x1x16xf32>,
      %parallel_loop3A_516 = arith.constant 0 : i32
      %parallel_loop3A_517 = arith.index_cast %parallel_loop3A_516 : i32 to index
      %parallel_loop3A_518 = arith.index_cast %parallel_loop3A_473 : i32 to index
      %parallel_loop3A_519 = arith.constant 48 : index
      %parallel_loop3A_520 = tpu.vector_load %arg9[%parallel_loop3A_517, %parallel_loop3A_518, %parallel_loop3A_519] {strides = array<i32>} : memref<4x128x128xf32, #tpu.memory_space<vmem>>, vector<1x1x16xf32>,
      %parallel_loop3A_521 = vector.shape_cast %parallel_loop3A_520 : vector<1x1x16xf32> to vector<16xf32>
      %parallel_loop3A_522 = arith.addf %parallel_loop3A_521, %get3A_133 : vector<16xf32>
      %parallel_loop3A_523 = arith.constant 0 : i32
      %parallel_loop3A_524 = arith.index_cast %parallel_loop3A_523 : i32 to index
      %parallel_loop3A_525 = arith.index_cast %parallel_loop3A_473 : i32 to index
      %parallel_loop3A_526 = arith.constant 48 : index
      %parallel_loop3A_527 = tpu.vector_load %arg9[%parallel_loop3A_524, %parallel_loop3A_525, %parallel_loop3A_526] {strides = array<i32>} : memref<4x128x128xf32, #tpu.memory_space<vmem>>, vector<1x1x16xf32>,
      %parallel_loop3A_528 = vector.shape_cast %parallel_loop3A_527 : vector<1x1x16xf32> to vector<16xf32>
      %parallel_loop3A_529 = vector.shape_cast %parallel_loop3A_522 : vector<16xf32> to vector<1x1x16xf32>
      tpu.vector_store %arg9[%parallel_loop3A_524, %parallel_loop3A_525, %parallel_loop3A_526], %parallel_loop3A_529 {strides = array<i32>} : memref<4x128x128xf32, #tpu.memory_space<vmem>>, vector<1x1x16xf32>,
      %parallel_loop3A_530 = arith.constant 0 : i32
      %parallel_loop3A_531 = arith.index_cast %parallel_loop3A_530 : i32 to index
      %parallel_loop3A_532 = arith.index_cast %parallel_loop3A_473 : i32 to index
      %parallel_loop3A_533 = arith.constant 64 : index
      %parallel_loop3A_534 = tpu.vector_load %arg9[%parallel_loop3A_531, %parallel_loop3A_532, %parallel_loop3A_533] {strides = array<i32>} : memref<4x128x128xf32, #tpu.memory_space<vmem>>, vector<1x1x16xf32>,
      %parallel_loop3A_535 = vector.shape_cast %parallel_loop3A_534 : vector<1x1x16xf32> to vector<16xf32>
      %parallel_loop3A_536 = arith.addf %parallel_loop3A_535, %get3A_138 : vector<16xf32>
      %parallel_loop3A_537 = arith.constant 0 : i32
      %parallel_loop3A_538 = arith.index_cast %parallel_loop3A_537 : i32 to index
      %parallel_loop3A_539 = arith.index_cast %parallel_loop3A_473 : i32 to index
      %parallel_loop3A_540 = arith.constant 64 : index
      %parallel_loop3A_541 = tpu.vector_load %arg9[%parallel_loop3A_538, %parallel_loop3A_539, %parallel_loop3A_540] {strides = array<i32>} : memref<4x128x128xf32, #tpu.memory_space<vmem>>, vector<1x1x16xf32>,
      %parallel_loop3A_542 = vector.shape_cast %parallel_loop3A_541 : vector<1x1x16xf32> to vector<16xf32>
      %parallel_loop3A_543 = vector.shape_cast %parallel_loop3A_536 : vector<16xf32> to vector<1x1x16xf32>
      tpu.vector_store %arg9[%parallel_loop3A_538, %parallel_loop3A_539, %parallel_loop3A_540], %parallel_loop3A_543 {strides = array<i32>} : memref<4x128x128xf32, #tpu.memory_space<vmem>>, vector<1x1x16xf32>,
      %parallel_loop3A_544 = arith.constant 0 : i32
      %parallel_loop3A_545 = arith.index_cast %parallel_loop3A_544 : i32 to index
      %parallel_loop3A_546 = arith.index_cast %parallel_loop3A_473 : i32 to index
      %parallel_loop3A_547 = arith.constant 80 : index
      %parallel_loop3A_548 = tpu.vector_load %arg9[%parallel_loop3A_545, %parallel_loop3A_546, %parallel_loop3A_547] {strides = array<i32>} : memref<4x128x128xf32, #tpu.memory_space<vmem>>, vector<1x1x16xf32>,
      %parallel_loop3A_549 = vector.shape_cast %parallel_loop3A_548 : vector<1x1x16xf32> to vector<16xf32>
      %parallel_loop3A_550 = arith.addf %parallel_loop3A_549, %get3A_143 : vector<16xf32>
      %parallel_loop3A_551 = arith.constant 0 : i32
      %parallel_loop3A_552 = arith.index_cast %parallel_loop3A_551 : i32 to index
      %parallel_loop3A_553 = arith.index_cast %parallel_loop3A_473 : i32 to index
      %parallel_loop3A_554 = arith.constant 80 : index
      %parallel_loop3A_555 = tpu.vector_load %arg9[%parallel_loop3A_552, %parallel_loop3A_553, %parallel_loop3A_554] {strides = array<i32>} : memref<4x128x128xf32, #tpu.memory_space<vmem>>, vector<1x1x16xf32>,
      %parallel_loop3A_556 = vector.shape_cast %parallel_loop3A_555 : vector<1x1x16xf32> to vector<16xf32>
      %parallel_loop3A_557 = vector.shape_cast %parallel_loop3A_550 : vector<16xf32> to vector<1x1x16xf32>
      tpu.vector_store %arg9[%parallel_loop3A_552, %parallel_loop3A_553, %parallel_loop3A_554], %parallel_loop3A_557 {strides = array<i32>} : memref<4x128x128xf32, #tpu.memory_space<vmem>>, vector<1x1x16xf32>,
      %parallel_loop3A_558 = arith.constant 0 : i32
      %parallel_loop3A_559 = arith.index_cast %parallel_loop3A_558 : i32 to index
      %parallel_loop3A_560 = arith.index_cast %parallel_loop3A_473 : i32 to index
      %parallel_loop3A_561 = arith.constant 96 : index
      %parallel_loop3A_562 = tpu.vector_load %arg9[%parallel_loop3A_559, %parallel_loop3A_560, %parallel_loop3A_561] {strides = array<i32>} : memref<4x128x128xf32, #tpu.memory_space<vmem>>, vector<1x1x16xf32>,
      %parallel_loop3A_563 = vector.shape_cast %parallel_loop3A_562 : vector<1x1x16xf32> to vector<16xf32>
      %parallel_loop3A_564 = arith.addf %parallel_loop3A_563, %get3A_148 : vector<16xf32>
      %parallel_loop3A_565 = arith.constant 0 : i32
      %parallel_loop3A_566 = arith.index_cast %parallel_loop3A_565 : i32 to index
      %parallel_loop3A_567 = arith.index_cast %parallel_loop3A_473 : i32 to index
      %parallel_loop3A_568 = arith.constant 96 : index
      %parallel_loop3A_569 = tpu.vector_load %arg9[%parallel_loop3A_566, %parallel_loop3A_567, %parallel_loop3A_568] {strides = array<i32>} : memref<4x128x128xf32, #tpu.memory_space<vmem>>, vector<1x1x16xf32>,
      %parallel_loop3A_570 = vector.shape_cast %parallel_loop3A_569 : vector<1x1x16xf32> to vector<16xf32>
      %parallel_loop3A_571 = vector.shape_cast %parallel_loop3A_564 : vector<16xf32> to vector<1x1x16xf32>
      tpu.vector_store %arg9[%parallel_loop3A_566, %parallel_loop3A_567, %parallel_loop3A_568], %parallel_loop3A_571 {strides = array<i32>} : memref<4x128x128xf32, #tpu.memory_space<vmem>>, vector<1x1x16xf32>,
      %parallel_loop3A_572 = arith.constant 0 : i32
      %parallel_loop3A_573 = arith.index_cast %parallel_loop3A_572 : i32 to index
      %parallel_loop3A_574 = arith.index_cast %parallel_loop3A_473 : i32 to index
      %parallel_loop3A_575 = arith.constant 112 : index
      %parallel_loop3A_576 = tpu.vector_load %arg9[%parallel_loop3A_573, %parallel_loop3A_574, %parallel_loop3A_575] {strides = array<i32>} : memref<4x128x128xf32, #tpu.memory_space<vmem>>, vector<1x1x16xf32>,
      %parallel_loop3A_577 = vector.shape_cast %parallel_loop3A_576 : vector<1x1x16xf32> to vector<16xf32>
      %parallel_loop3A_578 = arith.addf %parallel_loop3A_577, %get3A_153 : vector<16xf32>
      %parallel_loop3A_579 = arith.constant 0 : i32
      %parallel_loop3A_580 = arith.index_cast %parallel_loop3A_579 : i32 to index
      %parallel_loop3A_581 = arith.index_cast %parallel_loop3A_473 : i32 to index
      %parallel_loop3A_582 = arith.constant 112 : index
      %parallel_loop3A_583 = tpu.vector_load %arg9[%parallel_loop3A_580, %parallel_loop3A_581, %parallel_loop3A_582] {strides = array<i32>} : memref<4x128x128xf32, #tpu.memory_space<vmem>>, vector<1x1x16xf32>,
      %parallel_loop3A_584 = vector.shape_cast %parallel_loop3A_583 : vector<1x1x16xf32> to vector<16xf32>
      %parallel_loop3A_585 = vector.shape_cast %parallel_loop3A_578 : vector<16xf32> to vector<1x1x16xf32>
      tpu.vector_store %arg9[%parallel_loop3A_580, %parallel_loop3A_581, %parallel_loop3A_582], %parallel_loop3A_585 {strides = array<i32>} : memref<4x128x128xf32, #tpu.memory_space<vmem>>, vector<1x1x16xf32>,
    } {sc.loop_unroll_factor = 8 : i64, sc.parallel_access}
    %dma_start3A_156 = arith.constant 0 : i32
    %dma_start3A_157 = arith.constant 1 : i32
    %dma_start3A_158 = arith.constant 0 : i32
    %dma_start3A_159 = arith.constant 0 : i32
    %dma_start3A_160 = tpu.memref_slice %arg9[%dma_start3A_156, %dma_start3A_158, %dma_start3A_159] : memref<4x128x128xf32, #tpu.memory_space<vmem>> -> memref<1x128x128xf32, #tpu.memory_space<vmem>>
    %dma_start3A_161 = tpu.memref_squeeze %dma_start3A_160 : memref<1x128x128xf32, #tpu.memory_space<vmem>> -> memref<128x128xf32, #tpu.memory_space<vmem>>
    %dma_start3A_162 = arith.constant 0 : i32
    %dma_start3A_163 = tpu.memref_slice %arg6[%dma_start3A_157, %mul3A_2, %dma_start3A_162] : memref<101x4096x128xf32, #tpu.memory_space<hbm>> -> memref<1x128x128xf32, #tpu.memory_space<hbm>>
    %dma_start3A_164 = tpu.memref_squeeze %dma_start3A_163 : memref<1x128x128xf32, #tpu.memory_space<hbm>> -> memref<128x128xf32, #tpu.memory_space<hbm>>
    %dma_start3A_165 = arith.constant 0 : i32
    %dma_start3A_166 = tpu.memref_slice %arg6[%dma_start3A_157, %mul3A_2, %dma_start3A_165] : memref<101x4096x128xf32, #tpu.memory_space<hbm>> -> memref<1x128x128xf32, #tpu.memory_space<hbm>>
    %dma_start3A_167 = tpu.memref_squeeze %dma_start3A_166 : memref<1x128x128xf32, #tpu.memory_space<hbm>> -> memref<128x128xf32, #tpu.memory_space<hbm>>
    %dma_start3A_168 = arith.constant 0 : i32
    %dma_start3A_169 = arith.constant 0 : i32
    %dma_start3A_170 = tpu.memref_slice %arg9[%dma_start3A_156, %dma_start3A_168, %dma_start3A_169] : memref<4x128x128xf32, #tpu.memory_space<vmem>> -> memref<1x128x128xf32, #tpu.memory_space<vmem>>
    %dma_start3A_171 = tpu.memref_squeeze %dma_start3A_170 : memref<1x128x128xf32, #tpu.memory_space<vmem>> -> memref<128x128xf32, #tpu.memory_space<vmem>>
    tpu.enqueue_dma source(%dma_start3A_171 : memref<128x128xf32, #tpu.memory_space<vmem>>) target(%dma_start3A_167 : memref<128x128xf32, #tpu.memory_space<hbm>>) target_semaphore(%arg16 : memref<!tpu.dma_semaphore, #tpu.memory_space<semaphore_mem>>)
    %dma_start3A_172 = arith.constant 3 : i32
    %dma_start3A_173 = arith.constant 3 : i32
    %dma_start3A_174 = arith.constant 0 : i32
    %dma_start3A_175 = arith.constant 0 : i32
    %dma_start3A_176 = tpu.memref_slice %arg9[%dma_start3A_173, %dma_start3A_174, %dma_start3A_175] : memref<4x128x128xf32, #tpu.memory_space<vmem>> -> memref<1x128x128xf32, #tpu.memory_space<vmem>>
    %dma_start3A_177 = tpu.memref_squeeze %dma_start3A_176 : memref<1x128x128xf32, #tpu.memory_space<vmem>> -> memref<128x128xf32, #tpu.memory_space<vmem>>
    %dma_start3A_178 = arith.constant 0 : i32
    %dma_start3A_179 = tpu.memref_slice %arg8[%dma_start3A_172, %dma_start3A_178] : memref<100x128xi32, #tpu.memory_space<vmem>> -> memref<1x128xi32, #tpu.memory_space<vmem>>
    %dma_start3A_180 = tpu.memref_squeeze %dma_start3A_179 : memref<1x128xi32, #tpu.memory_space<vmem>> -> memref<128xi32, #tpu.memory_space<vmem>>
    %dma_start3A_181 = arith.constant 0 : i32
    %dma_start3A_182 = arith.constant 0 : i32
    %dma_start3A_183 = tpu.memref_slice %arg11[%dma_start3A_181, %dma_start3A_182] : memref<1000x128xf32, #tpu.memory_space<vmem_shared>> -> memref<1000x128xf32, #tpu.memory_space<vmem_shared>>
    tpu.enqueue_indirect_dma source(%dma_start3A_183 : memref<1000x128xf32, #tpu.memory_space<vmem_shared>>) target(%dma_start3A_177 : memref<128x128xf32, #tpu.memory_space<vmem>>) offsets(%dma_start3A_180 : memref<128xi32, #tpu.memory_space<vmem>>) semaphore(%arg15 : memref<!tpu.dma_semaphore, #tpu.memory_space<semaphore_mem>>)
    %dma_wait3A_184 = arith.constant 1 : i32
    %dma_wait3A_185 = arith.constant 1 : i32
    %dma_wait3A_186 = arith.constant 0 : i32
    %dma_wait3A_187 = arith.constant 0 : i32
    %dma_wait3A_188 = tpu.memref_slice %arg9[%dma_wait3A_185, %dma_wait3A_186, %dma_wait3A_187] : memref<4x128x128xf32, #tpu.memory_space<vmem>> -> memref<1x128x128xf32, #tpu.memory_space<vmem>>
    %dma_wait3A_189 = tpu.memref_squeeze %dma_wait3A_188 : memref<1x128x128xf32, #tpu.memory_space<vmem>> -> memref<128x128xf32, #tpu.memory_space<vmem>>
    %dma_wait3A_190 = arith.constant 0 : i32
    %dma_wait3A_191 = tpu.memref_slice %arg8[%dma_wait3A_184, %dma_wait3A_190] : memref<100x128xi32, #tpu.memory_space<vmem>> -> memref<1x128xi32, #tpu.memory_space<vmem>>
    %dma_wait3A_192 = tpu.memref_squeeze %dma_wait3A_191 : memref<1x128xi32, #tpu.memory_space<vmem>> -> memref<128xi32, #tpu.memory_space<vmem>>
    %dma_wait3A_193 = arith.constant 0 : i32
    %dma_wait3A_194 = arith.constant 0 : i32
    %dma_wait3A_195 = tpu.memref_slice %arg11[%dma_wait3A_193, %dma_wait3A_194] : memref<1000x128xf32, #tpu.memory_space<vmem_shared>> -> memref<1000x128xf32, #tpu.memory_space<vmem_shared>>
    tpu.wait_indirect_dma semaphore(%arg13 : memref<!tpu.dma_semaphore, #tpu.memory_space<semaphore_mem>>) src(%dma_wait3A_195 : memref<1000x128xf32, #tpu.memory_space<vmem_shared>>) dst(%dma_wait3A_189 : memref<128x128xf32, #tpu.memory_space<vmem>>)
    %get3A_196 = arith.constant 1 : i32
    %get3A_197 = arith.index_cast %get3A_196 : i32 to index
    %get3A_198 = arith.constant 0 : index
    %get3A_199 = tpu.vector_load %arg7[%get3A_197, %get3A_198] {strides = array<i32>} : memref<100x128xf32, #tpu.memory_space<vmem>>, vector<1x16xf32>,
    %get3A_200 = vector.shape_cast %get3A_199 : vector<1x16xf32> to vector<16xf32>
    %get3A_201 = arith.constant 1 : i32
    %get3A_202 = arith.index_cast %get3A_201 : i32 to index
    %get3A_203 = arith.constant 16 : index
    %get3A_204 = tpu.vector_load %arg7[%get3A_202, %get3A_203] {strides = array<i32>} : memref<100x128xf32, #tpu.memory_space<vmem>>, vector<1x16xf32>,
    %get3A_205 = vector.shape_cast %get3A_204 : vector<1x16xf32> to vector<16xf32>
    %get3A_206 = arith.constant 1 : i32
    %get3A_207 = arith.index_cast %get3A_206 : i32 to index
    %get3A_208 = arith.constant 32 : index
    %get3A_209 = tpu.vector_load %arg7[%get3A_207, %get3A_208] {strides = array<i32>} : memref<100x128xf32, #tpu.memory_space<vmem>>, vector<1x16xf32>,
    %get3A_210 = vector.shape_cast %get3A_209 : vector<1x16xf32> to vector<16xf32>
    %get3A_211 = arith.constant 1 : i32
    %get3A_212 = arith.index_cast %get3A_211 : i32 to index
    %get3A_213 = arith.constant 48 : index
    %get3A_214 = tpu.vector_load %arg7[%get3A_212, %get3A_213] {strides = array<i32>} : memref<100x128xf32, #tpu.memory_space<vmem>>, vector<1x16xf32>,
    %get3A_215 = vector.shape_cast %get3A_214 : vector<1x16xf32> to vector<16xf32>
    %get3A_216 = arith.constant 1 : i32
    %get3A_217 = arith.index_cast %get3A_216 : i32 to index
    %get3A_218 = arith.constant 64 : index
    %get3A_219 = tpu.vector_load %arg7[%get3A_217, %get3A_218] {strides = array<i32>} : memref<100x128xf32, #tpu.memory_space<vmem>>, vector<1x16xf32>,
    %get3A_220 = vector.shape_cast %get3A_219 : vector<1x16xf32> to vector<16xf32>
    %get3A_221 = arith.constant 1 : i32
    %get3A_222 = arith.index_cast %get3A_221 : i32 to index
    %get3A_223 = arith.constant 80 : index
    %get3A_224 = tpu.vector_load %arg7[%get3A_222, %get3A_223] {strides = array<i32>} : memref<100x128xf32, #tpu.memory_space<vmem>>, vector<1x16xf32>,
    %get3A_225 = vector.shape_cast %get3A_224 : vector<1x16xf32> to vector<16xf32>
    %get3A_226 = arith.constant 1 : i32
    %get3A_227 = arith.index_cast %get3A_226 : i32 to index
    %get3A_228 = arith.constant 96 : index
    %get3A_229 = tpu.vector_load %arg7[%get3A_227, %get3A_228] {strides = array<i32>} : memref<100x128xf32, #tpu.memory_space<vmem>>, vector<1x16xf32>,
    %get3A_230 = vector.shape_cast %get3A_229 : vector<1x16xf32> to vector<16xf32>
    %get3A_231 = arith.constant 1 : i32
    %get3A_232 = arith.index_cast %get3A_231 : i32 to index
    %get3A_233 = arith.constant 112 : index
    %get3A_234 = tpu.vector_load %arg7[%get3A_232, %get3A_233] {strides = array<i32>} : memref<100x128xf32, #tpu.memory_space<vmem>>, vector<1x16xf32>,
    %get3A_235 = vector.shape_cast %get3A_234 : vector<1x16xf32> to vector<16xf32>
    %parallel_loop3A_236 = arith.constant 0 : i32
    %parallel_loop3A_237 = arith.constant 128 : i32
    %parallel_loop3A_238 = arith.constant 1 : i32
    scf.for %parallel_loop3A_473 = %parallel_loop3A_236 to %parallel_loop3A_237 step %parallel_loop3A_238  : i32 {
      %parallel_loop3A_474 = arith.constant 1 : i32
      %parallel_loop3A_475 = arith.index_cast %parallel_loop3A_474 : i32 to index
      %parallel_loop3A_476 = arith.index_cast %parallel_loop3A_473 : i32 to index
      %parallel_loop3A_477 = arith.constant 0 : index
      %parallel_loop3A_478 = tpu.vector_load %arg9[%parallel_loop3A_475, %parallel_loop3A_476, %parallel_loop3A_477] {strides = array<i32>} : memref<4x128x128xf32, #tpu.memory_space<vmem>>, vector<1x1x16xf32>,
      %parallel_loop3A_479 = vector.shape_cast %parallel_loop3A_478 : vector<1x1x16xf32> to vector<16xf32>
      %parallel_loop3A_480 = arith.addf %parallel_loop3A_479, %get3A_200 : vector<16xf32>
      %parallel_loop3A_481 = arith.constant 1 : i32
      %parallel_loop3A_482 = arith.index_cast %parallel_loop3A_481 : i32 to index
      %parallel_loop3A_483 = arith.index_cast %parallel_loop3A_473 : i32 to index
      %parallel_loop3A_484 = arith.constant 0 : index
      %parallel_loop3A_485 = tpu.vector_load %arg9[%parallel_loop3A_482, %parallel_loop3A_483, %parallel_loop3A_484] {strides = array<i32>} : memref<4x128x128xf32, #tpu.memory_space<vmem>>, vector<1x1x16xf32>,
      %parallel_loop3A_486 = vector.shape_cast %parallel_loop3A_485 : vector<1x1x16xf32> to vector<16xf32>
      %parallel_loop3A_487 = vector.shape_cast %parallel_loop3A_480 : vector<16xf32> to vector<1x1x16xf32>
      tpu.vector_store %arg9[%parallel_loop3A_482, %parallel_loop3A_483, %parallel_loop3A_484], %parallel_loop3A_487 {strides = array<i32>} : memref<4x128x128xf32, #tpu.memory_space<vmem>>, vector<1x1x16xf32>,
      %parallel_loop3A_488 = arith.constant 1 : i32
      %parallel_loop3A_489 = arith.index_cast %parallel_loop3A_488 : i32 to index
      %parallel_loop3A_490 = arith.index_cast %parallel_loop3A_473 : i32 to index
      %parallel_loop3A_491 = arith.constant 16 : index
      %parallel_loop3A_492 = tpu.vector_load %arg9[%parallel_loop3A_489, %parallel_loop3A_490, %parallel_loop3A_491] {strides = array<i32>} : memref<4x128x128xf32, #tpu.memory_space<vmem>>, vector<1x1x16xf32>,
      %parallel_loop3A_493 = vector.shape_cast %parallel_loop3A_492 : vector<1x1x16xf32> to vector<16xf32>
      %parallel_loop3A_494 = arith.addf %parallel_loop3A_493, %get3A_205 : vector<16xf32>
      %parallel_loop3A_495 = arith.constant 1 : i32
      %parallel_loop3A_496 = arith.index_cast %parallel_loop3A_495 : i32 to index
      %parallel_loop3A_497 = arith.index_cast %parallel_loop3A_473 : i32 to index
      %parallel_loop3A_498 = arith.constant 16 : index
      %parallel_loop3A_499 = tpu.vector_load %arg9[%parallel_loop3A_496, %parallel_loop3A_497, %parallel_loop3A_498] {strides = array<i32>} : memref<4x128x128xf32, #tpu.memory_space<vmem>>, vector<1x1x16xf32>,
      %parallel_loop3A_500 = vector.shape_cast %parallel_loop3A_499 : vector<1x1x16xf32> to vector<16xf32>
      %parallel_loop3A_501 = vector.shape_cast %parallel_loop3A_494 : vector<16xf32> to vector<1x1x16xf32>
      tpu.vector_store %arg9[%parallel_loop3A_496, %parallel_loop3A_497, %parallel_loop3A_498], %parallel_loop3A_501 {strides = array<i32>} : memref<4x128x128xf32, #tpu.memory_space<vmem>>, vector<1x1x16xf32>,
      %parallel_loop3A_502 = arith.constant 1 : i32
      %parallel_loop3A_503 = arith.index_cast %parallel_loop3A_502 : i32 to index
      %parallel_loop3A_504 = arith.index_cast %parallel_loop3A_473 : i32 to index
      %parallel_loop3A_505 = arith.constant 32 : index
      %parallel_loop3A_506 = tpu.vector_load %arg9[%parallel_loop3A_503, %parallel_loop3A_504, %parallel_loop3A_505] {strides = array<i32>} : memref<4x128x128xf32, #tpu.memory_space<vmem>>, vector<1x1x16xf32>,
      %parallel_loop3A_507 = vector.shape_cast %parallel_loop3A_506 : vector<1x1x16xf32> to vector<16xf32>
      %parallel_loop3A_508 = arith.addf %parallel_loop3A_507, %get3A_210 : vector<16xf32>
      %parallel_loop3A_509 = arith.constant 1 : i32
      %parallel_loop3A_510 = arith.index_cast %parallel_loop3A_509 : i32 to index
      %parallel_loop3A_511 = arith.index_cast %parallel_loop3A_473 : i32 to index
      %parallel_loop3A_512 = arith.constant 32 : index
      %parallel_loop3A_513 = tpu.vector_load %arg9[%parallel_loop3A_510, %parallel_loop3A_511, %parallel_loop3A_512] {strides = array<i32>} : memref<4x128x128xf32, #tpu.memory_space<vmem>>, vector<1x1x16xf32>,
      %parallel_loop3A_514 = vector.shape_cast %parallel_loop3A_513 : vector<1x1x16xf32> to vector<16xf32>
      %parallel_loop3A_515 = vector.shape_cast %parallel_loop3A_508 : vector<16xf32> to vector<1x1x16xf32>
      tpu.vector_store %arg9[%parallel_loop3A_510, %parallel_loop3A_511, %parallel_loop3A_512], %parallel_loop3A_515 {strides = array<i32>} : memref<4x128x128xf32, #tpu.memory_space<vmem>>, vector<1x1x16xf32>,
      %parallel_loop3A_516 = arith.constant 1 : i32
      %parallel_loop3A_517 = arith.index_cast %parallel_loop3A_516 : i32 to index
      %parallel_loop3A_518 = arith.index_cast %parallel_loop3A_473 : i32 to index
      %parallel_loop3A_519 = arith.constant 48 : index
      %parallel_loop3A_520 = tpu.vector_load %arg9[%parallel_loop3A_517, %parallel_loop3A_518, %parallel_loop3A_519] {strides = array<i32>} : memref<4x128x128xf32, #tpu.memory_space<vmem>>, vector<1x1x16xf32>,
      %parallel_loop3A_521 = vector.shape_cast %parallel_loop3A_520 : vector<1x1x16xf32> to vector<16xf32>
      %parallel_loop3A_522 = arith.addf %parallel_loop3A_521, %get3A_215 : vector<16xf32>
      %parallel_loop3A_523 = arith.constant 1 : i32
      %parallel_loop3A_524 = arith.index_cast %parallel_loop3A_523 : i32 to index
      %parallel_loop3A_525 = arith.index_cast %parallel_loop3A_473 : i32 to index
      %parallel_loop3A_526 = arith.constant 48 : index
      %parallel_loop3A_527 = tpu.vector_load %arg9[%parallel_loop3A_524, %parallel_loop3A_525, %parallel_loop3A_526] {strides = array<i32>} : memref<4x128x128xf32, #tpu.memory_space<vmem>>, vector<1x1x16xf32>,
      %parallel_loop3A_528 = vector.shape_cast %parallel_loop3A_527 : vector<1x1x16xf32> to vector<16xf32>
      %parallel_loop3A_529 = vector.shape_cast %parallel_loop3A_522 : vector<16xf32> to vector<1x1x16xf32>
      tpu.vector_store %arg9[%parallel_loop3A_524, %parallel_loop3A_525, %parallel_loop3A_526], %parallel_loop3A_529 {strides = array<i32>} : memref<4x128x128xf32, #tpu.memory_space<vmem>>, vector<1x1x16xf32>,
      %parallel_loop3A_530 = arith.constant 1 : i32
      %parallel_loop3A_531 = arith.index_cast %parallel_loop3A_530 : i32 to index
      %parallel_loop3A_532 = arith.index_cast %parallel_loop3A_473 : i32 to index
      %parallel_loop3A_533 = arith.constant 64 : index
      %parallel_loop3A_534 = tpu.vector_load %arg9[%parallel_loop3A_531, %parallel_loop3A_532, %parallel_loop3A_533] {strides = array<i32>} : memref<4x128x128xf32, #tpu.memory_space<vmem>>, vector<1x1x16xf32>,
      %parallel_loop3A_535 = vector.shape_cast %parallel_loop3A_534 : vector<1x1x16xf32> to vector<16xf32>
      %parallel_loop3A_536 = arith.addf %parallel_loop3A_535, %get3A_220 : vector<16xf32>
      %parallel_loop3A_537 = arith.constant 1 : i32
      %parallel_loop3A_538 = arith.index_cast %parallel_loop3A_537 : i32 to index
      %parallel_loop3A_539 = arith.index_cast %parallel_loop3A_473 : i32 to index
      %parallel_loop3A_540 = arith.constant 64 : index
      %parallel_loop3A_541 = tpu.vector_load %arg9[%parallel_loop3A_538, %parallel_loop3A_539, %parallel_loop3A_540] {strides = array<i32>} : memref<4x128x128xf32, #tpu.memory_space<vmem>>, vector<1x1x16xf32>,
      %parallel_loop3A_542 = vector.shape_cast %parallel_loop3A_541 : vector<1x1x16xf32> to vector<16xf32>
      %parallel_loop3A_543 = vector.shape_cast %parallel_loop3A_536 : vector<16xf32> to vector<1x1x16xf32>
      tpu.vector_store %arg9[%parallel_loop3A_538, %parallel_loop3A_539, %parallel_loop3A_540], %parallel_loop3A_543 {strides = array<i32>} : memref<4x128x128xf32, #tpu.memory_space<vmem>>, vector<1x1x16xf32>,
      %parallel_loop3A_544 = arith.constant 1 : i32
      %parallel_loop3A_545 = arith.index_cast %parallel_loop3A_544 : i32 to index
      %parallel_loop3A_546 = arith.index_cast %parallel_loop3A_473 : i32 to index
      %parallel_loop3A_547 = arith.constant 80 : index
      %parallel_loop3A_548 = tpu.vector_load %arg9[%parallel_loop3A_545, %parallel_loop3A_546, %parallel_loop3A_547] {strides = array<i32>} : memref<4x128x128xf32, #tpu.memory_space<vmem>>, vector<1x1x16xf32>,
      %parallel_loop3A_549 = vector.shape_cast %parallel_loop3A_548 : vector<1x1x16xf32> to vector<16xf32>
      %parallel_loop3A_550 = arith.addf %parallel_loop3A_549, %get3A_225 : vector<16xf32>
      %parallel_loop3A_551 = arith.constant 1 : i32
      %parallel_loop3A_552 = arith.index_cast %parallel_loop3A_551 : i32 to index
      %parallel_loop3A_553 = arith.index_cast %parallel_loop3A_473 : i32 to index
      %parallel_loop3A_554 = arith.constant 80 : index
      %parallel_loop3A_555 = tpu.vector_load %arg9[%parallel_loop3A_552, %parallel_loop3A_553, %parallel_loop3A_554] {strides = array<i32>} : memref<4x128x128xf32, #tpu.memory_space<vmem>>, vector<1x1x16xf32>,
      %parallel_loop3A_556 = vector.shape_cast %parallel_loop3A_555 : vector<1x1x16xf32> to vector<16xf32>
      %parallel_loop3A_557 = vector.shape_cast %parallel_loop3A_550 : vector<16xf32> to vector<1x1x16xf32>
      tpu.vector_store %arg9[%parallel_loop3A_552, %parallel_loop3A_553, %parallel_loop3A_554], %parallel_loop3A_557 {strides = array<i32>} : memref<4x128x128xf32, #tpu.memory_space<vmem>>, vector<1x1x16xf32>,
      %parallel_loop3A_558 = arith.constant 1 : i32
      %parallel_loop3A_559 = arith.index_cast %parallel_loop3A_558 : i32 to index
      %parallel_loop3A_560 = arith.index_cast %parallel_loop3A_473 : i32 to index
      %parallel_loop3A_561 = arith.constant 96 : index
      %parallel_loop3A_562 = tpu.vector_load %arg9[%parallel_loop3A_559, %parallel_loop3A_560, %parallel_loop3A_561] {strides = array<i32>} : memref<4x128x128xf32, #tpu.memory_space<vmem>>, vector<1x1x16xf32>,
      %parallel_loop3A_563 = vector.shape_cast %parallel_loop3A_562 : vector<1x1x16xf32> to vector<16xf32>
      %parallel_loop3A_564 = arith.addf %parallel_loop3A_563, %get3A_230 : vector<16xf32>
      %parallel_loop3A_565 = arith.constant 1 : i32
      %parallel_loop3A_566 = arith.index_cast %parallel_loop3A_565 : i32 to index
      %parallel_loop3A_567 = arith.index_cast %parallel_loop3A_473 : i32 to index
      %parallel_loop3A_568 = arith.constant 96 : index
      %parallel_loop3A_569 = tpu.vector_load %arg9[%parallel_loop3A_566, %parallel_loop3A_567, %parallel_loop3A_568] {strides = array<i32>} : memref<4x128x128xf32, #tpu.memory_space<vmem>>, vector<1x1x16xf32>,
      %parallel_loop3A_570 = vector.shape_cast %parallel_loop3A_569 : vector<1x1x16xf32> to vector<16xf32>
      %parallel_loop3A_571 = vector.shape_cast %parallel_loop3A_564 : vector<16xf32> to vector<1x1x16xf32>
      tpu.vector_store %arg9[%parallel_loop3A_566, %parallel_loop3A_567, %parallel_loop3A_568], %parallel_loop3A_571 {strides = array<i32>} : memref<4x128x128xf32, #tpu.memory_space<vmem>>, vector<1x1x16xf32>,
      %parallel_loop3A_572 = arith.constant 1 : i32
      %parallel_loop3A_573 = arith.index_cast %parallel_loop3A_572 : i32 to index
      %parallel_loop3A_574 = arith.index_cast %parallel_loop3A_473 : i32 to index
      %parallel_loop3A_575 = arith.constant 112 : index
      %parallel_loop3A_576 = tpu.vector_load %arg9[%parallel_loop3A_573, %parallel_loop3A_574, %parallel_loop3A_575] {strides = array<i32>} : memref<4x128x128xf32, #tpu.memory_space<vmem>>, vector<1x1x16xf32>,
      %parallel_loop3A_577 = vector.shape_cast %parallel_loop3A_576 : vector<1x1x16xf32> to vector<16xf32>
      %parallel_loop3A_578 = arith.addf %parallel_loop3A_577, %get3A_235 : vector<16xf32>
      %parallel_loop3A_579 = arith.constant 1 : i32
      %parallel_loop3A_580 = arith.index_cast %parallel_loop3A_579 : i32 to index
      %parallel_loop3A_581 = arith.index_cast %parallel_loop3A_473 : i32 to index
      %parallel_loop3A_582 = arith.constant 112 : index
      %parallel_loop3A_583 = tpu.vector_load %arg9[%parallel_loop3A_580, %parallel_loop3A_581, %parallel_loop3A_582] {strides = array<i32>} : memref<4x128x128xf32, #tpu.memory_space<vmem>>, vector<1x1x16xf32>,
      %parallel_loop3A_584 = vector.shape_cast %parallel_loop3A_583 : vector<1x1x16xf32> to vector<16xf32>
      %parallel_loop3A_585 = vector.shape_cast %parallel_loop3A_578 : vector<16xf32> to vector<1x1x16xf32>
      tpu.vector_store %arg9[%parallel_loop3A_580, %parallel_loop3A_581, %parallel_loop3A_582], %parallel_loop3A_585 {strides = array<i32>} : memref<4x128x128xf32, #tpu.memory_space<vmem>>, vector<1x1x16xf32>,
    } {sc.loop_unroll_factor = 8 : i64, sc.parallel_access}
    %dma_start3A_239 = arith.constant 1 : i32
    %dma_start3A_240 = arith.constant 2 : i32
    %dma_start3A_241 = arith.constant 0 : i32
    %dma_start3A_242 = arith.constant 0 : i32
    %dma_start3A_243 = tpu.memref_slice %arg9[%dma_start3A_239, %dma_start3A_241, %dma_start3A_242] : memref<4x128x128xf32, #tpu.memory_space<vmem>> -> memref<1x128x128xf32, #tpu.memory_space<vmem>>
    %dma_start3A_244 = tpu.memref_squeeze %dma_start3A_243 : memref<1x128x128xf32, #tpu.memory_space<vmem>> -> memref<128x128xf32, #tpu.memory_space<vmem>>
    %dma_start3A_245 = arith.constant 0 : i32
    %dma_start3A_246 = tpu.memref_slice %arg6[%dma_start3A_240, %mul3A_2, %dma_start3A_245] : memref<101x4096x128xf32, #tpu.memory_space<hbm>> -> memref<1x128x128xf32, #tpu.memory_space<hbm>>
    %dma_start3A_247 = tpu.memref_squeeze %dma_start3A_246 : memref<1x128x128xf32, #tpu.memory_space<hbm>> -> memref<128x128xf32, #tpu.memory_space<hbm>>
    %dma_start3A_248 = arith.constant 0 : i32
    %dma_start3A_249 = tpu.memref_slice %arg6[%dma_start3A_240, %mul3A_2, %dma_start3A_248] : memref<101x4096x128xf32, #tpu.memory_space<hbm>> -> memref<1x128x128xf32, #tpu.memory_space<hbm>>
    %dma_start3A_250 = tpu.memref_squeeze %dma_start3A_249 : memref<1x128x128xf32, #tpu.memory_space<hbm>> -> memref<128x128xf32, #tpu.memory_space<hbm>>
    %dma_start3A_251 = arith.constant 0 : i32
    %dma_start3A_252 = arith.constant 0 : i32
    %dma_start3A_253 = tpu.memref_slice %arg9[%dma_start3A_239, %dma_start3A_251, %dma_start3A_252] : memref<4x128x128xf32, #tpu.memory_space<vmem>> -> memref<1x128x128xf32, #tpu.memory_space<vmem>>
    %dma_start3A_254 = tpu.memref_squeeze %dma_start3A_253 : memref<1x128x128xf32, #tpu.memory_space<vmem>> -> memref<128x128xf32, #tpu.memory_space<vmem>>
    tpu.enqueue_dma source(%dma_start3A_254 : memref<128x128xf32, #tpu.memory_space<vmem>>) target(%dma_start3A_250 : memref<128x128xf32, #tpu.memory_space<hbm>>) target_semaphore(%arg17 : memref<!tpu.dma_semaphore, #tpu.memory_space<semaphore_mem>>)
    %scan3A_255 = arith.constant 0 : i32
    %scan3A_256 = arith.constant 24 : i32
    %scan3A_257 = arith.addi %scan3A_255, %scan3A_256 : i32
    %scan3A_258 = arith.constant 1 : i32
    scf.for %scan3A_473 = %scan3A_255 to %scan3A_257 step %scan3A_258  : i32 {
      %mul3A_474 = arith.constant 4 : i32
      %mul3A_475 = arith.muli %scan3A_473, %mul3A_474 : i32
      %add3A_476 = arith.constant 3 : i32
      %add3A_477 = arith.addi %add3A_476, %mul3A_475 : i32
      %add3A_478 = arith.constant 0 : i32
      %add3A_479 = arith.addi %add3A_477, %add3A_478 : i32
      %add3A_480 = arith.constant 2 : i32
      %add3A_481 = arith.addi %add3A_479, %add3A_480 : i32
      %sub3A = arith.constant 4 : i32
      %sub3A_482 = arith.subi %add3A_481, %sub3A : i32
      %dma_wait3A_483 = arith.constant 0 : i32
      %dma_wait3A_484 = arith.constant 0 : i32
      %dma_wait3A_485 = arith.constant 0 : i32
      %dma_wait3A_486 = tpu.memref_slice %arg9[%dma_wait3A_483, %dma_wait3A_484, %dma_wait3A_485] : memref<4x128x128xf32, #tpu.memory_space<vmem>> -> memref<1x128x128xf32, #tpu.memory_space<vmem>>
      %dma_wait3A_487 = tpu.memref_squeeze %dma_wait3A_486 : memref<1x128x128xf32, #tpu.memory_space<vmem>> -> memref<128x128xf32, #tpu.memory_space<vmem>>
      %dma_wait3A_488 = arith.constant 0 : i32
      %dma_wait3A_489 = tpu.memref_slice %arg6[%sub3A_482, %mul3A_2, %dma_wait3A_488] : memref<101x4096x128xf32, #tpu.memory_space<hbm>> -> memref<1x128x128xf32, #tpu.memory_space<hbm>>
      %dma_wait3A_490 = tpu.memref_squeeze %dma_wait3A_489 : memref<1x128x128xf32, #tpu.memory_space<hbm>> -> memref<128x128xf32, #tpu.memory_space<hbm>>
      %dma_wait3A_491 = arith.constant 0 : i32
      %dma_wait3A_492 = tpu.memref_slice %arg6[%sub3A_482, %mul3A_2, %dma_wait3A_491] : memref<101x4096x128xf32, #tpu.memory_space<hbm>> -> memref<1x128x128xf32, #tpu.memory_space<hbm>>
      %dma_wait3A_493 = tpu.memref_squeeze %dma_wait3A_492 : memref<1x128x128xf32, #tpu.memory_space<hbm>> -> memref<128x128xf32, #tpu.memory_space<hbm>>
      %dma_wait3A_494 = arith.constant 0 : i32
      %dma_wait3A_495 = arith.constant 0 : i32
      %dma_wait3A_496 = tpu.memref_slice %arg9[%dma_wait3A_483, %dma_wait3A_494, %dma_wait3A_495] : memref<4x128x128xf32, #tpu.memory_space<vmem>> -> memref<1x128x128xf32, #tpu.memory_space<vmem>>
      %dma_wait3A_497 = tpu.memref_squeeze %dma_wait3A_496 : memref<1x128x128xf32, #tpu.memory_space<vmem>> -> memref<128x128xf32, #tpu.memory_space<vmem>>
      tpu.wait_dma2 semaphore(%arg16 : memref<!tpu.dma_semaphore, #tpu.memory_space<semaphore_mem>>) src(%dma_wait3A_497 : memref<128x128xf32, #tpu.memory_space<vmem>>) dst(%dma_wait3A_493 : memref<128x128xf32, #tpu.memory_space<hbm>>)
      %add3A_498 = arith.constant 2 : i32
      %add3A_499 = arith.addi %add3A_479, %add3A_498 : i32
      %sub3A_500 = arith.constant 1 : i32
      %sub3A_501 = arith.subi %add3A_499, %sub3A_500 : i32
      %dma_start3A_502 = arith.constant 0 : i32
      %dma_start3A_503 = arith.constant 0 : i32
      %dma_start3A_504 = arith.constant 0 : i32
      %dma_start3A_505 = tpu.memref_slice %arg9[%dma_start3A_502, %dma_start3A_503, %dma_start3A_504] : memref<4x128x128xf32, #tpu.memory_space<vmem>> -> memref<1x128x128xf32, #tpu.memory_space<vmem>>
      %dma_start3A_506 = tpu.memref_squeeze %dma_start3A_505 : memref<1x128x128xf32, #tpu.memory_space<vmem>> -> memref<128x128xf32, #tpu.memory_space<vmem>>
      %dma_start3A_507 = arith.constant 0 : i32
      %dma_start3A_508 = tpu.memref_slice %arg8[%sub3A_501, %dma_start3A_507] : memref<100x128xi32, #tpu.memory_space<vmem>> -> memref<1x128xi32, #tpu.memory_space<vmem>>
      %dma_start3A_509 = tpu.memref_squeeze %dma_start3A_508 : memref<1x128xi32, #tpu.memory_space<vmem>> -> memref<128xi32, #tpu.memory_space<vmem>>
      %dma_start3A_510 = arith.constant 0 : i32
      %dma_start3A_511 = arith.constant 0 : i32
      %dma_start3A_512 = tpu.memref_slice %arg11[%dma_start3A_510, %dma_start3A_511] : memref<1000x128xf32, #tpu.memory_space<vmem_shared>> -> memref<1000x128xf32, #tpu.memory_space<vmem_shared>>
      tpu.enqueue_indirect_dma source(%dma_start3A_512 : memref<1000x128xf32, #tpu.memory_space<vmem_shared>>) target(%dma_start3A_506 : memref<128x128xf32, #tpu.memory_space<vmem>>) offsets(%dma_start3A_509 : memref<128xi32, #tpu.memory_space<vmem>>) semaphore(%arg12 : memref<!tpu.dma_semaphore, #tpu.memory_space<semaphore_mem>>)
      %sub3A_513 = arith.constant 1 : i32
      %sub3A_514 = arith.subi %add3A_479, %sub3A_513 : i32
      %dma_wait3A_515 = arith.constant 2 : i32
      %dma_wait3A_516 = arith.constant 0 : i32
      %dma_wait3A_517 = arith.constant 0 : i32
      %dma_wait3A_518 = tpu.memref_slice %arg9[%dma_wait3A_515, %dma_wait3A_516, %dma_wait3A_517] : memref<4x128x128xf32, #tpu.memory_space<vmem>> -> memref<1x128x128xf32, #tpu.memory_space<vmem>>
      %dma_wait3A_519 = tpu.memref_squeeze %dma_wait3A_518 : memref<1x128x128xf32, #tpu.memory_space<vmem>> -> memref<128x128xf32, #tpu.memory_space<vmem>>
      %dma_wait3A_520 = arith.constant 0 : i32
      %dma_wait3A_521 = tpu.memref_slice %arg8[%sub3A_514, %dma_wait3A_520] : memref<100x128xi32, #tpu.memory_space<vmem>> -> memref<1x128xi32, #tpu.memory_space<vmem>>
      %dma_wait3A_522 = tpu.memref_squeeze %dma_wait3A_521 : memref<1x128xi32, #tpu.memory_space<vmem>> -> memref<128xi32, #tpu.memory_space<vmem>>
      %dma_wait3A_523 = arith.constant 0 : i32
      %dma_wait3A_524 = arith.constant 0 : i32
      %dma_wait3A_525 = tpu.memref_slice %arg11[%dma_wait3A_523, %dma_wait3A_524] : memref<1000x128xf32, #tpu.memory_space<vmem_shared>> -> memref<1000x128xf32, #tpu.memory_space<vmem_shared>>
      tpu.wait_indirect_dma semaphore(%arg14 : memref<!tpu.dma_semaphore, #tpu.memory_space<semaphore_mem>>) src(%dma_wait3A_525 : memref<1000x128xf32, #tpu.memory_space<vmem_shared>>) dst(%dma_wait3A_519 : memref<128x128xf32, #tpu.memory_space<vmem>>)
      %sub3A_526 = arith.constant 1 : i32
      %sub3A_527 = arith.subi %add3A_479, %sub3A_526 : i32
      %get3A_528 = arith.index_cast %sub3A_527 : i32 to index
      %get3A_529 = arith.constant 0 : index
      %get3A_530 = tpu.vector_load %arg7[%get3A_528, %get3A_529] {strides = array<i32>} : memref<100x128xf32, #tpu.memory_space<vmem>>, vector<1x16xf32>,
      %get3A_531 = vector.shape_cast %get3A_530 : vector<1x16xf32> to vector<16xf32>
      %sub3A_532 = arith.constant 1 : i32
      %sub3A_533 = arith.subi %add3A_479, %sub3A_532 : i32
      %get3A_534 = arith.index_cast %sub3A_533 : i32 to index
      %get3A_535 = arith.constant 16 : index
      %get3A_536 = tpu.vector_load %arg7[%get3A_534, %get3A_535] {strides = array<i32>} : memref<100x128xf32, #tpu.memory_space<vmem>>, vector<1x16xf32>,
      %get3A_537 = vector.shape_cast %get3A_536 : vector<1x16xf32> to vector<16xf32>
      %sub3A_538 = arith.constant 1 : i32
      %sub3A_539 = arith.subi %add3A_479, %sub3A_538 : i32
      %get3A_540 = arith.index_cast %sub3A_539 : i32 to index
      %get3A_541 = arith.constant 32 : index
      %get3A_542 = tpu.vector_load %arg7[%get3A_540, %get3A_541] {strides = array<i32>} : memref<100x128xf32, #tpu.memory_space<vmem>>, vector<1x16xf32>,
      %get3A_543 = vector.shape_cast %get3A_542 : vector<1x16xf32> to vector<16xf32>
      %sub3A_544 = arith.constant 1 : i32
      %sub3A_545 = arith.subi %add3A_479, %sub3A_544 : i32
      %get3A_546 = arith.index_cast %sub3A_545 : i32 to index
      %get3A_547 = arith.constant 48 : index
      %get3A_548 = tpu.vector_load %arg7[%get3A_546, %get3A_547] {strides = array<i32>} : memref<100x128xf32, #tpu.memory_space<vmem>>, vector<1x16xf32>,
      %get3A_549 = vector.shape_cast %get3A_548 : vector<1x16xf32> to vector<16xf32>
      %sub3A_550 = arith.constant 1 : i32
      %sub3A_551 = arith.subi %add3A_479, %sub3A_550 : i32
      %get3A_552 = arith.index_cast %sub3A_551 : i32 to index
      %get3A_553 = arith.constant 64 : index
      %get3A_554 = tpu.vector_load %arg7[%get3A_552, %get3A_553] {strides = array<i32>} : memref<100x128xf32, #tpu.memory_space<vmem>>, vector<1x16xf32>,
      %get3A_555 = vector.shape_cast %get3A_554 : vector<1x16xf32> to vector<16xf32>
      %sub3A_556 = arith.constant 1 : i32
      %sub3A_557 = arith.subi %add3A_479, %sub3A_556 : i32
      %get3A_558 = arith.index_cast %sub3A_557 : i32 to index
      %get3A_559 = arith.constant 80 : index
      %get3A_560 = tpu.vector_load %arg7[%get3A_558, %get3A_559] {strides = array<i32>} : memref<100x128xf32, #tpu.memory_space<vmem>>, vector<1x16xf32>,
      %get3A_561 = vector.shape_cast %get3A_560 : vector<1x16xf32> to vector<16xf32>
      %sub3A_562 = arith.constant 1 : i32
      %sub3A_563 = arith.subi %add3A_479, %sub3A_562 : i32
      %get3A_564 = arith.index_cast %sub3A_563 : i32 to index
      %get3A_565 = arith.constant 96 : index
      %get3A_566 = tpu.vector_load %arg7[%get3A_564, %get3A_565] {strides = array<i32>} : memref<100x128xf32, #tpu.memory_space<vmem>>, vector<1x16xf32>,
      %get3A_567 = vector.shape_cast %get3A_566 : vector<1x16xf32> to vector<16xf32>
      %sub3A_568 = arith.constant 1 : i32
      %sub3A_569 = arith.subi %add3A_479, %sub3A_568 : i32
      %get3A_570 = arith.index_cast %sub3A_569 : i32 to index
      %get3A_571 = arith.constant 112 : index
      %get3A_572 = tpu.vector_load %arg7[%get3A_570, %get3A_571] {strides = array<i32>} : memref<100x128xf32, #tpu.memory_space<vmem>>, vector<1x16xf32>,
      %get3A_573 = vector.shape_cast %get3A_572 : vector<1x16xf32> to vector<16xf32>
      %parallel_loop3A_574 = arith.constant 0 : i32
      %parallel_loop3A_575 = arith.constant 128 : i32
      %parallel_loop3A_576 = arith.constant 1 : i32
      scf.for %parallel_loop3A_937 = %parallel_loop3A_574 to %parallel_loop3A_575 step %parallel_loop3A_576  : i32 {
        %parallel_loop3A_938 = arith.constant 2 : i32
        %parallel_loop3A_939 = arith.index_cast %parallel_loop3A_938 : i32 to index
        %parallel_loop3A_940 = arith.index_cast %parallel_loop3A_937 : i32 to index
        %parallel_loop3A_941 = arith.constant 0 : index
        %parallel_loop3A_942 = tpu.vector_load %arg9[%parallel_loop3A_939, %parallel_loop3A_940, %parallel_loop3A_941] {strides = array<i32>} : memref<4x128x128xf32, #tpu.memory_space<vmem>>, vector<1x1x16xf32>,
        %parallel_loop3A_943 = vector.shape_cast %parallel_loop3A_942 : vector<1x1x16xf32> to vector<16xf32>
        %parallel_loop3A_944 = arith.addf %parallel_loop3A_943, %get3A_531 : vector<16xf32>
        %parallel_loop3A_945 = arith.constant 2 : i32
        %parallel_loop3A_946 = arith.index_cast %parallel_loop3A_945 : i32 to index
        %parallel_loop3A_947 = arith.index_cast %parallel_loop3A_937 : i32 to index
        %parallel_loop3A_948 = arith.constant 0 : index
        %parallel_loop3A_949 = tpu.vector_load %arg9[%parallel_loop3A_946, %parallel_loop3A_947, %parallel_loop3A_948] {strides = array<i32>} : memref<4x128x128xf32, #tpu.memory_space<vmem>>, vector<1x1x16xf32>,
        %parallel_loop3A_950 = vector.shape_cast %parallel_loop3A_949 : vector<1x1x16xf32> to vector<16xf32>
        %parallel_loop3A_951 = vector.shape_cast %parallel_loop3A_944 : vector<16xf32> to vector<1x1x16xf32>
        tpu.vector_store %arg9[%parallel_loop3A_946, %parallel_loop3A_947, %parallel_loop3A_948], %parallel_loop3A_951 {strides = array<i32>} : memref<4x128x128xf32, #tpu.memory_space<vmem>>, vector<1x1x16xf32>,
        %parallel_loop3A_952 = arith.constant 2 : i32
        %parallel_loop3A_953 = arith.index_cast %parallel_loop3A_952 : i32 to index
        %parallel_loop3A_954 = arith.index_cast %parallel_loop3A_937 : i32 to index
        %parallel_loop3A_955 = arith.constant 16 : index
        %parallel_loop3A_956 = tpu.vector_load %arg9[%parallel_loop3A_953, %parallel_loop3A_954, %parallel_loop3A_955] {strides = array<i32>} : memref<4x128x128xf32, #tpu.memory_space<vmem>>, vector<1x1x16xf32>,
        %parallel_loop3A_957 = vector.shape_cast %parallel_loop3A_956 : vector<1x1x16xf32> to vector<16xf32>
        %parallel_loop3A_958 = arith.addf %parallel_loop3A_957, %get3A_537 : vector<16xf32>
        %parallel_loop3A_959 = arith.constant 2 : i32
        %parallel_loop3A_960 = arith.index_cast %parallel_loop3A_959 : i32 to index
        %parallel_loop3A_961 = arith.index_cast %parallel_loop3A_937 : i32 to index
        %parallel_loop3A_962 = arith.constant 16 : index
        %parallel_loop3A_963 = tpu.vector_load %arg9[%parallel_loop3A_960, %parallel_loop3A_961, %parallel_loop3A_962] {strides = array<i32>} : memref<4x128x128xf32, #tpu.memory_space<vmem>>, vector<1x1x16xf32>,
        %parallel_loop3A_964 = vector.shape_cast %parallel_loop3A_963 : vector<1x1x16xf32> to vector<16xf32>
        %parallel_loop3A_965 = vector.shape_cast %parallel_loop3A_958 : vector<16xf32> to vector<1x1x16xf32>
        tpu.vector_store %arg9[%parallel_loop3A_960, %parallel_loop3A_961, %parallel_loop3A_962], %parallel_loop3A_965 {strides = array<i32>} : memref<4x128x128xf32, #tpu.memory_space<vmem>>, vector<1x1x16xf32>,
        %parallel_loop3A_966 = arith.constant 2 : i32
        %parallel_loop3A_967 = arith.index_cast %parallel_loop3A_966 : i32 to index
        %parallel_loop3A_968 = arith.index_cast %parallel_loop3A_937 : i32 to index
        %parallel_loop3A_969 = arith.constant 32 : index
        %parallel_loop3A_970 = tpu.vector_load %arg9[%parallel_loop3A_967, %parallel_loop3A_968, %parallel_loop3A_969] {strides = array<i32>} : memref<4x128x128xf32, #tpu.memory_space<vmem>>, vector<1x1x16xf32>,
        %parallel_loop3A_971 = vector.shape_cast %parallel_loop3A_970 : vector<1x1x16xf32> to vector<16xf32>
        %parallel_loop3A_972 = arith.addf %parallel_loop3A_971, %get3A_543 : vector<16xf32>
        %parallel_loop3A_973 = arith.constant 2 : i32
        %parallel_loop3A_974 = arith.index_cast %parallel_loop3A_973 : i32 to index
        %parallel_loop3A_975 = arith.index_cast %parallel_loop3A_937 : i32 to index
        %parallel_loop3A_976 = arith.constant 32 : index
        %parallel_loop3A_977 = tpu.vector_load %arg9[%parallel_loop3A_974, %parallel_loop3A_975, %parallel_loop3A_976] {strides = array<i32>} : memref<4x128x128xf32, #tpu.memory_space<vmem>>, vector<1x1x16xf32>,
        %parallel_loop3A_978 = vector.shape_cast %parallel_loop3A_977 : vector<1x1x16xf32> to vector<16xf32>
        %parallel_loop3A_979 = vector.shape_cast %parallel_loop3A_972 : vector<16xf32> to vector<1x1x16xf32>
        tpu.vector_store %arg9[%parallel_loop3A_974, %parallel_loop3A_975, %parallel_loop3A_976], %parallel_loop3A_979 {strides = array<i32>} : memref<4x128x128xf32, #tpu.memory_space<vmem>>, vector<1x1x16xf32>,
        %parallel_loop3A_980 = arith.constant 2 : i32
        %parallel_loop3A_981 = arith.index_cast %parallel_loop3A_980 : i32 to index
        %parallel_loop3A_982 = arith.index_cast %parallel_loop3A_937 : i32 to index
        %parallel_loop3A_983 = arith.constant 48 : index
        %parallel_loop3A_984 = tpu.vector_load %arg9[%parallel_loop3A_981, %parallel_loop3A_982, %parallel_loop3A_983] {strides = array<i32>} : memref<4x128x128xf32, #tpu.memory_space<vmem>>, vector<1x1x16xf32>,
        %parallel_loop3A_985 = vector.shape_cast %parallel_loop3A_984 : vector<1x1x16xf32> to vector<16xf32>
        %parallel_loop3A_986 = arith.addf %parallel_loop3A_985, %get3A_549 : vector<16xf32>
        %parallel_loop3A_987 = arith.constant 2 : i32
        %parallel_loop3A_988 = arith.index_cast %parallel_loop3A_987 : i32 to index
        %parallel_loop3A_989 = arith.index_cast %parallel_loop3A_937 : i32 to index
        %parallel_loop3A_990 = arith.constant 48 : index
        %parallel_loop3A_991 = tpu.vector_load %arg9[%parallel_loop3A_988, %parallel_loop3A_989, %parallel_loop3A_990] {strides = array<i32>} : memref<4x128x128xf32, #tpu.memory_space<vmem>>, vector<1x1x16xf32>,
        %parallel_loop3A_992 = vector.shape_cast %parallel_loop3A_991 : vector<1x1x16xf32> to vector<16xf32>
        %parallel_loop3A_993 = vector.shape_cast %parallel_loop3A_986 : vector<16xf32> to vector<1x1x16xf32>
        tpu.vector_store %arg9[%parallel_loop3A_988, %parallel_loop3A_989, %parallel_loop3A_990], %parallel_loop3A_993 {strides = array<i32>} : memref<4x128x128xf32, #tpu.memory_space<vmem>>, vector<1x1x16xf32>,
        %parallel_loop3A_994 = arith.constant 2 : i32
        %parallel_loop3A_995 = arith.index_cast %parallel_loop3A_994 : i32 to index
        %parallel_loop3A_996 = arith.index_cast %parallel_loop3A_937 : i32 to index
        %parallel_loop3A_997 = arith.constant 64 : index
        %parallel_loop3A_998 = tpu.vector_load %arg9[%parallel_loop3A_995, %parallel_loop3A_996, %parallel_loop3A_997] {strides = array<i32>} : memref<4x128x128xf32, #tpu.memory_space<vmem>>, vector<1x1x16xf32>,
        %parallel_loop3A_999 = vector.shape_cast %parallel_loop3A_998 : vector<1x1x16xf32> to vector<16xf32>
        %parallel_loop3A_1000 = arith.addf %parallel_loop3A_999, %get3A_555 : vector<16xf32>
        %parallel_loop3A_1001 = arith.constant 2 : i32
        %parallel_loop3A_1002 = arith.index_cast %parallel_loop3A_1001 : i32 to index
        %parallel_loop3A_1003 = arith.index_cast %parallel_loop3A_937 : i32 to index
        %parallel_loop3A_1004 = arith.constant 64 : index
        %parallel_loop3A_1005 = tpu.vector_load %arg9[%parallel_loop3A_1002, %parallel_loop3A_1003, %parallel_loop3A_1004] {strides = array<i32>} : memref<4x128x128xf32, #tpu.memory_space<vmem>>, vector<1x1x16xf32>,
        %parallel_loop3A_1006 = vector.shape_cast %parallel_loop3A_1005 : vector<1x1x16xf32> to vector<16xf32>
        %parallel_loop3A_1007 = vector.shape_cast %parallel_loop3A_1000 : vector<16xf32> to vector<1x1x16xf32>
        tpu.vector_store %arg9[%parallel_loop3A_1002, %parallel_loop3A_1003, %parallel_loop3A_1004], %parallel_loop3A_1007 {strides = array<i32>} : memref<4x128x128xf32, #tpu.memory_space<vmem>>, vector<1x1x16xf32>,
        %parallel_loop3A_1008 = arith.constant 2 : i32
        %parallel_loop3A_1009 = arith.index_cast %parallel_loop3A_1008 : i32 to index
        %parallel_loop3A_1010 = arith.index_cast %parallel_loop3A_937 : i32 to index
        %parallel_loop3A_1011 = arith.constant 80 : index
        %parallel_loop3A_1012 = tpu.vector_load %arg9[%parallel_loop3A_1009, %parallel_loop3A_1010, %parallel_loop3A_1011] {strides = array<i32>} : memref<4x128x128xf32, #tpu.memory_space<vmem>>, vector<1x1x16xf32>,
        %parallel_loop3A_1013 = vector.shape_cast %parallel_loop3A_1012 : vector<1x1x16xf32> to vector<16xf32>
        %parallel_loop3A_1014 = arith.addf %parallel_loop3A_1013, %get3A_561 : vector<16xf32>
        %parallel_loop3A_1015 = arith.constant 2 : i32
        %parallel_loop3A_1016 = arith.index_cast %parallel_loop3A_1015 : i32 to index
        %parallel_loop3A_1017 = arith.index_cast %parallel_loop3A_937 : i32 to index
        %parallel_loop3A_1018 = arith.constant 80 : index
        %parallel_loop3A_1019 = tpu.vector_load %arg9[%parallel_loop3A_1016, %parallel_loop3A_1017, %parallel_loop3A_1018] {strides = array<i32>} : memref<4x128x128xf32, #tpu.memory_space<vmem>>, vector<1x1x16xf32>,
        %parallel_loop3A_1020 = vector.shape_cast %parallel_loop3A_1019 : vector<1x1x16xf32> to vector<16xf32>
        %parallel_loop3A_1021 = vector.shape_cast %parallel_loop3A_1014 : vector<16xf32> to vector<1x1x16xf32>
        tpu.vector_store %arg9[%parallel_loop3A_1016, %parallel_loop3A_1017, %parallel_loop3A_1018], %parallel_loop3A_1021 {strides = array<i32>} : memref<4x128x128xf32, #tpu.memory_space<vmem>>, vector<1x1x16xf32>,
        %parallel_loop3A_1022 = arith.constant 2 : i32
        %parallel_loop3A_1023 = arith.index_cast %parallel_loop3A_1022 : i32 to index
        %parallel_loop3A_1024 = arith.index_cast %parallel_loop3A_937 : i32 to index
        %parallel_loop3A_1025 = arith.constant 96 : index
        %parallel_loop3A_1026 = tpu.vector_load %arg9[%parallel_loop3A_1023, %parallel_loop3A_1024, %parallel_loop3A_1025] {strides = array<i32>} : memref<4x128x128xf32, #tpu.memory_space<vmem>>, vector<1x1x16xf32>,
        %parallel_loop3A_1027 = vector.shape_cast %parallel_loop3A_1026 : vector<1x1x16xf32> to vector<16xf32>
        %parallel_loop3A_1028 = arith.addf %parallel_loop3A_1027, %get3A_567 : vector<16xf32>
        %parallel_loop3A_1029 = arith.constant 2 : i32
        %parallel_loop3A_1030 = arith.index_cast %parallel_loop3A_1029 : i32 to index
        %parallel_loop3A_1031 = arith.index_cast %parallel_loop3A_937 : i32 to index
        %parallel_loop3A_1032 = arith.constant 96 : index
        %parallel_loop3A_1033 = tpu.vector_load %arg9[%parallel_loop3A_1030, %parallel_loop3A_1031, %parallel_loop3A_1032] {strides = array<i32>} : memref<4x128x128xf32, #tpu.memory_space<vmem>>, vector<1x1x16xf32>,
        %parallel_loop3A_1034 = vector.shape_cast %parallel_loop3A_1033 : vector<1x1x16xf32> to vector<16xf32>
        %parallel_loop3A_1035 = vector.shape_cast %parallel_loop3A_1028 : vector<16xf32> to vector<1x1x16xf32>
        tpu.vector_store %arg9[%parallel_loop3A_1030, %parallel_loop3A_1031, %parallel_loop3A_1032], %parallel_loop3A_1035 {strides = array<i32>} : memref<4x128x128xf32, #tpu.memory_space<vmem>>, vector<1x1x16xf32>,
        %parallel_loop3A_1036 = arith.constant 2 : i32
        %parallel_loop3A_1037 = arith.index_cast %parallel_loop3A_1036 : i32 to index
        %parallel_loop3A_1038 = arith.index_cast %parallel_loop3A_937 : i32 to index
        %parallel_loop3A_1039 = arith.constant 112 : index
        %parallel_loop3A_1040 = tpu.vector_load %arg9[%parallel_loop3A_1037, %parallel_loop3A_1038, %parallel_loop3A_1039] {strides = array<i32>} : memref<4x128x128xf32, #tpu.memory_space<vmem>>, vector<1x1x16xf32>,
        %parallel_loop3A_1041 = vector.shape_cast %parallel_loop3A_1040 : vector<1x1x16xf32> to vector<16xf32>
        %parallel_loop3A_1042 = arith.addf %parallel_loop3A_1041, %get3A_573 : vector<16xf32>
        %parallel_loop3A_1043 = arith.constant 2 : i32
        %parallel_loop3A_1044 = arith.index_cast %parallel_loop3A_1043 : i32 to index
        %parallel_loop3A_1045 = arith.index_cast %parallel_loop3A_937 : i32 to index
        %parallel_loop3A_1046 = arith.constant 112 : index
        %parallel_loop3A_1047 = tpu.vector_load %arg9[%parallel_loop3A_1044, %parallel_loop3A_1045, %parallel_loop3A_1046] {strides = array<i32>} : memref<4x128x128xf32, #tpu.memory_space<vmem>>, vector<1x1x16xf32>,
        %parallel_loop3A_1048 = vector.shape_cast %parallel_loop3A_1047 : vector<1x1x16xf32> to vector<16xf32>
        %parallel_loop3A_1049 = vector.shape_cast %parallel_loop3A_1042 : vector<16xf32> to vector<1x1x16xf32>
        tpu.vector_store %arg9[%parallel_loop3A_1044, %parallel_loop3A_1045, %parallel_loop3A_1046], %parallel_loop3A_1049 {strides = array<i32>} : memref<4x128x128xf32, #tpu.memory_space<vmem>>, vector<1x1x16xf32>,
      } {sc.loop_unroll_factor = 8 : i64, sc.parallel_access}
      %dma_start3A_577 = arith.constant 2 : i32
      %dma_start3A_578 = arith.constant 0 : i32
      %dma_start3A_579 = arith.constant 0 : i32
      %dma_start3A_580 = tpu.memref_slice %arg9[%dma_start3A_577, %dma_start3A_578, %dma_start3A_579] : memref<4x128x128xf32, #tpu.memory_space<vmem>> -> memref<1x128x128xf32, #tpu.memory_space<vmem>>
      %dma_start3A_581 = tpu.memref_squeeze %dma_start3A_580 : memref<1x128x128xf32, #tpu.memory_space<vmem>> -> memref<128x128xf32, #tpu.memory_space<vmem>>
      %dma_start3A_582 = arith.constant 0 : i32
      %dma_start3A_583 = tpu.memref_slice %arg6[%add3A_479, %mul3A_2, %dma_start3A_582] : memref<101x4096x128xf32, #tpu.memory_space<hbm>> -> memref<1x128x128xf32, #tpu.memory_space<hbm>>
      %dma_start3A_584 = tpu.memref_squeeze %dma_start3A_583 : memref<1x128x128xf32, #tpu.memory_space<hbm>> -> memref<128x128xf32, #tpu.memory_space<hbm>>
      %dma_start3A_585 = arith.constant 0 : i32
      %dma_start3A_586 = tpu.memref_slice %arg6[%add3A_479, %mul3A_2, %dma_start3A_585] : memref<101x4096x128xf32, #tpu.memory_space<hbm>> -> memref<1x128x128xf32, #tpu.memory_space<hbm>>
      %dma_start3A_587 = tpu.memref_squeeze %dma_start3A_586 : memref<1x128x128xf32, #tpu.memory_space<hbm>> -> memref<128x128xf32, #tpu.memory_space<hbm>>
      %dma_start3A_588 = arith.constant 0 : i32
      %dma_start3A_589 = arith.constant 0 : i32
      %dma_start3A_590 = tpu.memref_slice %arg9[%dma_start3A_577, %dma_start3A_588, %dma_start3A_589] : memref<4x128x128xf32, #tpu.memory_space<vmem>> -> memref<1x128x128xf32, #tpu.memory_space<vmem>>
      %dma_start3A_591 = tpu.memref_squeeze %dma_start3A_590 : memref<1x128x128xf32, #tpu.memory_space<vmem>> -> memref<128x128xf32, #tpu.memory_space<vmem>>
      tpu.enqueue_dma source(%dma_start3A_591 : memref<128x128xf32, #tpu.memory_space<vmem>>) target(%dma_start3A_587 : memref<128x128xf32, #tpu.memory_space<hbm>>) target_semaphore(%arg18 : memref<!tpu.dma_semaphore, #tpu.memory_space<semaphore_mem>>)
      %add3A_592 = arith.constant 1 : i32
      %add3A_593 = arith.addi %add3A_477, %add3A_592 : i32
      %add3A_594 = arith.constant 2 : i32
      %add3A_595 = arith.addi %add3A_593, %add3A_594 : i32
      %sub3A_596 = arith.constant 4 : i32
      %sub3A_597 = arith.subi %add3A_595, %sub3A_596 : i32
      %dma_wait3A_598 = arith.constant 1 : i32
      %dma_wait3A_599 = arith.constant 0 : i32
      %dma_wait3A_600 = arith.constant 0 : i32
      %dma_wait3A_601 = tpu.memref_slice %arg9[%dma_wait3A_598, %dma_wait3A_599, %dma_wait3A_600] : memref<4x128x128xf32, #tpu.memory_space<vmem>> -> memref<1x128x128xf32, #tpu.memory_space<vmem>>
      %dma_wait3A_602 = tpu.memref_squeeze %dma_wait3A_601 : memref<1x128x128xf32, #tpu.memory_space<vmem>> -> memref<128x128xf32, #tpu.memory_space<vmem>>
      %dma_wait3A_603 = arith.constant 0 : i32
      %dma_wait3A_604 = tpu.memref_slice %arg6[%sub3A_597, %mul3A_2, %dma_wait3A_603] : memref<101x4096x128xf32, #tpu.memory_space<hbm>> -> memref<1x128x128xf32, #tpu.memory_space<hbm>>
      %dma_wait3A_605 = tpu.memref_squeeze %dma_wait3A_604 : memref<1x128x128xf32, #tpu.memory_space<hbm>> -> memref<128x128xf32, #tpu.memory_space<hbm>>
      %dma_wait3A_606 = arith.constant 0 : i32
      %dma_wait3A_607 = tpu.memref_slice %arg6[%sub3A_597, %mul3A_2, %dma_wait3A_606] : memref<101x4096x128xf32, #tpu.memory_space<hbm>> -> memref<1x128x128xf32, #tpu.memory_space<hbm>>
      %dma_wait3A_608 = tpu.memref_squeeze %dma_wait3A_607 : memref<1x128x128xf32, #tpu.memory_space<hbm>> -> memref<128x128xf32, #tpu.memory_space<hbm>>
      %dma_wait3A_609 = arith.constant 0 : i32
      %dma_wait3A_610 = arith.constant 0 : i32
      %dma_wait3A_611 = tpu.memref_slice %arg9[%dma_wait3A_598, %dma_wait3A_609, %dma_wait3A_610] : memref<4x128x128xf32, #tpu.memory_space<vmem>> -> memref<1x128x128xf32, #tpu.memory_space<vmem>>
      %dma_wait3A_612 = tpu.memref_squeeze %dma_wait3A_611 : memref<1x128x128xf32, #tpu.memory_space<vmem>> -> memref<128x128xf32, #tpu.memory_space<vmem>>
      tpu.wait_dma2 semaphore(%arg17 : memref<!tpu.dma_semaphore, #tpu.memory_space<semaphore_mem>>) src(%dma_wait3A_612 : memref<128x128xf32, #tpu.memory_space<vmem>>) dst(%dma_wait3A_608 : memref<128x128xf32, #tpu.memory_space<hbm>>)
      %add3A_613 = arith.constant 2 : i32
      %add3A_614 = arith.addi %add3A_593, %add3A_613 : i32
      %sub3A_615 = arith.constant 1 : i32
      %sub3A_616 = arith.subi %add3A_614, %sub3A_615 : i32
      %dma_start3A_617 = arith.constant 1 : i32
      %dma_start3A_618 = arith.constant 0 : i32
      %dma_start3A_619 = arith.constant 0 : i32
      %dma_start3A_620 = tpu.memref_slice %arg9[%dma_start3A_617, %dma_start3A_618, %dma_start3A_619] : memref<4x128x128xf32, #tpu.memory_space<vmem>> -> memref<1x128x128xf32, #tpu.memory_space<vmem>>
      %dma_start3A_621 = tpu.memref_squeeze %dma_start3A_620 : memref<1x128x128xf32, #tpu.memory_space<vmem>> -> memref<128x128xf32, #tpu.memory_space<vmem>>
      %dma_start3A_622 = arith.constant 0 : i32
      %dma_start3A_623 = tpu.memref_slice %arg8[%sub3A_616, %dma_start3A_622] : memref<100x128xi32, #tpu.memory_space<vmem>> -> memref<1x128xi32, #tpu.memory_space<vmem>>
      %dma_start3A_624 = tpu.memref_squeeze %dma_start3A_623 : memref<1x128xi32, #tpu.memory_space<vmem>> -> memref<128xi32, #tpu.memory_space<vmem>>
      %dma_start3A_625 = arith.constant 0 : i32
      %dma_start3A_626 = arith.constant 0 : i32
      %dma_start3A_627 = tpu.memref_slice %arg11[%dma_start3A_625, %dma_start3A_626] : memref<1000x128xf32, #tpu.memory_space<vmem_shared>> -> memref<1000x128xf32, #tpu.memory_space<vmem_shared>>
      tpu.enqueue_indirect_dma source(%dma_start3A_627 : memref<1000x128xf32, #tpu.memory_space<vmem_shared>>) target(%dma_start3A_621 : memref<128x128xf32, #tpu.memory_space<vmem>>) offsets(%dma_start3A_624 : memref<128xi32, #tpu.memory_space<vmem>>) semaphore(%arg13 : memref<!tpu.dma_semaphore, #tpu.memory_space<semaphore_mem>>)
      %sub3A_628 = arith.constant 1 : i32
      %sub3A_629 = arith.subi %add3A_593, %sub3A_628 : i32
      %dma_wait3A_630 = arith.constant 3 : i32
      %dma_wait3A_631 = arith.constant 0 : i32
      %dma_wait3A_632 = arith.constant 0 : i32
      %dma_wait3A_633 = tpu.memref_slice %arg9[%dma_wait3A_630, %dma_wait3A_631, %dma_wait3A_632] : memref<4x128x128xf32, #tpu.memory_space<vmem>> -> memref<1x128x128xf32, #tpu.memory_space<vmem>>
      %dma_wait3A_634 = tpu.memref_squeeze %dma_wait3A_633 : memref<1x128x128xf32, #tpu.memory_space<vmem>> -> memref<128x128xf32, #tpu.memory_space<vmem>>
      %dma_wait3A_635 = arith.constant 0 : i32
      %dma_wait3A_636 = tpu.memref_slice %arg8[%sub3A_629, %dma_wait3A_635] : memref<100x128xi32, #tpu.memory_space<vmem>> -> memref<1x128xi32, #tpu.memory_space<vmem>>
      %dma_wait3A_637 = tpu.memref_squeeze %dma_wait3A_636 : memref<1x128xi32, #tpu.memory_space<vmem>> -> memref<128xi32, #tpu.memory_space<vmem>>
      %dma_wait3A_638 = arith.constant 0 : i32
      %dma_wait3A_639 = arith.constant 0 : i32
      %dma_wait3A_640 = tpu.memref_slice %arg11[%dma_wait3A_638, %dma_wait3A_639] : memref<1000x128xf32, #tpu.memory_space<vmem_shared>> -> memref<1000x128xf32, #tpu.memory_space<vmem_shared>>
      tpu.wait_indirect_dma semaphore(%arg15 : memref<!tpu.dma_semaphore, #tpu.memory_space<semaphore_mem>>) src(%dma_wait3A_640 : memref<1000x128xf32, #tpu.memory_space<vmem_shared>>) dst(%dma_wait3A_634 : memref<128x128xf32, #tpu.memory_space<vmem>>)
      %sub3A_641 = arith.constant 1 : i32
      %sub3A_642 = arith.subi %add3A_593, %sub3A_641 : i32
      %get3A_643 = arith.index_cast %sub3A_642 : i32 to index
      %get3A_644 = arith.constant 0 : index
      %get3A_645 = tpu.vector_load %arg7[%get3A_643, %get3A_644] {strides = array<i32>} : memref<100x128xf32, #tpu.memory_space<vmem>>, vector<1x16xf32>,
      %get3A_646 = vector.shape_cast %get3A_645 : vector<1x16xf32> to vector<16xf32>
      %sub3A_647 = arith.constant 1 : i32
      %sub3A_648 = arith.subi %add3A_593, %sub3A_647 : i32
      %get3A_649 = arith.index_cast %sub3A_648 : i32 to index
      %get3A_650 = arith.constant 16 : index
      %get3A_651 = tpu.vector_load %arg7[%get3A_649, %get3A_650] {strides = array<i32>} : memref<100x128xf32, #tpu.memory_space<vmem>>, vector<1x16xf32>,
      %get3A_652 = vector.shape_cast %get3A_651 : vector<1x16xf32> to vector<16xf32>
      %sub3A_653 = arith.constant 1 : i32
      %sub3A_654 = arith.subi %add3A_593, %sub3A_653 : i32
      %get3A_655 = arith.index_cast %sub3A_654 : i32 to index
      %get3A_656 = arith.constant 32 : index
      %get3A_657 = tpu.vector_load %arg7[%get3A_655, %get3A_656] {strides = array<i32>} : memref<100x128xf32, #tpu.memory_space<vmem>>, vector<1x16xf32>,
      %get3A_658 = vector.shape_cast %get3A_657 : vector<1x16xf32> to vector<16xf32>
      %sub3A_659 = arith.constant 1 : i32
      %sub3A_660 = arith.subi %add3A_593, %sub3A_659 : i32
      %get3A_661 = arith.index_cast %sub3A_660 : i32 to index
      %get3A_662 = arith.constant 48 : index
      %get3A_663 = tpu.vector_load %arg7[%get3A_661, %get3A_662] {strides = array<i32>} : memref<100x128xf32, #tpu.memory_space<vmem>>, vector<1x16xf32>,
      %get3A_664 = vector.shape_cast %get3A_663 : vector<1x16xf32> to vector<16xf32>
      %sub3A_665 = arith.constant 1 : i32
      %sub3A_666 = arith.subi %add3A_593, %sub3A_665 : i32
      %get3A_667 = arith.index_cast %sub3A_666 : i32 to index
      %get3A_668 = arith.constant 64 : index
      %get3A_669 = tpu.vector_load %arg7[%get3A_667, %get3A_668] {strides = array<i32>} : memref<100x128xf32, #tpu.memory_space<vmem>>, vector<1x16xf32>,
      %get3A_670 = vector.shape_cast %get3A_669 : vector<1x16xf32> to vector<16xf32>
      %sub3A_671 = arith.constant 1 : i32
      %sub3A_672 = arith.subi %add3A_593, %sub3A_671 : i32
      %get3A_673 = arith.index_cast %sub3A_672 : i32 to index
      %get3A_674 = arith.constant 80 : index
      %get3A_675 = tpu.vector_load %arg7[%get3A_673, %get3A_674] {strides = array<i32>} : memref<100x128xf32, #tpu.memory_space<vmem>>, vector<1x16xf32>,
      %get3A_676 = vector.shape_cast %get3A_675 : vector<1x16xf32> to vector<16xf32>
      %sub3A_677 = arith.constant 1 : i32
      %sub3A_678 = arith.subi %add3A_593, %sub3A_677 : i32
      %get3A_679 = arith.index_cast %sub3A_678 : i32 to index
      %get3A_680 = arith.constant 96 : index
      %get3A_681 = tpu.vector_load %arg7[%get3A_679, %get3A_680] {strides = array<i32>} : memref<100x128xf32, #tpu.memory_space<vmem>>, vector<1x16xf32>,
      %get3A_682 = vector.shape_cast %get3A_681 : vector<1x16xf32> to vector<16xf32>
      %sub3A_683 = arith.constant 1 : i32
      %sub3A_684 = arith.subi %add3A_593, %sub3A_683 : i32
      %get3A_685 = arith.index_cast %sub3A_684 : i32 to index
      %get3A_686 = arith.constant 112 : index
      %get3A_687 = tpu.vector_load %arg7[%get3A_685, %get3A_686] {strides = array<i32>} : memref<100x128xf32, #tpu.memory_space<vmem>>, vector<1x16xf32>,
      %get3A_688 = vector.shape_cast %get3A_687 : vector<1x16xf32> to vector<16xf32>
      %parallel_loop3A_689 = arith.constant 0 : i32
      %parallel_loop3A_690 = arith.constant 128 : i32
      %parallel_loop3A_691 = arith.constant 1 : i32
      scf.for %parallel_loop3A_937 = %parallel_loop3A_689 to %parallel_loop3A_690 step %parallel_loop3A_691  : i32 {
        %parallel_loop3A_938 = arith.constant 3 : i32
        %parallel_loop3A_939 = arith.index_cast %parallel_loop3A_938 : i32 to index
        %parallel_loop3A_940 = arith.index_cast %parallel_loop3A_937 : i32 to index
        %parallel_loop3A_941 = arith.constant 0 : index
        %parallel_loop3A_942 = tpu.vector_load %arg9[%parallel_loop3A_939, %parallel_loop3A_940, %parallel_loop3A_941] {strides = array<i32>} : memref<4x128x128xf32, #tpu.memory_space<vmem>>, vector<1x1x16xf32>,
        %parallel_loop3A_943 = vector.shape_cast %parallel_loop3A_942 : vector<1x1x16xf32> to vector<16xf32>
        %parallel_loop3A_944 = arith.addf %parallel_loop3A_943, %get3A_646 : vector<16xf32>
        %parallel_loop3A_945 = arith.constant 3 : i32
        %parallel_loop3A_946 = arith.index_cast %parallel_loop3A_945 : i32 to index
        %parallel_loop3A_947 = arith.index_cast %parallel_loop3A_937 : i32 to index
        %parallel_loop3A_948 = arith.constant 0 : index
        %parallel_loop3A_949 = tpu.vector_load %arg9[%parallel_loop3A_946, %parallel_loop3A_947, %parallel_loop3A_948] {strides = array<i32>} : memref<4x128x128xf32, #tpu.memory_space<vmem>>, vector<1x1x16xf32>,
        %parallel_loop3A_950 = vector.shape_cast %parallel_loop3A_949 : vector<1x1x16xf32> to vector<16xf32>
        %parallel_loop3A_951 = vector.shape_cast %parallel_loop3A_944 : vector<16xf32> to vector<1x1x16xf32>
        tpu.vector_store %arg9[%parallel_loop3A_946, %parallel_loop3A_947, %parallel_loop3A_948], %parallel_loop3A_951 {strides = array<i32>} : memref<4x128x128xf32, #tpu.memory_space<vmem>>, vector<1x1x16xf32>,
        %parallel_loop3A_952 = arith.constant 3 : i32
        %parallel_loop3A_953 = arith.index_cast %parallel_loop3A_952 : i32 to index
        %parallel_loop3A_954 = arith.index_cast %parallel_loop3A_937 : i32 to index
        %parallel_loop3A_955 = arith.constant 16 : index
        %parallel_loop3A_956 = tpu.vector_load %arg9[%parallel_loop3A_953, %parallel_loop3A_954, %parallel_loop3A_955] {strides = array<i32>} : memref<4x128x128xf32, #tpu.memory_space<vmem>>, vector<1x1x16xf32>,
        %parallel_loop3A_957 = vector.shape_cast %parallel_loop3A_956 : vector<1x1x16xf32> to vector<16xf32>
        %parallel_loop3A_958 = arith.addf %parallel_loop3A_957, %get3A_652 : vector<16xf32>
        %parallel_loop3A_959 = arith.constant 3 : i32
        %parallel_loop3A_960 = arith.index_cast %parallel_loop3A_959 : i32 to index
        %parallel_loop3A_961 = arith.index_cast %parallel_loop3A_937 : i32 to index
        %parallel_loop3A_962 = arith.constant 16 : index
        %parallel_loop3A_963 = tpu.vector_load %arg9[%parallel_loop3A_960, %parallel_loop3A_961, %parallel_loop3A_962] {strides = array<i32>} : memref<4x128x128xf32, #tpu.memory_space<vmem>>, vector<1x1x16xf32>,
        %parallel_loop3A_964 = vector.shape_cast %parallel_loop3A_963 : vector<1x1x16xf32> to vector<16xf32>
        %parallel_loop3A_965 = vector.shape_cast %parallel_loop3A_958 : vector<16xf32> to vector<1x1x16xf32>
        tpu.vector_store %arg9[%parallel_loop3A_960, %parallel_loop3A_961, %parallel_loop3A_962], %parallel_loop3A_965 {strides = array<i32>} : memref<4x128x128xf32, #tpu.memory_space<vmem>>, vector<1x1x16xf32>,
        %parallel_loop3A_966 = arith.constant 3 : i32
        %parallel_loop3A_967 = arith.index_cast %parallel_loop3A_966 : i32 to index
        %parallel_loop3A_968 = arith.index_cast %parallel_loop3A_937 : i32 to index
        %parallel_loop3A_969 = arith.constant 32 : index
        %parallel_loop3A_970 = tpu.vector_load %arg9[%parallel_loop3A_967, %parallel_loop3A_968, %parallel_loop3A_969] {strides = array<i32>} : memref<4x128x128xf32, #tpu.memory_space<vmem>>, vector<1x1x16xf32>,
        %parallel_loop3A_971 = vector.shape_cast %parallel_loop3A_970 : vector<1x1x16xf32> to vector<16xf32>
        %parallel_loop3A_972 = arith.addf %parallel_loop3A_971, %get3A_658 : vector<16xf32>
        %parallel_loop3A_973 = arith.constant 3 : i32
        %parallel_loop3A_974 = arith.index_cast %parallel_loop3A_973 : i32 to index
        %parallel_loop3A_975 = arith.index_cast %parallel_loop3A_937 : i32 to index
        %parallel_loop3A_976 = arith.constant 32 : index
        %parallel_loop3A_977 = tpu.vector_load %arg9[%parallel_loop3A_974, %parallel_loop3A_975, %parallel_loop3A_976] {strides = array<i32>} : memref<4x128x128xf32, #tpu.memory_space<vmem>>, vector<1x1x16xf32>,
        %parallel_loop3A_978 = vector.shape_cast %parallel_loop3A_977 : vector<1x1x16xf32> to vector<16xf32>
        %parallel_loop3A_979 = vector.shape_cast %parallel_loop3A_972 : vector<16xf32> to vector<1x1x16xf32>
        tpu.vector_store %arg9[%parallel_loop3A_974, %parallel_loop3A_975, %parallel_loop3A_976], %parallel_loop3A_979 {strides = array<i32>} : memref<4x128x128xf32, #tpu.memory_space<vmem>>, vector<1x1x16xf32>,
        %parallel_loop3A_980 = arith.constant 3 : i32
        %parallel_loop3A_981 = arith.index_cast %parallel_loop3A_980 : i32 to index
        %parallel_loop3A_982 = arith.index_cast %parallel_loop3A_937 : i32 to index
        %parallel_loop3A_983 = arith.constant 48 : index
        %parallel_loop3A_984 = tpu.vector_load %arg9[%parallel_loop3A_981, %parallel_loop3A_982, %parallel_loop3A_983] {strides = array<i32>} : memref<4x128x128xf32, #tpu.memory_space<vmem>>, vector<1x1x16xf32>,
        %parallel_loop3A_985 = vector.shape_cast %parallel_loop3A_984 : vector<1x1x16xf32> to vector<16xf32>
        %parallel_loop3A_986 = arith.addf %parallel_loop3A_985, %get3A_664 : vector<16xf32>
        %parallel_loop3A_987 = arith.constant 3 : i32
        %parallel_loop3A_988 = arith.index_cast %parallel_loop3A_987 : i32 to index
        %parallel_loop3A_989 = arith.index_cast %parallel_loop3A_937 : i32 to index
        %parallel_loop3A_990 = arith.constant 48 : index
        %parallel_loop3A_991 = tpu.vector_load %arg9[%parallel_loop3A_988, %parallel_loop3A_989, %parallel_loop3A_990] {strides = array<i32>} : memref<4x128x128xf32, #tpu.memory_space<vmem>>, vector<1x1x16xf32>,
        %parallel_loop3A_992 = vector.shape_cast %parallel_loop3A_991 : vector<1x1x16xf32> to vector<16xf32>
        %parallel_loop3A_993 = vector.shape_cast %parallel_loop3A_986 : vector<16xf32> to vector<1x1x16xf32>
        tpu.vector_store %arg9[%parallel_loop3A_988, %parallel_loop3A_989, %parallel_loop3A_990], %parallel_loop3A_993 {strides = array<i32>} : memref<4x128x128xf32, #tpu.memory_space<vmem>>, vector<1x1x16xf32>,
        %parallel_loop3A_994 = arith.constant 3 : i32
        %parallel_loop3A_995 = arith.index_cast %parallel_loop3A_994 : i32 to index
        %parallel_loop3A_996 = arith.index_cast %parallel_loop3A_937 : i32 to index
        %parallel_loop3A_997 = arith.constant 64 : index
        %parallel_loop3A_998 = tpu.vector_load %arg9[%parallel_loop3A_995, %parallel_loop3A_996, %parallel_loop3A_997] {strides = array<i32>} : memref<4x128x128xf32, #tpu.memory_space<vmem>>, vector<1x1x16xf32>,
        %parallel_loop3A_999 = vector.shape_cast %parallel_loop3A_998 : vector<1x1x16xf32> to vector<16xf32>
        %parallel_loop3A_1000 = arith.addf %parallel_loop3A_999, %get3A_670 : vector<16xf32>
        %parallel_loop3A_1001 = arith.constant 3 : i32
        %parallel_loop3A_1002 = arith.index_cast %parallel_loop3A_1001 : i32 to index
        %parallel_loop3A_1003 = arith.index_cast %parallel_loop3A_937 : i32 to index
        %parallel_loop3A_1004 = arith.constant 64 : index
        %parallel_loop3A_1005 = tpu.vector_load %arg9[%parallel_loop3A_1002, %parallel_loop3A_1003, %parallel_loop3A_1004] {strides = array<i32>} : memref<4x128x128xf32, #tpu.memory_space<vmem>>, vector<1x1x16xf32>,
        %parallel_loop3A_1006 = vector.shape_cast %parallel_loop3A_1005 : vector<1x1x16xf32> to vector<16xf32>
        %parallel_loop3A_1007 = vector.shape_cast %parallel_loop3A_1000 : vector<16xf32> to vector<1x1x16xf32>
        tpu.vector_store %arg9[%parallel_loop3A_1002, %parallel_loop3A_1003, %parallel_loop3A_1004], %parallel_loop3A_1007 {strides = array<i32>} : memref<4x128x128xf32, #tpu.memory_space<vmem>>, vector<1x1x16xf32>,
        %parallel_loop3A_1008 = arith.constant 3 : i32
        %parallel_loop3A_1009 = arith.index_cast %parallel_loop3A_1008 : i32 to index
        %parallel_loop3A_1010 = arith.index_cast %parallel_loop3A_937 : i32 to index
        %parallel_loop3A_1011 = arith.constant 80 : index
        %parallel_loop3A_1012 = tpu.vector_load %arg9[%parallel_loop3A_1009, %parallel_loop3A_1010, %parallel_loop3A_1011] {strides = array<i32>} : memref<4x128x128xf32, #tpu.memory_space<vmem>>, vector<1x1x16xf32>,
        %parallel_loop3A_1013 = vector.shape_cast %parallel_loop3A_1012 : vector<1x1x16xf32> to vector<16xf32>
        %parallel_loop3A_1014 = arith.addf %parallel_loop3A_1013, %get3A_676 : vector<16xf32>
        %parallel_loop3A_1015 = arith.constant 3 : i32
        %parallel_loop3A_1016 = arith.index_cast %parallel_loop3A_1015 : i32 to index
        %parallel_loop3A_1017 = arith.index_cast %parallel_loop3A_937 : i32 to index
        %parallel_loop3A_1018 = arith.constant 80 : index
        %parallel_loop3A_1019 = tpu.vector_load %arg9[%parallel_loop3A_1016, %parallel_loop3A_1017, %parallel_loop3A_1018] {strides = array<i32>} : memref<4x128x128xf32, #tpu.memory_space<vmem>>, vector<1x1x16xf32>,
        %parallel_loop3A_1020 = vector.shape_cast %parallel_loop3A_1019 : vector<1x1x16xf32> to vector<16xf32>
        %parallel_loop3A_1021 = vector.shape_cast %parallel_loop3A_1014 : vector<16xf32> to vector<1x1x16xf32>
        tpu.vector_store %arg9[%parallel_loop3A_1016, %parallel_loop3A_1017, %parallel_loop3A_1018], %parallel_loop3A_1021 {strides = array<i32>} : memref<4x128x128xf32, #tpu.memory_space<vmem>>, vector<1x1x16xf32>,
        %parallel_loop3A_1022 = arith.constant 3 : i32
        %parallel_loop3A_1023 = arith.index_cast %parallel_loop3A_1022 : i32 to index
        %parallel_loop3A_1024 = arith.index_cast %parallel_loop3A_937 : i32 to index
        %parallel_loop3A_1025 = arith.constant 96 : index
        %parallel_loop3A_1026 = tpu.vector_load %arg9[%parallel_loop3A_1023, %parallel_loop3A_1024, %parallel_loop3A_1025] {strides = array<i32>} : memref<4x128x128xf32, #tpu.memory_space<vmem>>, vector<1x1x16xf32>,
        %parallel_loop3A_1027 = vector.shape_cast %parallel_loop3A_1026 : vector<1x1x16xf32> to vector<16xf32>
        %parallel_loop3A_1028 = arith.addf %parallel_loop3A_1027, %get3A_682 : vector<16xf32>
        %parallel_loop3A_1029 = arith.constant 3 : i32
        %parallel_loop3A_1030 = arith.index_cast %parallel_loop3A_1029 : i32 to index
        %parallel_loop3A_1031 = arith.index_cast %parallel_loop3A_937 : i32 to index
        %parallel_loop3A_1032 = arith.constant 96 : index
        %parallel_loop3A_1033 = tpu.vector_load %arg9[%parallel_loop3A_1030, %parallel_loop3A_1031, %parallel_loop3A_1032] {strides = array<i32>} : memref<4x128x128xf32, #tpu.memory_space<vmem>>, vector<1x1x16xf32>,
        %parallel_loop3A_1034 = vector.shape_cast %parallel_loop3A_1033 : vector<1x1x16xf32> to vector<16xf32>
        %parallel_loop3A_1035 = vector.shape_cast %parallel_loop3A_1028 : vector<16xf32> to vector<1x1x16xf32>
        tpu.vector_store %arg9[%parallel_loop3A_1030, %parallel_loop3A_1031, %parallel_loop3A_1032], %parallel_loop3A_1035 {strides = array<i32>} : memref<4x128x128xf32, #tpu.memory_space<vmem>>, vector<1x1x16xf32>,
        %parallel_loop3A_1036 = arith.constant 3 : i32
        %parallel_loop3A_1037 = arith.index_cast %parallel_loop3A_1036 : i32 to index
        %parallel_loop3A_1038 = arith.index_cast %parallel_loop3A_937 : i32 to index
        %parallel_loop3A_1039 = arith.constant 112 : index
        %parallel_loop3A_1040 = tpu.vector_load %arg9[%parallel_loop3A_1037, %parallel_loop3A_1038, %parallel_loop3A_1039] {strides = array<i32>} : memref<4x128x128xf32, #tpu.memory_space<vmem>>, vector<1x1x16xf32>,
        %parallel_loop3A_1041 = vector.shape_cast %parallel_loop3A_1040 : vector<1x1x16xf32> to vector<16xf32>
        %parallel_loop3A_1042 = arith.addf %parallel_loop3A_1041, %get3A_688 : vector<16xf32>
        %parallel_loop3A_1043 = arith.constant 3 : i32
        %parallel_loop3A_1044 = arith.index_cast %parallel_loop3A_1043 : i32 to index
        %parallel_loop3A_1045 = arith.index_cast %parallel_loop3A_937 : i32 to index
        %parallel_loop3A_1046 = arith.constant 112 : index
        %parallel_loop3A_1047 = tpu.vector_load %arg9[%parallel_loop3A_1044, %parallel_loop3A_1045, %parallel_loop3A_1046] {strides = array<i32>} : memref<4x128x128xf32, #tpu.memory_space<vmem>>, vector<1x1x16xf32>,
        %parallel_loop3A_1048 = vector.shape_cast %parallel_loop3A_1047 : vector<1x1x16xf32> to vector<16xf32>
        %parallel_loop3A_1049 = vector.shape_cast %parallel_loop3A_1042 : vector<16xf32> to vector<1x1x16xf32>
        tpu.vector_store %arg9[%parallel_loop3A_1044, %parallel_loop3A_1045, %parallel_loop3A_1046], %parallel_loop3A_1049 {strides = array<i32>} : memref<4x128x128xf32, #tpu.memory_space<vmem>>, vector<1x1x16xf32>,
      } {sc.loop_unroll_factor = 8 : i64, sc.parallel_access}
      %dma_start3A_692 = arith.constant 3 : i32
      %dma_start3A_693 = arith.constant 0 : i32
      %dma_start3A_694 = arith.constant 0 : i32
      %dma_start3A_695 = tpu.memref_slice %arg9[%dma_start3A_692, %dma_start3A_693, %dma_start3A_694] : memref<4x128x128xf32, #tpu.memory_space<vmem>> -> memref<1x128x128xf32, #tpu.memory_space<vmem>>
      %dma_start3A_696 = tpu.memref_squeeze %dma_start3A_695 : memref<1x128x128xf32, #tpu.memory_space<vmem>> -> memref<128x128xf32, #tpu.memory_space<vmem>>
      %dma_start3A_697 = arith.constant 0 : i32
      %dma_start3A_698 = tpu.memref_slice %arg6[%add3A_593, %mul3A_2, %dma_start3A_697] : memref<101x4096x128xf32, #tpu.memory_space<hbm>> -> memref<1x128x128xf32, #tpu.memory_space<hbm>>
      %dma_start3A_699 = tpu.memref_squeeze %dma_start3A_698 : memref<1x128x128xf32, #tpu.memory_space<hbm>> -> memref<128x128xf32, #tpu.memory_space<hbm>>
      %dma_start3A_700 = arith.constant 0 : i32
      %dma_start3A_701 = tpu.memref_slice %arg6[%add3A_593, %mul3A_2, %dma_start3A_700] : memref<101x4096x128xf32, #tpu.memory_space<hbm>> -> memref<1x128x128xf32, #tpu.memory_space<hbm>>
      %dma_start3A_702 = tpu.memref_squeeze %dma_start3A_701 : memref<1x128x128xf32, #tpu.memory_space<hbm>> -> memref<128x128xf32, #tpu.memory_space<hbm>>
      %dma_start3A_703 = arith.constant 0 : i32
      %dma_start3A_704 = arith.constant 0 : i32
      %dma_start3A_705 = tpu.memref_slice %arg9[%dma_start3A_692, %dma_start3A_703, %dma_start3A_704] : memref<4x128x128xf32, #tpu.memory_space<vmem>> -> memref<1x128x128xf32, #tpu.memory_space<vmem>>
      %dma_start3A_706 = tpu.memref_squeeze %dma_start3A_705 : memref<1x128x128xf32, #tpu.memory_space<vmem>> -> memref<128x128xf32, #tpu.memory_space<vmem>>
      tpu.enqueue_dma source(%dma_start3A_706 : memref<128x128xf32, #tpu.memory_space<vmem>>) target(%dma_start3A_702 : memref<128x128xf32, #tpu.memory_space<hbm>>) target_semaphore(%arg19 : memref<!tpu.dma_semaphore, #tpu.memory_space<semaphore_mem>>)
      %add3A_707 = arith.constant 2 : i32
      %add3A_708 = arith.addi %add3A_477, %add3A_707 : i32
      %add3A_709 = arith.constant 2 : i32
      %add3A_710 = arith.addi %add3A_708, %add3A_709 : i32
      %sub3A_711 = arith.constant 4 : i32
      %sub3A_712 = arith.subi %add3A_710, %sub3A_711 : i32
      %dma_wait3A_713 = arith.constant 2 : i32
      %dma_wait3A_714 = arith.constant 0 : i32
      %dma_wait3A_715 = arith.constant 0 : i32
      %dma_wait3A_716 = tpu.memref_slice %arg9[%dma_wait3A_713, %dma_wait3A_714, %dma_wait3A_715] : memref<4x128x128xf32, #tpu.memory_space<vmem>> -> memref<1x128x128xf32, #tpu.memory_space<vmem>>
      %dma_wait3A_717 = tpu.memref_squeeze %dma_wait3A_716 : memref<1x128x128xf32, #tpu.memory_space<vmem>> -> memref<128x128xf32, #tpu.memory_space<vmem>>
      %dma_wait3A_718 = arith.constant 0 : i32
      %dma_wait3A_719 = tpu.memref_slice %arg6[%sub3A_712, %mul3A_2, %dma_wait3A_718] : memref<101x4096x128xf32, #tpu.memory_space<hbm>> -> memref<1x128x128xf32, #tpu.memory_space<hbm>>
      %dma_wait3A_720 = tpu.memref_squeeze %dma_wait3A_719 : memref<1x128x128xf32, #tpu.memory_space<hbm>> -> memref<128x128xf32, #tpu.memory_space<hbm>>
      %dma_wait3A_721 = arith.constant 0 : i32
      %dma_wait3A_722 = tpu.memref_slice %arg6[%sub3A_712, %mul3A_2, %dma_wait3A_721] : memref<101x4096x128xf32, #tpu.memory_space<hbm>> -> memref<1x128x128xf32, #tpu.memory_space<hbm>>
      %dma_wait3A_723 = tpu.memref_squeeze %dma_wait3A_722 : memref<1x128x128xf32, #tpu.memory_space<hbm>> -> memref<128x128xf32, #tpu.memory_space<hbm>>
      %dma_wait3A_724 = arith.constant 0 : i32
      %dma_wait3A_725 = arith.constant 0 : i32
      %dma_wait3A_726 = tpu.memref_slice %arg9[%dma_wait3A_713, %dma_wait3A_724, %dma_wait3A_725] : memref<4x128x128xf32, #tpu.memory_space<vmem>> -> memref<1x128x128xf32, #tpu.memory_space<vmem>>
      %dma_wait3A_727 = tpu.memref_squeeze %dma_wait3A_726 : memref<1x128x128xf32, #tpu.memory_space<vmem>> -> memref<128x128xf32, #tpu.memory_space<vmem>>
      tpu.wait_dma2 semaphore(%arg18 : memref<!tpu.dma_semaphore, #tpu.memory_space<semaphore_mem>>) src(%dma_wait3A_727 : memref<128x128xf32, #tpu.memory_space<vmem>>) dst(%dma_wait3A_723 : memref<128x128xf32, #tpu.memory_space<hbm>>)
      %add3A_728 = arith.constant 2 : i32
      %add3A_729 = arith.addi %add3A_708, %add3A_728 : i32
      %sub3A_730 = arith.constant 1 : i32
      %sub3A_731 = arith.subi %add3A_729, %sub3A_730 : i32
      %dma_start3A_732 = arith.constant 2 : i32
      %dma_start3A_733 = arith.constant 0 : i32
      %dma_start3A_734 = arith.constant 0 : i32
      %dma_start3A_735 = tpu.memref_slice %arg9[%dma_start3A_732, %dma_start3A_733, %dma_start3A_734] : memref<4x128x128xf32, #tpu.memory_space<vmem>> -> memref<1x128x128xf32, #tpu.memory_space<vmem>>
      %dma_start3A_736 = tpu.memref_squeeze %dma_start3A_735 : memref<1x128x128xf32, #tpu.memory_space<vmem>> -> memref<128x128xf32, #tpu.memory_space<vmem>>
      %dma_start3A_737 = arith.constant 0 : i32
      %dma_start3A_738 = tpu.memref_slice %arg8[%sub3A_731, %dma_start3A_737] : memref<100x128xi32, #tpu.memory_space<vmem>> -> memref<1x128xi32, #tpu.memory_space<vmem>>
      %dma_start3A_739 = tpu.memref_squeeze %dma_start3A_738 : memref<1x128xi32, #tpu.memory_space<vmem>> -> memref<128xi32, #tpu.memory_space<vmem>>
      %dma_start3A_740 = arith.constant 0 : i32
      %dma_start3A_741 = arith.constant 0 : i32
      %dma_start3A_742 = tpu.memref_slice %arg11[%dma_start3A_740, %dma_start3A_741] : memref<1000x128xf32, #tpu.memory_space<vmem_shared>> -> memref<1000x128xf32, #tpu.memory_space<vmem_shared>>
      tpu.enqueue_indirect_dma source(%dma_start3A_742 : memref<1000x128xf32, #tpu.memory_space<vmem_shared>>) target(%dma_start3A_736 : memref<128x128xf32, #tpu.memory_space<vmem>>) offsets(%dma_start3A_739 : memref<128xi32, #tpu.memory_space<vmem>>) semaphore(%arg14 : memref<!tpu.dma_semaphore, #tpu.memory_space<semaphore_mem>>)
      %sub3A_743 = arith.constant 1 : i32
      %sub3A_744 = arith.subi %add3A_708, %sub3A_743 : i32
      %dma_wait3A_745 = arith.constant 0 : i32
      %dma_wait3A_746 = arith.constant 0 : i32
      %dma_wait3A_747 = arith.constant 0 : i32
      %dma_wait3A_748 = tpu.memref_slice %arg9[%dma_wait3A_745, %dma_wait3A_746, %dma_wait3A_747] : memref<4x128x128xf32, #tpu.memory_space<vmem>> -> memref<1x128x128xf32, #tpu.memory_space<vmem>>
      %dma_wait3A_749 = tpu.memref_squeeze %dma_wait3A_748 : memref<1x128x128xf32, #tpu.memory_space<vmem>> -> memref<128x128xf32, #tpu.memory_space<vmem>>
      %dma_wait3A_750 = arith.constant 0 : i32
      %dma_wait3A_751 = tpu.memref_slice %arg8[%sub3A_744, %dma_wait3A_750] : memref<100x128xi32, #tpu.memory_space<vmem>> -> memref<1x128xi32, #tpu.memory_space<vmem>>
      %dma_wait3A_752 = tpu.memref_squeeze %dma_wait3A_751 : memref<1x128xi32, #tpu.memory_space<vmem>> -> memref<128xi32, #tpu.memory_space<vmem>>
      %dma_wait3A_753 = arith.constant 0 : i32
      %dma_wait3A_754 = arith.constant 0 : i32
      %dma_wait3A_755 = tpu.memref_slice %arg11[%dma_wait3A_753, %dma_wait3A_754] : memref<1000x128xf32, #tpu.memory_space<vmem_shared>> -> memref<1000x128xf32, #tpu.memory_space<vmem_shared>>
      tpu.wait_indirect_dma semaphore(%arg12 : memref<!tpu.dma_semaphore, #tpu.memory_space<semaphore_mem>>) src(%dma_wait3A_755 : memref<1000x128xf32, #tpu.memory_space<vmem_shared>>) dst(%dma_wait3A_749 : memref<128x128xf32, #tpu.memory_space<vmem>>)
      %sub3A_756 = arith.constant 1 : i32
      %sub3A_757 = arith.subi %add3A_708, %sub3A_756 : i32
      %get3A_758 = arith.index_cast %sub3A_757 : i32 to index
      %get3A_759 = arith.constant 0 : index
      %get3A_760 = tpu.vector_load %arg7[%get3A_758, %get3A_759] {strides = array<i32>} : memref<100x128xf32, #tpu.memory_space<vmem>>, vector<1x16xf32>,
      %get3A_761 = vector.shape_cast %get3A_760 : vector<1x16xf32> to vector<16xf32>
      %sub3A_762 = arith.constant 1 : i32
      %sub3A_763 = arith.subi %add3A_708, %sub3A_762 : i32
      %get3A_764 = arith.index_cast %sub3A_763 : i32 to index
      %get3A_765 = arith.constant 16 : index
      %get3A_766 = tpu.vector_load %arg7[%get3A_764, %get3A_765] {strides = array<i32>} : memref<100x128xf32, #tpu.memory_space<vmem>>, vector<1x16xf32>,
      %get3A_767 = vector.shape_cast %get3A_766 : vector<1x16xf32> to vector<16xf32>
      %sub3A_768 = arith.constant 1 : i32
      %sub3A_769 = arith.subi %add3A_708, %sub3A_768 : i32
      %get3A_770 = arith.index_cast %sub3A_769 : i32 to index
      %get3A_771 = arith.constant 32 : index
      %get3A_772 = tpu.vector_load %arg7[%get3A_770, %get3A_771] {strides = array<i32>} : memref<100x128xf32, #tpu.memory_space<vmem>>, vector<1x16xf32>,
      %get3A_773 = vector.shape_cast %get3A_772 : vector<1x16xf32> to vector<16xf32>
      %sub3A_774 = arith.constant 1 : i32
      %sub3A_775 = arith.subi %add3A_708, %sub3A_774 : i32
      %get3A_776 = arith.index_cast %sub3A_775 : i32 to index
      %get3A_777 = arith.constant 48 : index
      %get3A_778 = tpu.vector_load %arg7[%get3A_776, %get3A_777] {strides = array<i32>} : memref<100x128xf32, #tpu.memory_space<vmem>>, vector<1x16xf32>,
      %get3A_779 = vector.shape_cast %get3A_778 : vector<1x16xf32> to vector<16xf32>
      %sub3A_780 = arith.constant 1 : i32
      %sub3A_781 = arith.subi %add3A_708, %sub3A_780 : i32
      %get3A_782 = arith.index_cast %sub3A_781 : i32 to index
      %get3A_783 = arith.constant 64 : index
      %get3A_784 = tpu.vector_load %arg7[%get3A_782, %get3A_783] {strides = array<i32>} : memref<100x128xf32, #tpu.memory_space<vmem>>, vector<1x16xf32>,
      %get3A_785 = vector.shape_cast %get3A_784 : vector<1x16xf32> to vector<16xf32>
      %sub3A_786 = arith.constant 1 : i32
      %sub3A_787 = arith.subi %add3A_708, %sub3A_786 : i32
      %get3A_788 = arith.index_cast %sub3A_787 : i32 to index
      %get3A_789 = arith.constant 80 : index
      %get3A_790 = tpu.vector_load %arg7[%get3A_788, %get3A_789] {strides = array<i32>} : memref<100x128xf32, #tpu.memory_space<vmem>>, vector<1x16xf32>,
      %get3A_791 = vector.shape_cast %get3A_790 : vector<1x16xf32> to vector<16xf32>
      %sub3A_792 = arith.constant 1 : i32
      %sub3A_793 = arith.subi %add3A_708, %sub3A_792 : i32
      %get3A_794 = arith.index_cast %sub3A_793 : i32 to index
      %get3A_795 = arith.constant 96 : index
      %get3A_796 = tpu.vector_load %arg7[%get3A_794, %get3A_795] {strides = array<i32>} : memref<100x128xf32, #tpu.memory_space<vmem>>, vector<1x16xf32>,
      %get3A_797 = vector.shape_cast %get3A_796 : vector<1x16xf32> to vector<16xf32>
      %sub3A_798 = arith.constant 1 : i32
      %sub3A_799 = arith.subi %add3A_708, %sub3A_798 : i32
      %get3A_800 = arith.index_cast %sub3A_799 : i32 to index
      %get3A_801 = arith.constant 112 : index
      %get3A_802 = tpu.vector_load %arg7[%get3A_800, %get3A_801] {strides = array<i32>} : memref<100x128xf32, #tpu.memory_space<vmem>>, vector<1x16xf32>,
      %get3A_803 = vector.shape_cast %get3A_802 : vector<1x16xf32> to vector<16xf32>
      %parallel_loop3A_804 = arith.constant 0 : i32
      %parallel_loop3A_805 = arith.constant 128 : i32
      %parallel_loop3A_806 = arith.constant 1 : i32
      scf.for %parallel_loop3A_937 = %parallel_loop3A_804 to %parallel_loop3A_805 step %parallel_loop3A_806  : i32 {
        %parallel_loop3A_938 = arith.constant 0 : i32
        %parallel_loop3A_939 = arith.index_cast %parallel_loop3A_938 : i32 to index
        %parallel_loop3A_940 = arith.index_cast %parallel_loop3A_937 : i32 to index
        %parallel_loop3A_941 = arith.constant 0 : index
        %parallel_loop3A_942 = tpu.vector_load %arg9[%parallel_loop3A_939, %parallel_loop3A_940, %parallel_loop3A_941] {strides = array<i32>} : memref<4x128x128xf32, #tpu.memory_space<vmem>>, vector<1x1x16xf32>,
        %parallel_loop3A_943 = vector.shape_cast %parallel_loop3A_942 : vector<1x1x16xf32> to vector<16xf32>
        %parallel_loop3A_944 = arith.addf %parallel_loop3A_943, %get3A_761 : vector<16xf32>
        %parallel_loop3A_945 = arith.constant 0 : i32
        %parallel_loop3A_946 = arith.index_cast %parallel_loop3A_945 : i32 to index
        %parallel_loop3A_947 = arith.index_cast %parallel_loop3A_937 : i32 to index
        %parallel_loop3A_948 = arith.constant 0 : index
        %parallel_loop3A_949 = tpu.vector_load %arg9[%parallel_loop3A_946, %parallel_loop3A_947, %parallel_loop3A_948] {strides = array<i32>} : memref<4x128x128xf32, #tpu.memory_space<vmem>>, vector<1x1x16xf32>,
        %parallel_loop3A_950 = vector.shape_cast %parallel_loop3A_949 : vector<1x1x16xf32> to vector<16xf32>
        %parallel_loop3A_951 = vector.shape_cast %parallel_loop3A_944 : vector<16xf32> to vector<1x1x16xf32>
        tpu.vector_store %arg9[%parallel_loop3A_946, %parallel_loop3A_947, %parallel_loop3A_948], %parallel_loop3A_951 {strides = array<i32>} : memref<4x128x128xf32, #tpu.memory_space<vmem>>, vector<1x1x16xf32>,
        %parallel_loop3A_952 = arith.constant 0 : i32
        %parallel_loop3A_953 = arith.index_cast %parallel_loop3A_952 : i32 to index
        %parallel_loop3A_954 = arith.index_cast %parallel_loop3A_937 : i32 to index
        %parallel_loop3A_955 = arith.constant 16 : index
        %parallel_loop3A_956 = tpu.vector_load %arg9[%parallel_loop3A_953, %parallel_loop3A_954, %parallel_loop3A_955] {strides = array<i32>} : memref<4x128x128xf32, #tpu.memory_space<vmem>>, vector<1x1x16xf32>,
        %parallel_loop3A_957 = vector.shape_cast %parallel_loop3A_956 : vector<1x1x16xf32> to vector<16xf32>
        %parallel_loop3A_958 = arith.addf %parallel_loop3A_957, %get3A_767 : vector<16xf32>
        %parallel_loop3A_959 = arith.constant 0 : i32
        %parallel_loop3A_960 = arith.index_cast %parallel_loop3A_959 : i32 to index
        %parallel_loop3A_961 = arith.index_cast %parallel_loop3A_937 : i32 to index
        %parallel_loop3A_962 = arith.constant 16 : index
        %parallel_loop3A_963 = tpu.vector_load %arg9[%parallel_loop3A_960, %parallel_loop3A_961, %parallel_loop3A_962] {strides = array<i32>} : memref<4x128x128xf32, #tpu.memory_space<vmem>>, vector<1x1x16xf32>,
        %parallel_loop3A_964 = vector.shape_cast %parallel_loop3A_963 : vector<1x1x16xf32> to vector<16xf32>
        %parallel_loop3A_965 = vector.shape_cast %parallel_loop3A_958 : vector<16xf32> to vector<1x1x16xf32>
        tpu.vector_store %arg9[%parallel_loop3A_960, %parallel_loop3A_961, %parallel_loop3A_962], %parallel_loop3A_965 {strides = array<i32>} : memref<4x128x128xf32, #tpu.memory_space<vmem>>, vector<1x1x16xf32>,
        %parallel_loop3A_966 = arith.constant 0 : i32
        %parallel_loop3A_967 = arith.index_cast %parallel_loop3A_966 : i32 to index
        %parallel_loop3A_968 = arith.index_cast %parallel_loop3A_937 : i32 to index
        %parallel_loop3A_969 = arith.constant 32 : index
        %parallel_loop3A_970 = tpu.vector_load %arg9[%parallel_loop3A_967, %parallel_loop3A_968, %parallel_loop3A_969] {strides = array<i32>} : memref<4x128x128xf32, #tpu.memory_space<vmem>>, vector<1x1x16xf32>,
        %parallel_loop3A_971 = vector.shape_cast %parallel_loop3A_970 : vector<1x1x16xf32> to vector<16xf32>
        %parallel_loop3A_972 = arith.addf %parallel_loop3A_971, %get3A_773 : vector<16xf32>
        %parallel_loop3A_973 = arith.constant 0 : i32
        %parallel_loop3A_974 = arith.index_cast %parallel_loop3A_973 : i32 to index
        %parallel_loop3A_975 = arith.index_cast %parallel_loop3A_937 : i32 to index
        %parallel_loop3A_976 = arith.constant 32 : index
        %parallel_loop3A_977 = tpu.vector_load %arg9[%parallel_loop3A_974, %parallel_loop3A_975, %parallel_loop3A_976] {strides = array<i32>} : memref<4x128x128xf32, #tpu.memory_space<vmem>>, vector<1x1x16xf32>,
        %parallel_loop3A_978 = vector.shape_cast %parallel_loop3A_977 : vector<1x1x16xf32> to vector<16xf32>
        %parallel_loop3A_979 = vector.shape_cast %parallel_loop3A_972 : vector<16xf32> to vector<1x1x16xf32>
        tpu.vector_store %arg9[%parallel_loop3A_974, %parallel_loop3A_975, %parallel_loop3A_976], %parallel_loop3A_979 {strides = array<i32>} : memref<4x128x128xf32, #tpu.memory_space<vmem>>, vector<1x1x16xf32>,
        %parallel_loop3A_980 = arith.constant 0 : i32
        %parallel_loop3A_981 = arith.index_cast %parallel_loop3A_980 : i32 to index
        %parallel_loop3A_982 = arith.index_cast %parallel_loop3A_937 : i32 to index
        %parallel_loop3A_983 = arith.constant 48 : index
        %parallel_loop3A_984 = tpu.vector_load %arg9[%parallel_loop3A_981, %parallel_loop3A_982, %parallel_loop3A_983] {strides = array<i32>} : memref<4x128x128xf32, #tpu.memory_space<vmem>>, vector<1x1x16xf32>,
        %parallel_loop3A_985 = vector.shape_cast %parallel_loop3A_984 : vector<1x1x16xf32> to vector<16xf32>
        %parallel_loop3A_986 = arith.addf %parallel_loop3A_985, %get3A_779 : vector<16xf32>
        %parallel_loop3A_987 = arith.constant 0 : i32
        %parallel_loop3A_988 = arith.index_cast %parallel_loop3A_987 : i32 to index
        %parallel_loop3A_989 = arith.index_cast %parallel_loop3A_937 : i32 to index
        %parallel_loop3A_990 = arith.constant 48 : index
        %parallel_loop3A_991 = tpu.vector_load %arg9[%parallel_loop3A_988, %parallel_loop3A_989, %parallel_loop3A_990] {strides = array<i32>} : memref<4x128x128xf32, #tpu.memory_space<vmem>>, vector<1x1x16xf32>,
        %parallel_loop3A_992 = vector.shape_cast %parallel_loop3A_991 : vector<1x1x16xf32> to vector<16xf32>
        %parallel_loop3A_993 = vector.shape_cast %parallel_loop3A_986 : vector<16xf32> to vector<1x1x16xf32>
        tpu.vector_store %arg9[%parallel_loop3A_988, %parallel_loop3A_989, %parallel_loop3A_990], %parallel_loop3A_993 {strides = array<i32>} : memref<4x128x128xf32, #tpu.memory_space<vmem>>, vector<1x1x16xf32>,
        %parallel_loop3A_994 = arith.constant 0 : i32
        %parallel_loop3A_995 = arith.index_cast %parallel_loop3A_994 : i32 to index
        %parallel_loop3A_996 = arith.index_cast %parallel_loop3A_937 : i32 to index
        %parallel_loop3A_997 = arith.constant 64 : index
        %parallel_loop3A_998 = tpu.vector_load %arg9[%parallel_loop3A_995, %parallel_loop3A_996, %parallel_loop3A_997] {strides = array<i32>} : memref<4x128x128xf32, #tpu.memory_space<vmem>>, vector<1x1x16xf32>,
        %parallel_loop3A_999 = vector.shape_cast %parallel_loop3A_998 : vector<1x1x16xf32> to vector<16xf32>
        %parallel_loop3A_1000 = arith.addf %parallel_loop3A_999, %get3A_785 : vector<16xf32>
        %parallel_loop3A_1001 = arith.constant 0 : i32
        %parallel_loop3A_1002 = arith.index_cast %parallel_loop3A_1001 : i32 to index
        %parallel_loop3A_1003 = arith.index_cast %parallel_loop3A_937 : i32 to index
        %parallel_loop3A_1004 = arith.constant 64 : index
        %parallel_loop3A_1005 = tpu.vector_load %arg9[%parallel_loop3A_1002, %parallel_loop3A_1003, %parallel_loop3A_1004] {strides = array<i32>} : memref<4x128x128xf32, #tpu.memory_space<vmem>>, vector<1x1x16xf32>,
        %parallel_loop3A_1006 = vector.shape_cast %parallel_loop3A_1005 : vector<1x1x16xf32> to vector<16xf32>
        %parallel_loop3A_1007 = vector.shape_cast %parallel_loop3A_1000 : vector<16xf32> to vector<1x1x16xf32>
        tpu.vector_store %arg9[%parallel_loop3A_1002, %parallel_loop3A_1003, %parallel_loop3A_1004], %parallel_loop3A_1007 {strides = array<i32>} : memref<4x128x128xf32, #tpu.memory_space<vmem>>, vector<1x1x16xf32>,
        %parallel_loop3A_1008 = arith.constant 0 : i32
        %parallel_loop3A_1009 = arith.index_cast %parallel_loop3A_1008 : i32 to index
        %parallel_loop3A_1010 = arith.index_cast %parallel_loop3A_937 : i32 to index
        %parallel_loop3A_1011 = arith.constant 80 : index
        %parallel_loop3A_1012 = tpu.vector_load %arg9[%parallel_loop3A_1009, %parallel_loop3A_1010, %parallel_loop3A_1011] {strides = array<i32>} : memref<4x128x128xf32, #tpu.memory_space<vmem>>, vector<1x1x16xf32>,
        %parallel_loop3A_1013 = vector.shape_cast %parallel_loop3A_1012 : vector<1x1x16xf32> to vector<16xf32>
        %parallel_loop3A_1014 = arith.addf %parallel_loop3A_1013, %get3A_791 : vector<16xf32>
        %parallel_loop3A_1015 = arith.constant 0 : i32
        %parallel_loop3A_1016 = arith.index_cast %parallel_loop3A_1015 : i32 to index
        %parallel_loop3A_1017 = arith.index_cast %parallel_loop3A_937 : i32 to index
        %parallel_loop3A_1018 = arith.constant 80 : index
        %parallel_loop3A_1019 = tpu.vector_load %arg9[%parallel_loop3A_1016, %parallel_loop3A_1017, %parallel_loop3A_1018] {strides = array<i32>} : memref<4x128x128xf32, #tpu.memory_space<vmem>>, vector<1x1x16xf32>,
        %parallel_loop3A_1020 = vector.shape_cast %parallel_loop3A_1019 : vector<1x1x16xf32> to vector<16xf32>
        %parallel_loop3A_1021 = vector.shape_cast %parallel_loop3A_1014 : vector<16xf32> to vector<1x1x16xf32>
        tpu.vector_store %arg9[%parallel_loop3A_1016, %parallel_loop3A_1017, %parallel_loop3A_1018], %parallel_loop3A_1021 {strides = array<i32>} : memref<4x128x128xf32, #tpu.memory_space<vmem>>, vector<1x1x16xf32>,
        %parallel_loop3A_1022 = arith.constant 0 : i32
        %parallel_loop3A_1023 = arith.index_cast %parallel_loop3A_1022 : i32 to index
        %parallel_loop3A_1024 = arith.index_cast %parallel_loop3A_937 : i32 to index
        %parallel_loop3A_1025 = arith.constant 96 : index
        %parallel_loop3A_1026 = tpu.vector_load %arg9[%parallel_loop3A_1023, %parallel_loop3A_1024, %parallel_loop3A_1025] {strides = array<i32>} : memref<4x128x128xf32, #tpu.memory_space<vmem>>, vector<1x1x16xf32>,
        %parallel_loop3A_1027 = vector.shape_cast %parallel_loop3A_1026 : vector<1x1x16xf32> to vector<16xf32>
        %parallel_loop3A_1028 = arith.addf %parallel_loop3A_1027, %get3A_797 : vector<16xf32>
        %parallel_loop3A_1029 = arith.constant 0 : i32
        %parallel_loop3A_1030 = arith.index_cast %parallel_loop3A_1029 : i32 to index
        %parallel_loop3A_1031 = arith.index_cast %parallel_loop3A_937 : i32 to index
        %parallel_loop3A_1032 = arith.constant 96 : index
        %parallel_loop3A_1033 = tpu.vector_load %arg9[%parallel_loop3A_1030, %parallel_loop3A_1031, %parallel_loop3A_1032] {strides = array<i32>} : memref<4x128x128xf32, #tpu.memory_space<vmem>>, vector<1x1x16xf32>,
        %parallel_loop3A_1034 = vector.shape_cast %parallel_loop3A_1033 : vector<1x1x16xf32> to vector<16xf32>
        %parallel_loop3A_1035 = vector.shape_cast %parallel_loop3A_1028 : vector<16xf32> to vector<1x1x16xf32>
        tpu.vector_store %arg9[%parallel_loop3A_1030, %parallel_loop3A_1031, %parallel_loop3A_1032], %parallel_loop3A_1035 {strides = array<i32>} : memref<4x128x128xf32, #tpu.memory_space<vmem>>, vector<1x1x16xf32>,
        %parallel_loop3A_1036 = arith.constant 0 : i32
        %parallel_loop3A_1037 = arith.index_cast %parallel_loop3A_1036 : i32 to index
        %parallel_loop3A_1038 = arith.index_cast %parallel_loop3A_937 : i32 to index
        %parallel_loop3A_1039 = arith.constant 112 : index
        %parallel_loop3A_1040 = tpu.vector_load %arg9[%parallel_loop3A_1037, %parallel_loop3A_1038, %parallel_loop3A_1039] {strides = array<i32>} : memref<4x128x128xf32, #tpu.memory_space<vmem>>, vector<1x1x16xf32>,
        %parallel_loop3A_1041 = vector.shape_cast %parallel_loop3A_1040 : vector<1x1x16xf32> to vector<16xf32>
        %parallel_loop3A_1042 = arith.addf %parallel_loop3A_1041, %get3A_803 : vector<16xf32>
        %parallel_loop3A_1043 = arith.constant 0 : i32
        %parallel_loop3A_1044 = arith.index_cast %parallel_loop3A_1043 : i32 to index
        %parallel_loop3A_1045 = arith.index_cast %parallel_loop3A_937 : i32 to index
        %parallel_loop3A_1046 = arith.constant 112 : index
        %parallel_loop3A_1047 = tpu.vector_load %arg9[%parallel_loop3A_1044, %parallel_loop3A_1045, %parallel_loop3A_1046] {strides = array<i32>} : memref<4x128x128xf32, #tpu.memory_space<vmem>>, vector<1x1x16xf32>,
        %parallel_loop3A_1048 = vector.shape_cast %parallel_loop3A_1047 : vector<1x1x16xf32> to vector<16xf32>
        %parallel_loop3A_1049 = vector.shape_cast %parallel_loop3A_1042 : vector<16xf32> to vector<1x1x16xf32>
        tpu.vector_store %arg9[%parallel_loop3A_1044, %parallel_loop3A_1045, %parallel_loop3A_1046], %parallel_loop3A_1049 {strides = array<i32>} : memref<4x128x128xf32, #tpu.memory_space<vmem>>, vector<1x1x16xf32>,
      } {sc.loop_unroll_factor = 8 : i64, sc.parallel_access}
      %dma_start3A_807 = arith.constant 0 : i32
      %dma_start3A_808 = arith.constant 0 : i32
      %dma_start3A_809 = arith.constant 0 : i32
      %dma_start3A_810 = tpu.memref_slice %arg9[%dma_start3A_807, %dma_start3A_808, %dma_start3A_809] : memref<4x128x128xf32, #tpu.memory_space<vmem>> -> memref<1x128x128xf32, #tpu.memory_space<vmem>>
      %dma_start3A_811 = tpu.memref_squeeze %dma_start3A_810 : memref<1x128x128xf32, #tpu.memory_space<vmem>> -> memref<128x128xf32, #tpu.memory_space<vmem>>
      %dma_start3A_812 = arith.constant 0 : i32
      %dma_start3A_813 = tpu.memref_slice %arg6[%add3A_708, %mul3A_2, %dma_start3A_812] : memref<101x4096x128xf32, #tpu.memory_space<hbm>> -> memref<1x128x128xf32, #tpu.memory_space<hbm>>
      %dma_start3A_814 = tpu.memref_squeeze %dma_start3A_813 : memref<1x128x128xf32, #tpu.memory_space<hbm>> -> memref<128x128xf32, #tpu.memory_space<hbm>>
      %dma_start3A_815 = arith.constant 0 : i32
      %dma_start3A_816 = tpu.memref_slice %arg6[%add3A_708, %mul3A_2, %dma_start3A_815] : memref<101x4096x128xf32, #tpu.memory_space<hbm>> -> memref<1x128x128xf32, #tpu.memory_space<hbm>>
      %dma_start3A_817 = tpu.memref_squeeze %dma_start3A_816 : memref<1x128x128xf32, #tpu.memory_space<hbm>> -> memref<128x128xf32, #tpu.memory_space<hbm>>
      %dma_start3A_818 = arith.constant 0 : i32
      %dma_start3A_819 = arith.constant 0 : i32
      %dma_start3A_820 = tpu.memref_slice %arg9[%dma_start3A_807, %dma_start3A_818, %dma_start3A_819] : memref<4x128x128xf32, #tpu.memory_space<vmem>> -> memref<1x128x128xf32, #tpu.memory_space<vmem>>
      %dma_start3A_821 = tpu.memref_squeeze %dma_start3A_820 : memref<1x128x128xf32, #tpu.memory_space<vmem>> -> memref<128x128xf32, #tpu.memory_space<vmem>>
      tpu.enqueue_dma source(%dma_start3A_821 : memref<128x128xf32, #tpu.memory_space<vmem>>) target(%dma_start3A_817 : memref<128x128xf32, #tpu.memory_space<hbm>>) target_semaphore(%arg16 : memref<!tpu.dma_semaphore, #tpu.memory_space<semaphore_mem>>)
      %add3A_822 = arith.constant 3 : i32
      %add3A_823 = arith.addi %add3A_477, %add3A_822 : i32
      %add3A_824 = arith.constant 2 : i32
      %add3A_825 = arith.addi %add3A_823, %add3A_824 : i32
      %sub3A_826 = arith.constant 4 : i32
      %sub3A_827 = arith.subi %add3A_825, %sub3A_826 : i32
      %dma_wait3A_828 = arith.constant 3 : i32
      %dma_wait3A_829 = arith.constant 0 : i32
      %dma_wait3A_830 = arith.constant 0 : i32
      %dma_wait3A_831 = tpu.memref_slice %arg9[%dma_wait3A_828, %dma_wait3A_829, %dma_wait3A_830] : memref<4x128x128xf32, #tpu.memory_space<vmem>> -> memref<1x128x128xf32, #tpu.memory_space<vmem>>
      %dma_wait3A_832 = tpu.memref_squeeze %dma_wait3A_831 : memref<1x128x128xf32, #tpu.memory_space<vmem>> -> memref<128x128xf32, #tpu.memory_space<vmem>>
      %dma_wait3A_833 = arith.constant 0 : i32
      %dma_wait3A_834 = tpu.memref_slice %arg6[%sub3A_827, %mul3A_2, %dma_wait3A_833] : memref<101x4096x128xf32, #tpu.memory_space<hbm>> -> memref<1x128x128xf32, #tpu.memory_space<hbm>>
      %dma_wait3A_835 = tpu.memref_squeeze %dma_wait3A_834 : memref<1x128x128xf32, #tpu.memory_space<hbm>> -> memref<128x128xf32, #tpu.memory_space<hbm>>
      %dma_wait3A_836 = arith.constant 0 : i32
      %dma_wait3A_837 = tpu.memref_slice %arg6[%sub3A_827, %mul3A_2, %dma_wait3A_836] : memref<101x4096x128xf32, #tpu.memory_space<hbm>> -> memref<1x128x128xf32, #tpu.memory_space<hbm>>
      %dma_wait3A_838 = tpu.memref_squeeze %dma_wait3A_837 : memref<1x128x128xf32, #tpu.memory_space<hbm>> -> memref<128x128xf32, #tpu.memory_space<hbm>>
      %dma_wait3A_839 = arith.constant 0 : i32
      %dma_wait3A_840 = arith.constant 0 : i32
      %dma_wait3A_841 = tpu.memref_slice %arg9[%dma_wait3A_828, %dma_wait3A_839, %dma_wait3A_840] : memref<4x128x128xf32, #tpu.memory_space<vmem>> -> memref<1x128x128xf32, #tpu.memory_space<vmem>>
      %dma_wait3A_842 = tpu.memref_squeeze %dma_wait3A_841 : memref<1x128x128xf32, #tpu.memory_space<vmem>> -> memref<128x128xf32, #tpu.memory_space<vmem>>
      tpu.wait_dma2 semaphore(%arg19 : memref<!tpu.dma_semaphore, #tpu.memory_space<semaphore_mem>>) src(%dma_wait3A_842 : memref<128x128xf32, #tpu.memory_space<vmem>>) dst(%dma_wait3A_838 : memref<128x128xf32, #tpu.memory_space<hbm>>)
      %add3A_843 = arith.constant 2 : i32
      %add3A_844 = arith.addi %add3A_823, %add3A_843 : i32
      %sub3A_845 = arith.constant 1 : i32
      %sub3A_846 = arith.subi %add3A_844, %sub3A_845 : i32
      %dma_start3A_847 = arith.constant 3 : i32
      %dma_start3A_848 = arith.constant 0 : i32
      %dma_start3A_849 = arith.constant 0 : i32
      %dma_start3A_850 = tpu.memref_slice %arg9[%dma_start3A_847, %dma_start3A_848, %dma_start3A_849] : memref<4x128x128xf32, #tpu.memory_space<vmem>> -> memref<1x128x128xf32, #tpu.memory_space<vmem>>
      %dma_start3A_851 = tpu.memref_squeeze %dma_start3A_850 : memref<1x128x128xf32, #tpu.memory_space<vmem>> -> memref<128x128xf32, #tpu.memory_space<vmem>>
      %dma_start3A_852 = arith.constant 0 : i32
      %dma_start3A_853 = tpu.memref_slice %arg8[%sub3A_846, %dma_start3A_852] : memref<100x128xi32, #tpu.memory_space<vmem>> -> memref<1x128xi32, #tpu.memory_space<vmem>>
      %dma_start3A_854 = tpu.memref_squeeze %dma_start3A_853 : memref<1x128xi32, #tpu.memory_space<vmem>> -> memref<128xi32, #tpu.memory_space<vmem>>
      %dma_start3A_855 = arith.constant 0 : i32
      %dma_start3A_856 = arith.constant 0 : i32
      %dma_start3A_857 = tpu.memref_slice %arg11[%dma_start3A_855, %dma_start3A_856] : memref<1000x128xf32, #tpu.memory_space<vmem_shared>> -> memref<1000x128xf32, #tpu.memory_space<vmem_shared>>
      tpu.enqueue_indirect_dma source(%dma_start3A_857 : memref<1000x128xf32, #tpu.memory_space<vmem_shared>>) target(%dma_start3A_851 : memref<128x128xf32, #tpu.memory_space<vmem>>) offsets(%dma_start3A_854 : memref<128xi32, #tpu.memory_space<vmem>>) semaphore(%arg15 : memref<!tpu.dma_semaphore, #tpu.memory_space<semaphore_mem>>)
      %sub3A_858 = arith.constant 1 : i32
      %sub3A_859 = arith.subi %add3A_823, %sub3A_858 : i32
      %dma_wait3A_860 = arith.constant 1 : i32
      %dma_wait3A_861 = arith.constant 0 : i32
      %dma_wait3A_862 = arith.constant 0 : i32
      %dma_wait3A_863 = tpu.memref_slice %arg9[%dma_wait3A_860, %dma_wait3A_861, %dma_wait3A_862] : memref<4x128x128xf32, #tpu.memory_space<vmem>> -> memref<1x128x128xf32, #tpu.memory_space<vmem>>
      %dma_wait3A_864 = tpu.memref_squeeze %dma_wait3A_863 : memref<1x128x128xf32, #tpu.memory_space<vmem>> -> memref<128x128xf32, #tpu.memory_space<vmem>>
      %dma_wait3A_865 = arith.constant 0 : i32
      %dma_wait3A_866 = tpu.memref_slice %arg8[%sub3A_859, %dma_wait3A_865] : memref<100x128xi32, #tpu.memory_space<vmem>> -> memref<1x128xi32, #tpu.memory_space<vmem>>
      %dma_wait3A_867 = tpu.memref_squeeze %dma_wait3A_866 : memref<1x128xi32, #tpu.memory_space<vmem>> -> memref<128xi32, #tpu.memory_space<vmem>>
      %dma_wait3A_868 = arith.constant 0 : i32
      %dma_wait3A_869 = arith.constant 0 : i32
      %dma_wait3A_870 = tpu.memref_slice %arg11[%dma_wait3A_868, %dma_wait3A_869] : memref<1000x128xf32, #tpu.memory_space<vmem_shared>> -> memref<1000x128xf32, #tpu.memory_space<vmem_shared>>
      tpu.wait_indirect_dma semaphore(%arg13 : memref<!tpu.dma_semaphore, #tpu.memory_space<semaphore_mem>>) src(%dma_wait3A_870 : memref<1000x128xf32, #tpu.memory_space<vmem_shared>>) dst(%dma_wait3A_864 : memref<128x128xf32, #tpu.memory_space<vmem>>)
      %sub3A_871 = arith.constant 1 : i32
      %sub3A_872 = arith.subi %add3A_823, %sub3A_871 : i32
      %get3A_873 = arith.index_cast %sub3A_872 : i32 to index
      %get3A_874 = arith.constant 0 : index
      %get3A_875 = tpu.vector_load %arg7[%get3A_873, %get3A_874] {strides = array<i32>} : memref<100x128xf32, #tpu.memory_space<vmem>>, vector<1x16xf32>,
      %get3A_876 = vector.shape_cast %get3A_875 : vector<1x16xf32> to vector<16xf32>
      %sub3A_877 = arith.constant 1 : i32
      %sub3A_878 = arith.subi %add3A_823, %sub3A_877 : i32
      %get3A_879 = arith.index_cast %sub3A_878 : i32 to index
      %get3A_880 = arith.constant 16 : index
      %get3A_881 = tpu.vector_load %arg7[%get3A_879, %get3A_880] {strides = array<i32>} : memref<100x128xf32, #tpu.memory_space<vmem>>, vector<1x16xf32>,
      %get3A_882 = vector.shape_cast %get3A_881 : vector<1x16xf32> to vector<16xf32>
      %sub3A_883 = arith.constant 1 : i32
      %sub3A_884 = arith.subi %add3A_823, %sub3A_883 : i32
      %get3A_885 = arith.index_cast %sub3A_884 : i32 to index
      %get3A_886 = arith.constant 32 : index
      %get3A_887 = tpu.vector_load %arg7[%get3A_885, %get3A_886] {strides = array<i32>} : memref<100x128xf32, #tpu.memory_space<vmem>>, vector<1x16xf32>,
      %get3A_888 = vector.shape_cast %get3A_887 : vector<1x16xf32> to vector<16xf32>
      %sub3A_889 = arith.constant 1 : i32
      %sub3A_890 = arith.subi %add3A_823, %sub3A_889 : i32
      %get3A_891 = arith.index_cast %sub3A_890 : i32 to index
      %get3A_892 = arith.constant 48 : index
      %get3A_893 = tpu.vector_load %arg7[%get3A_891, %get3A_892] {strides = array<i32>} : memref<100x128xf32, #tpu.memory_space<vmem>>, vector<1x16xf32>,
      %get3A_894 = vector.shape_cast %get3A_893 : vector<1x16xf32> to vector<16xf32>
      %sub3A_895 = arith.constant 1 : i32
      %sub3A_896 = arith.subi %add3A_823, %sub3A_895 : i32
      %get3A_897 = arith.index_cast %sub3A_896 : i32 to index
      %get3A_898 = arith.constant 64 : index
      %get3A_899 = tpu.vector_load %arg7[%get3A_897, %get3A_898] {strides = array<i32>} : memref<100x128xf32, #tpu.memory_space<vmem>>, vector<1x16xf32>,
      %get3A_900 = vector.shape_cast %get3A_899 : vector<1x16xf32> to vector<16xf32>
      %sub3A_901 = arith.constant 1 : i32
      %sub3A_902 = arith.subi %add3A_823, %sub3A_901 : i32
      %get3A_903 = arith.index_cast %sub3A_902 : i32 to index
      %get3A_904 = arith.constant 80 : index
      %get3A_905 = tpu.vector_load %arg7[%get3A_903, %get3A_904] {strides = array<i32>} : memref<100x128xf32, #tpu.memory_space<vmem>>, vector<1x16xf32>,
      %get3A_906 = vector.shape_cast %get3A_905 : vector<1x16xf32> to vector<16xf32>
      %sub3A_907 = arith.constant 1 : i32
      %sub3A_908 = arith.subi %add3A_823, %sub3A_907 : i32
      %get3A_909 = arith.index_cast %sub3A_908 : i32 to index
      %get3A_910 = arith.constant 96 : index
      %get3A_911 = tpu.vector_load %arg7[%get3A_909, %get3A_910] {strides = array<i32>} : memref<100x128xf32, #tpu.memory_space<vmem>>, vector<1x16xf32>,
      %get3A_912 = vector.shape_cast %get3A_911 : vector<1x16xf32> to vector<16xf32>
      %sub3A_913 = arith.constant 1 : i32
      %sub3A_914 = arith.subi %add3A_823, %sub3A_913 : i32
      %get3A_915 = arith.index_cast %sub3A_914 : i32 to index
      %get3A_916 = arith.constant 112 : index
      %get3A_917 = tpu.vector_load %arg7[%get3A_915, %get3A_916] {strides = array<i32>} : memref<100x128xf32, #tpu.memory_space<vmem>>, vector<1x16xf32>,
      %get3A_918 = vector.shape_cast %get3A_917 : vector<1x16xf32> to vector<16xf32>
      %parallel_loop3A_919 = arith.constant 0 : i32
      %parallel_loop3A_920 = arith.constant 128 : i32
      %parallel_loop3A_921 = arith.constant 1 : i32
      scf.for %parallel_loop3A_937 = %parallel_loop3A_919 to %parallel_loop3A_920 step %parallel_loop3A_921  : i32 {
        %parallel_loop3A_938 = arith.constant 1 : i32
        %parallel_loop3A_939 = arith.index_cast %parallel_loop3A_938 : i32 to index
        %parallel_loop3A_940 = arith.index_cast %parallel_loop3A_937 : i32 to index
        %parallel_loop3A_941 = arith.constant 0 : index
        %parallel_loop3A_942 = tpu.vector_load %arg9[%parallel_loop3A_939, %parallel_loop3A_940, %parallel_loop3A_941] {strides = array<i32>} : memref<4x128x128xf32, #tpu.memory_space<vmem>>, vector<1x1x16xf32>,
        %parallel_loop3A_943 = vector.shape_cast %parallel_loop3A_942 : vector<1x1x16xf32> to vector<16xf32>
        %parallel_loop3A_944 = arith.addf %parallel_loop3A_943, %get3A_876 : vector<16xf32>
        %parallel_loop3A_945 = arith.constant 1 : i32
        %parallel_loop3A_946 = arith.index_cast %parallel_loop3A_945 : i32 to index
        %parallel_loop3A_947 = arith.index_cast %parallel_loop3A_937 : i32 to index
        %parallel_loop3A_948 = arith.constant 0 : index
        %parallel_loop3A_949 = tpu.vector_load %arg9[%parallel_loop3A_946, %parallel_loop3A_947, %parallel_loop3A_948] {strides = array<i32>} : memref<4x128x128xf32, #tpu.memory_space<vmem>>, vector<1x1x16xf32>,
        %parallel_loop3A_950 = vector.shape_cast %parallel_loop3A_949 : vector<1x1x16xf32> to vector<16xf32>
        %parallel_loop3A_951 = vector.shape_cast %parallel_loop3A_944 : vector<16xf32> to vector<1x1x16xf32>
        tpu.vector_store %arg9[%parallel_loop3A_946, %parallel_loop3A_947, %parallel_loop3A_948], %parallel_loop3A_951 {strides = array<i32>} : memref<4x128x128xf32, #tpu.memory_space<vmem>>, vector<1x1x16xf32>,
        %parallel_loop3A_952 = arith.constant 1 : i32
        %parallel_loop3A_953 = arith.index_cast %parallel_loop3A_952 : i32 to index
        %parallel_loop3A_954 = arith.index_cast %parallel_loop3A_937 : i32 to index
        %parallel_loop3A_955 = arith.constant 16 : index
        %parallel_loop3A_956 = tpu.vector_load %arg9[%parallel_loop3A_953, %parallel_loop3A_954, %parallel_loop3A_955] {strides = array<i32>} : memref<4x128x128xf32, #tpu.memory_space<vmem>>, vector<1x1x16xf32>,
        %parallel_loop3A_957 = vector.shape_cast %parallel_loop3A_956 : vector<1x1x16xf32> to vector<16xf32>
        %parallel_loop3A_958 = arith.addf %parallel_loop3A_957, %get3A_882 : vector<16xf32>
        %parallel_loop3A_959 = arith.constant 1 : i32
        %parallel_loop3A_960 = arith.index_cast %parallel_loop3A_959 : i32 to index
        %parallel_loop3A_961 = arith.index_cast %parallel_loop3A_937 : i32 to index
        %parallel_loop3A_962 = arith.constant 16 : index
        %parallel_loop3A_963 = tpu.vector_load %arg9[%parallel_loop3A_960, %parallel_loop3A_961, %parallel_loop3A_962] {strides = array<i32>} : memref<4x128x128xf32, #tpu.memory_space<vmem>>, vector<1x1x16xf32>,
        %parallel_loop3A_964 = vector.shape_cast %parallel_loop3A_963 : vector<1x1x16xf32> to vector<16xf32>
        %parallel_loop3A_965 = vector.shape_cast %parallel_loop3A_958 : vector<16xf32> to vector<1x1x16xf32>
        tpu.vector_store %arg9[%parallel_loop3A_960, %parallel_loop3A_961, %parallel_loop3A_962], %parallel_loop3A_965 {strides = array<i32>} : memref<4x128x128xf32, #tpu.memory_space<vmem>>, vector<1x1x16xf32>,
        %parallel_loop3A_966 = arith.constant 1 : i32
        %parallel_loop3A_967 = arith.index_cast %parallel_loop3A_966 : i32 to index
        %parallel_loop3A_968 = arith.index_cast %parallel_loop3A_937 : i32 to index
        %parallel_loop3A_969 = arith.constant 32 : index
        %parallel_loop3A_970 = tpu.vector_load %arg9[%parallel_loop3A_967, %parallel_loop3A_968, %parallel_loop3A_969] {strides = array<i32>} : memref<4x128x128xf32, #tpu.memory_space<vmem>>, vector<1x1x16xf32>,
        %parallel_loop3A_971 = vector.shape_cast %parallel_loop3A_970 : vector<1x1x16xf32> to vector<16xf32>
        %parallel_loop3A_972 = arith.addf %parallel_loop3A_971, %get3A_888 : vector<16xf32>
        %parallel_loop3A_973 = arith.constant 1 : i32
        %parallel_loop3A_974 = arith.index_cast %parallel_loop3A_973 : i32 to index
        %parallel_loop3A_975 = arith.index_cast %parallel_loop3A_937 : i32 to index
        %parallel_loop3A_976 = arith.constant 32 : index
        %parallel_loop3A_977 = tpu.vector_load %arg9[%parallel_loop3A_974, %parallel_loop3A_975, %parallel_loop3A_976] {strides = array<i32>} : memref<4x128x128xf32, #tpu.memory_space<vmem>>, vector<1x1x16xf32>,
        %parallel_loop3A_978 = vector.shape_cast %parallel_loop3A_977 : vector<1x1x16xf32> to vector<16xf32>
        %parallel_loop3A_979 = vector.shape_cast %parallel_loop3A_972 : vector<16xf32> to vector<1x1x16xf32>
        tpu.vector_store %arg9[%parallel_loop3A_974, %parallel_loop3A_975, %parallel_loop3A_976], %parallel_loop3A_979 {strides = array<i32>} : memref<4x128x128xf32, #tpu.memory_space<vmem>>, vector<1x1x16xf32>,
        %parallel_loop3A_980 = arith.constant 1 : i32
        %parallel_loop3A_981 = arith.index_cast %parallel_loop3A_980 : i32 to index
        %parallel_loop3A_982 = arith.index_cast %parallel_loop3A_937 : i32 to index
        %parallel_loop3A_983 = arith.constant 48 : index
        %parallel_loop3A_984 = tpu.vector_load %arg9[%parallel_loop3A_981, %parallel_loop3A_982, %parallel_loop3A_983] {strides = array<i32>} : memref<4x128x128xf32, #tpu.memory_space<vmem>>, vector<1x1x16xf32>,
        %parallel_loop3A_985 = vector.shape_cast %parallel_loop3A_984 : vector<1x1x16xf32> to vector<16xf32>
        %parallel_loop3A_986 = arith.addf %parallel_loop3A_985, %get3A_894 : vector<16xf32>
        %parallel_loop3A_987 = arith.constant 1 : i32
        %parallel_loop3A_988 = arith.index_cast %parallel_loop3A_987 : i32 to index
        %parallel_loop3A_989 = arith.index_cast %parallel_loop3A_937 : i32 to index
        %parallel_loop3A_990 = arith.constant 48 : index
        %parallel_loop3A_991 = tpu.vector_load %arg9[%parallel_loop3A_988, %parallel_loop3A_989, %parallel_loop3A_990] {strides = array<i32>} : memref<4x128x128xf32, #tpu.memory_space<vmem>>, vector<1x1x16xf32>,
        %parallel_loop3A_992 = vector.shape_cast %parallel_loop3A_991 : vector<1x1x16xf32> to vector<16xf32>
        %parallel_loop3A_993 = vector.shape_cast %parallel_loop3A_986 : vector<16xf32> to vector<1x1x16xf32>
        tpu.vector_store %arg9[%parallel_loop3A_988, %parallel_loop3A_989, %parallel_loop3A_990], %parallel_loop3A_993 {strides = array<i32>} : memref<4x128x128xf32, #tpu.memory_space<vmem>>, vector<1x1x16xf32>,
        %parallel_loop3A_994 = arith.constant 1 : i32
        %parallel_loop3A_995 = arith.index_cast %parallel_loop3A_994 : i32 to index
        %parallel_loop3A_996 = arith.index_cast %parallel_loop3A_937 : i32 to index
        %parallel_loop3A_997 = arith.constant 64 : index
        %parallel_loop3A_998 = tpu.vector_load %arg9[%parallel_loop3A_995, %parallel_loop3A_996, %parallel_loop3A_997] {strides = array<i32>} : memref<4x128x128xf32, #tpu.memory_space<vmem>>, vector<1x1x16xf32>,
        %parallel_loop3A_999 = vector.shape_cast %parallel_loop3A_998 : vector<1x1x16xf32> to vector<16xf32>
        %parallel_loop3A_1000 = arith.addf %parallel_loop3A_999, %get3A_900 : vector<16xf32>
        %parallel_loop3A_1001 = arith.constant 1 : i32
        %parallel_loop3A_1002 = arith.index_cast %parallel_loop3A_1001 : i32 to index
        %parallel_loop3A_1003 = arith.index_cast %parallel_loop3A_937 : i32 to index
        %parallel_loop3A_1004 = arith.constant 64 : index
        %parallel_loop3A_1005 = tpu.vector_load %arg9[%parallel_loop3A_1002, %parallel_loop3A_1003, %parallel_loop3A_1004] {strides = array<i32>} : memref<4x128x128xf32, #tpu.memory_space<vmem>>, vector<1x1x16xf32>,
        %parallel_loop3A_1006 = vector.shape_cast %parallel_loop3A_1005 : vector<1x1x16xf32> to vector<16xf32>
        %parallel_loop3A_1007 = vector.shape_cast %parallel_loop3A_1000 : vector<16xf32> to vector<1x1x16xf32>
        tpu.vector_store %arg9[%parallel_loop3A_1002, %parallel_loop3A_1003, %parallel_loop3A_1004], %parallel_loop3A_1007 {strides = array<i32>} : memref<4x128x128xf32, #tpu.memory_space<vmem>>, vector<1x1x16xf32>,
        %parallel_loop3A_1008 = arith.constant 1 : i32
        %parallel_loop3A_1009 = arith.index_cast %parallel_loop3A_1008 : i32 to index
        %parallel_loop3A_1010 = arith.index_cast %parallel_loop3A_937 : i32 to index
        %parallel_loop3A_1011 = arith.constant 80 : index
        %parallel_loop3A_1012 = tpu.vector_load %arg9[%parallel_loop3A_1009, %parallel_loop3A_1010, %parallel_loop3A_1011] {strides = array<i32>} : memref<4x128x128xf32, #tpu.memory_space<vmem>>, vector<1x1x16xf32>,
        %parallel_loop3A_1013 = vector.shape_cast %parallel_loop3A_1012 : vector<1x1x16xf32> to vector<16xf32>
        %parallel_loop3A_1014 = arith.addf %parallel_loop3A_1013, %get3A_906 : vector<16xf32>
        %parallel_loop3A_1015 = arith.constant 1 : i32
        %parallel_loop3A_1016 = arith.index_cast %parallel_loop3A_1015 : i32 to index
        %parallel_loop3A_1017 = arith.index_cast %parallel_loop3A_937 : i32 to index
        %parallel_loop3A_1018 = arith.constant 80 : index
        %parallel_loop3A_1019 = tpu.vector_load %arg9[%parallel_loop3A_1016, %parallel_loop3A_1017, %parallel_loop3A_1018] {strides = array<i32>} : memref<4x128x128xf32, #tpu.memory_space<vmem>>, vector<1x1x16xf32>,
        %parallel_loop3A_1020 = vector.shape_cast %parallel_loop3A_1019 : vector<1x1x16xf32> to vector<16xf32>
        %parallel_loop3A_1021 = vector.shape_cast %parallel_loop3A_1014 : vector<16xf32> to vector<1x1x16xf32>
        tpu.vector_store %arg9[%parallel_loop3A_1016, %parallel_loop3A_1017, %parallel_loop3A_1018], %parallel_loop3A_1021 {strides = array<i32>} : memref<4x128x128xf32, #tpu.memory_space<vmem>>, vector<1x1x16xf32>,
        %parallel_loop3A_1022 = arith.constant 1 : i32
        %parallel_loop3A_1023 = arith.index_cast %parallel_loop3A_1022 : i32 to index
        %parallel_loop3A_1024 = arith.index_cast %parallel_loop3A_937 : i32 to index
        %parallel_loop3A_1025 = arith.constant 96 : index
        %parallel_loop3A_1026 = tpu.vector_load %arg9[%parallel_loop3A_1023, %parallel_loop3A_1024, %parallel_loop3A_1025] {strides = array<i32>} : memref<4x128x128xf32, #tpu.memory_space<vmem>>, vector<1x1x16xf32>,
        %parallel_loop3A_1027 = vector.shape_cast %parallel_loop3A_1026 : vector<1x1x16xf32> to vector<16xf32>
        %parallel_loop3A_1028 = arith.addf %parallel_loop3A_1027, %get3A_912 : vector<16xf32>
        %parallel_loop3A_1029 = arith.constant 1 : i32
        %parallel_loop3A_1030 = arith.index_cast %parallel_loop3A_1029 : i32 to index
        %parallel_loop3A_1031 = arith.index_cast %parallel_loop3A_937 : i32 to index
        %parallel_loop3A_1032 = arith.constant 96 : index
        %parallel_loop3A_1033 = tpu.vector_load %arg9[%parallel_loop3A_1030, %parallel_loop3A_1031, %parallel_loop3A_1032] {strides = array<i32>} : memref<4x128x128xf32, #tpu.memory_space<vmem>>, vector<1x1x16xf32>,
        %parallel_loop3A_1034 = vector.shape_cast %parallel_loop3A_1033 : vector<1x1x16xf32> to vector<16xf32>
        %parallel_loop3A_1035 = vector.shape_cast %parallel_loop3A_1028 : vector<16xf32> to vector<1x1x16xf32>
        tpu.vector_store %arg9[%parallel_loop3A_1030, %parallel_loop3A_1031, %parallel_loop3A_1032], %parallel_loop3A_1035 {strides = array<i32>} : memref<4x128x128xf32, #tpu.memory_space<vmem>>, vector<1x1x16xf32>,
        %parallel_loop3A_1036 = arith.constant 1 : i32
        %parallel_loop3A_1037 = arith.index_cast %parallel_loop3A_1036 : i32 to index
        %parallel_loop3A_1038 = arith.index_cast %parallel_loop3A_937 : i32 to index
        %parallel_loop3A_1039 = arith.constant 112 : index
        %parallel_loop3A_1040 = tpu.vector_load %arg9[%parallel_loop3A_1037, %parallel_loop3A_1038, %parallel_loop3A_1039] {strides = array<i32>} : memref<4x128x128xf32, #tpu.memory_space<vmem>>, vector<1x1x16xf32>,
        %parallel_loop3A_1041 = vector.shape_cast %parallel_loop3A_1040 : vector<1x1x16xf32> to vector<16xf32>
        %parallel_loop3A_1042 = arith.addf %parallel_loop3A_1041, %get3A_918 : vector<16xf32>
        %parallel_loop3A_1043 = arith.constant 1 : i32
        %parallel_loop3A_1044 = arith.index_cast %parallel_loop3A_1043 : i32 to index
        %parallel_loop3A_1045 = arith.index_cast %parallel_loop3A_937 : i32 to index
        %parallel_loop3A_1046 = arith.constant 112 : index
        %parallel_loop3A_1047 = tpu.vector_load %arg9[%parallel_loop3A_1044, %parallel_loop3A_1045, %parallel_loop3A_1046] {strides = array<i32>} : memref<4x128x128xf32, #tpu.memory_space<vmem>>, vector<1x1x16xf32>,
        %parallel_loop3A_1048 = vector.shape_cast %parallel_loop3A_1047 : vector<1x1x16xf32> to vector<16xf32>
        %parallel_loop3A_1049 = vector.shape_cast %parallel_loop3A_1042 : vector<16xf32> to vector<1x1x16xf32>
        tpu.vector_store %arg9[%parallel_loop3A_1044, %parallel_loop3A_1045, %parallel_loop3A_1046], %parallel_loop3A_1049 {strides = array<i32>} : memref<4x128x128xf32, #tpu.memory_space<vmem>>, vector<1x1x16xf32>,
      } {sc.loop_unroll_factor = 8 : i64, sc.parallel_access}
      %dma_start3A_922 = arith.constant 1 : i32
      %dma_start3A_923 = arith.constant 0 : i32
      %dma_start3A_924 = arith.constant 0 : i32
      %dma_start3A_925 = tpu.memref_slice %arg9[%dma_start3A_922, %dma_start3A_923, %dma_start3A_924] : memref<4x128x128xf32, #tpu.memory_space<vmem>> -> memref<1x128x128xf32, #tpu.memory_space<vmem>>
      %dma_start3A_926 = tpu.memref_squeeze %dma_start3A_925 : memref<1x128x128xf32, #tpu.memory_space<vmem>> -> memref<128x128xf32, #tpu.memory_space<vmem>>
      %dma_start3A_927 = arith.constant 0 : i32
      %dma_start3A_928 = tpu.memref_slice %arg6[%add3A_823, %mul3A_2, %dma_start3A_927] : memref<101x4096x128xf32, #tpu.memory_space<hbm>> -> memref<1x128x128xf32, #tpu.memory_space<hbm>>
      %dma_start3A_929 = tpu.memref_squeeze %dma_start3A_928 : memref<1x128x128xf32, #tpu.memory_space<hbm>> -> memref<128x128xf32, #tpu.memory_space<hbm>>
      %dma_start3A_930 = arith.constant 0 : i32
      %dma_start3A_931 = tpu.memref_slice %arg6[%add3A_823, %mul3A_2, %dma_start3A_930] : memref<101x4096x128xf32, #tpu.memory_space<hbm>> -> memref<1x128x128xf32, #tpu.memory_space<hbm>>
      %dma_start3A_932 = tpu.memref_squeeze %dma_start3A_931 : memref<1x128x128xf32, #tpu.memory_space<hbm>> -> memref<128x128xf32, #tpu.memory_space<hbm>>
      %dma_start3A_933 = arith.constant 0 : i32
      %dma_start3A_934 = arith.constant 0 : i32
      %dma_start3A_935 = tpu.memref_slice %arg9[%dma_start3A_922, %dma_start3A_933, %dma_start3A_934] : memref<4x128x128xf32, #tpu.memory_space<vmem>> -> memref<1x128x128xf32, #tpu.memory_space<vmem>>
      %dma_start3A_936 = tpu.memref_squeeze %dma_start3A_935 : memref<1x128x128xf32, #tpu.memory_space<vmem>> -> memref<128x128xf32, #tpu.memory_space<vmem>>
      tpu.enqueue_dma source(%dma_start3A_936 : memref<128x128xf32, #tpu.memory_space<vmem>>) target(%dma_start3A_932 : memref<128x128xf32, #tpu.memory_space<hbm>>) target_semaphore(%arg17 : memref<!tpu.dma_semaphore, #tpu.memory_space<semaphore_mem>>)
    }
    %scan3A_259 = arith.constant 24 : i32
    %dma_wait3A_260 = arith.constant 0 : i32
    %dma_wait3A_261 = arith.constant 97 : i32
    %dma_wait3A_262 = arith.constant 0 : i32
    %dma_wait3A_263 = arith.constant 0 : i32
    %dma_wait3A_264 = tpu.memref_slice %arg9[%dma_wait3A_260, %dma_wait3A_262, %dma_wait3A_263] : memref<4x128x128xf32, #tpu.memory_space<vmem>> -> memref<1x128x128xf32, #tpu.memory_space<vmem>>
    %dma_wait3A_265 = tpu.memref_squeeze %dma_wait3A_264 : memref<1x128x128xf32, #tpu.memory_space<vmem>> -> memref<128x128xf32, #tpu.memory_space<vmem>>
    %dma_wait3A_266 = arith.constant 0 : i32
    %dma_wait3A_267 = tpu.memref_slice %arg6[%dma_wait3A_261, %mul3A_2, %dma_wait3A_266] : memref<101x4096x128xf32, #tpu.memory_space<hbm>> -> memref<1x128x128xf32, #tpu.memory_space<hbm>>
    %dma_wait3A_268 = tpu.memref_squeeze %dma_wait3A_267 : memref<1x128x128xf32, #tpu.memory_space<hbm>> -> memref<128x128xf32, #tpu.memory_space<hbm>>
    %dma_wait3A_269 = arith.constant 0 : i32
    %dma_wait3A_270 = tpu.memref_slice %arg6[%dma_wait3A_261, %mul3A_2, %dma_wait3A_269] : memref<101x4096x128xf32, #tpu.memory_space<hbm>> -> memref<1x128x128xf32, #tpu.memory_space<hbm>>
    %dma_wait3A_271 = tpu.memref_squeeze %dma_wait3A_270 : memref<1x128x128xf32, #tpu.memory_space<hbm>> -> memref<128x128xf32, #tpu.memory_space<hbm>>
    %dma_wait3A_272 = arith.constant 0 : i32
    %dma_wait3A_273 = arith.constant 0 : i32
    %dma_wait3A_274 = tpu.memref_slice %arg9[%dma_wait3A_260, %dma_wait3A_272, %dma_wait3A_273] : memref<4x128x128xf32, #tpu.memory_space<vmem>> -> memref<1x128x128xf32, #tpu.memory_space<vmem>>
    %dma_wait3A_275 = tpu.memref_squeeze %dma_wait3A_274 : memref<1x128x128xf32, #tpu.memory_space<vmem>> -> memref<128x128xf32, #tpu.memory_space<vmem>>
    tpu.wait_dma2 semaphore(%arg16 : memref<!tpu.dma_semaphore, #tpu.memory_space<semaphore_mem>>) src(%dma_wait3A_275 : memref<128x128xf32, #tpu.memory_space<vmem>>) dst(%dma_wait3A_271 : memref<128x128xf32, #tpu.memory_space<hbm>>)
    %dma_wait3A_276 = arith.constant 98 : i32
    %dma_wait3A_277 = arith.constant 2 : i32
    %dma_wait3A_278 = arith.constant 0 : i32
    %dma_wait3A_279 = arith.constant 0 : i32
    %dma_wait3A_280 = tpu.memref_slice %arg9[%dma_wait3A_277, %dma_wait3A_278, %dma_wait3A_279] : memref<4x128x128xf32, #tpu.memory_space<vmem>> -> memref<1x128x128xf32, #tpu.memory_space<vmem>>
    %dma_wait3A_281 = tpu.memref_squeeze %dma_wait3A_280 : memref<1x128x128xf32, #tpu.memory_space<vmem>> -> memref<128x128xf32, #tpu.memory_space<vmem>>
    %dma_wait3A_282 = arith.constant 0 : i32
    %dma_wait3A_283 = tpu.memref_slice %arg8[%dma_wait3A_276, %dma_wait3A_282] : memref<100x128xi32, #tpu.memory_space<vmem>> -> memref<1x128xi32, #tpu.memory_space<vmem>>
    %dma_wait3A_284 = tpu.memref_squeeze %dma_wait3A_283 : memref<1x128xi32, #tpu.memory_space<vmem>> -> memref<128xi32, #tpu.memory_space<vmem>>
    %dma_wait3A_285 = arith.constant 0 : i32
    %dma_wait3A_286 = arith.constant 0 : i32
    %dma_wait3A_287 = tpu.memref_slice %arg11[%dma_wait3A_285, %dma_wait3A_286] : memref<1000x128xf32, #tpu.memory_space<vmem_shared>> -> memref<1000x128xf32, #tpu.memory_space<vmem_shared>>
    tpu.wait_indirect_dma semaphore(%arg14 : memref<!tpu.dma_semaphore, #tpu.memory_space<semaphore_mem>>) src(%dma_wait3A_287 : memref<1000x128xf32, #tpu.memory_space<vmem_shared>>) dst(%dma_wait3A_281 : memref<128x128xf32, #tpu.memory_space<vmem>>)
    %get3A_288 = arith.constant 98 : i32
    %get3A_289 = arith.index_cast %get3A_288 : i32 to index
    %get3A_290 = arith.constant 0 : index
    %get3A_291 = tpu.vector_load %arg7[%get3A_289, %get3A_290] {strides = array<i32>} : memref<100x128xf32, #tpu.memory_space<vmem>>, vector<1x16xf32>,
    %get3A_292 = vector.shape_cast %get3A_291 : vector<1x16xf32> to vector<16xf32>
    %get3A_293 = arith.constant 98 : i32
    %get3A_294 = arith.index_cast %get3A_293 : i32 to index
    %get3A_295 = arith.constant 16 : index
    %get3A_296 = tpu.vector_load %arg7[%get3A_294, %get3A_295] {strides = array<i32>} : memref<100x128xf32, #tpu.memory_space<vmem>>, vector<1x16xf32>,
    %get3A_297 = vector.shape_cast %get3A_296 : vector<1x16xf32> to vector<16xf32>
    %get3A_298 = arith.constant 98 : i32
    %get3A_299 = arith.index_cast %get3A_298 : i32 to index
    %get3A_300 = arith.constant 32 : index
    %get3A_301 = tpu.vector_load %arg7[%get3A_299, %get3A_300] {strides = array<i32>} : memref<100x128xf32, #tpu.memory_space<vmem>>, vector<1x16xf32>,
    %get3A_302 = vector.shape_cast %get3A_301 : vector<1x16xf32> to vector<16xf32>
    %get3A_303 = arith.constant 98 : i32
    %get3A_304 = arith.index_cast %get3A_303 : i32 to index
    %get3A_305 = arith.constant 48 : index
    %get3A_306 = tpu.vector_load %arg7[%get3A_304, %get3A_305] {strides = array<i32>} : memref<100x128xf32, #tpu.memory_space<vmem>>, vector<1x16xf32>,
    %get3A_307 = vector.shape_cast %get3A_306 : vector<1x16xf32> to vector<16xf32>
    %get3A_308 = arith.constant 98 : i32
    %get3A_309 = arith.index_cast %get3A_308 : i32 to index
    %get3A_310 = arith.constant 64 : index
    %get3A_311 = tpu.vector_load %arg7[%get3A_309, %get3A_310] {strides = array<i32>} : memref<100x128xf32, #tpu.memory_space<vmem>>, vector<1x16xf32>,
    %get3A_312 = vector.shape_cast %get3A_311 : vector<1x16xf32> to vector<16xf32>
    %get3A_313 = arith.constant 98 : i32
    %get3A_314 = arith.index_cast %get3A_313 : i32 to index
    %get3A_315 = arith.constant 80 : index
    %get3A_316 = tpu.vector_load %arg7[%get3A_314, %get3A_315] {strides = array<i32>} : memref<100x128xf32, #tpu.memory_space<vmem>>, vector<1x16xf32>,
    %get3A_317 = vector.shape_cast %get3A_316 : vector<1x16xf32> to vector<16xf32>
    %get3A_318 = arith.constant 98 : i32
    %get3A_319 = arith.index_cast %get3A_318 : i32 to index
    %get3A_320 = arith.constant 96 : index
    %get3A_321 = tpu.vector_load %arg7[%get3A_319, %get3A_320] {strides = array<i32>} : memref<100x128xf32, #tpu.memory_space<vmem>>, vector<1x16xf32>,
    %get3A_322 = vector.shape_cast %get3A_321 : vector<1x16xf32> to vector<16xf32>
    %get3A_323 = arith.constant 98 : i32
    %get3A_324 = arith.index_cast %get3A_323 : i32 to index
    %get3A_325 = arith.constant 112 : index
    %get3A_326 = tpu.vector_load %arg7[%get3A_324, %get3A_325] {strides = array<i32>} : memref<100x128xf32, #tpu.memory_space<vmem>>, vector<1x16xf32>,
    %get3A_327 = vector.shape_cast %get3A_326 : vector<1x16xf32> to vector<16xf32>
    %parallel_loop3A_328 = arith.constant 0 : i32
    %parallel_loop3A_329 = arith.constant 128 : i32
    %parallel_loop3A_330 = arith.constant 1 : i32
    scf.for %parallel_loop3A_473 = %parallel_loop3A_328 to %parallel_loop3A_329 step %parallel_loop3A_330  : i32 {
      %parallel_loop3A_474 = arith.constant 2 : i32
      %parallel_loop3A_475 = arith.index_cast %parallel_loop3A_474 : i32 to index
      %parallel_loop3A_476 = arith.index_cast %parallel_loop3A_473 : i32 to index
      %parallel_loop3A_477 = arith.constant 0 : index
      %parallel_loop3A_478 = tpu.vector_load %arg9[%parallel_loop3A_475, %parallel_loop3A_476, %parallel_loop3A_477] {strides = array<i32>} : memref<4x128x128xf32, #tpu.memory_space<vmem>>, vector<1x1x16xf32>,
      %parallel_loop3A_479 = vector.shape_cast %parallel_loop3A_478 : vector<1x1x16xf32> to vector<16xf32>
      %parallel_loop3A_480 = arith.addf %parallel_loop3A_479, %get3A_292 : vector<16xf32>
      %parallel_loop3A_481 = arith.constant 2 : i32
      %parallel_loop3A_482 = arith.index_cast %parallel_loop3A_481 : i32 to index
      %parallel_loop3A_483 = arith.index_cast %parallel_loop3A_473 : i32 to index
      %parallel_loop3A_484 = arith.constant 0 : index
      %parallel_loop3A_485 = tpu.vector_load %arg9[%parallel_loop3A_482, %parallel_loop3A_483, %parallel_loop3A_484] {strides = array<i32>} : memref<4x128x128xf32, #tpu.memory_space<vmem>>, vector<1x1x16xf32>,
      %parallel_loop3A_486 = vector.shape_cast %parallel_loop3A_485 : vector<1x1x16xf32> to vector<16xf32>
      %parallel_loop3A_487 = vector.shape_cast %parallel_loop3A_480 : vector<16xf32> to vector<1x1x16xf32>
      tpu.vector_store %arg9[%parallel_loop3A_482, %parallel_loop3A_483, %parallel_loop3A_484], %parallel_loop3A_487 {strides = array<i32>} : memref<4x128x128xf32, #tpu.memory_space<vmem>>, vector<1x1x16xf32>,
      %parallel_loop3A_488 = arith.constant 2 : i32
      %parallel_loop3A_489 = arith.index_cast %parallel_loop3A_488 : i32 to index
      %parallel_loop3A_490 = arith.index_cast %parallel_loop3A_473 : i32 to index
      %parallel_loop3A_491 = arith.constant 16 : index
      %parallel_loop3A_492 = tpu.vector_load %arg9[%parallel_loop3A_489, %parallel_loop3A_490, %parallel_loop3A_491] {strides = array<i32>} : memref<4x128x128xf32, #tpu.memory_space<vmem>>, vector<1x1x16xf32>,
      %parallel_loop3A_493 = vector.shape_cast %parallel_loop3A_492 : vector<1x1x16xf32> to vector<16xf32>
      %parallel_loop3A_494 = arith.addf %parallel_loop3A_493, %get3A_297 : vector<16xf32>
      %parallel_loop3A_495 = arith.constant 2 : i32
      %parallel_loop3A_496 = arith.index_cast %parallel_loop3A_495 : i32 to index
      %parallel_loop3A_497 = arith.index_cast %parallel_loop3A_473 : i32 to index
      %parallel_loop3A_498 = arith.constant 16 : index
      %parallel_loop3A_499 = tpu.vector_load %arg9[%parallel_loop3A_496, %parallel_loop3A_497, %parallel_loop3A_498] {strides = array<i32>} : memref<4x128x128xf32, #tpu.memory_space<vmem>>, vector<1x1x16xf32>,
      %parallel_loop3A_500 = vector.shape_cast %parallel_loop3A_499 : vector<1x1x16xf32> to vector<16xf32>
      %parallel_loop3A_501 = vector.shape_cast %parallel_loop3A_494 : vector<16xf32> to vector<1x1x16xf32>
      tpu.vector_store %arg9[%parallel_loop3A_496, %parallel_loop3A_497, %parallel_loop3A_498], %parallel_loop3A_501 {strides = array<i32>} : memref<4x128x128xf32, #tpu.memory_space<vmem>>, vector<1x1x16xf32>,
      %parallel_loop3A_502 = arith.constant 2 : i32
      %parallel_loop3A_503 = arith.index_cast %parallel_loop3A_502 : i32 to index
      %parallel_loop3A_504 = arith.index_cast %parallel_loop3A_473 : i32 to index
      %parallel_loop3A_505 = arith.constant 32 : index
      %parallel_loop3A_506 = tpu.vector_load %arg9[%parallel_loop3A_503, %parallel_loop3A_504, %parallel_loop3A_505] {strides = array<i32>} : memref<4x128x128xf32, #tpu.memory_space<vmem>>, vector<1x1x16xf32>,
      %parallel_loop3A_507 = vector.shape_cast %parallel_loop3A_506 : vector<1x1x16xf32> to vector<16xf32>
      %parallel_loop3A_508 = arith.addf %parallel_loop3A_507, %get3A_302 : vector<16xf32>
      %parallel_loop3A_509 = arith.constant 2 : i32
      %parallel_loop3A_510 = arith.index_cast %parallel_loop3A_509 : i32 to index
      %parallel_loop3A_511 = arith.index_cast %parallel_loop3A_473 : i32 to index
      %parallel_loop3A_512 = arith.constant 32 : index
      %parallel_loop3A_513 = tpu.vector_load %arg9[%parallel_loop3A_510, %parallel_loop3A_511, %parallel_loop3A_512] {strides = array<i32>} : memref<4x128x128xf32, #tpu.memory_space<vmem>>, vector<1x1x16xf32>,
      %parallel_loop3A_514 = vector.shape_cast %parallel_loop3A_513 : vector<1x1x16xf32> to vector<16xf32>
      %parallel_loop3A_515 = vector.shape_cast %parallel_loop3A_508 : vector<16xf32> to vector<1x1x16xf32>
      tpu.vector_store %arg9[%parallel_loop3A_510, %parallel_loop3A_511, %parallel_loop3A_512], %parallel_loop3A_515 {strides = array<i32>} : memref<4x128x128xf32, #tpu.memory_space<vmem>>, vector<1x1x16xf32>,
      %parallel_loop3A_516 = arith.constant 2 : i32
      %parallel_loop3A_517 = arith.index_cast %parallel_loop3A_516 : i32 to index
      %parallel_loop3A_518 = arith.index_cast %parallel_loop3A_473 : i32 to index
      %parallel_loop3A_519 = arith.constant 48 : index
      %parallel_loop3A_520 = tpu.vector_load %arg9[%parallel_loop3A_517, %parallel_loop3A_518, %parallel_loop3A_519] {strides = array<i32>} : memref<4x128x128xf32, #tpu.memory_space<vmem>>, vector<1x1x16xf32>,
      %parallel_loop3A_521 = vector.shape_cast %parallel_loop3A_520 : vector<1x1x16xf32> to vector<16xf32>
      %parallel_loop3A_522 = arith.addf %parallel_loop3A_521, %get3A_307 : vector<16xf32>
      %parallel_loop3A_523 = arith.constant 2 : i32
      %parallel_loop3A_524 = arith.index_cast %parallel_loop3A_523 : i32 to index
      %parallel_loop3A_525 = arith.index_cast %parallel_loop3A_473 : i32 to index
      %parallel_loop3A_526 = arith.constant 48 : index
      %parallel_loop3A_527 = tpu.vector_load %arg9[%parallel_loop3A_524, %parallel_loop3A_525, %parallel_loop3A_526] {strides = array<i32>} : memref<4x128x128xf32, #tpu.memory_space<vmem>>, vector<1x1x16xf32>,
      %parallel_loop3A_528 = vector.shape_cast %parallel_loop3A_527 : vector<1x1x16xf32> to vector<16xf32>
      %parallel_loop3A_529 = vector.shape_cast %parallel_loop3A_522 : vector<16xf32> to vector<1x1x16xf32>
      tpu.vector_store %arg9[%parallel_loop3A_524, %parallel_loop3A_525, %parallel_loop3A_526], %parallel_loop3A_529 {strides = array<i32>} : memref<4x128x128xf32, #tpu.memory_space<vmem>>, vector<1x1x16xf32>,
      %parallel_loop3A_530 = arith.constant 2 : i32
      %parallel_loop3A_531 = arith.index_cast %parallel_loop3A_530 : i32 to index
      %parallel_loop3A_532 = arith.index_cast %parallel_loop3A_473 : i32 to index
      %parallel_loop3A_533 = arith.constant 64 : index
      %parallel_loop3A_534 = tpu.vector_load %arg9[%parallel_loop3A_531, %parallel_loop3A_532, %parallel_loop3A_533] {strides = array<i32>} : memref<4x128x128xf32, #tpu.memory_space<vmem>>, vector<1x1x16xf32>,
      %parallel_loop3A_535 = vector.shape_cast %parallel_loop3A_534 : vector<1x1x16xf32> to vector<16xf32>
      %parallel_loop3A_536 = arith.addf %parallel_loop3A_535, %get3A_312 : vector<16xf32>
      %parallel_loop3A_537 = arith.constant 2 : i32
      %parallel_loop3A_538 = arith.index_cast %parallel_loop3A_537 : i32 to index
      %parallel_loop3A_539 = arith.index_cast %parallel_loop3A_473 : i32 to index
      %parallel_loop3A_540 = arith.constant 64 : index
      %parallel_loop3A_541 = tpu.vector_load %arg9[%parallel_loop3A_538, %parallel_loop3A_539, %parallel_loop3A_540] {strides = array<i32>} : memref<4x128x128xf32, #tpu.memory_space<vmem>>, vector<1x1x16xf32>,
      %parallel_loop3A_542 = vector.shape_cast %parallel_loop3A_541 : vector<1x1x16xf32> to vector<16xf32>
      %parallel_loop3A_543 = vector.shape_cast %parallel_loop3A_536 : vector<16xf32> to vector<1x1x16xf32>
      tpu.vector_store %arg9[%parallel_loop3A_538, %parallel_loop3A_539, %parallel_loop3A_540], %parallel_loop3A_543 {strides = array<i32>} : memref<4x128x128xf32, #tpu.memory_space<vmem>>, vector<1x1x16xf32>,
      %parallel_loop3A_544 = arith.constant 2 : i32
      %parallel_loop3A_545 = arith.index_cast %parallel_loop3A_544 : i32 to index
      %parallel_loop3A_546 = arith.index_cast %parallel_loop3A_473 : i32 to index
      %parallel_loop3A_547 = arith.constant 80 : index
      %parallel_loop3A_548 = tpu.vector_load %arg9[%parallel_loop3A_545, %parallel_loop3A_546, %parallel_loop3A_547] {strides = array<i32>} : memref<4x128x128xf32, #tpu.memory_space<vmem>>, vector<1x1x16xf32>,
      %parallel_loop3A_549 = vector.shape_cast %parallel_loop3A_548 : vector<1x1x16xf32> to vector<16xf32>
      %parallel_loop3A_550 = arith.addf %parallel_loop3A_549, %get3A_317 : vector<16xf32>
      %parallel_loop3A_551 = arith.constant 2 : i32
      %parallel_loop3A_552 = arith.index_cast %parallel_loop3A_551 : i32 to index
      %parallel_loop3A_553 = arith.index_cast %parallel_loop3A_473 : i32 to index
      %parallel_loop3A_554 = arith.constant 80 : index
      %parallel_loop3A_555 = tpu.vector_load %arg9[%parallel_loop3A_552, %parallel_loop3A_553, %parallel_loop3A_554] {strides = array<i32>} : memref<4x128x128xf32, #tpu.memory_space<vmem>>, vector<1x1x16xf32>,
      %parallel_loop3A_556 = vector.shape_cast %parallel_loop3A_555 : vector<1x1x16xf32> to vector<16xf32>
      %parallel_loop3A_557 = vector.shape_cast %parallel_loop3A_550 : vector<16xf32> to vector<1x1x16xf32>
      tpu.vector_store %arg9[%parallel_loop3A_552, %parallel_loop3A_553, %parallel_loop3A_554], %parallel_loop3A_557 {strides = array<i32>} : memref<4x128x128xf32, #tpu.memory_space<vmem>>, vector<1x1x16xf32>,
      %parallel_loop3A_558 = arith.constant 2 : i32
      %parallel_loop3A_559 = arith.index_cast %parallel_loop3A_558 : i32 to index
      %parallel_loop3A_560 = arith.index_cast %parallel_loop3A_473 : i32 to index
      %parallel_loop3A_561 = arith.constant 96 : index
      %parallel_loop3A_562 = tpu.vector_load %arg9[%parallel_loop3A_559, %parallel_loop3A_560, %parallel_loop3A_561] {strides = array<i32>} : memref<4x128x128xf32, #tpu.memory_space<vmem>>, vector<1x1x16xf32>,
      %parallel_loop3A_563 = vector.shape_cast %parallel_loop3A_562 : vector<1x1x16xf32> to vector<16xf32>
      %parallel_loop3A_564 = arith.addf %parallel_loop3A_563, %get3A_322 : vector<16xf32>
      %parallel_loop3A_565 = arith.constant 2 : i32
      %parallel_loop3A_566 = arith.index_cast %parallel_loop3A_565 : i32 to index
      %parallel_loop3A_567 = arith.index_cast %parallel_loop3A_473 : i32 to index
      %parallel_loop3A_568 = arith.constant 96 : index
      %parallel_loop3A_569 = tpu.vector_load %arg9[%parallel_loop3A_566, %parallel_loop3A_567, %parallel_loop3A_568] {strides = array<i32>} : memref<4x128x128xf32, #tpu.memory_space<vmem>>, vector<1x1x16xf32>,
      %parallel_loop3A_570 = vector.shape_cast %parallel_loop3A_569 : vector<1x1x16xf32> to vector<16xf32>
      %parallel_loop3A_571 = vector.shape_cast %parallel_loop3A_564 : vector<16xf32> to vector<1x1x16xf32>
      tpu.vector_store %arg9[%parallel_loop3A_566, %parallel_loop3A_567, %parallel_loop3A_568], %parallel_loop3A_571 {strides = array<i32>} : memref<4x128x128xf32, #tpu.memory_space<vmem>>, vector<1x1x16xf32>,
      %parallel_loop3A_572 = arith.constant 2 : i32
      %parallel_loop3A_573 = arith.index_cast %parallel_loop3A_572 : i32 to index
      %parallel_loop3A_574 = arith.index_cast %parallel_loop3A_473 : i32 to index
      %parallel_loop3A_575 = arith.constant 112 : index
      %parallel_loop3A_576 = tpu.vector_load %arg9[%parallel_loop3A_573, %parallel_loop3A_574, %parallel_loop3A_575] {strides = array<i32>} : memref<4x128x128xf32, #tpu.memory_space<vmem>>, vector<1x1x16xf32>,
      %parallel_loop3A_577 = vector.shape_cast %parallel_loop3A_576 : vector<1x1x16xf32> to vector<16xf32>
      %parallel_loop3A_578 = arith.addf %parallel_loop3A_577, %get3A_327 : vector<16xf32>
      %parallel_loop3A_579 = arith.constant 2 : i32
      %parallel_loop3A_580 = arith.index_cast %parallel_loop3A_579 : i32 to index
      %parallel_loop3A_581 = arith.index_cast %parallel_loop3A_473 : i32 to index
      %parallel_loop3A_582 = arith.constant 112 : index
      %parallel_loop3A_583 = tpu.vector_load %arg9[%parallel_loop3A_580, %parallel_loop3A_581, %parallel_loop3A_582] {strides = array<i32>} : memref<4x128x128xf32, #tpu.memory_space<vmem>>, vector<1x1x16xf32>,
      %parallel_loop3A_584 = vector.shape_cast %parallel_loop3A_583 : vector<1x1x16xf32> to vector<16xf32>
      %parallel_loop3A_585 = vector.shape_cast %parallel_loop3A_578 : vector<16xf32> to vector<1x1x16xf32>
      tpu.vector_store %arg9[%parallel_loop3A_580, %parallel_loop3A_581, %parallel_loop3A_582], %parallel_loop3A_585 {strides = array<i32>} : memref<4x128x128xf32, #tpu.memory_space<vmem>>, vector<1x1x16xf32>,
    } {sc.loop_unroll_factor = 8 : i64, sc.parallel_access}
    %dma_start3A_331 = arith.constant 2 : i32
    %dma_start3A_332 = arith.constant 99 : i32
    %dma_start3A_333 = arith.constant 0 : i32
    %dma_start3A_334 = arith.constant 0 : i32
    %dma_start3A_335 = tpu.memref_slice %arg9[%dma_start3A_331, %dma_start3A_333, %dma_start3A_334] : memref<4x128x128xf32, #tpu.memory_space<vmem>> -> memref<1x128x128xf32, #tpu.memory_space<vmem>>
    %dma_start3A_336 = tpu.memref_squeeze %dma_start3A_335 : memref<1x128x128xf32, #tpu.memory_space<vmem>> -> memref<128x128xf32, #tpu.memory_space<vmem>>
    %dma_start3A_337 = arith.constant 0 : i32
    %dma_start3A_338 = tpu.memref_slice %arg6[%dma_start3A_332, %mul3A_2, %dma_start3A_337] : memref<101x4096x128xf32, #tpu.memory_space<hbm>> -> memref<1x128x128xf32, #tpu.memory_space<hbm>>
    %dma_start3A_339 = tpu.memref_squeeze %dma_start3A_338 : memref<1x128x128xf32, #tpu.memory_space<hbm>> -> memref<128x128xf32, #tpu.memory_space<hbm>>
    %dma_start3A_340 = arith.constant 0 : i32
    %dma_start3A_341 = tpu.memref_slice %arg6[%dma_start3A_332, %mul3A_2, %dma_start3A_340] : memref<101x4096x128xf32, #tpu.memory_space<hbm>> -> memref<1x128x128xf32, #tpu.memory_space<hbm>>
    %dma_start3A_342 = tpu.memref_squeeze %dma_start3A_341 : memref<1x128x128xf32, #tpu.memory_space<hbm>> -> memref<128x128xf32, #tpu.memory_space<hbm>>
    %dma_start3A_343 = arith.constant 0 : i32
    %dma_start3A_344 = arith.constant 0 : i32
    %dma_start3A_345 = tpu.memref_slice %arg9[%dma_start3A_331, %dma_start3A_343, %dma_start3A_344] : memref<4x128x128xf32, #tpu.memory_space<vmem>> -> memref<1x128x128xf32, #tpu.memory_space<vmem>>
    %dma_start3A_346 = tpu.memref_squeeze %dma_start3A_345 : memref<1x128x128xf32, #tpu.memory_space<vmem>> -> memref<128x128xf32, #tpu.memory_space<vmem>>
    tpu.enqueue_dma source(%dma_start3A_346 : memref<128x128xf32, #tpu.memory_space<vmem>>) target(%dma_start3A_342 : memref<128x128xf32, #tpu.memory_space<hbm>>) target_semaphore(%arg18 : memref<!tpu.dma_semaphore, #tpu.memory_space<semaphore_mem>>)
    %dma_wait3A_347 = arith.constant 1 : i32
    %dma_wait3A_348 = arith.constant 98 : i32
    %dma_wait3A_349 = arith.constant 0 : i32
    %dma_wait3A_350 = arith.constant 0 : i32
    %dma_wait3A_351 = tpu.memref_slice %arg9[%dma_wait3A_347, %dma_wait3A_349, %dma_wait3A_350] : memref<4x128x128xf32, #tpu.memory_space<vmem>> -> memref<1x128x128xf32, #tpu.memory_space<vmem>>
    %dma_wait3A_352 = tpu.memref_squeeze %dma_wait3A_351 : memref<1x128x128xf32, #tpu.memory_space<vmem>> -> memref<128x128xf32, #tpu.memory_space<vmem>>
    %dma_wait3A_353 = arith.constant 0 : i32
    %dma_wait3A_354 = tpu.memref_slice %arg6[%dma_wait3A_348, %mul3A_2, %dma_wait3A_353] : memref<101x4096x128xf32, #tpu.memory_space<hbm>> -> memref<1x128x128xf32, #tpu.memory_space<hbm>>
    %dma_wait3A_355 = tpu.memref_squeeze %dma_wait3A_354 : memref<1x128x128xf32, #tpu.memory_space<hbm>> -> memref<128x128xf32, #tpu.memory_space<hbm>>
    %dma_wait3A_356 = arith.constant 0 : i32
    %dma_wait3A_357 = tpu.memref_slice %arg6[%dma_wait3A_348, %mul3A_2, %dma_wait3A_356] : memref<101x4096x128xf32, #tpu.memory_space<hbm>> -> memref<1x128x128xf32, #tpu.memory_space<hbm>>
    %dma_wait3A_358 = tpu.memref_squeeze %dma_wait3A_357 : memref<1x128x128xf32, #tpu.memory_space<hbm>> -> memref<128x128xf32, #tpu.memory_space<hbm>>
    %dma_wait3A_359 = arith.constant 0 : i32
    %dma_wait3A_360 = arith.constant 0 : i32
    %dma_wait3A_361 = tpu.memref_slice %arg9[%dma_wait3A_347, %dma_wait3A_359, %dma_wait3A_360] : memref<4x128x128xf32, #tpu.memory_space<vmem>> -> memref<1x128x128xf32, #tpu.memory_space<vmem>>
    %dma_wait3A_362 = tpu.memref_squeeze %dma_wait3A_361 : memref<1x128x128xf32, #tpu.memory_space<vmem>> -> memref<128x128xf32, #tpu.memory_space<vmem>>
    tpu.wait_dma2 semaphore(%arg17 : memref<!tpu.dma_semaphore, #tpu.memory_space<semaphore_mem>>) src(%dma_wait3A_362 : memref<128x128xf32, #tpu.memory_space<vmem>>) dst(%dma_wait3A_358 : memref<128x128xf32, #tpu.memory_space<hbm>>)
    %dma_wait3A_363 = arith.constant 99 : i32
    %dma_wait3A_364 = arith.constant 3 : i32
    %dma_wait3A_365 = arith.constant 0 : i32
    %dma_wait3A_366 = arith.constant 0 : i32
    %dma_wait3A_367 = tpu.memref_slice %arg9[%dma_wait3A_364, %dma_wait3A_365, %dma_wait3A_366] : memref<4x128x128xf32, #tpu.memory_space<vmem>> -> memref<1x128x128xf32, #tpu.memory_space<vmem>>
    %dma_wait3A_368 = tpu.memref_squeeze %dma_wait3A_367 : memref<1x128x128xf32, #tpu.memory_space<vmem>> -> memref<128x128xf32, #tpu.memory_space<vmem>>
    %dma_wait3A_369 = arith.constant 0 : i32
    %dma_wait3A_370 = tpu.memref_slice %arg8[%dma_wait3A_363, %dma_wait3A_369] : memref<100x128xi32, #tpu.memory_space<vmem>> -> memref<1x128xi32, #tpu.memory_space<vmem>>
    %dma_wait3A_371 = tpu.memref_squeeze %dma_wait3A_370 : memref<1x128xi32, #tpu.memory_space<vmem>> -> memref<128xi32, #tpu.memory_space<vmem>>
    %dma_wait3A_372 = arith.constant 0 : i32
    %dma_wait3A_373 = arith.constant 0 : i32
    %dma_wait3A_374 = tpu.memref_slice %arg11[%dma_wait3A_372, %dma_wait3A_373] : memref<1000x128xf32, #tpu.memory_space<vmem_shared>> -> memref<1000x128xf32, #tpu.memory_space<vmem_shared>>
    tpu.wait_indirect_dma semaphore(%arg15 : memref<!tpu.dma_semaphore, #tpu.memory_space<semaphore_mem>>) src(%dma_wait3A_374 : memref<1000x128xf32, #tpu.memory_space<vmem_shared>>) dst(%dma_wait3A_368 : memref<128x128xf32, #tpu.memory_space<vmem>>)
    %get3A_375 = arith.constant 99 : i32
    %get3A_376 = arith.index_cast %get3A_375 : i32 to index
    %get3A_377 = arith.constant 0 : index
    %get3A_378 = tpu.vector_load %arg7[%get3A_376, %get3A_377] {strides = array<i32>} : memref<100x128xf32, #tpu.memory_space<vmem>>, vector<1x16xf32>,
    %get3A_379 = vector.shape_cast %get3A_378 : vector<1x16xf32> to vector<16xf32>
    %get3A_380 = arith.constant 99 : i32
    %get3A_381 = arith.index_cast %get3A_380 : i32 to index
    %get3A_382 = arith.constant 16 : index
    %get3A_383 = tpu.vector_load %arg7[%get3A_381, %get3A_382] {strides = array<i32>} : memref<100x128xf32, #tpu.memory_space<vmem>>, vector<1x16xf32>,
    %get3A_384 = vector.shape_cast %get3A_383 : vector<1x16xf32> to vector<16xf32>
    %get3A_385 = arith.constant 99 : i32
    %get3A_386 = arith.index_cast %get3A_385 : i32 to index
    %get3A_387 = arith.constant 32 : index
    %get3A_388 = tpu.vector_load %arg7[%get3A_386, %get3A_387] {strides = array<i32>} : memref<100x128xf32, #tpu.memory_space<vmem>>, vector<1x16xf32>,
    %get3A_389 = vector.shape_cast %get3A_388 : vector<1x16xf32> to vector<16xf32>
    %get3A_390 = arith.constant 99 : i32
    %get3A_391 = arith.index_cast %get3A_390 : i32 to index
    %get3A_392 = arith.constant 48 : index
    %get3A_393 = tpu.vector_load %arg7[%get3A_391, %get3A_392] {strides = array<i32>} : memref<100x128xf32, #tpu.memory_space<vmem>>, vector<1x16xf32>,
    %get3A_394 = vector.shape_cast %get3A_393 : vector<1x16xf32> to vector<16xf32>
    %get3A_395 = arith.constant 99 : i32
    %get3A_396 = arith.index_cast %get3A_395 : i32 to index
    %get3A_397 = arith.constant 64 : index
    %get3A_398 = tpu.vector_load %arg7[%get3A_396, %get3A_397] {strides = array<i32>} : memref<100x128xf32, #tpu.memory_space<vmem>>, vector<1x16xf32>,
    %get3A_399 = vector.shape_cast %get3A_398 : vector<1x16xf32> to vector<16xf32>
    %get3A_400 = arith.constant 99 : i32
    %get3A_401 = arith.index_cast %get3A_400 : i32 to index
    %get3A_402 = arith.constant 80 : index
    %get3A_403 = tpu.vector_load %arg7[%get3A_401, %get3A_402] {strides = array<i32>} : memref<100x128xf32, #tpu.memory_space<vmem>>, vector<1x16xf32>,
    %get3A_404 = vector.shape_cast %get3A_403 : vector<1x16xf32> to vector<16xf32>
    %get3A_405 = arith.constant 99 : i32
    %get3A_406 = arith.index_cast %get3A_405 : i32 to index
    %get3A_407 = arith.constant 96 : index
    %get3A_408 = tpu.vector_load %arg7[%get3A_406, %get3A_407] {strides = array<i32>} : memref<100x128xf32, #tpu.memory_space<vmem>>, vector<1x16xf32>,
    %get3A_409 = vector.shape_cast %get3A_408 : vector<1x16xf32> to vector<16xf32>
    %get3A_410 = arith.constant 99 : i32
    %get3A_411 = arith.index_cast %get3A_410 : i32 to index
    %get3A_412 = arith.constant 112 : index
    %get3A_413 = tpu.vector_load %arg7[%get3A_411, %get3A_412] {strides = array<i32>} : memref<100x128xf32, #tpu.memory_space<vmem>>, vector<1x16xf32>,
    %get3A_414 = vector.shape_cast %get3A_413 : vector<1x16xf32> to vector<16xf32>
    %parallel_loop3A_415 = arith.constant 0 : i32
    %parallel_loop3A_416 = arith.constant 128 : i32
    %parallel_loop3A_417 = arith.constant 1 : i32
    scf.for %parallel_loop3A_473 = %parallel_loop3A_415 to %parallel_loop3A_416 step %parallel_loop3A_417  : i32 {
      %parallel_loop3A_474 = arith.constant 3 : i32
      %parallel_loop3A_475 = arith.index_cast %parallel_loop3A_474 : i32 to index
      %parallel_loop3A_476 = arith.index_cast %parallel_loop3A_473 : i32 to index
      %parallel_loop3A_477 = arith.constant 0 : index
      %parallel_loop3A_478 = tpu.vector_load %arg9[%parallel_loop3A_475, %parallel_loop3A_476, %parallel_loop3A_477] {strides = array<i32>} : memref<4x128x128xf32, #tpu.memory_space<vmem>>, vector<1x1x16xf32>,
      %parallel_loop3A_479 = vector.shape_cast %parallel_loop3A_478 : vector<1x1x16xf32> to vector<16xf32>
      %parallel_loop3A_480 = arith.addf %parallel_loop3A_479, %get3A_379 : vector<16xf32>
      %parallel_loop3A_481 = arith.constant 3 : i32
      %parallel_loop3A_482 = arith.index_cast %parallel_loop3A_481 : i32 to index
      %parallel_loop3A_483 = arith.index_cast %parallel_loop3A_473 : i32 to index
      %parallel_loop3A_484 = arith.constant 0 : index
      %parallel_loop3A_485 = tpu.vector_load %arg9[%parallel_loop3A_482, %parallel_loop3A_483, %parallel_loop3A_484] {strides = array<i32>} : memref<4x128x128xf32, #tpu.memory_space<vmem>>, vector<1x1x16xf32>,
      %parallel_loop3A_486 = vector.shape_cast %parallel_loop3A_485 : vector<1x1x16xf32> to vector<16xf32>
      %parallel_loop3A_487 = vector.shape_cast %parallel_loop3A_480 : vector<16xf32> to vector<1x1x16xf32>
      tpu.vector_store %arg9[%parallel_loop3A_482, %parallel_loop3A_483, %parallel_loop3A_484], %parallel_loop3A_487 {strides = array<i32>} : memref<4x128x128xf32, #tpu.memory_space<vmem>>, vector<1x1x16xf32>,
      %parallel_loop3A_488 = arith.constant 3 : i32
      %parallel_loop3A_489 = arith.index_cast %parallel_loop3A_488 : i32 to index
      %parallel_loop3A_490 = arith.index_cast %parallel_loop3A_473 : i32 to index
      %parallel_loop3A_491 = arith.constant 16 : index
      %parallel_loop3A_492 = tpu.vector_load %arg9[%parallel_loop3A_489, %parallel_loop3A_490, %parallel_loop3A_491] {strides = array<i32>} : memref<4x128x128xf32, #tpu.memory_space<vmem>>, vector<1x1x16xf32>,
      %parallel_loop3A_493 = vector.shape_cast %parallel_loop3A_492 : vector<1x1x16xf32> to vector<16xf32>
      %parallel_loop3A_494 = arith.addf %parallel_loop3A_493, %get3A_384 : vector<16xf32>
      %parallel_loop3A_495 = arith.constant 3 : i32
      %parallel_loop3A_496 = arith.index_cast %parallel_loop3A_495 : i32 to index
      %parallel_loop3A_497 = arith.index_cast %parallel_loop3A_473 : i32 to index
      %parallel_loop3A_498 = arith.constant 16 : index
      %parallel_loop3A_499 = tpu.vector_load %arg9[%parallel_loop3A_496, %parallel_loop3A_497, %parallel_loop3A_498] {strides = array<i32>} : memref<4x128x128xf32, #tpu.memory_space<vmem>>, vector<1x1x16xf32>,
      %parallel_loop3A_500 = vector.shape_cast %parallel_loop3A_499 : vector<1x1x16xf32> to vector<16xf32>
      %parallel_loop3A_501 = vector.shape_cast %parallel_loop3A_494 : vector<16xf32> to vector<1x1x16xf32>
      tpu.vector_store %arg9[%parallel_loop3A_496, %parallel_loop3A_497, %parallel_loop3A_498], %parallel_loop3A_501 {strides = array<i32>} : memref<4x128x128xf32, #tpu.memory_space<vmem>>, vector<1x1x16xf32>,
      %parallel_loop3A_502 = arith.constant 3 : i32
      %parallel_loop3A_503 = arith.index_cast %parallel_loop3A_502 : i32 to index
      %parallel_loop3A_504 = arith.index_cast %parallel_loop3A_473 : i32 to index
      %parallel_loop3A_505 = arith.constant 32 : index
      %parallel_loop3A_506 = tpu.vector_load %arg9[%parallel_loop3A_503, %parallel_loop3A_504, %parallel_loop3A_505] {strides = array<i32>} : memref<4x128x128xf32, #tpu.memory_space<vmem>>, vector<1x1x16xf32>,
      %parallel_loop3A_507 = vector.shape_cast %parallel_loop3A_506 : vector<1x1x16xf32> to vector<16xf32>
      %parallel_loop3A_508 = arith.addf %parallel_loop3A_507, %get3A_389 : vector<16xf32>
      %parallel_loop3A_509 = arith.constant 3 : i32
      %parallel_loop3A_510 = arith.index_cast %parallel_loop3A_509 : i32 to index
      %parallel_loop3A_511 = arith.index_cast %parallel_loop3A_473 : i32 to index
      %parallel_loop3A_512 = arith.constant 32 : index
      %parallel_loop3A_513 = tpu.vector_load %arg9[%parallel_loop3A_510, %parallel_loop3A_511, %parallel_loop3A_512] {strides = array<i32>} : memref<4x128x128xf32, #tpu.memory_space<vmem>>, vector<1x1x16xf32>,
      %parallel_loop3A_514 = vector.shape_cast %parallel_loop3A_513 : vector<1x1x16xf32> to vector<16xf32>
      %parallel_loop3A_515 = vector.shape_cast %parallel_loop3A_508 : vector<16xf32> to vector<1x1x16xf32>
      tpu.vector_store %arg9[%parallel_loop3A_510, %parallel_loop3A_511, %parallel_loop3A_512], %parallel_loop3A_515 {strides = array<i32>} : memref<4x128x128xf32, #tpu.memory_space<vmem>>, vector<1x1x16xf32>,
      %parallel_loop3A_516 = arith.constant 3 : i32
      %parallel_loop3A_517 = arith.index_cast %parallel_loop3A_516 : i32 to index
      %parallel_loop3A_518 = arith.index_cast %parallel_loop3A_473 : i32 to index
      %parallel_loop3A_519 = arith.constant 48 : index
      %parallel_loop3A_520 = tpu.vector_load %arg9[%parallel_loop3A_517, %parallel_loop3A_518, %parallel_loop3A_519] {strides = array<i32>} : memref<4x128x128xf32, #tpu.memory_space<vmem>>, vector<1x1x16xf32>,
      %parallel_loop3A_521 = vector.shape_cast %parallel_loop3A_520 : vector<1x1x16xf32> to vector<16xf32>
      %parallel_loop3A_522 = arith.addf %parallel_loop3A_521, %get3A_394 : vector<16xf32>
      %parallel_loop3A_523 = arith.constant 3 : i32
      %parallel_loop3A_524 = arith.index_cast %parallel_loop3A_523 : i32 to index
      %parallel_loop3A_525 = arith.index_cast %parallel_loop3A_473 : i32 to index
      %parallel_loop3A_526 = arith.constant 48 : index
      %parallel_loop3A_527 = tpu.vector_load %arg9[%parallel_loop3A_524, %parallel_loop3A_525, %parallel_loop3A_526] {strides = array<i32>} : memref<4x128x128xf32, #tpu.memory_space<vmem>>, vector<1x1x16xf32>,
      %parallel_loop3A_528 = vector.shape_cast %parallel_loop3A_527 : vector<1x1x16xf32> to vector<16xf32>
      %parallel_loop3A_529 = vector.shape_cast %parallel_loop3A_522 : vector<16xf32> to vector<1x1x16xf32>
      tpu.vector_store %arg9[%parallel_loop3A_524, %parallel_loop3A_525, %parallel_loop3A_526], %parallel_loop3A_529 {strides = array<i32>} : memref<4x128x128xf32, #tpu.memory_space<vmem>>, vector<1x1x16xf32>,
      %parallel_loop3A_530 = arith.constant 3 : i32
      %parallel_loop3A_531 = arith.index_cast %parallel_loop3A_530 : i32 to index
      %parallel_loop3A_532 = arith.index_cast %parallel_loop3A_473 : i32 to index
      %parallel_loop3A_533 = arith.constant 64 : index
      %parallel_loop3A_534 = tpu.vector_load %arg9[%parallel_loop3A_531, %parallel_loop3A_532, %parallel_loop3A_533] {strides = array<i32>} : memref<4x128x128xf32, #tpu.memory_space<vmem>>, vector<1x1x16xf32>,
      %parallel_loop3A_535 = vector.shape_cast %parallel_loop3A_534 : vector<1x1x16xf32> to vector<16xf32>
      %parallel_loop3A_536 = arith.addf %parallel_loop3A_535, %get3A_399 : vector<16xf32>
      %parallel_loop3A_537 = arith.constant 3 : i32
      %parallel_loop3A_538 = arith.index_cast %parallel_loop3A_537 : i32 to index
      %parallel_loop3A_539 = arith.index_cast %parallel_loop3A_473 : i32 to index
      %parallel_loop3A_540 = arith.constant 64 : index
      %parallel_loop3A_541 = tpu.vector_load %arg9[%parallel_loop3A_538, %parallel_loop3A_539, %parallel_loop3A_540] {strides = array<i32>} : memref<4x128x128xf32, #tpu.memory_space<vmem>>, vector<1x1x16xf32>,
      %parallel_loop3A_542 = vector.shape_cast %parallel_loop3A_541 : vector<1x1x16xf32> to vector<16xf32>
      %parallel_loop3A_543 = vector.shape_cast %parallel_loop3A_536 : vector<16xf32> to vector<1x1x16xf32>
      tpu.vector_store %arg9[%parallel_loop3A_538, %parallel_loop3A_539, %parallel_loop3A_540], %parallel_loop3A_543 {strides = array<i32>} : memref<4x128x128xf32, #tpu.memory_space<vmem>>, vector<1x1x16xf32>,
      %parallel_loop3A_544 = arith.constant 3 : i32
      %parallel_loop3A_545 = arith.index_cast %parallel_loop3A_544 : i32 to index
      %parallel_loop3A_546 = arith.index_cast %parallel_loop3A_473 : i32 to index
      %parallel_loop3A_547 = arith.constant 80 : index
      %parallel_loop3A_548 = tpu.vector_load %arg9[%parallel_loop3A_545, %parallel_loop3A_546, %parallel_loop3A_547] {strides = array<i32>} : memref<4x128x128xf32, #tpu.memory_space<vmem>>, vector<1x1x16xf32>,
      %parallel_loop3A_549 = vector.shape_cast %parallel_loop3A_548 : vector<1x1x16xf32> to vector<16xf32>
      %parallel_loop3A_550 = arith.addf %parallel_loop3A_549, %get3A_404 : vector<16xf32>
      %parallel_loop3A_551 = arith.constant 3 : i32
      %parallel_loop3A_552 = arith.index_cast %parallel_loop3A_551 : i32 to index
      %parallel_loop3A_553 = arith.index_cast %parallel_loop3A_473 : i32 to index
      %parallel_loop3A_554 = arith.constant 80 : index
      %parallel_loop3A_555 = tpu.vector_load %arg9[%parallel_loop3A_552, %parallel_loop3A_553, %parallel_loop3A_554] {strides = array<i32>} : memref<4x128x128xf32, #tpu.memory_space<vmem>>, vector<1x1x16xf32>,
      %parallel_loop3A_556 = vector.shape_cast %parallel_loop3A_555 : vector<1x1x16xf32> to vector<16xf32>
      %parallel_loop3A_557 = vector.shape_cast %parallel_loop3A_550 : vector<16xf32> to vector<1x1x16xf32>
      tpu.vector_store %arg9[%parallel_loop3A_552, %parallel_loop3A_553, %parallel_loop3A_554], %parallel_loop3A_557 {strides = array<i32>} : memref<4x128x128xf32, #tpu.memory_space<vmem>>, vector<1x1x16xf32>,
      %parallel_loop3A_558 = arith.constant 3 : i32
      %parallel_loop3A_559 = arith.index_cast %parallel_loop3A_558 : i32 to index
      %parallel_loop3A_560 = arith.index_cast %parallel_loop3A_473 : i32 to index
      %parallel_loop3A_561 = arith.constant 96 : index
      %parallel_loop3A_562 = tpu.vector_load %arg9[%parallel_loop3A_559, %parallel_loop3A_560, %parallel_loop3A_561] {strides = array<i32>} : memref<4x128x128xf32, #tpu.memory_space<vmem>>, vector<1x1x16xf32>,
      %parallel_loop3A_563 = vector.shape_cast %parallel_loop3A_562 : vector<1x1x16xf32> to vector<16xf32>
      %parallel_loop3A_564 = arith.addf %parallel_loop3A_563, %get3A_409 : vector<16xf32>
      %parallel_loop3A_565 = arith.constant 3 : i32
      %parallel_loop3A_566 = arith.index_cast %parallel_loop3A_565 : i32 to index
      %parallel_loop3A_567 = arith.index_cast %parallel_loop3A_473 : i32 to index
      %parallel_loop3A_568 = arith.constant 96 : index
      %parallel_loop3A_569 = tpu.vector_load %arg9[%parallel_loop3A_566, %parallel_loop3A_567, %parallel_loop3A_568] {strides = array<i32>} : memref<4x128x128xf32, #tpu.memory_space<vmem>>, vector<1x1x16xf32>,
      %parallel_loop3A_570 = vector.shape_cast %parallel_loop3A_569 : vector<1x1x16xf32> to vector<16xf32>
      %parallel_loop3A_571 = vector.shape_cast %parallel_loop3A_564 : vector<16xf32> to vector<1x1x16xf32>
      tpu.vector_store %arg9[%parallel_loop3A_566, %parallel_loop3A_567, %parallel_loop3A_568], %parallel_loop3A_571 {strides = array<i32>} : memref<4x128x128xf32, #tpu.memory_space<vmem>>, vector<1x1x16xf32>,
      %parallel_loop3A_572 = arith.constant 3 : i32
      %parallel_loop3A_573 = arith.index_cast %parallel_loop3A_572 : i32 to index
      %parallel_loop3A_574 = arith.index_cast %parallel_loop3A_473 : i32 to index
      %parallel_loop3A_575 = arith.constant 112 : index
      %parallel_loop3A_576 = tpu.vector_load %arg9[%parallel_loop3A_573, %parallel_loop3A_574, %parallel_loop3A_575] {strides = array<i32>} : memref<4x128x128xf32, #tpu.memory_space<vmem>>, vector<1x1x16xf32>,
      %parallel_loop3A_577 = vector.shape_cast %parallel_loop3A_576 : vector<1x1x16xf32> to vector<16xf32>
      %parallel_loop3A_578 = arith.addf %parallel_loop3A_577, %get3A_414 : vector<16xf32>
      %parallel_loop3A_579 = arith.constant 3 : i32
      %parallel_loop3A_580 = arith.index_cast %parallel_loop3A_579 : i32 to index
      %parallel_loop3A_581 = arith.index_cast %parallel_loop3A_473 : i32 to index
      %parallel_loop3A_582 = arith.constant 112 : index
      %parallel_loop3A_583 = tpu.vector_load %arg9[%parallel_loop3A_580, %parallel_loop3A_581, %parallel_loop3A_582] {strides = array<i32>} : memref<4x128x128xf32, #tpu.memory_space<vmem>>, vector<1x1x16xf32>,
      %parallel_loop3A_584 = vector.shape_cast %parallel_loop3A_583 : vector<1x1x16xf32> to vector<16xf32>
      %parallel_loop3A_585 = vector.shape_cast %parallel_loop3A_578 : vector<16xf32> to vector<1x1x16xf32>
      tpu.vector_store %arg9[%parallel_loop3A_580, %parallel_loop3A_581, %parallel_loop3A_582], %parallel_loop3A_585 {strides = array<i32>} : memref<4x128x128xf32, #tpu.memory_space<vmem>>, vector<1x1x16xf32>,
    } {sc.loop_unroll_factor = 8 : i64, sc.parallel_access}
    %dma_start3A_418 = arith.constant 3 : i32
    %dma_start3A_419 = arith.constant 100 : i32
    %dma_start3A_420 = arith.constant 0 : i32
    %dma_start3A_421 = arith.constant 0 : i32
    %dma_start3A_422 = tpu.memref_slice %arg9[%dma_start3A_418, %dma_start3A_420, %dma_start3A_421] : memref<4x128x128xf32, #tpu.memory_space<vmem>> -> memref<1x128x128xf32, #tpu.memory_space<vmem>>
    %dma_start3A_423 = tpu.memref_squeeze %dma_start3A_422 : memref<1x128x128xf32, #tpu.memory_space<vmem>> -> memref<128x128xf32, #tpu.memory_space<vmem>>
    %dma_start3A_424 = arith.constant 0 : i32
    %dma_start3A_425 = tpu.memref_slice %arg6[%dma_start3A_419, %mul3A_2, %dma_start3A_424] : memref<101x4096x128xf32, #tpu.memory_space<hbm>> -> memref<1x128x128xf32, #tpu.memory_space<hbm>>
    %dma_start3A_426 = tpu.memref_squeeze %dma_start3A_425 : memref<1x128x128xf32, #tpu.memory_space<hbm>> -> memref<128x128xf32, #tpu.memory_space<hbm>>
    %dma_start3A_427 = arith.constant 0 : i32
    %dma_start3A_428 = tpu.memref_slice %arg6[%dma_start3A_419, %mul3A_2, %dma_start3A_427] : memref<101x4096x128xf32, #tpu.memory_space<hbm>> -> memref<1x128x128xf32, #tpu.memory_space<hbm>>
    %dma_start3A_429 = tpu.memref_squeeze %dma_start3A_428 : memref<1x128x128xf32, #tpu.memory_space<hbm>> -> memref<128x128xf32, #tpu.memory_space<hbm>>
    %dma_start3A_430 = arith.constant 0 : i32
    %dma_start3A_431 = arith.constant 0 : i32
    %dma_start3A_432 = tpu.memref_slice %arg9[%dma_start3A_418, %dma_start3A_430, %dma_start3A_431] : memref<4x128x128xf32, #tpu.memory_space<vmem>> -> memref<1x128x128xf32, #tpu.memory_space<vmem>>
    %dma_start3A_433 = tpu.memref_squeeze %dma_start3A_432 : memref<1x128x128xf32, #tpu.memory_space<vmem>> -> memref<128x128xf32, #tpu.memory_space<vmem>>
    tpu.enqueue_dma source(%dma_start3A_433 : memref<128x128xf32, #tpu.memory_space<vmem>>) target(%dma_start3A_429 : memref<128x128xf32, #tpu.memory_space<hbm>>) target_semaphore(%arg19 : memref<!tpu.dma_semaphore, #tpu.memory_space<semaphore_mem>>)
    %dma_wait3A_434 = arith.constant 2 : i32
    %dma_wait3A_435 = arith.constant 99 : i32
    %dma_wait3A_436 = arith.constant 0 : i32
    %dma_wait3A_437 = arith.constant 0 : i32
    %dma_wait3A_438 = tpu.memref_slice %arg9[%dma_wait3A_434, %dma_wait3A_436, %dma_wait3A_437] : memref<4x128x128xf32, #tpu.memory_space<vmem>> -> memref<1x128x128xf32, #tpu.memory_space<vmem>>
    %dma_wait3A_439 = tpu.memref_squeeze %dma_wait3A_438 : memref<1x128x128xf32, #tpu.memory_space<vmem>> -> memref<128x128xf32, #tpu.memory_space<vmem>>
    %dma_wait3A_440 = arith.constant 0 : i32
    %dma_wait3A_441 = tpu.memref_slice %arg6[%dma_wait3A_435, %mul3A_2, %dma_wait3A_440] : memref<101x4096x128xf32, #tpu.memory_space<hbm>> -> memref<1x128x128xf32, #tpu.memory_space<hbm>>
    %dma_wait3A_442 = tpu.memref_squeeze %dma_wait3A_441 : memref<1x128x128xf32, #tpu.memory_space<hbm>> -> memref<128x128xf32, #tpu.memory_space<hbm>>
    %dma_wait3A_443 = arith.constant 0 : i32
    %dma_wait3A_444 = tpu.memref_slice %arg6[%dma_wait3A_435, %mul3A_2, %dma_wait3A_443] : memref<101x4096x128xf32, #tpu.memory_space<hbm>> -> memref<1x128x128xf32, #tpu.memory_space<hbm>>
    %dma_wait3A_445 = tpu.memref_squeeze %dma_wait3A_444 : memref<1x128x128xf32, #tpu.memory_space<hbm>> -> memref<128x128xf32, #tpu.memory_space<hbm>>
    %dma_wait3A_446 = arith.constant 0 : i32
    %dma_wait3A_447 = arith.constant 0 : i32
    %dma_wait3A_448 = tpu.memref_slice %arg9[%dma_wait3A_434, %dma_wait3A_446, %dma_wait3A_447] : memref<4x128x128xf32, #tpu.memory_space<vmem>> -> memref<1x128x128xf32, #tpu.memory_space<vmem>>
    %dma_wait3A_449 = tpu.memref_squeeze %dma_wait3A_448 : memref<1x128x128xf32, #tpu.memory_space<vmem>> -> memref<128x128xf32, #tpu.memory_space<vmem>>
    tpu.wait_dma2 semaphore(%arg18 : memref<!tpu.dma_semaphore, #tpu.memory_space<semaphore_mem>>) src(%dma_wait3A_449 : memref<128x128xf32, #tpu.memory_space<vmem>>) dst(%dma_wait3A_445 : memref<128x128xf32, #tpu.memory_space<hbm>>)
    %dma_wait3A_450 = arith.constant 3 : i32
    %dma_wait3A_451 = arith.constant 100 : i32
    %dma_wait3A_452 = arith.constant 0 : i32
    %dma_wait3A_453 = arith.constant 0 : i32
    %dma_wait3A_454 = tpu.memref_slice %arg9[%dma_wait3A_450, %dma_wait3A_452, %dma_wait3A_453] : memref<4x128x128xf32, #tpu.memory_space<vmem>> -> memref<1x128x128xf32, #tpu.memory_space<vmem>>
    %dma_wait3A_455 = tpu.memref_squeeze %dma_wait3A_454 : memref<1x128x128xf32, #tpu.memory_space<vmem>> -> memref<128x128xf32, #tpu.memory_space<vmem>>
    %dma_wait3A_456 = arith.constant 0 : i32
    %dma_wait3A_457 = tpu.memref_slice %arg6[%dma_wait3A_451, %mul3A_2, %dma_wait3A_456] : memref<101x4096x128xf32, #tpu.memory_space<hbm>> -> memref<1x128x128xf32, #tpu.memory_space<hbm>>
    %dma_wait3A_458 = tpu.memref_squeeze %dma_wait3A_457 : memref<1x128x128xf32, #tpu.memory_space<hbm>> -> memref<128x128xf32, #tpu.memory_space<hbm>>
    %dma_wait3A_459 = arith.constant 0 : i32
    %dma_wait3A_460 = tpu.memref_slice %arg6[%dma_wait3A_451, %mul3A_2, %dma_wait3A_459] : memref<101x4096x128xf32, #tpu.memory_space<hbm>> -> memref<1x128x128xf32, #tpu.memory_space<hbm>>
    %dma_wait3A_461 = tpu.memref_squeeze %dma_wait3A_460 : memref<1x128x128xf32, #tpu.memory_space<hbm>> -> memref<128x128xf32, #tpu.memory_space<hbm>>
    %dma_wait3A_462 = arith.constant 0 : i32
    %dma_wait3A_463 = arith.constant 0 : i32
    %dma_wait3A_464 = tpu.memref_slice %arg9[%dma_wait3A_450, %dma_wait3A_462, %dma_wait3A_463] : memref<4x128x128xf32, #tpu.memory_space<vmem>> -> memref<1x128x128xf32, #tpu.memory_space<vmem>>
    %dma_wait3A_465 = tpu.memref_squeeze %dma_wait3A_464 : memref<1x128x128xf32, #tpu.memory_space<vmem>> -> memref<128x128xf32, #tpu.memory_space<vmem>>
    tpu.wait_dma2 semaphore(%arg19 : memref<!tpu.dma_semaphore, #tpu.memory_space<semaphore_mem>>) src(%dma_wait3A_465 : memref<128x128xf32, #tpu.memory_space<vmem>>) dst(%dma_wait3A_461 : memref<128x128xf32, #tpu.memory_space<hbm>>)
    %dma_wait3A_466 = arith.constant 0 : i32
    %dma_wait3A_467 = arith.constant 0 : i32
    %dma_wait3A_468 = tpu.memref_slice %arg6[%dma_wait3A_466, %mul3A_2, %dma_wait3A_467] : memref<101x4096x128xf32, #tpu.memory_space<hbm>> -> memref<1x128x128xf32, #tpu.memory_space<hbm>>
    %dma_wait3A_469 = tpu.memref_squeeze %dma_wait3A_468 : memref<1x128x128xf32, #tpu.memory_space<hbm>> -> memref<128x128xf32, #tpu.memory_space<hbm>>
    %dma_wait3A_470 = arith.constant 0 : i32
    %dma_wait3A_471 = tpu.memref_slice %arg6[%dma_wait3A_466, %mul3A_2, %dma_wait3A_470] : memref<101x4096x128xf32, #tpu.memory_space<hbm>> -> memref<1x128x128xf32, #tpu.memory_space<hbm>>
    %dma_wait3A_472 = tpu.memref_squeeze %dma_wait3A_471 : memref<1x128x128xf32, #tpu.memory_space<hbm>> -> memref<128x128xf32, #tpu.memory_space<hbm>>
    tpu.wait_dma2 semaphore(%arg20 : memref<!tpu.dma_semaphore, #tpu.memory_space<semaphore_mem>>) src(%arg10 : memref<128x128xf32, #tpu.memory_space<vmem>>) dst(%dma_wait3A_472 : memref<128x128xf32, #tpu.memory_space<hbm>>)
    return
  }
}

</mosaic_0001>

<sc_bundles>
// kernel: kernel.3.cloned.1.call-start
scs
__scs_entry_jumppad:
0x0: {  	(pc) =	sbr.rel $0x88, $3  }
0x1: {  	(tag) =	ssettag $0x0;
	lr =	simm.s32 $0x1  }
0x2: {  	[smem:$0x3F9D] =	sst lr;
	_ =	strace $0xD0000000  }
0x3: {  	_ = 	snop  }
0x4: {  	_ = 	snop  }
0x5: {  	_ = 	snop  }
0x6: {  	_ = 	snop  }
0x7: {  	_ = 	snop  }
__scs_overlays_trampoline_lowered:
0x8: {  	[smem:$0x3FAC] =	sst s0  }
0x9: {  	[smem:$0x3FAD] =	sst s1  }
0xa: {  	[smem:$0x3FAE] =	sst s2  }
0xb: {  	[smem:$0x3FAF] =	sst s3  }
0xc: {  	[smem:$0x3FB0] =	sst s4  }
0xd: {  	[smem:$0x3FB1] =	sst s5  }
0xe: {  	[smem:$0x3FB2] =	sst s6  }
0xf: {  	[smem:$0x3FB3] =	sst s7  }
0x10: {  	[smem:$0x3FB4] =	sst s8  }
0x11: {  	[smem:$0x3FB5] =	sst s9;
	s0 =	simm.s32 @!p0 $0x0  }
0x12: {  	s1 =	sld [smem:$0x3F9B];
	s0 =	simm.s32 @p0 $0x1  }
0x13: {  	[smem:$0x3FB6] =	sst s0;
	s0 =	simm.s32 @!p1 $0x0  }
0x14: {  	s2 =	sld [smem:$0x3F9A];
	s0 =	simm.s32 @p1 $0x1  }
0x15: {  	[smem:$0x3FB7] =	sst s0;
	s0 =	simm.s32 @!p2 $0x0  }
0x16: {  	s3 =	sld [smem:$0x3FDB];
	s0 =	simm.s32 @p2 $0x1  }
0x17: {  	s4 =	simm.s32 $0x1BF5;
	[smem:$0x3FB9] =	sst s0  }
0x18: {  	s0 =	sld [smem:$0x3F9C];
	_ =	swait.ge [sflag:s4], $0x0  }
0x19: {  	s7 =	sld [smem:$0x3F9D]  }
0x1a: {  	s8 =	sadd.s32 $0xFFFFE003, lr  }
0x1b: {  	s9 =	sadd.s32 $0xFFFFFEF7, lr;
	s5 =	simm.s32 $0xFFFFFFFF;
	p2 =	slt.u32 s8, $0xFFFFF086  }
0x1c: {  	p1 =	slt.u32 s9, $0xF7A;
	s5 =	simm.s32 @!p2 $0x0  }
0x1d: {  	s5 =	simm.s32 @p1 $0x1;
	p0 =	seq.s32 s7, s2  }
0x1e: {  	s7 =	smul.u32 @!p0 $0xF7A, s2;
	p2 =	seq.s32 @!p0 s5, $0x0  }
0x1f: {  	s9 =	smul.u32 $0xF7A, s1;
	s8 =	simm.s32 @!p0 $0x1BF5;
	p2 =	por !p2, p0  }
0x20: {  	[sflag:s8] =	ssyncset.s32 @!p0 $0xFFFFF086;
	s6 =	sadd.s32 @!p0 s3, s7;
	s7 =	simm.s32 @!p0 $0x108  }
0x21: {  	s3 =	sadd.s32 s3, s9;
	s6 =	sadd.s32 @!p0 $0x88, s6;
	s7 =	simm.s32 @p2 $0x1082  }
0x22: {  	[simem:s7], [sflag:s8] =	dma.local @!p0 [hbm:s6], $0xF7A  }
0x23: {  	s9 =	sor.u32 $0xD0000000, s2;
	s6 =	simm.s32 $0x108;
	_ =	swait.ge @!p0 [sflag:s8], $0x0  }
0x24: {  	s3 =	sadd.s32 $0x88, s3;
	s6 =	simm.s32 @!p1 $0x1082;
	[sflag:s4] =	ssyncset.s32 $0xFFFFF086  }
0x25: {  	[simem:s6], [sflag:s4] =	dma.local [hbm:s3], $0xF7A  }
0x26: {  	[smem:$0x3F9D] =	sst s1;
	(tag) =	ssettag s2;
	_ =	strace s9  }
0x27: {  	s1 =	sld [smem:$0x3FAD]  }
0x28: {  	s2 =	sld [smem:$0x3FAE]  }
0x29: {  	s4 =	sld [smem:$0x3FB0]  }
0x2a: {  	p0 =	seq.s32 s5, $0x0;
	s5 =	sld [smem:$0x3FB1]  }
0x2b: {  	s6 =	sld [smem:$0x3FB2]  }
0x2c: {  	s7 =	sld [smem:$0x3FB3]  }
0x2d: {  	s3 =	simm.s32 $0x108;
	s8 =	sld [smem:$0x3FB4]  }
0x2e: {  	s3 =	simm.s32 @!p0 $0x1082;
	s9 =	sld [smem:$0x3FB5]  }
0x2f: {  	lr =	sadd.s32 s0, s3;
	s0 =	sld [smem:$0x3FAC]  }
0x30: {  	s3 =	sld [smem:$0x3FAF]  }
0x31: {  	[smem:$0x3FB8] =	sst s10  }
0x32: {  	s10 =	sld [smem:$0x3FB6];
	_ =	sdelay $0x3  }
0x33: {  	p0 =	seq.s32 s10, $0x1;
	s10 =	sld [smem:$0x3FB8];
	_ =	sdelay $0x3  }
0x34: {  	[smem:$0x3FB8] =	sst s10  }
0x35: {  	s10 =	sld [smem:$0x3FB7];
	_ =	sdelay $0x3  }
0x36: {  	p1 =	seq.s32 s10, $0x1;
	s10 =	sld [smem:$0x3FB8];
	_ =	sdelay $0x3  }
0x37: {  	[smem:$0x3FB8] =	sst s10  }
0x38: {  	s10 =	sld [smem:$0x3FB9]  }
0x39: {  	_ = 	snop;
	(pc) =	sbr.ind lr, $3  }
0x3a: {  	_ = 	snop  }
0x3b: {  	_ = 	snop  }
0x3c: {  	p2 =	seq.s32 s10, $0x1;
	s10 =	sld [smem:$0x3FB8]  }
0x3d: {  	_ =	shalt  }
0x3e: {  	_ =	shalt  }
0x3f: {  	_ =	shalt  }
0x40: {  	_ =	shalt  }
0x41: {  	_ =	shalt  }
0x42: {  	_ =	shalt  }
0x43: {  	_ =	shalt  }
0x44: {  	_ =	shalt  }
0x45: {  	_ =	shalt  }
0x46: {  	_ =	shalt  }
0x47: {  	_ =	shalt  }
0x48: {  	_ =	shalt  }
0x49: {  	_ =	shalt  }
0x4a: {  	_ =	shalt  }
0x4b: {  	_ =	shalt  }
0x4c: {  	_ =	shalt  }
0x4d: {  	_ =	shalt  }
0x4e: {  	_ =	shalt  }
0x4f: {  	_ =	shalt  }
0x50: {  	_ =	shalt  }
0x51: {  	_ =	shalt  }
0x52: {  	_ =	shalt  }
0x53: {  	_ =	shalt  }
0x54: {  	_ =	shalt  }
0x55: {  	_ =	shalt  }
0x56: {  	_ =	shalt  }
0x57: {  	_ =	shalt  }
0x58: {  	_ =	shalt  }
0x59: {  	_ =	shalt  }
0x5a: {  	_ =	shalt  }
0x5b: {  	_ =	shalt  }
0x5c: {  	_ =	shalt  }
0x5d: {  	_ =	shalt  }
0x5e: {  	_ =	shalt  }
0x5f: {  	_ =	shalt  }
0x60: {  	_ =	shalt  }
0x61: {  	_ =	shalt  }
0x62: {  	_ =	shalt  }
0x63: {  	_ =	shalt  }
0x64: {  	_ =	shalt  }
0x65: {  	_ =	shalt  }
0x66: {  	_ =	shalt  }
0x67: {  	_ =	shalt  }
0x68: {  	_ =	shalt  }
0x69: {  	_ =	shalt  }
0x6a: {  	_ =	shalt  }
0x6b: {  	_ =	shalt  }
0x6c: {  	_ =	shalt  }
0x6d: {  	_ =	shalt  }
0x6e: {  	_ =	shalt  }
0x6f: {  	_ =	shalt  }
0x70: {  	_ =	shalt  }
0x71: {  	_ =	shalt  }
0x72: {  	_ =	shalt  }
0x73: {  	_ =	shalt  }
0x74: {  	_ =	shalt  }
0x75: {  	_ =	shalt  }
0x76: {  	_ =	shalt  }
0x77: {  	_ =	shalt  }
0x78: {  	_ =	shalt  }
0x79: {  	_ =	shalt  }
0x7a: {  	_ =	shalt  }
0x7b: {  	_ =	shalt  }
0x7c: {  	_ =	shalt  }
0x7d: {  	_ =	shalt  }
0x7e: {  	_ =	shalt  }
0x7f: {  	_ =	shalt  }
0x80: {  	_ =	shalt  }
0x81: {  	_ =	shalt  }
0x82: {  	_ =	shalt  }
0x83: {  	_ =	shalt  }
0x84: {  	_ =	shalt  }
0x85: {  	_ =	shalt  }
0x86: {  	_ =	shalt  }
0x87: {  	_ =	shalt  }
.Lfunc_end0:
.L_simem_size_0:
called_computation_lowered:
.L_overlay_start_0:
0x88: {  	s2 =	sld [smem:$0x3FD9]  }
0x89: {  	s3 =	sld [smem:$0x3FFE];
	_ =	sdelay $0x1  }
0x8a: {  	s1 =	srdreg.scid  }
0x8b: {  	s0 =	sand.u32 $0x1, s1  }
0x8c: {  	s18 =	sshll.u32 s0, $0xA;
	s2 =	sadd.s32 s3, s2  }
0x8d: {  	s2 =	sadd.s32 s2, s18  }
0x8e: {  	[smem:$0x3FC4] =	sst s2  }
0x8f: {  	_ = 	snop  }
0x90: {  	s2 =	sld [smem:$0x3FC9]  }
0x91: {  	s19 =	sld [smem:$0x3FC8]  }
0x92: {  	s4 =	sld [smem:$0x3FC7]  }
0x93: {  	s5 =	sld [smem:$0x3FC6]  }
0x94: {  	s6 =	sld [smem:$0x3FD0];
	(tm) =	ssettm $0x1  }
0x95: {  	s7 =	sld [smem:$0x3FFB];
	_ =	sdelay $0x3  }
0x96: {  	_ =	strace s7  }
0x97: {  	s7 =	sld [smem:$0x3FFC];
	_ =	sdelay $0x3  }
0x98: {  	_ =	strace s7  }
0x99: {  	s7 =	sld [smem:$0x3FFD];
	_ =	sdelay $0x3  }
0x9a: {  	_ =	strace s7  }
0x9b: {  	_ =	strace $0x8FFFFFFF  }
0x9c: {  	s20 =	sld [smem:$0x3FDB];
	_ =	sdelay $0x1  }
0x9d: {  	s8 =	simm.s32 $_scs_section_size  }
0x9e: {  	s9 =	simm.s32 $_size__tile_overlayer_lowered;
	s10 =	simm.s32 $_tile_overlayer_lowered  }
0x9f: {  	s23 =	simm.s32 $0x1BFF;
	s22 =	sshll.u32 s10, $0x1;
	s7 =	sadd.s32 s8, s20  }
0xa0: {  	s11 =	simm.s32 $0x0;
	s21 =	sshll.u32 s9, $0x1;
	s9 =	sadd.s32 s22, s7  }
0xa1: {  	[timem:s11], [sflag:s23] =	dma.local [hbm:s9], s21  }
0xa2: {  	_ =	swait.ge [sflag:s23], s21  }
0xa3: {  	s8 =	ssub.s32 $0x0, s21;
	[sflag:s23] =	ssyncset.done $0x0  }
0xa4: {  	[sflag:s23] =	ssyncadd.s32 s8;
	_ =	sdelay $0x1  }
0xa5: {  	s24 =	simm.s32 $0x1B8B  }
0xa6: {  	_ =	swait.ge [sflag:s24], $0x1  }
0xa7: {  	[sflag:s24] =	ssyncset.done $0x0  }
0xa8: {  	s25 =	simm.s32 $0x1B8E;
	[sflag:s24] =	ssyncadd.s32 $0xFFFFFFFF  }
0xa9: {  	s26 =	simm.s32 $execute0_lowered;
	[smem:$0x3FD2] =	sst s25  }
0xaa: {  	s8 =	sshll.u32 s26, $0x1;
	_ =	strace $0x80000046;
	[dreg:$0x1] =	wrdreg $0xFFFFFFFF  }
0xab: {  	s28 =	simm.s32 $_size_execute0_lowered;
	s7 =	sadd.s32 s7, s8;
	[dreg:$0x0] =	wrdreg $0x0  }
0xac: {  	s8 =	sshll.u32 s28, $0x1;
	[dreg:$0x2] =	wrdreg s7  }
0xad: {  	[dreg:$0x3] =	wrdreg s8  }
0xae: {  	[dreg:$0x4] =	wrdreg $0xC0  }
0xaf: {  	_ =	task [dreg:s11], $0x5FFFF  }
0xb0: {  	[dreg:$0x1] =	wrdreg $0xFFFFFFFF  }
0xb1: {  	[dreg:$0x0] =	wrdreg $0x60  }
0xb2: {  	[dreg:$0x2] =	wrdreg s2  }
0xb3: {  	[dreg:$0x3] =	wrdreg s19  }
0xb4: {  	[dreg:$0x4] =	wrdreg s4  }
0xb5: {  	[dreg:$0x5] =	wrdreg s5  }
0xb6: {  	[dreg:$0x6] =	wrdreg s6  }
0xb7: {  	[dreg:$0x7] =	wrdreg $0x1A8000  }
0xb8: {  	[dreg:$0x8] =	wrdreg $0x9  }
0xb9: {  	_ =	task.clear_ibuf [dreg:s11], $0x9FFFF;
	_ =	strace $0x90000046  }
0xba: {  	s29 =	simm.s32 $0x9;
	_ =	strace $0x80000048  }
0xbb: {  	_ =	swait.ge [sflag:s29], $0x1  }
0xbc: {  	[sflag:s29] =	ssyncadd.s32 $0xFFFFFFFF  }
0xbd: {  	_ =	strace $0x90000048  }
0xbe: {  	_ =	sfence  }
0xbf: {  	s30 =	sld [smem:$0x0];
	_ =	sdelay $0x2  }
0xc0: {  	s31 =	sshll.u32 s1, $0xD;
	s1 =	sshrl.u32 s1, $0x2  }
0xc1: {  	s3 =	sand.u32 $0x4000, s31;
	s1 =	sadd.s32 s1, s30  }
0xc2: {  	s0 =	sor.u32 s3, s0;
	s1 =	sshll.u32 s1, $0x11  }
0xc3: {  	s0 =	sor.u32 s1, s0  }
0xc4: {  	s0 =	sadd.s32 $0x8F2B, s0  }
0xc5: {  	[sflag:s0] =	ssyncadd.remote.s32 $0x1  }
0xc6: {  	_ =	sfence.sel $0xFFFF  }
0xc7: {  	[dreg:$0x0] =	wrdreg $0xFFFFFFFF;
	(pc) =	sbr.abs _section_cstart, $3  }
0xc8: {  	[dreg:$0x1] =	wrdreg $0xFFFFFFFF  }
0xc9: {  	_ =	task.clear_ibuf [dreg:s11], $0x2FFFF;
	_ =	strace $0x9FFFFFFF  }
0xca: {  	(tm) =	ssettm $0x7FFFFFFF  }
0xcb: {  	_ =	shalt  }
tec
execute0_lowered:
.L_overlay_start_1:
0x0: {  	(tag) =	ssettag $0x1  }
0x1: {  	s0 =	rddreg [dreg:$0x0]  }
0x2: {  	s4 =	rddreg [dreg:$0x4]  }
0x3: {  	s1 =	srdreg.scid;
	s5 =	rddreg [dreg:$0x5]  }
0x4: {  	s2 =	stileid.u32;
	s6 =	simm.s32 $0x0;
	s11 =	simm.s32 $0x3400  }
0x5: {  	s12 =	simm.s32 $0x16800;
	s29 =	simm.s32 $0xA800;
	s31 =	simm.s32 $0xE800  }
0x6: {  	s16 =	simm.s32 $0x5;
	s17 =	simm.s32 $0x3;
	s20 =	simm.s32 $0x6  }
0x7: {  	s28 =	simm.s32 $0x4;
	s30 =	simm.s32 $0x7;
	s1 =	sand.u32 $0x1, s1  }
0x8: {  	s3 =	sshll.u32 s2, $0x8;
	[smem:$0x7FF] =	sst s6;
	s7 =	sshll.u32 s1, $0x7  }
0x9: {  	s1 =	ssub.s32 $0x2, s1;
	_ =	strace $0x80000047;
	s3 =	sor.u32 s7, s3  }
0xa: {  	s21 =	sshrl.u32 s1, $0x1;
	s8 =	sshll.u32 s3, $0x4;
	s0 =	sadd.s32 s0, s3  }
0xb: {  	s1 =	ssub.s32 s1, s21;
	s22 =	sadd.s32 s4, s8;
	[dreg:$0x8] =	wrdreg s0  }
0xc: {  	s18 =	simm.s32 $0x9;
	s1 =	smax.u32 s1, $0x1;
	[dreg:$0x7] =	wrdreg s22  }
0xd: {  	p0 =	sne.s32 s2, $0x0;
	s0 =	sadd.s32 $0xC000, s0;
	[dreg:$0xd] =	wrdreg s1  }
0xe: {  	s2 =	simm.s32 $0x2;
	s23 =	sadd.s32 $0x10000, s22;
	[dreg:$0xf] =	wrdreg s0  }
0xf: {  	s9 =	sshll.u32 s3, $0x7;
	s24 =	sadd.s32 $0x20000, s22;
	[dreg:$0x9] =	wrdreg s23  }
0x10: {  	s3 =	simm.s32 $0x1;
	s25 =	sadd.s32 $0x630000, s22;
	[dreg:$0xa] =	wrdreg s24  }
0x11: {  	s21 =	simm.s32 $0x0;
	s26 =	sadd.s32 $0x640000, s22;
	[dreg:$0xb] =	wrdreg s25  }
0x12: {  	s1 =	sshrl.u32 @!p0 s5, $0x3;
	s0 =	simm.s32 $0x8;
	[dreg:$0xc] =	wrdreg s26  }
0x13: {  	[dreg:$0xe] =	wrdreg s1;
	s23 =	simm.s32 $0xB;
	s24 =	simm.s32 $0xC  }
0x14: {  	s25 =	simm.s32 $0x80;
	s26 =	simm.s32 $0x6800;
	s1 =	simm.s32 $0x12800  }
.LBB2_1:
0x15: {  	s8 =	rddreg [dreg:$0x1]  }
0x16: {  	s7 =	simm.s32 @!p0 $0x1C0A;
	s10 =	rddreg [dreg:$0xe]  }
0x17: {  	[spmem:s10], [sflag:s7] =	dma.local @!p0 [hbm:s8], $0x3E80  }
0x18: {  	s19 =	simm.s32 $0x400;
	s22 =	simm.s32 $0x8000;
	s7 =	rddreg [dreg:$0x8]  }
0x19: {  	[tilespmem:s11], [sflag:$0xB] =	stream.strided.gather [hbm4b:s7+s19], $0x3000, s22, s19, $0x38;
	[tilespmem:$0x1C740] =	vst v63  }
0x1a: {  	s14 =	simm.s32 $0x6400;
	s13 =	rddreg [dreg:$0xf]  }
0x1b: {  	[tilespmem:s14], [sflag:$0xB] =	stream.linear.gather [hbm4b:s13+s6], $0x200, $0x38;
	[tilespmem:$0x1C740] =	vst v63  }
0x1c: {  	s15 =	rddreg [dreg:$0x2]  }
0x1d: {  	[tilespmem:s6], [sflag:$0xC] =	stream.linear.gather [hbm4b:s15+s6], $0x3200, $0x38;
	[tilespmem:$0x1C740] =	vst v63  }
0x1e: {  	s19 =	rddreg [dreg:$0x3];
	s22 =	simm.s32 $0xD  }
0x1f: {  	[tilespmem:s12], [sflag:$0xD] =	stream.linear.gather [hbm4b:s19+s6], $0x80, $0x38;
	[tilespmem:$0x1C740] =	vst v63  }
0x20: {  	_ =	swait.ge [sflag:s22], $0x80  }
0x21: {  	[sflag:s22] =	ssyncset.done $0x0  }
0x22: {  	[sflag:s22] =	ssyncadd.s32 $0xFFFFFF80  }
0x23: {  	v0 =	vld [tilespmem:$0x16800]  }
0x24: {  	v1 =	vld [tilespmem:$0x16810]  }
0x25: {  	v2 =	vld [tilespmem:$0x16820]  }
0x26: {  	v7 =	vld [tilespmem:$0x16870]  }
0x27: {  	v3 =	vld [tilespmem:$0x16830]  }
0x28: {  	v4 =	vld [tilespmem:$0x16840]  }
0x29: {  	v5 =	vld [tilespmem:$0x16850]  }
0x2a: {  	s8 =	simm.s32 $0x200;
	s7 =	simm.s32 $0x0;
	v6 =	vld [tilespmem:$0x16860]  }
.LBB2_2:
0x2b: {  	p1 =	sne.s32 s8, $0xFC00;
	[tilespmem:s7+$0x168F0] =	vst v7  }
0x2c: {  	[tilespmem:s7+$0x16880] =	vst v0  }
0x2d: {  	[tilespmem:s7+$0x16890] =	vst v1  }
.Ltmp0:
0x2e: {  	[tilespmem:s7+$0x168A0] =	vst v2;
	(pc) =	sbr.rel @p1 .LBB2_2-.Ltmp0, $4  }
0x2f: {  	[tilespmem:s7+$0x168B0] =	vst v3  }
0x30: {  	[tilespmem:s7+$0x168C0] =	vst v4  }
0x31: {  	[tilespmem:s7+$0x168D0] =	vst v5  }
0x32: {  	[tilespmem:s7+$0x168E0] =	vst v6;
	s7 =	sshra.s32 s8, $0x2;
	s8 =	sadd.s32 $0x200, s8  }
0x33: {  	[tilespmem:s7+$0x168F0] =	vst v7  }
0x34: {  	[tilespmem:s7+$0x16880] =	vst v0  }
0x35: {  	[tilespmem:s7+$0x16890] =	vst v1  }
0x36: {  	[tilespmem:s7+$0x168A0] =	vst v2  }
0x37: {  	[tilespmem:s7+$0x168B0] =	vst v3  }
0x38: {  	[tilespmem:s7+$0x168C0] =	vst v4  }
0x39: {  	[tilespmem:s7+$0x168D0] =	vst v5  }
0x3a: {  	[tilespmem:s7+$0x168E0] =	vst v6;
	s15 =	rddreg [dreg:$0x7]  }
0x3b: {  	[hbm4b:s15+s6] =	stream.linear.scatter [tilespmem:s12], [sflag:$0x9], $0x4000, $0x38;
	[tilespmem:$0x1C740] =	vst v63  }
0x3c: {  	_ =	swait.ge [sflag:s23], $0x3200  }
0x3d: {  	[sflag:s23] =	ssyncset.done $0x0  }
0x3e: {  	[sflag:s23] =	ssyncadd.s32 $0xFFFFCE00  }
0x3f: {  	_ =	swait.ge [sflag:s24], $0x3200  }
0x40: {  	[sflag:s24] =	ssyncset.done $0x0  }
0x41: {  	s7 =	simm.s32 @!p0 $0xA;
	[sflag:s24] =	ssyncadd.s32 $0xFFFFCE00  }
0x42: {  	_ =	swait.ge @!p0 [sflag:s7], $0x3E80  }
0x43: {  	[sflag:s7] =	ssyncset.done @!p0 $0x0  }
0x44: {  	[sflag:s7] =	ssyncadd.s32 @!p0 $0xFFFFC180  }
0x45: {  	[bflag:$0x0] =	sbarrier.arrive $0xFFFF  }
0x46: {  	[tilespmem:s26], [sflag:$0x1] =	stream.indirect.gather [spmem:s5], $0x80, s11, s25, $0xb8;
	[tilespmem:$0x1C740] =	vst v63  }
0x47: {  	s19 =	simm.s32 $0x3480  }
0x48: {  	[tilespmem:s29], [sflag:$0x2] =	stream.indirect.gather [spmem:s5], $0x80, s19, s25, $0xb8;
	[tilespmem:$0x1C740] =	vst v63  }
0x49: {  	s22 =	simm.s32 $0x3500  }
0x4a: {  	[tilespmem:s31], [sflag:$0x3] =	stream.indirect.gather [spmem:s5], $0x80, s22, s25, $0xb8;
	[tilespmem:$0x1C740] =	vst v63  }
0x4b: {  	_ =	swait.ge [sflag:s3], $0x4000  }
0x4c: {  	[sflag:s3] =	ssyncset.done $0x0  }
0x4d: {  	[sflag:s3] =	ssyncadd.s32 $0xFFFFC000  }
0x4e: {  	v0 =	vld [tilespmem:$0x0]  }
0x4f: {  	v5 =	vld [tilespmem:$0x10]  }
0x50: {  	v6 =	vld [tilespmem:$0x20]  }
0x51: {  	v4 =	vld [tilespmem:$0x30]  }
0x52: {  	v3 =	vld [tilespmem:$0x40]  }
0x53: {  	v2 =	vld [tilespmem:$0x50]  }
0x54: {  	v1 =	vld [tilespmem:$0x60]  }
0x55: {  	s8 =	simm.s32 $0x6A00;
	v7 =	vld [tilespmem:$0x70]  }
0x56: {  	v8 =	vld [tilespmem:s8+$0x1F0]  }
0x57: {  	v9 =	vld [tilespmem:s8+$0xFFFFFE10]  }
0x58: {  	v10 =	vld [tilespmem:s8+$0xFFFFFE20]  }
0x59: {  	v19 =	vld [tilespmem:s8+$0xFFFFFEB0]  }
0x5a: {  	v16 =	vld [tilespmem:s8+$0xFFFFFE80]  }
0x5b: {  	v12 =	vld [tilespmem:s8+$0xFFFFFE40];
	v8 =	vadd.f32 v8, v7  }
0x5c: {  	v11 =	vld [tilespmem:s8+$0xFFFFFE30];
	v9 =	vadd.f32 v9, v5  }
0x5d: {  	v14 =	vld [tilespmem:s8+$0xFFFFFE60];
	v10 =	vadd.f32 v10, v6;
	[tilespmem:s8+$0x1F0] =	vst v8  }
0x5e: {  	v13 =	vld [tilespmem:s8+$0xFFFFFE50];
	v56 =	vadd.f32 v19, v4;
	[tilespmem:s8+$0xFFFFFE10] =	vst v9  }
0x5f: {  	v17 =	vld [tilespmem:s8+$0xFFFFFE90];
	v8 =	vadd.f32 v16, v0;
	[tilespmem:s8+$0xFFFFFE20] =	vst v10  }
0x60: {  	v9 =	vld [tilespmem:s8+$0xFFFFFEE0];
	v10 =	vadd.f32 v12, v3;
	[tilespmem:s8+$0xFFFFFEB0] =	vst v56  }
0x61: {  	v15 =	vld [tilespmem:s8+$0xFFFFFE70];
	[tilespmem:s8+$0xFFFFFE80] =	vst v8;
	v8 =	vadd.f32 v11, v4  }
0x62: {  	v12 =	vld [tilespmem:s8+$0xFFFFFF00];
	[tilespmem:s8+$0xFFFFFE40] =	vst v10;
	v10 =	vadd.f32 v14, v1  }
0x63: {  	v11 =	vld [tilespmem:s8+$0xFFFFFEF0];
	[tilespmem:s8+$0xFFFFFE30] =	vst v8;
	v8 =	vadd.f32 v13, v2  }
0x64: {  	v20 =	vld [tilespmem:s8+$0xFFFFFEC0];
	[tilespmem:s8+$0xFFFFFE60] =	vst v10;
	v10 =	vadd.f32 v17, v5  }
0x65: {  	v18 =	vld [tilespmem:s8+$0xFFFFFEA0];
	v9 =	vadd.f32 v9, v1;
	[tilespmem:s8+$0xFFFFFE50] =	vst v8  }
0x66: {  	v14 =	vld [tilespmem:s8+$0xFFFFFF20];
	v8 =	vadd.f32 v15, v7;
	[tilespmem:s8+$0xFFFFFE90] =	vst v10  }
0x67: {  	v54 =	vld [tilespmem:s8+$0xFFFFFED0];
	v10 =	vadd.f32 v12, v0;
	[tilespmem:s8+$0xFFFFFEE0] =	vst v9  }
0x68: {  	v13 =	vld [tilespmem:s8+$0xFFFFFF10];
	v11 =	vadd.f32 v11, v7;
	[tilespmem:s8+$0xFFFFFE70] =	vst v8  }
0x69: {  	v55 =	vld [tilespmem:s8+$0xFFFFFF40];
	[tilespmem:s8+$0xFFFFFF00] =	vst v10;
	v10 =	vadd.f32 v20, v3  }
0x6a: {  	v15 =	vld [tilespmem:s8+$0xFFFFFF30];
	v8 =	vadd.f32 v18, v6;
	[tilespmem:s8+$0xFFFFFEF0] =	vst v11  }
0x6b: {  	v11 =	vadd.f32 v14, v6;
	[tilespmem:s8+$0xFFFFFEC0] =	vst v10;
	v10 =	vld [tilespmem:s8+$0xFFFFFF80]  }
0x6c: {  	v16 =	vadd.f32 v54, v2;
	[tilespmem:s8+$0xFFFFFEA0] =	vst v8;
	v8 =	vld [tilespmem:s8+$0xFFFFFF60]  }
0x6d: {  	v9 =	vadd.f32 v13, v5;
	[tilespmem:s8+$0xFFFFFF20] =	vst v11;
	v11 =	vld [tilespmem:s8+$0xFFFFFFD0]  }
0x6e: {  	[tilespmem:s8+$0xFFFFFED0] =	vst v16;
	v17 =	vadd.f32 v55, v3;
	v12 =	vld [tilespmem:s8+$0xFFFFFF50]  }
0x6f: {  	v58 =	vld [tilespmem:s8+$0xFFFFFF90];
	[tilespmem:s8+$0xFFFFFF10] =	vst v9;
	v9 =	vadd.f32 v15, v4  }
0x70: {  	v57 =	vld [tilespmem:s8+$0xFFFFFF70];
	[tilespmem:s8+$0xFFFFFF40] =	vst v17;
	v10 =	vadd.f32 v10, v0  }
0x71: {  	v14 =	vld [tilespmem:s8+$0xFFFFFFB0];
	[tilespmem:s8+$0xFFFFFF30] =	vst v9;
	v8 =	vadd.f32 v8, v1  }
0x72: {  	v13 =	vld [tilespmem:s8+$0xFFFFFFA0];
	v11 =	vadd.f32 v11, v2;
	[tilespmem:s8+$0xFFFFFF80] =	vst v10  }
0x73: {  	v59 =	vld [tilespmem:s8+$0x0];
	v10 =	vadd.f32 v12, v2;
	[tilespmem:s8+$0xFFFFFF60] =	vst v8  }
0x74: {  	v15 =	vld [tilespmem:s8+$0xFFFFFFC0];
	v8 =	vadd.f32 v58, v5;
	[tilespmem:s8+$0xFFFFFFD0] =	vst v11  }
0x75: {  	v9 =	vld [tilespmem:s8+$0xFFFFFFE0];
	[tilespmem:s8+$0xFFFFFF50] =	vst v10;
	v10 =	vadd.f32 v57, v7  }
0x76: {  	v12 =	vld [tilespmem:s8+$0xFFFFFFF0];
	[tilespmem:s8+$0xFFFFFF90] =	vst v8;
	v8 =	vadd.f32 v14, v4  }
0x77: {  	v60 =	vld [tilespmem:s8+$0x10];
	[tilespmem:s8+$0xFFFFFF70] =	vst v10;
	v10 =	vadd.f32 v13, v6  }
0x78: {  	v13 =	vld [tilespmem:s8+$0x20];
	[tilespmem:s8+$0xFFFFFFB0] =	vst v8;
	v8 =	vadd.f32 v59, v0  }
0x79: {  	v14 =	vld [tilespmem:s8+$0x30];
	[tilespmem:s8+$0xFFFFFFA0] =	vst v10;
	v10 =	vadd.f32 v15, v3  }
0x7a: {  	v15 =	vld [tilespmem:s8+$0x40];
	[tilespmem:s8+$0x0] =	vst v8;
	v8 =	vadd.f32 v9, v1  }
0x7b: {  	v61 =	vld [tilespmem:s8+$0x50];
	v9 =	vadd.f32 v12, v7;
	[tilespmem:s8+$0xFFFFFFC0] =	vst v10  }
0x7c: {  	v12 =	vld [tilespmem:s8+$0x80];
	[tilespmem:s8+$0xFFFFFFE0] =	vst v8;
	v8 =	vadd.f32 v60, v5  }
0x7d: {  	v10 =	vld [tilespmem:s8+$0x60];
	[tilespmem:s8+$0xFFFFFFF0] =	vst v9;
	v9 =	vadd.f32 v13, v6  }
0x7e: {  	v11 =	vld [tilespmem:s8+$0x70];
	[tilespmem:s8+$0x10] =	vst v8;
	v8 =	vadd.f32 v14, v4  }
0x7f: {  	v13 =	vld [tilespmem:s8+$0x90];
	[tilespmem:s8+$0x20] =	vst v9;
	v9 =	vadd.f32 v15, v3  }
0x80: {  	v14 =	vld [tilespmem:s8+$0xA0];
	[tilespmem:s8+$0x30] =	vst v8;
	v8 =	vadd.f32 v61, v2  }
0x81: {  	v15 =	vld [tilespmem:s8+$0xB0];
	[tilespmem:s8+$0x40] =	vst v9;
	v9 =	vadd.f32 v12, v0  }
0x82: {  	v62 =	vld [tilespmem:s8+$0xC0];
	v10 =	vadd.f32 v10, v1;
	[tilespmem:s8+$0x50] =	vst v8  }
0x83: {  	v12 =	vld [tilespmem:s8+$0xD0];
	[tilespmem:s8+$0x80] =	vst v9;
	v9 =	vadd.f32 v11, v7  }
0x84: {  	v8 =	vld [tilespmem:s8+$0xE0];
	[tilespmem:s8+$0x60] =	vst v10;
	v10 =	vadd.f32 v13, v5  }
0x85: {  	v11 =	vld [tilespmem:s8+$0xF0];
	[tilespmem:s8+$0x70] =	vst v9;
	v9 =	vadd.f32 v14, v6  }
0x86: {  	v13 =	vld [tilespmem:s8+$0x100];
	[tilespmem:s8+$0x90] =	vst v10;
	v10 =	vadd.f32 v15, v4  }
0x87: {  	v14 =	vld [tilespmem:s8+$0x110];
	[tilespmem:s8+$0xA0] =	vst v9;
	v9 =	vadd.f32 v62, v3  }
0x88: {  	v15 =	vld [tilespmem:s8+$0x120];
	[tilespmem:s8+$0xB0] =	vst v10;
	v10 =	vadd.f32 v12, v2  }
0x89: {  	v12 =	vld [tilespmem:s8+$0x130];
	v8 =	vadd.f32 v8, v1;
	[tilespmem:s8+$0xC0] =	vst v9  }
0x8a: {  	v11 =	vadd.f32 v11, v7;
	v9 =	vld [tilespmem:s8+$0x140];
	[tilespmem:s8+$0xD0] =	vst v10  }
0x8b: {  	v10 =	vadd.f32 v13, v0;
	v13 =	vld [tilespmem:s8+$0x150];
	[tilespmem:s8+$0xE0] =	vst v8  }
0x8c: {  	v8 =	vld [tilespmem:s8+$0x160];
	v14 =	vadd.f32 v14, v5;
	[tilespmem:s8+$0xF0] =	vst v11  }
0x8d: {  	v11 =	vld [tilespmem:s8+$0x170];
	[tilespmem:s8+$0x100] =	vst v10;
	v10 =	vadd.f32 v15, v6  }
0x8e: {  	[tilespmem:s8+$0x110] =	vst v14;
	v12 =	vadd.f32 v12, v4;
	v14 =	vld [tilespmem:s8+$0x180]  }
0x8f: {  	v15 =	vld [tilespmem:s8+$0x190];
	[tilespmem:s8+$0x120] =	vst v10;
	v9 =	vadd.f32 v9, v3  }
0x90: {  	v63 =	vld [tilespmem:s8+$0x1A0];
	[tilespmem:s8+$0x130] =	vst v12;
	v10 =	vadd.f32 v13, v2  }
0x91: {  	v12 =	vadd.f32 v8, v1;
	v8 =	vld [tilespmem:s8+$0x1B0];
	[tilespmem:s8+$0x140] =	vst v9  }
0x92: {  	v11 =	vadd.f32 v11, v7;
	[tilespmem:s8+$0x150] =	vst v10;
	v9 =	vld [tilespmem:s8+$0x1C0]  }
0x93: {  	[tilespmem:s8+$0x160] =	vst v12;
	v10 =	vld [tilespmem:s8+$0x1D0];
	v14 =	vadd.f32 v14, v0  }
0x94: {  	v13 =	vadd.f32 v15, v5;
	[tilespmem:s8+$0x170] =	vst v11;
	v11 =	vld [tilespmem:s8+$0x1E0]  }
0x95: {  	s10 =	simm.s32 $0x0;
	s7 =	simm.s32 $0x6E00;
	v12 =	vld [tilespmem:s8+$0xFFFFFE00];
	[tilespmem:s8+$0x180] =	vst v14;
	v14 =	vadd.f32 v63, v6  }
.LBB2_4:
0x96: {  	v15 =	vld [tilespmem:s7+$0x1F0];
	s10 =	sadd.s32 $0x8, s10;
	[tilespmem:s8+$0x190] =	vst v13;
	v8 =	vadd.f32 v8, v4  }
0x97: {  	v13 =	vld [tilespmem:s7+$0xFFFFFE10];
	p1 =	slt.u32 s10, $0x78;
	[tilespmem:s8+$0x1A0] =	vst v14;
	v9 =	vadd.f32 v9, v3  }
0x98: {  	v14 =	vld [tilespmem:s7+$0xFFFFFE20];
	[tilespmem:s8+$0x1B0] =	vst v8;
	v8 =	vadd.f32 v10, v2  }
0x99: {  	v10 =	vld [tilespmem:s7+$0xFFFFFE30];
	[tilespmem:s8+$0x1C0] =	vst v9;
	v9 =	vadd.f32 v11, v1  }
0x9a: {  	v11 =	vld [tilespmem:s7+$0xFFFFFE40];
	v12 =	vadd.f32 v12, v0;
	[tilespmem:s8+$0x1D0] =	vst v8  }
0x9b: {  	v8 =	vld [tilespmem:s7+$0xFFFFFE50];
	v15 =	vadd.f32 v15, v7;
	[tilespmem:s8+$0x1E0] =	vst v9  }
0x9c: {  	v9 =	vadd.f32 v13, v5;
	v13 =	vld [tilespmem:s7+$0xFFFFFE60];
	[tilespmem:s8+$0xFFFFFE00] =	vst v12;
	s8 =	smov.u32 s7  }
0x9d: {  	v12 =	vadd.f32 v14, v6;
	v14 =	vld [tilespmem:s7+$0xFFFFFE70];
	[tilespmem:s7+$0x1F0] =	vst v15  }
0x9e: {  	[tilespmem:s7+$0xFFFFFE10] =	vst v9;
	v9 =	vadd.f32 v10, v4;
	v10 =	vld [tilespmem:s7+$0xFFFFFE80]  }
0x9f: {  	[tilespmem:s7+$0xFFFFFE20] =	vst v12;
	v11 =	vadd.f32 v11, v3;
	v12 =	vld [tilespmem:s7+$0xFFFFFE90]  }
0xa0: {  	[tilespmem:s7+$0xFFFFFE30] =	vst v9;
	v8 =	vadd.f32 v8, v2;
	v9 =	vld [tilespmem:s7+$0xFFFFFEA0]  }
0xa1: {  	[tilespmem:s7+$0xFFFFFE40] =	vst v11;
	v11 =	vadd.f32 v13, v1;
	v13 =	vld [tilespmem:s7+$0xFFFFFEB0]  }
0xa2: {  	[tilespmem:s7+$0xFFFFFE50] =	vst v8;
	v8 =	vadd.f32 v14, v7;
	v14 =	vld [tilespmem:s7+$0xFFFFFEC0]  }
0xa3: {  	[tilespmem:s7+$0xFFFFFE60] =	vst v11;
	v10 =	vadd.f32 v10, v0;
	v11 =	vld [tilespmem:s7+$0xFFFFFED0]  }
0xa4: {  	[tilespmem:s7+$0xFFFFFE70] =	vst v8;
	v8 =	vadd.f32 v12, v5;
	v12 =	vld [tilespmem:s7+$0xFFFFFEE0]  }
0xa5: {  	[tilespmem:s7+$0xFFFFFE80] =	vst v10;
	v9 =	vadd.f32 v9, v6;
	v10 =	vld [tilespmem:s7+$0xFFFFFEF0]  }
0xa6: {  	[tilespmem:s7+$0xFFFFFE90] =	vst v8;
	v8 =	vadd.f32 v13, v4;
	v13 =	vld [tilespmem:s7+$0xFFFFFF00]  }
0xa7: {  	[tilespmem:s7+$0xFFFFFEA0] =	vst v9;
	v9 =	vadd.f32 v14, v3;
	v14 =	vld [tilespmem:s7+$0xFFFFFF10]  }
0xa8: {  	[tilespmem:s7+$0xFFFFFEB0] =	vst v8;
	v8 =	vadd.f32 v11, v2;
	v11 =	vld [tilespmem:s7+$0xFFFFFF20]  }
0xa9: {  	[tilespmem:s7+$0xFFFFFEC0] =	vst v9;
	v9 =	vadd.f32 v12, v1;
	v12 =	vld [tilespmem:s7+$0xFFFFFF30]  }
0xaa: {  	[tilespmem:s7+$0xFFFFFED0] =	vst v8;
	v8 =	vadd.f32 v10, v7;
	v10 =	vld [tilespmem:s7+$0xFFFFFF40]  }
0xab: {  	[tilespmem:s7+$0xFFFFFEE0] =	vst v9;
	v9 =	vadd.f32 v13, v0;
	v13 =	vld [tilespmem:s7+$0xFFFFFF50]  }
0xac: {  	[tilespmem:s7+$0xFFFFFEF0] =	vst v8;
	v8 =	vadd.f32 v14, v5;
	v14 =	vld [tilespmem:s7+$0xFFFFFF60]  }
0xad: {  	[tilespmem:s7+$0xFFFFFF00] =	vst v9;
	v9 =	vadd.f32 v11, v6;
	v11 =	vld [tilespmem:s7+$0xFFFFFF70]  }
0xae: {  	[tilespmem:s7+$0xFFFFFF10] =	vst v8;
	v8 =	vadd.f32 v12, v4;
	v12 =	vld [tilespmem:s7+$0xFFFFFF80]  }
0xaf: {  	[tilespmem:s7+$0xFFFFFF20] =	vst v9;
	v9 =	vadd.f32 v10, v3;
	v10 =	vld [tilespmem:s7+$0xFFFFFF90]  }
0xb0: {  	[tilespmem:s7+$0xFFFFFF30] =	vst v8;
	v8 =	vadd.f32 v13, v2;
	v13 =	vld [tilespmem:s7+$0xFFFFFFA0]  }
0xb1: {  	[tilespmem:s7+$0xFFFFFF40] =	vst v9;
	v9 =	vadd.f32 v14, v1;
	v14 =	vld [tilespmem:s7+$0xFFFFFFB0]  }
0xb2: {  	[tilespmem:s7+$0xFFFFFF50] =	vst v8;
	v8 =	vadd.f32 v11, v7;
	v11 =	vld [tilespmem:s7+$0xFFFFFFC0]  }
0xb3: {  	[tilespmem:s7+$0xFFFFFF60] =	vst v9;
	v9 =	vadd.f32 v12, v0;
	v12 =	vld [tilespmem:s7+$0xFFFFFFD0]  }
0xb4: {  	[tilespmem:s7+$0xFFFFFF70] =	vst v8;
	v8 =	vadd.f32 v10, v5;
	v10 =	vld [tilespmem:s7+$0xFFFFFFE0]  }
0xb5: {  	[tilespmem:s7+$0xFFFFFF80] =	vst v9;
	v9 =	vadd.f32 v13, v6;
	v13 =	vld [tilespmem:s7+$0xFFFFFFF0]  }
0xb6: {  	[tilespmem:s7+$0xFFFFFF90] =	vst v8;
	v8 =	vadd.f32 v14, v4;
	v14 =	vld [tilespmem:s7+$0x0]  }
0xb7: {  	[tilespmem:s7+$0xFFFFFFA0] =	vst v9;
	v9 =	vadd.f32 v11, v3;
	v11 =	vld [tilespmem:s7+$0x10]  }
0xb8: {  	[tilespmem:s7+$0xFFFFFFB0] =	vst v8;
	v8 =	vadd.f32 v12, v2;
	v12 =	vld [tilespmem:s7+$0x20]  }
0xb9: {  	[tilespmem:s7+$0xFFFFFFC0] =	vst v9;
	v9 =	vadd.f32 v10, v1;
	v10 =	vld [tilespmem:s7+$0x30]  }
0xba: {  	[tilespmem:s7+$0xFFFFFFD0] =	vst v8;
	v8 =	vadd.f32 v13, v7;
	v13 =	vld [tilespmem:s7+$0x40]  }
0xbb: {  	[tilespmem:s7+$0xFFFFFFE0] =	vst v9;
	v9 =	vadd.f32 v14, v0;
	v14 =	vld [tilespmem:s7+$0x50]  }
0xbc: {  	[tilespmem:s7+$0xFFFFFFF0] =	vst v8;
	v8 =	vadd.f32 v11, v5;
	v11 =	vld [tilespmem:s7+$0x60]  }
0xbd: {  	[tilespmem:s7+$0x0] =	vst v9;
	v9 =	vadd.f32 v12, v6;
	v12 =	vld [tilespmem:s7+$0x70]  }
0xbe: {  	[tilespmem:s7+$0x10] =	vst v8;
	v8 =	vadd.f32 v10, v4;
	v10 =	vld [tilespmem:s7+$0x80]  }
0xbf: {  	[tilespmem:s7+$0x20] =	vst v9;
	v9 =	vadd.f32 v13, v3;
	v13 =	vld [tilespmem:s7+$0x90]  }
0xc0: {  	[tilespmem:s7+$0x30] =	vst v8;
	v8 =	vadd.f32 v14, v2;
	v14 =	vld [tilespmem:s7+$0xA0]  }
0xc1: {  	[tilespmem:s7+$0x40] =	vst v9;
	v9 =	vadd.f32 v11, v1;
	v11 =	vld [tilespmem:s7+$0xB0]  }
0xc2: {  	[tilespmem:s7+$0x50] =	vst v8;
	v8 =	vadd.f32 v12, v7;
	v12 =	vld [tilespmem:s7+$0xC0]  }
0xc3: {  	[tilespmem:s7+$0x60] =	vst v9;
	v9 =	vadd.f32 v10, v0;
	v10 =	vld [tilespmem:s7+$0xD0]  }
0xc4: {  	[tilespmem:s7+$0x70] =	vst v8;
	v8 =	vadd.f32 v13, v5;
	v13 =	vld [tilespmem:s7+$0xE0]  }
0xc5: {  	[tilespmem:s7+$0x80] =	vst v9;
	v9 =	vadd.f32 v14, v6;
	v14 =	vld [tilespmem:s7+$0xF0]  }
0xc6: {  	[tilespmem:s7+$0x90] =	vst v8;
	v8 =	vadd.f32 v11, v4;
	v11 =	vld [tilespmem:s7+$0x100]  }
0xc7: {  	[tilespmem:s7+$0xA0] =	vst v9;
	v9 =	vadd.f32 v12, v3;
	v12 =	vld [tilespmem:s7+$0x110]  }
0xc8: {  	[tilespmem:s7+$0xB0] =	vst v8;
	v8 =	vadd.f32 v10, v2;
	v10 =	vld [tilespmem:s7+$0x120]  }
0xc9: {  	[tilespmem:s7+$0xC0] =	vst v9;
	v9 =	vadd.f32 v13, v1;
	v13 =	vld [tilespmem:s7+$0x130]  }
0xca: {  	[tilespmem:s7+$0xD0] =	vst v8;
	v8 =	vadd.f32 v14, v7;
	v14 =	vld [tilespmem:s7+$0x140]  }
0xcb: {  	[tilespmem:s7+$0xE0] =	vst v9;
	v9 =	vadd.f32 v11, v0;
	v11 =	vld [tilespmem:s7+$0x150]  }
0xcc: {  	[tilespmem:s7+$0xF0] =	vst v8;
	v8 =	vadd.f32 v12, v5;
	v12 =	vld [tilespmem:s7+$0x160]  }
0xcd: {  	[tilespmem:s7+$0x100] =	vst v9;
	v9 =	vadd.f32 v10, v6;
	v10 =	vld [tilespmem:s7+$0x170]  }
0xce: {  	[tilespmem:s7+$0x110] =	vst v8;
	v8 =	vadd.f32 v13, v4;
	v13 =	vld [tilespmem:s7+$0x180]  }
0xcf: {  	[tilespmem:s7+$0x120] =	vst v9;
	v9 =	vadd.f32 v14, v3;
	v14 =	vld [tilespmem:s7+$0x190]  }
0xd0: {  	[tilespmem:s7+$0x130] =	vst v8;
	v11 =	vadd.f32 v11, v2;
	v15 =	vld [tilespmem:s7+$0x1A0]  }
.Ltmp1:
0xd1: {  	[tilespmem:s7+$0x140] =	vst v9;
	v12 =	vadd.f32 v12, v1;
	v8 =	vld [tilespmem:s7+$0x1B0];
	(pc) =	sbr.rel @p1 .LBB2_4-.Ltmp1, $4  }
0xd2: {  	[tilespmem:s7+$0x150] =	vst v11;
	v11 =	vadd.f32 v10, v7;
	v9 =	vld [tilespmem:s7+$0x1C0]  }
0xd3: {  	[tilespmem:s7+$0x160] =	vst v12;
	v16 =	vadd.f32 v13, v0;
	v10 =	vld [tilespmem:s7+$0x1D0]  }
0xd4: {  	[tilespmem:s7+$0x170] =	vst v11;
	v13 =	vadd.f32 v14, v5;
	v11 =	vld [tilespmem:s7+$0x1E0]  }
0xd5: {  	s7 =	sadd.s32 $0x400, s7;
	v12 =	vld [tilespmem:s8+$0xFFFFFE00];
	[tilespmem:s8+$0x180] =	vst v16;
	v14 =	vadd.f32 v15, v6  }
0xd6: {  	[tilespmem:s8+$0x190] =	vst v13;
	v4 =	vadd.f32 v8, v4  }
0xd7: {  	[tilespmem:s8+$0x1A0] =	vst v14;
	v3 =	vadd.f32 v9, v3  }
0xd8: {  	[tilespmem:s8+$0x1B0] =	vst v4;
	v2 =	vadd.f32 v10, v2  }
0xd9: {  	[tilespmem:s8+$0x1C0] =	vst v3;
	v1 =	vadd.f32 v11, v1  }
0xda: {  	v0 =	vadd.f32 v12, v0;
	[tilespmem:s8+$0x1D0] =	vst v2  }
0xdb: {  	[tilespmem:s8+$0x1E0] =	vst v1  }
0xdc: {  	[tilespmem:s8+$0xFFFFFE00] =	vst v0  }
0xdd: {  	s7 =	rddreg [dreg:$0x9]  }
0xde: {  	[hbm4b:s7+s6] =	stream.linear.scatter [tilespmem:s26], [sflag:$0x5], $0x4000, $0x38;
	[tilespmem:$0x1C740] =	vst v63  }
0xdf: {  	s22 =	simm.s32 $0x3580  }
0xe0: {  	[tilespmem:s1], [sflag:$0x4] =	stream.indirect.gather [spmem:s5], $0x80, s22, s25, $0xb8;
	[tilespmem:$0x1C740] =	vst v63  }
0xe1: {  	_ =	swait.ge [sflag:s2], $0x4000  }
0xe2: {  	[sflag:s2] =	ssyncset.done $0x0  }
0xe3: {  	[sflag:s2] =	ssyncadd.s32 $0xFFFFC000  }
0xe4: {  	v0 =	vld [tilespmem:$0x80]  }
0xe5: {  	v5 =	vld [tilespmem:$0x90]  }
0xe6: {  	v6 =	vld [tilespmem:$0xA0]  }
0xe7: {  	v4 =	vld [tilespmem:$0xB0]  }
0xe8: {  	v3 =	vld [tilespmem:$0xC0]  }
0xe9: {  	v2 =	vld [tilespmem:$0xD0]  }
0xea: {  	v1 =	vld [tilespmem:$0xE0]  }
0xeb: {  	s8 =	simm.s32 $0xA800;
	v7 =	vld [tilespmem:$0xF0]  }
0xec: {  	v8 =	vld [tilespmem:s8+$0x3F0]  }
0xed: {  	v9 =	vld [tilespmem:s8+$0x10]  }
0xee: {  	v10 =	vld [tilespmem:s8+$0x20]  }
0xef: {  	v19 =	vld [tilespmem:s8+$0xB0]  }
0xf0: {  	v16 =	vld [tilespmem:s8+$0x80]  }
0xf1: {  	v12 =	vld [tilespmem:s8+$0x40];
	v8 =	vadd.f32 v8, v7  }
0xf2: {  	v11 =	vld [tilespmem:s8+$0x30];
	v9 =	vadd.f32 v9, v5  }
0xf3: {  	v14 =	vld [tilespmem:s8+$0x60];
	v10 =	vadd.f32 v10, v6;
	[tilespmem:s8+$0x3F0] =	vst v8  }
0xf4: {  	v13 =	vld [tilespmem:s8+$0x50];
	v56 =	vadd.f32 v19, v4;
	[tilespmem:s8+$0x10] =	vst v9  }
0xf5: {  	v17 =	vld [tilespmem:s8+$0x90];
	v8 =	vadd.f32 v16, v0;
	[tilespmem:s8+$0x20] =	vst v10  }
0xf6: {  	v9 =	vld [tilespmem:s8+$0xE0];
	v10 =	vadd.f32 v12, v3;
	[tilespmem:s8+$0xB0] =	vst v56  }
0xf7: {  	v15 =	vld [tilespmem:s8+$0x70];
	[tilespmem:s8+$0x80] =	vst v8;
	v8 =	vadd.f32 v11, v4  }
0xf8: {  	v12 =	vld [tilespmem:s8+$0x100];
	[tilespmem:s8+$0x40] =	vst v10;
	v10 =	vadd.f32 v14, v1  }
0xf9: {  	v11 =	vld [tilespmem:s8+$0xF0];
	[tilespmem:s8+$0x30] =	vst v8;
	v8 =	vadd.f32 v13, v2  }
0xfa: {  	v20 =	vld [tilespmem:s8+$0xC0];
	[tilespmem:s8+$0x60] =	vst v10;
	v10 =	vadd.f32 v17, v5  }
0xfb: {  	v18 =	vld [tilespmem:s8+$0xA0];
	v9 =	vadd.f32 v9, v1;
	[tilespmem:s8+$0x50] =	vst v8  }
0xfc: {  	v14 =	vld [tilespmem:s8+$0x120];
	v8 =	vadd.f32 v15, v7;
	[tilespmem:s8+$0x90] =	vst v10  }
0xfd: {  	v54 =	vld [tilespmem:s8+$0xD0];
	v10 =	vadd.f32 v12, v0;
	[tilespmem:s8+$0xE0] =	vst v9  }
0xfe: {  	v13 =	vld [tilespmem:s8+$0x110];
	v11 =	vadd.f32 v11, v7;
	[tilespmem:s8+$0x70] =	vst v8  }
0xff: {  	v55 =	vld [tilespmem:s8+$0x140];
	[tilespmem:s8+$0x100] =	vst v10;
	v10 =	vadd.f32 v20, v3  }
0x100: {  	v15 =	vld [tilespmem:s8+$0x130];
	v8 =	vadd.f32 v18, v6;
	[tilespmem:s8+$0xF0] =	vst v11  }
0x101: {  	v11 =	vadd.f32 v14, v6;
	[tilespmem:s8+$0xC0] =	vst v10;
	v10 =	vld [tilespmem:s8+$0x180]  }
0x102: {  	v16 =	vadd.f32 v54, v2;
	[tilespmem:s8+$0xA0] =	vst v8;
	v8 =	vld [tilespmem:s8+$0x160]  }
0x103: {  	v9 =	vadd.f32 v13, v5;
	[tilespmem:s8+$0x120] =	vst v11;
	v11 =	vld [tilespmem:s8+$0x1D0]  }
0x104: {  	[tilespmem:s8+$0xD0] =	vst v16;
	v17 =	vadd.f32 v55, v3;
	v12 =	vld [tilespmem:s8+$0x150]  }
0x105: {  	v58 =	vld [tilespmem:s8+$0x190];
	[tilespmem:s8+$0x110] =	vst v9;
	v9 =	vadd.f32 v15, v4  }
0x106: {  	v57 =	vld [tilespmem:s8+$0x170];
	[tilespmem:s8+$0x140] =	vst v17;
	v10 =	vadd.f32 v10, v0  }
0x107: {  	v14 =	vld [tilespmem:s8+$0x1B0];
	[tilespmem:s8+$0x130] =	vst v9;
	v8 =	vadd.f32 v8, v1  }
0x108: {  	v13 =	vld [tilespmem:s8+$0x1A0];
	v11 =	vadd.f32 v11, v2;
	[tilespmem:s8+$0x180] =	vst v10  }
0x109: {  	v59 =	vld [tilespmem:s8+$0x200];
	v10 =	vadd.f32 v12, v2;
	[tilespmem:s8+$0x160] =	vst v8  }
0x10a: {  	v15 =	vld [tilespmem:s8+$0x1C0];
	v8 =	vadd.f32 v58, v5;
	[tilespmem:s8+$0x1D0] =	vst v11  }
0x10b: {  	v9 =	vld [tilespmem:s8+$0x1E0];
	[tilespmem:s8+$0x150] =	vst v10;
	v10 =	vadd.f32 v57, v7  }
0x10c: {  	v12 =	vld [tilespmem:s8+$0x1F0];
	[tilespmem:s8+$0x190] =	vst v8;
	v8 =	vadd.f32 v14, v4  }
0x10d: {  	v60 =	vld [tilespmem:s8+$0x210];
	[tilespmem:s8+$0x170] =	vst v10;
	v10 =	vadd.f32 v13, v6  }
0x10e: {  	v13 =	vld [tilespmem:s8+$0x220];
	[tilespmem:s8+$0x1B0] =	vst v8;
	v8 =	vadd.f32 v59, v0  }
0x10f: {  	v14 =	vld [tilespmem:s8+$0x230];
	[tilespmem:s8+$0x1A0] =	vst v10;
	v10 =	vadd.f32 v15, v3  }
0x110: {  	v15 =	vld [tilespmem:s8+$0x240];
	[tilespmem:s8+$0x200] =	vst v8;
	v8 =	vadd.f32 v9, v1  }
0x111: {  	v61 =	vld [tilespmem:s8+$0x250];
	v9 =	vadd.f32 v12, v7;
	[tilespmem:s8+$0x1C0] =	vst v10  }
0x112: {  	v12 =	vld [tilespmem:s8+$0x280];
	[tilespmem:s8+$0x1E0] =	vst v8;
	v8 =	vadd.f32 v60, v5  }
0x113: {  	v10 =	vld [tilespmem:s8+$0x260];
	[tilespmem:s8+$0x1F0] =	vst v9;
	v9 =	vadd.f32 v13, v6  }
0x114: {  	v11 =	vld [tilespmem:s8+$0x270];
	[tilespmem:s8+$0x210] =	vst v8;
	v8 =	vadd.f32 v14, v4  }
0x115: {  	v13 =	vld [tilespmem:s8+$0x290];
	[tilespmem:s8+$0x220] =	vst v9;
	v9 =	vadd.f32 v15, v3  }
0x116: {  	v14 =	vld [tilespmem:s8+$0x2A0];
	[tilespmem:s8+$0x230] =	vst v8;
	v8 =	vadd.f32 v61, v2  }
0x117: {  	v15 =	vld [tilespmem:s8+$0x2B0];
	[tilespmem:s8+$0x240] =	vst v9;
	v9 =	vadd.f32 v12, v0  }
0x118: {  	v62 =	vld [tilespmem:s8+$0x2C0];
	v10 =	vadd.f32 v10, v1;
	[tilespmem:s8+$0x250] =	vst v8  }
0x119: {  	v12 =	vld [tilespmem:s8+$0x2D0];
	[tilespmem:s8+$0x280] =	vst v9;
	v9 =	vadd.f32 v11, v7  }
0x11a: {  	v8 =	vld [tilespmem:s8+$0x2E0];
	[tilespmem:s8+$0x260] =	vst v10;
	v10 =	vadd.f32 v13, v5  }
0x11b: {  	v11 =	vld [tilespmem:s8+$0x2F0];
	[tilespmem:s8+$0x270] =	vst v9;
	v9 =	vadd.f32 v14, v6  }
0x11c: {  	v13 =	vld [tilespmem:s8+$0x300];
	[tilespmem:s8+$0x290] =	vst v10;
	v10 =	vadd.f32 v15, v4  }
0x11d: {  	v14 =	vld [tilespmem:s8+$0x310];
	[tilespmem:s8+$0x2A0] =	vst v9;
	v9 =	vadd.f32 v62, v3  }
0x11e: {  	v15 =	vld [tilespmem:s8+$0x320];
	[tilespmem:s8+$0x2B0] =	vst v10;
	v10 =	vadd.f32 v12, v2  }
0x11f: {  	v12 =	vld [tilespmem:s8+$0x330];
	v8 =	vadd.f32 v8, v1;
	[tilespmem:s8+$0x2C0] =	vst v9  }
0x120: {  	v11 =	vadd.f32 v11, v7;
	v9 =	vld [tilespmem:s8+$0x340];
	[tilespmem:s8+$0x2D0] =	vst v10  }
0x121: {  	v10 =	vadd.f32 v13, v0;
	v13 =	vld [tilespmem:s8+$0x350];
	[tilespmem:s8+$0x2E0] =	vst v8  }
0x122: {  	v8 =	vld [tilespmem:s8+$0x360];
	v14 =	vadd.f32 v14, v5;
	[tilespmem:s8+$0x2F0] =	vst v11  }
0x123: {  	v11 =	vld [tilespmem:s8+$0x370];
	[tilespmem:s8+$0x300] =	vst v10;
	v10 =	vadd.f32 v15, v6  }
0x124: {  	[tilespmem:s8+$0x310] =	vst v14;
	v12 =	vadd.f32 v12, v4;
	v14 =	vld [tilespmem:s8+$0x380]  }
0x125: {  	v15 =	vld [tilespmem:s8+$0x390];
	[tilespmem:s8+$0x320] =	vst v10;
	v9 =	vadd.f32 v9, v3  }
0x126: {  	v63 =	vld [tilespmem:s8+$0x3A0];
	[tilespmem:s8+$0x330] =	vst v12;
	v10 =	vadd.f32 v13, v2  }
0x127: {  	v12 =	vadd.f32 v8, v1;
	v8 =	vld [tilespmem:s8+$0x3B0];
	[tilespmem:s8+$0x340] =	vst v9  }
0x128: {  	v11 =	vadd.f32 v11, v7;
	[tilespmem:s8+$0x350] =	vst v10;
	v9 =	vld [tilespmem:s8+$0x3C0]  }
0x129: {  	[tilespmem:s8+$0x360] =	vst v12;
	v10 =	vld [tilespmem:s8+$0x3D0];
	v14 =	vadd.f32 v14, v0  }
0x12a: {  	v13 =	vadd.f32 v15, v5;
	[tilespmem:s8+$0x370] =	vst v11;
	v11 =	vld [tilespmem:s8+$0x3E0]  }
0x12b: {  	s10 =	simm.s32 $0x0;
	s7 =	simm.s32 $0xAC00;
	v12 =	vld [tilespmem:s8+$0x0];
	[tilespmem:s8+$0x380] =	vst v14;
	v14 =	vadd.f32 v63, v6  }
.LBB2_6:
0x12c: {  	v15 =	vld [tilespmem:s7+$0x3F0];
	s10 =	sadd.s32 $0x8, s10;
	[tilespmem:s8+$0x390] =	vst v13;
	v8 =	vadd.f32 v8, v4  }
0x12d: {  	v13 =	vld [tilespmem:s7+$0x10];
	p1 =	slt.u32 s10, $0x78;
	[tilespmem:s8+$0x3A0] =	vst v14;
	v9 =	vadd.f32 v9, v3  }
0x12e: {  	v14 =	vld [tilespmem:s7+$0x20];
	[tilespmem:s8+$0x3B0] =	vst v8;
	v8 =	vadd.f32 v10, v2  }
0x12f: {  	v10 =	vld [tilespmem:s7+$0x30];
	[tilespmem:s8+$0x3C0] =	vst v9;
	v9 =	vadd.f32 v11, v1  }
0x130: {  	v11 =	vld [tilespmem:s7+$0x40];
	v12 =	vadd.f32 v12, v0;
	[tilespmem:s8+$0x3D0] =	vst v8  }
0x131: {  	v8 =	vld [tilespmem:s7+$0x50];
	v15 =	vadd.f32 v15, v7;
	[tilespmem:s8+$0x3E0] =	vst v9  }
0x132: {  	v9 =	vadd.f32 v13, v5;
	v13 =	vld [tilespmem:s7+$0x60];
	[tilespmem:s8+$0x0] =	vst v12;
	s8 =	smov.u32 s7  }
0x133: {  	v12 =	vadd.f32 v14, v6;
	v14 =	vld [tilespmem:s7+$0x70];
	[tilespmem:s7+$0x3F0] =	vst v15  }
0x134: {  	[tilespmem:s7+$0x10] =	vst v9;
	v9 =	vadd.f32 v10, v4;
	v10 =	vld [tilespmem:s7+$0x80]  }
0x135: {  	[tilespmem:s7+$0x20] =	vst v12;
	v11 =	vadd.f32 v11, v3;
	v12 =	vld [tilespmem:s7+$0x90]  }
0x136: {  	[tilespmem:s7+$0x30] =	vst v9;
	v8 =	vadd.f32 v8, v2;
	v9 =	vld [tilespmem:s7+$0xA0]  }
0x137: {  	[tilespmem:s7+$0x40] =	vst v11;
	v11 =	vadd.f32 v13, v1;
	v13 =	vld [tilespmem:s7+$0xB0]  }
0x138: {  	[tilespmem:s7+$0x50] =	vst v8;
	v8 =	vadd.f32 v14, v7;
	v14 =	vld [tilespmem:s7+$0xC0]  }
0x139: {  	[tilespmem:s7+$0x60] =	vst v11;
	v10 =	vadd.f32 v10, v0;
	v11 =	vld [tilespmem:s7+$0xD0]  }
0x13a: {  	[tilespmem:s7+$0x70] =	vst v8;
	v8 =	vadd.f32 v12, v5;
	v12 =	vld [tilespmem:s7+$0xE0]  }
0x13b: {  	[tilespmem:s7+$0x80] =	vst v10;
	v9 =	vadd.f32 v9, v6;
	v10 =	vld [tilespmem:s7+$0xF0]  }
0x13c: {  	[tilespmem:s7+$0x90] =	vst v8;
	v8 =	vadd.f32 v13, v4;
	v13 =	vld [tilespmem:s7+$0x100]  }
0x13d: {  	[tilespmem:s7+$0xA0] =	vst v9;
	v9 =	vadd.f32 v14, v3;
	v14 =	vld [tilespmem:s7+$0x110]  }
0x13e: {  	[tilespmem:s7+$0xB0] =	vst v8;
	v8 =	vadd.f32 v11, v2;
	v11 =	vld [tilespmem:s7+$0x120]  }
0x13f: {  	[tilespmem:s7+$0xC0] =	vst v9;
	v9 =	vadd.f32 v12, v1;
	v12 =	vld [tilespmem:s7+$0x130]  }
0x140: {  	[tilespmem:s7+$0xD0] =	vst v8;
	v8 =	vadd.f32 v10, v7;
	v10 =	vld [tilespmem:s7+$0x140]  }
0x141: {  	[tilespmem:s7+$0xE0] =	vst v9;
	v9 =	vadd.f32 v13, v0;
	v13 =	vld [tilespmem:s7+$0x150]  }
0x142: {  	[tilespmem:s7+$0xF0] =	vst v8;
	v8 =	vadd.f32 v14, v5;
	v14 =	vld [tilespmem:s7+$0x160]  }
0x143: {  	[tilespmem:s7+$0x100] =	vst v9;
	v9 =	vadd.f32 v11, v6;
	v11 =	vld [tilespmem:s7+$0x170]  }
0x144: {  	[tilespmem:s7+$0x110] =	vst v8;
	v8 =	vadd.f32 v12, v4;
	v12 =	vld [tilespmem:s7+$0x180]  }
0x145: {  	[tilespmem:s7+$0x120] =	vst v9;
	v9 =	vadd.f32 v10, v3;
	v10 =	vld [tilespmem:s7+$0x190]  }
0x146: {  	[tilespmem:s7+$0x130] =	vst v8;
	v8 =	vadd.f32 v13, v2;
	v13 =	vld [tilespmem:s7+$0x1A0]  }
0x147: {  	[tilespmem:s7+$0x140] =	vst v9;
	v9 =	vadd.f32 v14, v1;
	v14 =	vld [tilespmem:s7+$0x1B0]  }
0x148: {  	[tilespmem:s7+$0x150] =	vst v8;
	v8 =	vadd.f32 v11, v7;
	v11 =	vld [tilespmem:s7+$0x1C0]  }
0x149: {  	[tilespmem:s7+$0x160] =	vst v9;
	v9 =	vadd.f32 v12, v0;
	v12 =	vld [tilespmem:s7+$0x1D0]  }
0x14a: {  	[tilespmem:s7+$0x170] =	vst v8;
	v8 =	vadd.f32 v10, v5;
	v10 =	vld [tilespmem:s7+$0x1E0]  }
0x14b: {  	[tilespmem:s7+$0x180] =	vst v9;
	v9 =	vadd.f32 v13, v6;
	v13 =	vld [tilespmem:s7+$0x1F0]  }
0x14c: {  	[tilespmem:s7+$0x190] =	vst v8;
	v8 =	vadd.f32 v14, v4;
	v14 =	vld [tilespmem:s7+$0x200]  }
0x14d: {  	[tilespmem:s7+$0x1A0] =	vst v9;
	v9 =	vadd.f32 v11, v3;
	v11 =	vld [tilespmem:s7+$0x210]  }
0x14e: {  	[tilespmem:s7+$0x1B0] =	vst v8;
	v8 =	vadd.f32 v12, v2;
	v12 =	vld [tilespmem:s7+$0x220]  }
0x14f: {  	[tilespmem:s7+$0x1C0] =	vst v9;
	v9 =	vadd.f32 v10, v1;
	v10 =	vld [tilespmem:s7+$0x230]  }
0x150: {  	[tilespmem:s7+$0x1D0] =	vst v8;
	v8 =	vadd.f32 v13, v7;
	v13 =	vld [tilespmem:s7+$0x240]  }
0x151: {  	[tilespmem:s7+$0x1E0] =	vst v9;
	v9 =	vadd.f32 v14, v0;
	v14 =	vld [tilespmem:s7+$0x250]  }
0x152: {  	[tilespmem:s7+$0x1F0] =	vst v8;
	v8 =	vadd.f32 v11, v5;
	v11 =	vld [tilespmem:s7+$0x260]  }
0x153: {  	[tilespmem:s7+$0x200] =	vst v9;
	v9 =	vadd.f32 v12, v6;
	v12 =	vld [tilespmem:s7+$0x270]  }
0x154: {  	[tilespmem:s7+$0x210] =	vst v8;
	v8 =	vadd.f32 v10, v4;
	v10 =	vld [tilespmem:s7+$0x280]  }
0x155: {  	[tilespmem:s7+$0x220] =	vst v9;
	v9 =	vadd.f32 v13, v3;
	v13 =	vld [tilespmem:s7+$0x290]  }
0x156: {  	[tilespmem:s7+$0x230] =	vst v8;
	v8 =	vadd.f32 v14, v2;
	v14 =	vld [tilespmem:s7+$0x2A0]  }
0x157: {  	[tilespmem:s7+$0x240] =	vst v9;
	v9 =	vadd.f32 v11, v1;
	v11 =	vld [tilespmem:s7+$0x2B0]  }
0x158: {  	[tilespmem:s7+$0x250] =	vst v8;
	v8 =	vadd.f32 v12, v7;
	v12 =	vld [tilespmem:s7+$0x2C0]  }
0x159: {  	[tilespmem:s7+$0x260] =	vst v9;
	v9 =	vadd.f32 v10, v0;
	v10 =	vld [tilespmem:s7+$0x2D0]  }
0x15a: {  	[tilespmem:s7+$0x270] =	vst v8;
	v8 =	vadd.f32 v13, v5;
	v13 =	vld [tilespmem:s7+$0x2E0]  }
0x15b: {  	[tilespmem:s7+$0x280] =	vst v9;
	v9 =	vadd.f32 v14, v6;
	v14 =	vld [tilespmem:s7+$0x2F0]  }
0x15c: {  	[tilespmem:s7+$0x290] =	vst v8;
	v8 =	vadd.f32 v11, v4;
	v11 =	vld [tilespmem:s7+$0x300]  }
0x15d: {  	[tilespmem:s7+$0x2A0] =	vst v9;
	v9 =	vadd.f32 v12, v3;
	v12 =	vld [tilespmem:s7+$0x310]  }
0x15e: {  	[tilespmem:s7+$0x2B0] =	vst v8;
	v8 =	vadd.f32 v10, v2;
	v10 =	vld [tilespmem:s7+$0x320]  }
0x15f: {  	[tilespmem:s7+$0x2C0] =	vst v9;
	v9 =	vadd.f32 v13, v1;
	v13 =	vld [tilespmem:s7+$0x330]  }
0x160: {  	[tilespmem:s7+$0x2D0] =	vst v8;
	v8 =	vadd.f32 v14, v7;
	v14 =	vld [tilespmem:s7+$0x340]  }
0x161: {  	[tilespmem:s7+$0x2E0] =	vst v9;
	v9 =	vadd.f32 v11, v0;
	v11 =	vld [tilespmem:s7+$0x350]  }
0x162: {  	[tilespmem:s7+$0x2F0] =	vst v8;
	v8 =	vadd.f32 v12, v5;
	v12 =	vld [tilespmem:s7+$0x360]  }
0x163: {  	[tilespmem:s7+$0x300] =	vst v9;
	v9 =	vadd.f32 v10, v6;
	v10 =	vld [tilespmem:s7+$0x370]  }
0x164: {  	[tilespmem:s7+$0x310] =	vst v8;
	v8 =	vadd.f32 v13, v4;
	v13 =	vld [tilespmem:s7+$0x380]  }
0x165: {  	[tilespmem:s7+$0x320] =	vst v9;
	v9 =	vadd.f32 v14, v3;
	v14 =	vld [tilespmem:s7+$0x390]  }
0x166: {  	[tilespmem:s7+$0x330] =	vst v8;
	v11 =	vadd.f32 v11, v2;
	v15 =	vld [tilespmem:s7+$0x3A0]  }
.Ltmp2:
0x167: {  	[tilespmem:s7+$0x340] =	vst v9;
	v12 =	vadd.f32 v12, v1;
	v8 =	vld [tilespmem:s7+$0x3B0];
	(pc) =	sbr.rel @p1 .LBB2_6-.Ltmp2, $4  }
0x168: {  	[tilespmem:s7+$0x350] =	vst v11;
	v11 =	vadd.f32 v10, v7;
	v9 =	vld [tilespmem:s7+$0x3C0]  }
0x169: {  	[tilespmem:s7+$0x360] =	vst v12;
	v16 =	vadd.f32 v13, v0;
	v10 =	vld [tilespmem:s7+$0x3D0]  }
0x16a: {  	[tilespmem:s7+$0x370] =	vst v11;
	v13 =	vadd.f32 v14, v5;
	v11 =	vld [tilespmem:s7+$0x3E0]  }
0x16b: {  	s7 =	sadd.s32 $0x400, s7;
	v12 =	vld [tilespmem:s8+$0x0];
	[tilespmem:s8+$0x380] =	vst v16;
	v14 =	vadd.f32 v15, v6  }
0x16c: {  	[tilespmem:s8+$0x390] =	vst v13;
	v4 =	vadd.f32 v8, v4  }
0x16d: {  	[tilespmem:s8+$0x3A0] =	vst v14;
	v3 =	vadd.f32 v9, v3  }
0x16e: {  	[tilespmem:s8+$0x3B0] =	vst v4;
	v2 =	vadd.f32 v10, v2  }
0x16f: {  	[tilespmem:s8+$0x3C0] =	vst v3;
	v1 =	vadd.f32 v11, v1  }
0x170: {  	v0 =	vadd.f32 v12, v0;
	[tilespmem:s8+$0x3D0] =	vst v2  }
0x171: {  	[tilespmem:s8+$0x3E0] =	vst v1  }
0x172: {  	[tilespmem:s8+$0x0] =	vst v0  }
0x173: {  	s10 =	simm.s32 $0x0;
	s7 =	rddreg [dreg:$0xa]  }
0x174: {  	[hbm4b:s7+s10] =	stream.linear.scatter [tilespmem:s29], [sflag:$0x6], $0x4000, $0x38;
	[tilespmem:$0x1C740] =	vst v63  }
.LBB2_8:
0x175: {  	s14 =	sshll.u32 s10, $0x2  }
0x176: {  	_ =	swait.ge [sflag:s16], $0x4000;
	s15 =	sadd.s32 $0x4, s14  }
0x177: {  	[sflag:s16] =	ssyncset.done $0x0;
	s12 =	sshll.u32 s15, $0x7  }
0x178: {  	[sflag:s16] =	ssyncadd.s32 $0xFFFFC000;
	s7 =	sadd.s32 $0x3400, s12  }
0x179: {  	[tilespmem:s26], [sflag:$0x1] =	stream.indirect.gather [spmem:s5], $0x80, s7, s25, $0xb8;
	[tilespmem:$0x1C740] =	vst v63  }
0x17a: {  	_ =	swait.ge [sflag:s17], $0x4000  }
0x17b: {  	s22 =	sshll.u32 s10, $0xB;
	[sflag:s17] =	ssyncset.done $0x0  }
0x17c: {  	s11 =	sshrl.u32 s22, $0x2;
	[sflag:s17] =	ssyncadd.s32 $0xFFFFC000  }
0x17d: {  	v0 =	vld [tilespmem:s11+$0x100]  }
0x17e: {  	v5 =	vld [tilespmem:s11+$0x110]  }
0x17f: {  	v6 =	vld [tilespmem:s11+$0x120]  }
0x180: {  	v4 =	vld [tilespmem:s11+$0x130]  }
0x181: {  	v3 =	vld [tilespmem:s11+$0x140]  }
0x182: {  	v2 =	vld [tilespmem:s11+$0x150]  }
0x183: {  	v1 =	vld [tilespmem:s11+$0x160]  }
0x184: {  	s13 =	simm.s32 $0xE800;
	v7 =	vld [tilespmem:s11+$0x170]  }
0x185: {  	v8 =	vld [tilespmem:s13+$0x3F0]  }
0x186: {  	v9 =	vld [tilespmem:s13+$0x10]  }
0x187: {  	v10 =	vld [tilespmem:s13+$0x20]  }
0x188: {  	v19 =	vld [tilespmem:s13+$0xB0]  }
0x189: {  	v16 =	vld [tilespmem:s13+$0x80]  }
0x18a: {  	v12 =	vld [tilespmem:s13+$0x40];
	v8 =	vadd.f32 v8, v7  }
0x18b: {  	v11 =	vld [tilespmem:s13+$0x30];
	v9 =	vadd.f32 v9, v5  }
0x18c: {  	v14 =	vld [tilespmem:s13+$0x60];
	v10 =	vadd.f32 v10, v6;
	[tilespmem:s13+$0x3F0] =	vst v8  }
0x18d: {  	v13 =	vld [tilespmem:s13+$0x50];
	v56 =	vadd.f32 v19, v4;
	[tilespmem:s13+$0x10] =	vst v9  }
0x18e: {  	v17 =	vld [tilespmem:s13+$0x90];
	v8 =	vadd.f32 v16, v0;
	[tilespmem:s13+$0x20] =	vst v10  }
0x18f: {  	v9 =	vld [tilespmem:s13+$0xE0];
	v10 =	vadd.f32 v12, v3;
	[tilespmem:s13+$0xB0] =	vst v56  }
0x190: {  	v15 =	vld [tilespmem:s13+$0x70];
	[tilespmem:s13+$0x80] =	vst v8;
	v8 =	vadd.f32 v11, v4  }
0x191: {  	v12 =	vld [tilespmem:s13+$0x100];
	[tilespmem:s13+$0x40] =	vst v10;
	v10 =	vadd.f32 v14, v1  }
0x192: {  	v11 =	vld [tilespmem:s13+$0xF0];
	[tilespmem:s13+$0x30] =	vst v8;
	v8 =	vadd.f32 v13, v2  }
0x193: {  	v20 =	vld [tilespmem:s13+$0xC0];
	[tilespmem:s13+$0x60] =	vst v10;
	v10 =	vadd.f32 v17, v5  }
0x194: {  	v18 =	vld [tilespmem:s13+$0xA0];
	v9 =	vadd.f32 v9, v1;
	[tilespmem:s13+$0x50] =	vst v8  }
0x195: {  	v14 =	vld [tilespmem:s13+$0x120];
	v8 =	vadd.f32 v15, v7;
	[tilespmem:s13+$0x90] =	vst v10  }
0x196: {  	v54 =	vld [tilespmem:s13+$0xD0];
	v10 =	vadd.f32 v12, v0;
	[tilespmem:s13+$0xE0] =	vst v9  }
0x197: {  	v13 =	vld [tilespmem:s13+$0x110];
	v11 =	vadd.f32 v11, v7;
	[tilespmem:s13+$0x70] =	vst v8  }
0x198: {  	v55 =	vld [tilespmem:s13+$0x140];
	[tilespmem:s13+$0x100] =	vst v10;
	v10 =	vadd.f32 v20, v3  }
0x199: {  	v15 =	vld [tilespmem:s13+$0x130];
	v8 =	vadd.f32 v18, v6;
	[tilespmem:s13+$0xF0] =	vst v11  }
0x19a: {  	v11 =	vadd.f32 v14, v6;
	[tilespmem:s13+$0xC0] =	vst v10;
	v10 =	vld [tilespmem:s13+$0x180]  }
0x19b: {  	v16 =	vadd.f32 v54, v2;
	[tilespmem:s13+$0xA0] =	vst v8;
	v8 =	vld [tilespmem:s13+$0x160]  }
0x19c: {  	v9 =	vadd.f32 v13, v5;
	[tilespmem:s13+$0x120] =	vst v11;
	v11 =	vld [tilespmem:s13+$0x1D0]  }
0x19d: {  	[tilespmem:s13+$0xD0] =	vst v16;
	v17 =	vadd.f32 v55, v3;
	v12 =	vld [tilespmem:s13+$0x150]  }
0x19e: {  	v58 =	vld [tilespmem:s13+$0x190];
	[tilespmem:s13+$0x110] =	vst v9;
	v9 =	vadd.f32 v15, v4  }
0x19f: {  	v57 =	vld [tilespmem:s13+$0x170];
	[tilespmem:s13+$0x140] =	vst v17;
	v10 =	vadd.f32 v10, v0  }
0x1a0: {  	v14 =	vld [tilespmem:s13+$0x1B0];
	[tilespmem:s13+$0x130] =	vst v9;
	v8 =	vadd.f32 v8, v1  }
0x1a1: {  	v13 =	vld [tilespmem:s13+$0x1A0];
	v11 =	vadd.f32 v11, v2;
	[tilespmem:s13+$0x180] =	vst v10  }
0x1a2: {  	v59 =	vld [tilespmem:s13+$0x200];
	v10 =	vadd.f32 v12, v2;
	[tilespmem:s13+$0x160] =	vst v8  }
0x1a3: {  	v15 =	vld [tilespmem:s13+$0x1C0];
	v8 =	vadd.f32 v58, v5;
	[tilespmem:s13+$0x1D0] =	vst v11  }
0x1a4: {  	v9 =	vld [tilespmem:s13+$0x1E0];
	[tilespmem:s13+$0x150] =	vst v10;
	v10 =	vadd.f32 v57, v7  }
0x1a5: {  	v12 =	vld [tilespmem:s13+$0x1F0];
	[tilespmem:s13+$0x190] =	vst v8;
	v8 =	vadd.f32 v14, v4  }
0x1a6: {  	v60 =	vld [tilespmem:s13+$0x210];
	[tilespmem:s13+$0x170] =	vst v10;
	v10 =	vadd.f32 v13, v6  }
0x1a7: {  	v13 =	vld [tilespmem:s13+$0x220];
	[tilespmem:s13+$0x1B0] =	vst v8;
	v8 =	vadd.f32 v59, v0  }
0x1a8: {  	v14 =	vld [tilespmem:s13+$0x230];
	[tilespmem:s13+$0x1A0] =	vst v10;
	v10 =	vadd.f32 v15, v3  }
0x1a9: {  	v15 =	vld [tilespmem:s13+$0x240];
	[tilespmem:s13+$0x200] =	vst v8;
	v8 =	vadd.f32 v9, v1  }
0x1aa: {  	v61 =	vld [tilespmem:s13+$0x250];
	v9 =	vadd.f32 v12, v7;
	[tilespmem:s13+$0x1C0] =	vst v10  }
0x1ab: {  	v12 =	vld [tilespmem:s13+$0x280];
	[tilespmem:s13+$0x1E0] =	vst v8;
	v8 =	vadd.f32 v60, v5  }
0x1ac: {  	v10 =	vld [tilespmem:s13+$0x260];
	[tilespmem:s13+$0x1F0] =	vst v9;
	v9 =	vadd.f32 v13, v6  }
0x1ad: {  	v11 =	vld [tilespmem:s13+$0x270];
	[tilespmem:s13+$0x210] =	vst v8;
	v8 =	vadd.f32 v14, v4  }
0x1ae: {  	v13 =	vld [tilespmem:s13+$0x290];
	[tilespmem:s13+$0x220] =	vst v9;
	v9 =	vadd.f32 v15, v3  }
0x1af: {  	v14 =	vld [tilespmem:s13+$0x2A0];
	[tilespmem:s13+$0x230] =	vst v8;
	v8 =	vadd.f32 v61, v2  }
0x1b0: {  	v15 =	vld [tilespmem:s13+$0x2B0];
	[tilespmem:s13+$0x240] =	vst v9;
	v9 =	vadd.f32 v12, v0  }
0x1b1: {  	v62 =	vld [tilespmem:s13+$0x2C0];
	v10 =	vadd.f32 v10, v1;
	[tilespmem:s13+$0x250] =	vst v8  }
0x1b2: {  	v12 =	vld [tilespmem:s13+$0x2D0];
	[tilespmem:s13+$0x280] =	vst v9;
	v9 =	vadd.f32 v11, v7  }
0x1b3: {  	v8 =	vld [tilespmem:s13+$0x2E0];
	[tilespmem:s13+$0x260] =	vst v10;
	v10 =	vadd.f32 v13, v5  }
0x1b4: {  	v11 =	vld [tilespmem:s13+$0x2F0];
	[tilespmem:s13+$0x270] =	vst v9;
	v9 =	vadd.f32 v14, v6  }
0x1b5: {  	v13 =	vld [tilespmem:s13+$0x300];
	[tilespmem:s13+$0x290] =	vst v10;
	v10 =	vadd.f32 v15, v4  }
0x1b6: {  	v14 =	vld [tilespmem:s13+$0x310];
	[tilespmem:s13+$0x2A0] =	vst v9;
	v9 =	vadd.f32 v62, v3  }
0x1b7: {  	v15 =	vld [tilespmem:s13+$0x320];
	[tilespmem:s13+$0x2B0] =	vst v10;
	v10 =	vadd.f32 v12, v2  }
0x1b8: {  	v12 =	vld [tilespmem:s13+$0x330];
	v8 =	vadd.f32 v8, v1;
	[tilespmem:s13+$0x2C0] =	vst v9  }
0x1b9: {  	v11 =	vadd.f32 v11, v7;
	v9 =	vld [tilespmem:s13+$0x340];
	[tilespmem:s13+$0x2D0] =	vst v10  }
0x1ba: {  	v10 =	vadd.f32 v13, v0;
	v13 =	vld [tilespmem:s13+$0x350];
	[tilespmem:s13+$0x2E0] =	vst v8  }
0x1bb: {  	v8 =	vld [tilespmem:s13+$0x360];
	v14 =	vadd.f32 v14, v5;
	[tilespmem:s13+$0x2F0] =	vst v11  }
0x1bc: {  	v11 =	vld [tilespmem:s13+$0x370];
	[tilespmem:s13+$0x300] =	vst v10;
	v10 =	vadd.f32 v15, v6  }
0x1bd: {  	[tilespmem:s13+$0x310] =	vst v14;
	v12 =	vadd.f32 v12, v4;
	v14 =	vld [tilespmem:s13+$0x380]  }
0x1be: {  	v15 =	vld [tilespmem:s13+$0x390];
	[tilespmem:s13+$0x320] =	vst v10;
	v9 =	vadd.f32 v9, v3  }
0x1bf: {  	v63 =	vld [tilespmem:s13+$0x3A0];
	[tilespmem:s13+$0x330] =	vst v12;
	v10 =	vadd.f32 v13, v2  }
0x1c0: {  	v12 =	vadd.f32 v8, v1;
	v8 =	vld [tilespmem:s13+$0x3B0];
	[tilespmem:s13+$0x340] =	vst v9  }
0x1c1: {  	[tilespmem:s13+$0x350] =	vst v10;
	v10 =	vadd.f32 v11, v7;
	v9 =	vld [tilespmem:s13+$0x3C0]  }
0x1c2: {  	[tilespmem:s13+$0x360] =	vst v12;
	v12 =	vld [tilespmem:s13+$0x3D0];
	v14 =	vadd.f32 v14, v0  }
0x1c3: {  	v13 =	vadd.f32 v15, v5;
	[tilespmem:s13+$0x370] =	vst v10;
	v10 =	vld [tilespmem:s13+$0x3E0]  }
0x1c4: {  	s8 =	simm.s32 $0x0;
	s7 =	simm.s32 $0xEC00;
	v11 =	vld [tilespmem:s13+$0x0];
	[tilespmem:s13+$0x380] =	vst v14;
	v14 =	vadd.f32 v63, v6  }
.LBB2_9:
0x1c5: {  	v15 =	vld [tilespmem:s7+$0x3F0];
	s8 =	sadd.s32 $0x8, s8;
	[tilespmem:s13+$0x390] =	vst v13;
	v8 =	vadd.f32 v8, v4  }
0x1c6: {  	v13 =	vld [tilespmem:s7+$0x10];
	p1 =	slt.u32 s8, $0x78;
	[tilespmem:s13+$0x3A0] =	vst v14;
	v9 =	vadd.f32 v9, v3  }
0x1c7: {  	v14 =	vld [tilespmem:s7+$0x20];
	[tilespmem:s13+$0x3B0] =	vst v8;
	v8 =	vadd.f32 v12, v2  }
0x1c8: {  	v12 =	vld [tilespmem:s7+$0x30];
	[tilespmem:s13+$0x3C0] =	vst v9;
	v9 =	vadd.f32 v10, v1  }
0x1c9: {  	v10 =	vld [tilespmem:s7+$0x40];
	v11 =	vadd.f32 v11, v0;
	[tilespmem:s13+$0x3D0] =	vst v8  }
0x1ca: {  	v8 =	vld [tilespmem:s7+$0x50];
	v15 =	vadd.f32 v15, v7;
	[tilespmem:s13+$0x3E0] =	vst v9  }
0x1cb: {  	v9 =	vadd.f32 v13, v5;
	v13 =	vld [tilespmem:s7+$0x60];
	[tilespmem:s13+$0x0] =	vst v11;
	s13 =	smov.u32 s7  }
0x1cc: {  	v11 =	vadd.f32 v14, v6;
	v14 =	vld [tilespmem:s7+$0x70];
	[tilespmem:s7+$0x3F0] =	vst v15  }
0x1cd: {  	[tilespmem:s7+$0x10] =	vst v9;
	v9 =	vadd.f32 v12, v4;
	v12 =	vld [tilespmem:s7+$0x80]  }
0x1ce: {  	[tilespmem:s7+$0x20] =	vst v11;
	v10 =	vadd.f32 v10, v3;
	v11 =	vld [tilespmem:s7+$0x90]  }
0x1cf: {  	[tilespmem:s7+$0x30] =	vst v9;
	v8 =	vadd.f32 v8, v2;
	v9 =	vld [tilespmem:s7+$0xA0]  }
0x1d0: {  	[tilespmem:s7+$0x40] =	vst v10;
	v10 =	vadd.f32 v13, v1;
	v13 =	vld [tilespmem:s7+$0xB0]  }
0x1d1: {  	[tilespmem:s7+$0x50] =	vst v8;
	v8 =	vadd.f32 v14, v7;
	v14 =	vld [tilespmem:s7+$0xC0]  }
0x1d2: {  	[tilespmem:s7+$0x60] =	vst v10;
	v10 =	vadd.f32 v12, v0;
	v12 =	vld [tilespmem:s7+$0xD0]  }
0x1d3: {  	[tilespmem:s7+$0x70] =	vst v8;
	v8 =	vadd.f32 v11, v5;
	v11 =	vld [tilespmem:s7+$0xE0]  }
0x1d4: {  	[tilespmem:s7+$0x80] =	vst v10;
	v9 =	vadd.f32 v9, v6;
	v10 =	vld [tilespmem:s7+$0xF0]  }
0x1d5: {  	[tilespmem:s7+$0x90] =	vst v8;
	v8 =	vadd.f32 v13, v4;
	v13 =	vld [tilespmem:s7+$0x100]  }
0x1d6: {  	[tilespmem:s7+$0xA0] =	vst v9;
	v9 =	vadd.f32 v14, v3;
	v14 =	vld [tilespmem:s7+$0x110]  }
0x1d7: {  	[tilespmem:s7+$0xB0] =	vst v8;
	v8 =	vadd.f32 v12, v2;
	v12 =	vld [tilespmem:s7+$0x120]  }
0x1d8: {  	[tilespmem:s7+$0xC0] =	vst v9;
	v9 =	vadd.f32 v11, v1;
	v11 =	vld [tilespmem:s7+$0x130]  }
0x1d9: {  	[tilespmem:s7+$0xD0] =	vst v8;
	v8 =	vadd.f32 v10, v7;
	v10 =	vld [tilespmem:s7+$0x140]  }
0x1da: {  	[tilespmem:s7+$0xE0] =	vst v9;
	v9 =	vadd.f32 v13, v0;
	v13 =	vld [tilespmem:s7+$0x150]  }
0x1db: {  	[tilespmem:s7+$0xF0] =	vst v8;
	v8 =	vadd.f32 v14, v5;
	v14 =	vld [tilespmem:s7+$0x160]  }
0x1dc: {  	[tilespmem:s7+$0x100] =	vst v9;
	v9 =	vadd.f32 v12, v6;
	v12 =	vld [tilespmem:s7+$0x170]  }
0x1dd: {  	[tilespmem:s7+$0x110] =	vst v8;
	v8 =	vadd.f32 v11, v4;
	v11 =	vld [tilespmem:s7+$0x180]  }
0x1de: {  	[tilespmem:s7+$0x120] =	vst v9;
	v9 =	vadd.f32 v10, v3;
	v10 =	vld [tilespmem:s7+$0x190]  }
0x1df: {  	[tilespmem:s7+$0x130] =	vst v8;
	v8 =	vadd.f32 v13, v2;
	v13 =	vld [tilespmem:s7+$0x1A0]  }
0x1e0: {  	[tilespmem:s7+$0x140] =	vst v9;
	v9 =	vadd.f32 v14, v1;
	v14 =	vld [tilespmem:s7+$0x1B0]  }
0x1e1: {  	[tilespmem:s7+$0x150] =	vst v8;
	v8 =	vadd.f32 v12, v7;
	v12 =	vld [tilespmem:s7+$0x1C0]  }
0x1e2: {  	[tilespmem:s7+$0x160] =	vst v9;
	v9 =	vadd.f32 v11, v0;
	v11 =	vld [tilespmem:s7+$0x1D0]  }
0x1e3: {  	[tilespmem:s7+$0x170] =	vst v8;
	v8 =	vadd.f32 v10, v5;
	v10 =	vld [tilespmem:s7+$0x1E0]  }
0x1e4: {  	[tilespmem:s7+$0x180] =	vst v9;
	v9 =	vadd.f32 v13, v6;
	v13 =	vld [tilespmem:s7+$0x1F0]  }
0x1e5: {  	[tilespmem:s7+$0x190] =	vst v8;
	v8 =	vadd.f32 v14, v4;
	v14 =	vld [tilespmem:s7+$0x200]  }
0x1e6: {  	[tilespmem:s7+$0x1A0] =	vst v9;
	v9 =	vadd.f32 v12, v3;
	v12 =	vld [tilespmem:s7+$0x210]  }
0x1e7: {  	[tilespmem:s7+$0x1B0] =	vst v8;
	v8 =	vadd.f32 v11, v2;
	v11 =	vld [tilespmem:s7+$0x220]  }
0x1e8: {  	[tilespmem:s7+$0x1C0] =	vst v9;
	v9 =	vadd.f32 v10, v1;
	v10 =	vld [tilespmem:s7+$0x230]  }
0x1e9: {  	[tilespmem:s7+$0x1D0] =	vst v8;
	v8 =	vadd.f32 v13, v7;
	v13 =	vld [tilespmem:s7+$0x240]  }
0x1ea: {  	[tilespmem:s7+$0x1E0] =	vst v9;
	v9 =	vadd.f32 v14, v0;
	v14 =	vld [tilespmem:s7+$0x250]  }
0x1eb: {  	[tilespmem:s7+$0x1F0] =	vst v8;
	v8 =	vadd.f32 v12, v5;
	v12 =	vld [tilespmem:s7+$0x260]  }
0x1ec: {  	[tilespmem:s7+$0x200] =	vst v9;
	v9 =	vadd.f32 v11, v6;
	v11 =	vld [tilespmem:s7+$0x270]  }
0x1ed: {  	[tilespmem:s7+$0x210] =	vst v8;
	v8 =	vadd.f32 v10, v4;
	v10 =	vld [tilespmem:s7+$0x280]  }
0x1ee: {  	[tilespmem:s7+$0x220] =	vst v9;
	v9 =	vadd.f32 v13, v3;
	v13 =	vld [tilespmem:s7+$0x290]  }
0x1ef: {  	[tilespmem:s7+$0x230] =	vst v8;
	v8 =	vadd.f32 v14, v2;
	v14 =	vld [tilespmem:s7+$0x2A0]  }
0x1f0: {  	[tilespmem:s7+$0x240] =	vst v9;
	v9 =	vadd.f32 v12, v1;
	v12 =	vld [tilespmem:s7+$0x2B0]  }
0x1f1: {  	[tilespmem:s7+$0x250] =	vst v8;
	v8 =	vadd.f32 v11, v7;
	v11 =	vld [tilespmem:s7+$0x2C0]  }
0x1f2: {  	[tilespmem:s7+$0x260] =	vst v9;
	v9 =	vadd.f32 v10, v0;
	v10 =	vld [tilespmem:s7+$0x2D0]  }
0x1f3: {  	[tilespmem:s7+$0x270] =	vst v8;
	v8 =	vadd.f32 v13, v5;
	v13 =	vld [tilespmem:s7+$0x2E0]  }
0x1f4: {  	[tilespmem:s7+$0x280] =	vst v9;
	v9 =	vadd.f32 v14, v6;
	v14 =	vld [tilespmem:s7+$0x2F0]  }
0x1f5: {  	[tilespmem:s7+$0x290] =	vst v8;
	v8 =	vadd.f32 v12, v4;
	v12 =	vld [tilespmem:s7+$0x300]  }
0x1f6: {  	[tilespmem:s7+$0x2A0] =	vst v9;
	v9 =	vadd.f32 v11, v3;
	v11 =	vld [tilespmem:s7+$0x310]  }
0x1f7: {  	[tilespmem:s7+$0x2B0] =	vst v8;
	v8 =	vadd.f32 v10, v2;
	v10 =	vld [tilespmem:s7+$0x320]  }
0x1f8: {  	[tilespmem:s7+$0x2C0] =	vst v9;
	v9 =	vadd.f32 v13, v1;
	v13 =	vld [tilespmem:s7+$0x330]  }
0x1f9: {  	[tilespmem:s7+$0x2D0] =	vst v8;
	v8 =	vadd.f32 v14, v7;
	v14 =	vld [tilespmem:s7+$0x340]  }
0x1fa: {  	[tilespmem:s7+$0x2E0] =	vst v9;
	v9 =	vadd.f32 v12, v0;
	v12 =	vld [tilespmem:s7+$0x350]  }
0x1fb: {  	[tilespmem:s7+$0x2F0] =	vst v8;
	v8 =	vadd.f32 v11, v5;
	v11 =	vld [tilespmem:s7+$0x360]  }
0x1fc: {  	[tilespmem:s7+$0x300] =	vst v9;
	v9 =	vadd.f32 v10, v6;
	v10 =	vld [tilespmem:s7+$0x370]  }
0x1fd: {  	[tilespmem:s7+$0x310] =	vst v8;
	v8 =	vadd.f32 v13, v4;
	v13 =	vld [tilespmem:s7+$0x380]  }
0x1fe: {  	[tilespmem:s7+$0x320] =	vst v9;
	v9 =	vadd.f32 v14, v3;
	v14 =	vld [tilespmem:s7+$0x390]  }
0x1ff: {  	[tilespmem:s7+$0x330] =	vst v8;
	v12 =	vadd.f32 v12, v2;
	v15 =	vld [tilespmem:s7+$0x3A0]  }
.Ltmp3:
0x200: {  	[tilespmem:s7+$0x340] =	vst v9;
	v11 =	vadd.f32 v11, v1;
	v8 =	vld [tilespmem:s7+$0x3B0];
	(pc) =	sbr.rel @p1 .LBB2_9-.Ltmp3, $4  }
0x201: {  	[tilespmem:s7+$0x350] =	vst v12;
	v10 =	vadd.f32 v10, v7;
	v9 =	vld [tilespmem:s7+$0x3C0]  }
0x202: {  	[tilespmem:s7+$0x360] =	vst v11;
	v16 =	vadd.f32 v13, v0;
	v12 =	vld [tilespmem:s7+$0x3D0]  }
0x203: {  	[tilespmem:s7+$0x370] =	vst v10;
	v13 =	vadd.f32 v14, v5;
	v10 =	vld [tilespmem:s7+$0x3E0]  }
0x204: {  	s7 =	sadd.s32 $0x400, s7;
	v11 =	vld [tilespmem:s13+$0x0];
	[tilespmem:s13+$0x380] =	vst v16;
	v14 =	vadd.f32 v15, v6  }
0x205: {  	[tilespmem:s13+$0x390] =	vst v13;
	v4 =	vadd.f32 v8, v4  }
0x206: {  	[tilespmem:s13+$0x3A0] =	vst v14;
	v3 =	vadd.f32 v9, v3  }
0x207: {  	s7 =	sor.u32 $0x3, s14;
	[tilespmem:s13+$0x3B0] =	vst v4;
	v2 =	vadd.f32 v12, v2  }
0x208: {  	s8 =	sshll.u32 s7, $0x13;
	[tilespmem:s13+$0x3C0] =	vst v3;
	v1 =	vadd.f32 v10, v1  }
0x209: {  	s8 =	sor.u32 s9, s8;
	v0 =	vadd.f32 v11, v0;
	[tilespmem:s13+$0x3D0] =	vst v2  }
0x20a: {  	s8 =	sshrl.u32 s8, $0x3;
	[tilespmem:s13+$0x3E0] =	vst v1  }
0x20b: {  	s8 =	sadd.s32 s4, s8;
	[tilespmem:s13+$0x0] =	vst v0  }
0x20c: {  	[hbm4b:s8+s6] =	stream.linear.scatter [tilespmem:s31], [sflag:$0x7], $0x4000, $0x38;
	[tilespmem:$0x1C740] =	vst v63  }
0x20d: {  	s19 =	sadd.s32 $0x5, s14;
	_ =	swait.ge [sflag:s20], $0x4000  }
0x20e: {  	s13 =	sshll.u32 s19, $0x7;
	[sflag:s20] =	ssyncset.done $0x0  }
0x20f: {  	s22 =	sadd.s32 $0x3400, s13;
	[sflag:s20] =	ssyncadd.s32 $0xFFFFC000  }
0x210: {  	[tilespmem:s29], [sflag:$0x2] =	stream.indirect.gather [spmem:s5], $0x80, s22, s25, $0xb8;
	[tilespmem:$0x1C740] =	vst v63  }
0x211: {  	_ =	swait.ge [sflag:s28], $0x4000  }
0x212: {  	s7 =	sshll.u32 s7, $0x7;
	[sflag:s28] =	ssyncset.done $0x0  }
0x213: {  	s7 =	sand.u32 $0x3FFFFF80, s7;
	[sflag:s28] =	ssyncadd.s32 $0xFFFFC000  }
0x214: {  	v0 =	vld [tilespmem:s7+$0x0]  }
0x215: {  	v5 =	vld [tilespmem:s7+$0x10]  }
0x216: {  	v6 =	vld [tilespmem:s7+$0x20]  }
0x217: {  	v4 =	vld [tilespmem:s7+$0x30]  }
0x218: {  	v3 =	vld [tilespmem:s7+$0x40]  }
0x219: {  	v2 =	vld [tilespmem:s7+$0x50]  }
0x21a: {  	v1 =	vld [tilespmem:s7+$0x60]  }
0x21b: {  	s8 =	simm.s32 $0x12800;
	v7 =	vld [tilespmem:s7+$0x70]  }
0x21c: {  	v8 =	vld [tilespmem:s8+$0x3F0]  }
0x21d: {  	v9 =	vld [tilespmem:s8+$0x10]  }
0x21e: {  	v10 =	vld [tilespmem:s8+$0x20]  }
0x21f: {  	v19 =	vld [tilespmem:s8+$0xB0]  }
0x220: {  	v16 =	vld [tilespmem:s8+$0x80]  }
0x221: {  	v12 =	vld [tilespmem:s8+$0x40];
	v8 =	vadd.f32 v8, v7  }
0x222: {  	v11 =	vld [tilespmem:s8+$0x30];
	v9 =	vadd.f32 v9, v5  }
0x223: {  	v14 =	vld [tilespmem:s8+$0x60];
	v10 =	vadd.f32 v10, v6;
	[tilespmem:s8+$0x3F0] =	vst v8  }
0x224: {  	v13 =	vld [tilespmem:s8+$0x50];
	v56 =	vadd.f32 v19, v4;
	[tilespmem:s8+$0x10] =	vst v9  }
0x225: {  	v17 =	vld [tilespmem:s8+$0x90];
	v8 =	vadd.f32 v16, v0;
	[tilespmem:s8+$0x20] =	vst v10  }
0x226: {  	v9 =	vld [tilespmem:s8+$0xE0];
	v10 =	vadd.f32 v12, v3;
	[tilespmem:s8+$0xB0] =	vst v56  }
0x227: {  	v15 =	vld [tilespmem:s8+$0x70];
	[tilespmem:s8+$0x80] =	vst v8;
	v8 =	vadd.f32 v11, v4  }
0x228: {  	v12 =	vld [tilespmem:s8+$0x100];
	[tilespmem:s8+$0x40] =	vst v10;
	v10 =	vadd.f32 v14, v1  }
0x229: {  	v11 =	vld [tilespmem:s8+$0xF0];
	[tilespmem:s8+$0x30] =	vst v8;
	v8 =	vadd.f32 v13, v2  }
0x22a: {  	v20 =	vld [tilespmem:s8+$0xC0];
	[tilespmem:s8+$0x60] =	vst v10;
	v10 =	vadd.f32 v17, v5  }
0x22b: {  	v18 =	vld [tilespmem:s8+$0xA0];
	v9 =	vadd.f32 v9, v1;
	[tilespmem:s8+$0x50] =	vst v8  }
0x22c: {  	v14 =	vld [tilespmem:s8+$0x120];
	v8 =	vadd.f32 v15, v7;
	[tilespmem:s8+$0x90] =	vst v10  }
0x22d: {  	v54 =	vld [tilespmem:s8+$0xD0];
	v10 =	vadd.f32 v12, v0;
	[tilespmem:s8+$0xE0] =	vst v9  }
0x22e: {  	v13 =	vld [tilespmem:s8+$0x110];
	v11 =	vadd.f32 v11, v7;
	[tilespmem:s8+$0x70] =	vst v8  }
0x22f: {  	v55 =	vld [tilespmem:s8+$0x140];
	[tilespmem:s8+$0x100] =	vst v10;
	v10 =	vadd.f32 v20, v3  }
0x230: {  	v15 =	vld [tilespmem:s8+$0x130];
	v8 =	vadd.f32 v18, v6;
	[tilespmem:s8+$0xF0] =	vst v11  }
0x231: {  	v11 =	vadd.f32 v14, v6;
	[tilespmem:s8+$0xC0] =	vst v10;
	v10 =	vld [tilespmem:s8+$0x180]  }
0x232: {  	v16 =	vadd.f32 v54, v2;
	[tilespmem:s8+$0xA0] =	vst v8;
	v8 =	vld [tilespmem:s8+$0x160]  }
0x233: {  	v9 =	vadd.f32 v13, v5;
	[tilespmem:s8+$0x120] =	vst v11;
	v11 =	vld [tilespmem:s8+$0x1D0]  }
0x234: {  	[tilespmem:s8+$0xD0] =	vst v16;
	v17 =	vadd.f32 v55, v3;
	v12 =	vld [tilespmem:s8+$0x150]  }
0x235: {  	v58 =	vld [tilespmem:s8+$0x190];
	[tilespmem:s8+$0x110] =	vst v9;
	v9 =	vadd.f32 v15, v4  }
0x236: {  	v57 =	vld [tilespmem:s8+$0x170];
	[tilespmem:s8+$0x140] =	vst v17;
	v10 =	vadd.f32 v10, v0  }
0x237: {  	v14 =	vld [tilespmem:s8+$0x1B0];
	[tilespmem:s8+$0x130] =	vst v9;
	v8 =	vadd.f32 v8, v1  }
0x238: {  	v13 =	vld [tilespmem:s8+$0x1A0];
	v11 =	vadd.f32 v11, v2;
	[tilespmem:s8+$0x180] =	vst v10  }
0x239: {  	v59 =	vld [tilespmem:s8+$0x200];
	v10 =	vadd.f32 v12, v2;
	[tilespmem:s8+$0x160] =	vst v8  }
0x23a: {  	v15 =	vld [tilespmem:s8+$0x1C0];
	v8 =	vadd.f32 v58, v5;
	[tilespmem:s8+$0x1D0] =	vst v11  }
0x23b: {  	v9 =	vld [tilespmem:s8+$0x1E0];
	[tilespmem:s8+$0x150] =	vst v10;
	v10 =	vadd.f32 v57, v7  }
0x23c: {  	v12 =	vld [tilespmem:s8+$0x1F0];
	[tilespmem:s8+$0x190] =	vst v8;
	v8 =	vadd.f32 v14, v4  }
0x23d: {  	v60 =	vld [tilespmem:s8+$0x210];
	[tilespmem:s8+$0x170] =	vst v10;
	v10 =	vadd.f32 v13, v6  }
0x23e: {  	v13 =	vld [tilespmem:s8+$0x220];
	[tilespmem:s8+$0x1B0] =	vst v8;
	v8 =	vadd.f32 v59, v0  }
0x23f: {  	v14 =	vld [tilespmem:s8+$0x230];
	[tilespmem:s8+$0x1A0] =	vst v10;
	v10 =	vadd.f32 v15, v3  }
0x240: {  	v15 =	vld [tilespmem:s8+$0x240];
	[tilespmem:s8+$0x200] =	vst v8;
	v8 =	vadd.f32 v9, v1  }
0x241: {  	v61 =	vld [tilespmem:s8+$0x250];
	v9 =	vadd.f32 v12, v7;
	[tilespmem:s8+$0x1C0] =	vst v10  }
0x242: {  	v12 =	vld [tilespmem:s8+$0x280];
	[tilespmem:s8+$0x1E0] =	vst v8;
	v8 =	vadd.f32 v60, v5  }
0x243: {  	v10 =	vld [tilespmem:s8+$0x260];
	[tilespmem:s8+$0x1F0] =	vst v9;
	v9 =	vadd.f32 v13, v6  }
0x244: {  	v11 =	vld [tilespmem:s8+$0x270];
	[tilespmem:s8+$0x210] =	vst v8;
	v8 =	vadd.f32 v14, v4  }
0x245: {  	v13 =	vld [tilespmem:s8+$0x290];
	[tilespmem:s8+$0x220] =	vst v9;
	v9 =	vadd.f32 v15, v3  }
0x246: {  	v14 =	vld [tilespmem:s8+$0x2A0];
	[tilespmem:s8+$0x230] =	vst v8;
	v8 =	vadd.f32 v61, v2  }
0x247: {  	v15 =	vld [tilespmem:s8+$0x2B0];
	[tilespmem:s8+$0x240] =	vst v9;
	v9 =	vadd.f32 v12, v0  }
0x248: {  	v62 =	vld [tilespmem:s8+$0x2C0];
	v10 =	vadd.f32 v10, v1;
	[tilespmem:s8+$0x250] =	vst v8  }
0x249: {  	v12 =	vld [tilespmem:s8+$0x2D0];
	[tilespmem:s8+$0x280] =	vst v9;
	v9 =	vadd.f32 v11, v7  }
0x24a: {  	v8 =	vld [tilespmem:s8+$0x2E0];
	[tilespmem:s8+$0x260] =	vst v10;
	v10 =	vadd.f32 v13, v5  }
0x24b: {  	v11 =	vld [tilespmem:s8+$0x2F0];
	[tilespmem:s8+$0x270] =	vst v9;
	v9 =	vadd.f32 v14, v6  }
0x24c: {  	v13 =	vld [tilespmem:s8+$0x300];
	[tilespmem:s8+$0x290] =	vst v10;
	v10 =	vadd.f32 v15, v4  }
0x24d: {  	v14 =	vld [tilespmem:s8+$0x310];
	[tilespmem:s8+$0x2A0] =	vst v9;
	v9 =	vadd.f32 v62, v3  }
0x24e: {  	v15 =	vld [tilespmem:s8+$0x320];
	[tilespmem:s8+$0x2B0] =	vst v10;
	v10 =	vadd.f32 v12, v2  }
0x24f: {  	v12 =	vld [tilespmem:s8+$0x330];
	v8 =	vadd.f32 v8, v1;
	[tilespmem:s8+$0x2C0] =	vst v9  }
0x250: {  	v11 =	vadd.f32 v11, v7;
	v9 =	vld [tilespmem:s8+$0x340];
	[tilespmem:s8+$0x2D0] =	vst v10  }
0x251: {  	v10 =	vadd.f32 v13, v0;
	v13 =	vld [tilespmem:s8+$0x350];
	[tilespmem:s8+$0x2E0] =	vst v8  }
0x252: {  	v8 =	vld [tilespmem:s8+$0x360];
	v14 =	vadd.f32 v14, v5;
	[tilespmem:s8+$0x2F0] =	vst v11  }
0x253: {  	v11 =	vld [tilespmem:s8+$0x370];
	[tilespmem:s8+$0x300] =	vst v10;
	v10 =	vadd.f32 v15, v6  }
0x254: {  	[tilespmem:s8+$0x310] =	vst v14;
	v12 =	vadd.f32 v12, v4;
	v14 =	vld [tilespmem:s8+$0x380]  }
0x255: {  	v15 =	vld [tilespmem:s8+$0x390];
	[tilespmem:s8+$0x320] =	vst v10;
	v9 =	vadd.f32 v9, v3  }
0x256: {  	v63 =	vld [tilespmem:s8+$0x3A0];
	[tilespmem:s8+$0x330] =	vst v12;
	v10 =	vadd.f32 v13, v2  }
0x257: {  	v12 =	vadd.f32 v8, v1;
	v8 =	vld [tilespmem:s8+$0x3B0];
	[tilespmem:s8+$0x340] =	vst v9  }
0x258: {  	v11 =	vadd.f32 v11, v7;
	[tilespmem:s8+$0x350] =	vst v10;
	v9 =	vld [tilespmem:s8+$0x3C0]  }
0x259: {  	[tilespmem:s8+$0x360] =	vst v12;
	v10 =	vld [tilespmem:s8+$0x3D0];
	v14 =	vadd.f32 v14, v0  }
0x25a: {  	v13 =	vadd.f32 v15, v5;
	[tilespmem:s8+$0x370] =	vst v11;
	v11 =	vld [tilespmem:s8+$0x3E0]  }
0x25b: {  	s22 =	simm.s32 $0x12C00;
	s7 =	simm.s32 $0x0;
	v12 =	vld [tilespmem:s8+$0x0];
	[tilespmem:s8+$0x380] =	vst v14;
	v14 =	vadd.f32 v63, v6  }
.LBB2_11:
0x25c: {  	v15 =	vld [tilespmem:s22+$0x3F0];
	s7 =	sadd.s32 $0x8, s7;
	[tilespmem:s8+$0x390] =	vst v13;
	v8 =	vadd.f32 v8, v4  }
0x25d: {  	v13 =	vld [tilespmem:s22+$0x10];
	p1 =	slt.u32 s7, $0x78;
	[tilespmem:s8+$0x3A0] =	vst v14;
	v9 =	vadd.f32 v9, v3  }
0x25e: {  	v14 =	vld [tilespmem:s22+$0x20];
	[tilespmem:s8+$0x3B0] =	vst v8;
	v8 =	vadd.f32 v10, v2  }
0x25f: {  	v10 =	vld [tilespmem:s22+$0x30];
	[tilespmem:s8+$0x3C0] =	vst v9;
	v9 =	vadd.f32 v11, v1  }
0x260: {  	v11 =	vld [tilespmem:s22+$0x40];
	v12 =	vadd.f32 v12, v0;
	[tilespmem:s8+$0x3D0] =	vst v8  }
0x261: {  	v8 =	vld [tilespmem:s22+$0x50];
	v15 =	vadd.f32 v15, v7;
	[tilespmem:s8+$0x3E0] =	vst v9  }
0x262: {  	v9 =	vadd.f32 v13, v5;
	v13 =	vld [tilespmem:s22+$0x60];
	[tilespmem:s8+$0x0] =	vst v12;
	s8 =	smov.u32 s22  }
0x263: {  	v12 =	vadd.f32 v14, v6;
	v14 =	vld [tilespmem:s22+$0x70];
	[tilespmem:s22+$0x3F0] =	vst v15  }
0x264: {  	[tilespmem:s22+$0x10] =	vst v9;
	v9 =	vadd.f32 v10, v4;
	v10 =	vld [tilespmem:s22+$0x80]  }
0x265: {  	[tilespmem:s22+$0x20] =	vst v12;
	v11 =	vadd.f32 v11, v3;
	v12 =	vld [tilespmem:s22+$0x90]  }
0x266: {  	[tilespmem:s22+$0x30] =	vst v9;
	v8 =	vadd.f32 v8, v2;
	v9 =	vld [tilespmem:s22+$0xA0]  }
0x267: {  	[tilespmem:s22+$0x40] =	vst v11;
	v11 =	vadd.f32 v13, v1;
	v13 =	vld [tilespmem:s22+$0xB0]  }
0x268: {  	[tilespmem:s22+$0x50] =	vst v8;
	v8 =	vadd.f32 v14, v7;
	v14 =	vld [tilespmem:s22+$0xC0]  }
0x269: {  	[tilespmem:s22+$0x60] =	vst v11;
	v10 =	vadd.f32 v10, v0;
	v11 =	vld [tilespmem:s22+$0xD0]  }
0x26a: {  	[tilespmem:s22+$0x70] =	vst v8;
	v8 =	vadd.f32 v12, v5;
	v12 =	vld [tilespmem:s22+$0xE0]  }
0x26b: {  	[tilespmem:s22+$0x80] =	vst v10;
	v9 =	vadd.f32 v9, v6;
	v10 =	vld [tilespmem:s22+$0xF0]  }
0x26c: {  	[tilespmem:s22+$0x90] =	vst v8;
	v8 =	vadd.f32 v13, v4;
	v13 =	vld [tilespmem:s22+$0x100]  }
0x26d: {  	[tilespmem:s22+$0xA0] =	vst v9;
	v9 =	vadd.f32 v14, v3;
	v14 =	vld [tilespmem:s22+$0x110]  }
0x26e: {  	[tilespmem:s22+$0xB0] =	vst v8;
	v8 =	vadd.f32 v11, v2;
	v11 =	vld [tilespmem:s22+$0x120]  }
0x26f: {  	[tilespmem:s22+$0xC0] =	vst v9;
	v9 =	vadd.f32 v12, v1;
	v12 =	vld [tilespmem:s22+$0x130]  }
0x270: {  	[tilespmem:s22+$0xD0] =	vst v8;
	v8 =	vadd.f32 v10, v7;
	v10 =	vld [tilespmem:s22+$0x140]  }
0x271: {  	[tilespmem:s22+$0xE0] =	vst v9;
	v9 =	vadd.f32 v13, v0;
	v13 =	vld [tilespmem:s22+$0x150]  }
0x272: {  	[tilespmem:s22+$0xF0] =	vst v8;
	v8 =	vadd.f32 v14, v5;
	v14 =	vld [tilespmem:s22+$0x160]  }
0x273: {  	[tilespmem:s22+$0x100] =	vst v9;
	v9 =	vadd.f32 v11, v6;
	v11 =	vld [tilespmem:s22+$0x170]  }
0x274: {  	[tilespmem:s22+$0x110] =	vst v8;
	v8 =	vadd.f32 v12, v4;
	v12 =	vld [tilespmem:s22+$0x180]  }
0x275: {  	[tilespmem:s22+$0x120] =	vst v9;
	v9 =	vadd.f32 v10, v3;
	v10 =	vld [tilespmem:s22+$0x190]  }
0x276: {  	[tilespmem:s22+$0x130] =	vst v8;
	v8 =	vadd.f32 v13, v2;
	v13 =	vld [tilespmem:s22+$0x1A0]  }
0x277: {  	[tilespmem:s22+$0x140] =	vst v9;
	v9 =	vadd.f32 v14, v1;
	v14 =	vld [tilespmem:s22+$0x1B0]  }
0x278: {  	[tilespmem:s22+$0x150] =	vst v8;
	v8 =	vadd.f32 v11, v7;
	v11 =	vld [tilespmem:s22+$0x1C0]  }
0x279: {  	[tilespmem:s22+$0x160] =	vst v9;
	v9 =	vadd.f32 v12, v0;
	v12 =	vld [tilespmem:s22+$0x1D0]  }
0x27a: {  	[tilespmem:s22+$0x170] =	vst v8;
	v8 =	vadd.f32 v10, v5;
	v10 =	vld [tilespmem:s22+$0x1E0]  }
0x27b: {  	[tilespmem:s22+$0x180] =	vst v9;
	v9 =	vadd.f32 v13, v6;
	v13 =	vld [tilespmem:s22+$0x1F0]  }
0x27c: {  	[tilespmem:s22+$0x190] =	vst v8;
	v8 =	vadd.f32 v14, v4;
	v14 =	vld [tilespmem:s22+$0x200]  }
0x27d: {  	[tilespmem:s22+$0x1A0] =	vst v9;
	v9 =	vadd.f32 v11, v3;
	v11 =	vld [tilespmem:s22+$0x210]  }
0x27e: {  	[tilespmem:s22+$0x1B0] =	vst v8;
	v8 =	vadd.f32 v12, v2;
	v12 =	vld [tilespmem:s22+$0x220]  }
0x27f: {  	[tilespmem:s22+$0x1C0] =	vst v9;
	v9 =	vadd.f32 v10, v1;
	v10 =	vld [tilespmem:s22+$0x230]  }
0x280: {  	[tilespmem:s22+$0x1D0] =	vst v8;
	v8 =	vadd.f32 v13, v7;
	v13 =	vld [tilespmem:s22+$0x240]  }
0x281: {  	[tilespmem:s22+$0x1E0] =	vst v9;
	v9 =	vadd.f32 v14, v0;
	v14 =	vld [tilespmem:s22+$0x250]  }
0x282: {  	[tilespmem:s22+$0x1F0] =	vst v8;
	v8 =	vadd.f32 v11, v5;
	v11 =	vld [tilespmem:s22+$0x260]  }
0x283: {  	[tilespmem:s22+$0x200] =	vst v9;
	v9 =	vadd.f32 v12, v6;
	v12 =	vld [tilespmem:s22+$0x270]  }
0x284: {  	[tilespmem:s22+$0x210] =	vst v8;
	v8 =	vadd.f32 v10, v4;
	v10 =	vld [tilespmem:s22+$0x280]  }
0x285: {  	[tilespmem:s22+$0x220] =	vst v9;
	v9 =	vadd.f32 v13, v3;
	v13 =	vld [tilespmem:s22+$0x290]  }
0x286: {  	[tilespmem:s22+$0x230] =	vst v8;
	v8 =	vadd.f32 v14, v2;
	v14 =	vld [tilespmem:s22+$0x2A0]  }
0x287: {  	[tilespmem:s22+$0x240] =	vst v9;
	v9 =	vadd.f32 v11, v1;
	v11 =	vld [tilespmem:s22+$0x2B0]  }
0x288: {  	[tilespmem:s22+$0x250] =	vst v8;
	v8 =	vadd.f32 v12, v7;
	v12 =	vld [tilespmem:s22+$0x2C0]  }
0x289: {  	[tilespmem:s22+$0x260] =	vst v9;
	v9 =	vadd.f32 v10, v0;
	v10 =	vld [tilespmem:s22+$0x2D0]  }
0x28a: {  	[tilespmem:s22+$0x270] =	vst v8;
	v8 =	vadd.f32 v13, v5;
	v13 =	vld [tilespmem:s22+$0x2E0]  }
0x28b: {  	[tilespmem:s22+$0x280] =	vst v9;
	v9 =	vadd.f32 v14, v6;
	v14 =	vld [tilespmem:s22+$0x2F0]  }
0x28c: {  	[tilespmem:s22+$0x290] =	vst v8;
	v8 =	vadd.f32 v11, v4;
	v11 =	vld [tilespmem:s22+$0x300]  }
0x28d: {  	[tilespmem:s22+$0x2A0] =	vst v9;
	v9 =	vadd.f32 v12, v3;
	v12 =	vld [tilespmem:s22+$0x310]  }
0x28e: {  	[tilespmem:s22+$0x2B0] =	vst v8;
	v8 =	vadd.f32 v10, v2;
	v10 =	vld [tilespmem:s22+$0x320]  }
0x28f: {  	[tilespmem:s22+$0x2C0] =	vst v9;
	v9 =	vadd.f32 v13, v1;
	v13 =	vld [tilespmem:s22+$0x330]  }
0x290: {  	[tilespmem:s22+$0x2D0] =	vst v8;
	v8 =	vadd.f32 v14, v7;
	v14 =	vld [tilespmem:s22+$0x340]  }
0x291: {  	[tilespmem:s22+$0x2E0] =	vst v9;
	v9 =	vadd.f32 v11, v0;
	v11 =	vld [tilespmem:s22+$0x350]  }
0x292: {  	[tilespmem:s22+$0x2F0] =	vst v8;
	v8 =	vadd.f32 v12, v5;
	v12 =	vld [tilespmem:s22+$0x360]  }
0x293: {  	[tilespmem:s22+$0x300] =	vst v9;
	v9 =	vadd.f32 v10, v6;
	v10 =	vld [tilespmem:s22+$0x370]  }
0x294: {  	[tilespmem:s22+$0x310] =	vst v8;
	v8 =	vadd.f32 v13, v4;
	v13 =	vld [tilespmem:s22+$0x380]  }
0x295: {  	[tilespmem:s22+$0x320] =	vst v9;
	v9 =	vadd.f32 v14, v3;
	v14 =	vld [tilespmem:s22+$0x390]  }
0x296: {  	[tilespmem:s22+$0x330] =	vst v8;
	v11 =	vadd.f32 v11, v2;
	v15 =	vld [tilespmem:s22+$0x3A0]  }
.Ltmp4:
0x297: {  	[tilespmem:s22+$0x340] =	vst v9;
	v12 =	vadd.f32 v12, v1;
	v8 =	vld [tilespmem:s22+$0x3B0];
	(pc) =	sbr.rel @p1 .LBB2_11-.Ltmp4, $4  }
0x298: {  	[tilespmem:s22+$0x350] =	vst v11;
	v11 =	vadd.f32 v10, v7;
	v9 =	vld [tilespmem:s22+$0x3C0]  }
0x299: {  	[tilespmem:s22+$0x360] =	vst v12;
	v16 =	vadd.f32 v13, v0;
	v10 =	vld [tilespmem:s22+$0x3D0]  }
0x29a: {  	[tilespmem:s22+$0x370] =	vst v11;
	v13 =	vadd.f32 v14, v5;
	v11 =	vld [tilespmem:s22+$0x3E0]  }
0x29b: {  	s22 =	sadd.s32 $0x400, s22;
	v12 =	vld [tilespmem:s8+$0x0];
	[tilespmem:s8+$0x380] =	vst v16;
	v14 =	vadd.f32 v15, v6  }
0x29c: {  	[tilespmem:s8+$0x390] =	vst v13;
	v4 =	vadd.f32 v8, v4  }
0x29d: {  	[tilespmem:s8+$0x3A0] =	vst v14;
	v3 =	vadd.f32 v9, v3  }
0x29e: {  	[tilespmem:s8+$0x3B0] =	vst v4;
	v2 =	vadd.f32 v10, v2  }
0x29f: {  	s7 =	sshll.u32 s15, $0x13;
	[tilespmem:s8+$0x3C0] =	vst v3;
	v1 =	vadd.f32 v11, v1  }
0x2a0: {  	s7 =	sor.u32 s9, s7;
	v0 =	vadd.f32 v12, v0;
	[tilespmem:s8+$0x3D0] =	vst v2  }
0x2a1: {  	s7 =	sshrl.u32 s7, $0x3;
	[tilespmem:s8+$0x3E0] =	vst v1  }
0x2a2: {  	s14 =	sadd.s32 $0x6, s14;
	s7 =	sadd.s32 s4, s7;
	[tilespmem:s8+$0x0] =	vst v0  }
0x2a3: {  	[hbm4b:s7+s6] =	stream.linear.scatter [tilespmem:s1], [sflag:$0x8], $0x4000, $0x38;
	[tilespmem:$0x1C740] =	vst v63  }
0x2a4: {  	s22 =	sshll.u32 s14, $0x7;
	_ =	swait.ge [sflag:s30], $0x4000  }
0x2a5: {  	s7 =	sand.u32 $0x3FFFFF80, s22;
	[sflag:s30] =	ssyncset.done $0x0  }
0x2a6: {  	s7 =	sadd.s32 $0x3400, s7;
	[sflag:s30] =	ssyncadd.s32 $0xFFFFC000  }
0x2a7: {  	[tilespmem:s31], [sflag:$0x3] =	stream.indirect.gather [spmem:s5], $0x80, s7, s25, $0xb8;
	[tilespmem:$0x1C740] =	vst v63  }
0x2a8: {  	_ =	swait.ge [sflag:s3], $0x4000  }
0x2a9: {  	[sflag:s3] =	ssyncset.done $0x0  }
0x2aa: {  	[sflag:s3] =	ssyncadd.s32 $0xFFFFC000  }
0x2ab: {  	v0 =	vld [tilespmem:s12+$0x0]  }
0x2ac: {  	v5 =	vld [tilespmem:s12+$0x10]  }
0x2ad: {  	v6 =	vld [tilespmem:s12+$0x20]  }
0x2ae: {  	v4 =	vld [tilespmem:s12+$0x30]  }
0x2af: {  	v3 =	vld [tilespmem:s12+$0x40]  }
0x2b0: {  	v2 =	vld [tilespmem:s12+$0x50]  }
0x2b1: {  	v1 =	vld [tilespmem:s12+$0x60]  }
0x2b2: {  	s8 =	simm.s32 $0x6A00;
	v7 =	vld [tilespmem:s12+$0x70]  }
0x2b3: {  	v8 =	vld [tilespmem:s8+$0x1F0]  }
0x2b4: {  	v9 =	vld [tilespmem:s8+$0xFFFFFE10]  }
0x2b5: {  	v10 =	vld [tilespmem:s8+$0xFFFFFE20]  }
0x2b6: {  	v19 =	vld [tilespmem:s8+$0xFFFFFEB0]  }
0x2b7: {  	v16 =	vld [tilespmem:s8+$0xFFFFFE80]  }
0x2b8: {  	v12 =	vld [tilespmem:s8+$0xFFFFFE40];
	v8 =	vadd.f32 v8, v7  }
0x2b9: {  	v11 =	vld [tilespmem:s8+$0xFFFFFE30];
	v9 =	vadd.f32 v9, v5  }
0x2ba: {  	v14 =	vld [tilespmem:s8+$0xFFFFFE60];
	v10 =	vadd.f32 v10, v6;
	[tilespmem:s8+$0x1F0] =	vst v8  }
0x2bb: {  	v13 =	vld [tilespmem:s8+$0xFFFFFE50];
	v56 =	vadd.f32 v19, v4;
	[tilespmem:s8+$0xFFFFFE10] =	vst v9  }
0x2bc: {  	v17 =	vld [tilespmem:s8+$0xFFFFFE90];
	v8 =	vadd.f32 v16, v0;
	[tilespmem:s8+$0xFFFFFE20] =	vst v10  }
0x2bd: {  	v9 =	vld [tilespmem:s8+$0xFFFFFEE0];
	v10 =	vadd.f32 v12, v3;
	[tilespmem:s8+$0xFFFFFEB0] =	vst v56  }
0x2be: {  	v15 =	vld [tilespmem:s8+$0xFFFFFE70];
	[tilespmem:s8+$0xFFFFFE80] =	vst v8;
	v8 =	vadd.f32 v11, v4  }
0x2bf: {  	v12 =	vld [tilespmem:s8+$0xFFFFFF00];
	[tilespmem:s8+$0xFFFFFE40] =	vst v10;
	v10 =	vadd.f32 v14, v1  }
0x2c0: {  	v11 =	vld [tilespmem:s8+$0xFFFFFEF0];
	[tilespmem:s8+$0xFFFFFE30] =	vst v8;
	v8 =	vadd.f32 v13, v2  }
0x2c1: {  	v20 =	vld [tilespmem:s8+$0xFFFFFEC0];
	[tilespmem:s8+$0xFFFFFE60] =	vst v10;
	v10 =	vadd.f32 v17, v5  }
0x2c2: {  	v18 =	vld [tilespmem:s8+$0xFFFFFEA0];
	v9 =	vadd.f32 v9, v1;
	[tilespmem:s8+$0xFFFFFE50] =	vst v8  }
0x2c3: {  	v14 =	vld [tilespmem:s8+$0xFFFFFF20];
	v8 =	vadd.f32 v15, v7;
	[tilespmem:s8+$0xFFFFFE90] =	vst v10  }
0x2c4: {  	v54 =	vld [tilespmem:s8+$0xFFFFFED0];
	v10 =	vadd.f32 v12, v0;
	[tilespmem:s8+$0xFFFFFEE0] =	vst v9  }
0x2c5: {  	v13 =	vld [tilespmem:s8+$0xFFFFFF10];
	v11 =	vadd.f32 v11, v7;
	[tilespmem:s8+$0xFFFFFE70] =	vst v8  }
0x2c6: {  	v55 =	vld [tilespmem:s8+$0xFFFFFF40];
	[tilespmem:s8+$0xFFFFFF00] =	vst v10;
	v10 =	vadd.f32 v20, v3  }
0x2c7: {  	v15 =	vld [tilespmem:s8+$0xFFFFFF30];
	v8 =	vadd.f32 v18, v6;
	[tilespmem:s8+$0xFFFFFEF0] =	vst v11  }
0x2c8: {  	v11 =	vadd.f32 v14, v6;
	[tilespmem:s8+$0xFFFFFEC0] =	vst v10;
	v10 =	vld [tilespmem:s8+$0xFFFFFF80]  }
0x2c9: {  	v16 =	vadd.f32 v54, v2;
	[tilespmem:s8+$0xFFFFFEA0] =	vst v8;
	v8 =	vld [tilespmem:s8+$0xFFFFFF60]  }
0x2ca: {  	v9 =	vadd.f32 v13, v5;
	[tilespmem:s8+$0xFFFFFF20] =	vst v11;
	v11 =	vld [tilespmem:s8+$0xFFFFFFD0]  }
0x2cb: {  	[tilespmem:s8+$0xFFFFFED0] =	vst v16;
	v17 =	vadd.f32 v55, v3;
	v12 =	vld [tilespmem:s8+$0xFFFFFF50]  }
0x2cc: {  	v58 =	vld [tilespmem:s8+$0xFFFFFF90];
	[tilespmem:s8+$0xFFFFFF10] =	vst v9;
	v9 =	vadd.f32 v15, v4  }
0x2cd: {  	v57 =	vld [tilespmem:s8+$0xFFFFFF70];
	[tilespmem:s8+$0xFFFFFF40] =	vst v17;
	v10 =	vadd.f32 v10, v0  }
0x2ce: {  	v14 =	vld [tilespmem:s8+$0xFFFFFFB0];
	[tilespmem:s8+$0xFFFFFF30] =	vst v9;
	v8 =	vadd.f32 v8, v1  }
0x2cf: {  	v13 =	vld [tilespmem:s8+$0xFFFFFFA0];
	v11 =	vadd.f32 v11, v2;
	[tilespmem:s8+$0xFFFFFF80] =	vst v10  }
0x2d0: {  	v59 =	vld [tilespmem:s8+$0x0];
	v10 =	vadd.f32 v12, v2;
	[tilespmem:s8+$0xFFFFFF60] =	vst v8  }
0x2d1: {  	v15 =	vld [tilespmem:s8+$0xFFFFFFC0];
	v8 =	vadd.f32 v58, v5;
	[tilespmem:s8+$0xFFFFFFD0] =	vst v11  }
0x2d2: {  	v9 =	vld [tilespmem:s8+$0xFFFFFFE0];
	[tilespmem:s8+$0xFFFFFF50] =	vst v10;
	v10 =	vadd.f32 v57, v7  }
0x2d3: {  	v12 =	vld [tilespmem:s8+$0xFFFFFFF0];
	[tilespmem:s8+$0xFFFFFF90] =	vst v8;
	v8 =	vadd.f32 v14, v4  }
0x2d4: {  	v60 =	vld [tilespmem:s8+$0x10];
	[tilespmem:s8+$0xFFFFFF70] =	vst v10;
	v10 =	vadd.f32 v13, v6  }
0x2d5: {  	v13 =	vld [tilespmem:s8+$0x20];
	[tilespmem:s8+$0xFFFFFFB0] =	vst v8;
	v8 =	vadd.f32 v59, v0  }
0x2d6: {  	v14 =	vld [tilespmem:s8+$0x30];
	[tilespmem:s8+$0xFFFFFFA0] =	vst v10;
	v10 =	vadd.f32 v15, v3  }
0x2d7: {  	v15 =	vld [tilespmem:s8+$0x40];
	[tilespmem:s8+$0x0] =	vst v8;
	v8 =	vadd.f32 v9, v1  }
0x2d8: {  	v61 =	vld [tilespmem:s8+$0x50];
	v9 =	vadd.f32 v12, v7;
	[tilespmem:s8+$0xFFFFFFC0] =	vst v10  }
0x2d9: {  	v12 =	vld [tilespmem:s8+$0x80];
	[tilespmem:s8+$0xFFFFFFE0] =	vst v8;
	v8 =	vadd.f32 v60, v5  }
0x2da: {  	v10 =	vld [tilespmem:s8+$0x60];
	[tilespmem:s8+$0xFFFFFFF0] =	vst v9;
	v9 =	vadd.f32 v13, v6  }
0x2db: {  	v11 =	vld [tilespmem:s8+$0x70];
	[tilespmem:s8+$0x10] =	vst v8;
	v8 =	vadd.f32 v14, v4  }
0x2dc: {  	v13 =	vld [tilespmem:s8+$0x90];
	[tilespmem:s8+$0x20] =	vst v9;
	v9 =	vadd.f32 v15, v3  }
0x2dd: {  	v14 =	vld [tilespmem:s8+$0xA0];
	[tilespmem:s8+$0x30] =	vst v8;
	v8 =	vadd.f32 v61, v2  }
0x2de: {  	v15 =	vld [tilespmem:s8+$0xB0];
	[tilespmem:s8+$0x40] =	vst v9;
	v9 =	vadd.f32 v12, v0  }
0x2df: {  	v62 =	vld [tilespmem:s8+$0xC0];
	v10 =	vadd.f32 v10, v1;
	[tilespmem:s8+$0x50] =	vst v8  }
0x2e0: {  	v12 =	vld [tilespmem:s8+$0xD0];
	[tilespmem:s8+$0x80] =	vst v9;
	v9 =	vadd.f32 v11, v7  }
0x2e1: {  	v8 =	vld [tilespmem:s8+$0xE0];
	[tilespmem:s8+$0x60] =	vst v10;
	v10 =	vadd.f32 v13, v5  }
0x2e2: {  	v11 =	vld [tilespmem:s8+$0xF0];
	[tilespmem:s8+$0x70] =	vst v9;
	v9 =	vadd.f32 v14, v6  }
0x2e3: {  	v13 =	vld [tilespmem:s8+$0x100];
	[tilespmem:s8+$0x90] =	vst v10;
	v10 =	vadd.f32 v15, v4  }
0x2e4: {  	v14 =	vld [tilespmem:s8+$0x110];
	[tilespmem:s8+$0xA0] =	vst v9;
	v9 =	vadd.f32 v62, v3  }
0x2e5: {  	v15 =	vld [tilespmem:s8+$0x120];
	[tilespmem:s8+$0xB0] =	vst v10;
	v10 =	vadd.f32 v12, v2  }
0x2e6: {  	v12 =	vld [tilespmem:s8+$0x130];
	v8 =	vadd.f32 v8, v1;
	[tilespmem:s8+$0xC0] =	vst v9  }
0x2e7: {  	v11 =	vadd.f32 v11, v7;
	v9 =	vld [tilespmem:s8+$0x140];
	[tilespmem:s8+$0xD0] =	vst v10  }
0x2e8: {  	v10 =	vadd.f32 v13, v0;
	v13 =	vld [tilespmem:s8+$0x150];
	[tilespmem:s8+$0xE0] =	vst v8  }
0x2e9: {  	v8 =	vld [tilespmem:s8+$0x160];
	v14 =	vadd.f32 v14, v5;
	[tilespmem:s8+$0xF0] =	vst v11  }
0x2ea: {  	v11 =	vld [tilespmem:s8+$0x170];
	[tilespmem:s8+$0x100] =	vst v10;
	v10 =	vadd.f32 v15, v6  }
0x2eb: {  	[tilespmem:s8+$0x110] =	vst v14;
	v12 =	vadd.f32 v12, v4;
	v14 =	vld [tilespmem:s8+$0x180]  }
0x2ec: {  	v15 =	vld [tilespmem:s8+$0x190];
	[tilespmem:s8+$0x120] =	vst v10;
	v9 =	vadd.f32 v9, v3  }
0x2ed: {  	v63 =	vld [tilespmem:s8+$0x1A0];
	[tilespmem:s8+$0x130] =	vst v12;
	v10 =	vadd.f32 v13, v2  }
0x2ee: {  	v12 =	vadd.f32 v8, v1;
	v8 =	vld [tilespmem:s8+$0x1B0];
	[tilespmem:s8+$0x140] =	vst v9  }
0x2ef: {  	v11 =	vadd.f32 v11, v7;
	[tilespmem:s8+$0x150] =	vst v10;
	v9 =	vld [tilespmem:s8+$0x1C0]  }
0x2f0: {  	[tilespmem:s8+$0x160] =	vst v12;
	v10 =	vld [tilespmem:s8+$0x1D0];
	v14 =	vadd.f32 v14, v0  }
0x2f1: {  	v13 =	vadd.f32 v15, v5;
	[tilespmem:s8+$0x170] =	vst v11;
	v11 =	vld [tilespmem:s8+$0x1E0]  }
0x2f2: {  	s7 =	simm.s32 $0x0;
	s12 =	simm.s32 $0x6E00;
	v12 =	vld [tilespmem:s8+$0xFFFFFE00];
	[tilespmem:s8+$0x180] =	vst v14;
	v14 =	vadd.f32 v63, v6  }
.LBB2_13:
0x2f3: {  	v15 =	vld [tilespmem:s12+$0x1F0];
	s7 =	sadd.s32 $0x8, s7;
	[tilespmem:s8+$0x190] =	vst v13;
	v8 =	vadd.f32 v8, v4  }
0x2f4: {  	v13 =	vld [tilespmem:s12+$0xFFFFFE10];
	p1 =	slt.u32 s7, $0x78;
	[tilespmem:s8+$0x1A0] =	vst v14;
	v9 =	vadd.f32 v9, v3  }
0x2f5: {  	v14 =	vld [tilespmem:s12+$0xFFFFFE20];
	[tilespmem:s8+$0x1B0] =	vst v8;
	v8 =	vadd.f32 v10, v2  }
0x2f6: {  	v10 =	vld [tilespmem:s12+$0xFFFFFE30];
	[tilespmem:s8+$0x1C0] =	vst v9;
	v9 =	vadd.f32 v11, v1  }
0x2f7: {  	v11 =	vld [tilespmem:s12+$0xFFFFFE40];
	v12 =	vadd.f32 v12, v0;
	[tilespmem:s8+$0x1D0] =	vst v8  }
0x2f8: {  	v8 =	vld [tilespmem:s12+$0xFFFFFE50];
	v15 =	vadd.f32 v15, v7;
	[tilespmem:s8+$0x1E0] =	vst v9  }
0x2f9: {  	v9 =	vadd.f32 v13, v5;
	v13 =	vld [tilespmem:s12+$0xFFFFFE60];
	[tilespmem:s8+$0xFFFFFE00] =	vst v12;
	s8 =	smov.u32 s12  }
0x2fa: {  	v12 =	vadd.f32 v14, v6;
	v14 =	vld [tilespmem:s12+$0xFFFFFE70];
	[tilespmem:s12+$0x1F0] =	vst v15  }
0x2fb: {  	[tilespmem:s12+$0xFFFFFE10] =	vst v9;
	v9 =	vadd.f32 v10, v4;
	v10 =	vld [tilespmem:s12+$0xFFFFFE80]  }
0x2fc: {  	[tilespmem:s12+$0xFFFFFE20] =	vst v12;
	v11 =	vadd.f32 v11, v3;
	v12 =	vld [tilespmem:s12+$0xFFFFFE90]  }
0x2fd: {  	[tilespmem:s12+$0xFFFFFE30] =	vst v9;
	v8 =	vadd.f32 v8, v2;
	v9 =	vld [tilespmem:s12+$0xFFFFFEA0]  }
0x2fe: {  	[tilespmem:s12+$0xFFFFFE40] =	vst v11;
	v11 =	vadd.f32 v13, v1;
	v13 =	vld [tilespmem:s12+$0xFFFFFEB0]  }
0x2ff: {  	[tilespmem:s12+$0xFFFFFE50] =	vst v8;
	v8 =	vadd.f32 v14, v7;
	v14 =	vld [tilespmem:s12+$0xFFFFFEC0]  }
0x300: {  	[tilespmem:s12+$0xFFFFFE60] =	vst v11;
	v10 =	vadd.f32 v10, v0;
	v11 =	vld [tilespmem:s12+$0xFFFFFED0]  }
0x301: {  	[tilespmem:s12+$0xFFFFFE70] =	vst v8;
	v8 =	vadd.f32 v12, v5;
	v12 =	vld [tilespmem:s12+$0xFFFFFEE0]  }
0x302: {  	[tilespmem:s12+$0xFFFFFE80] =	vst v10;
	v9 =	vadd.f32 v9, v6;
	v10 =	vld [tilespmem:s12+$0xFFFFFEF0]  }
0x303: {  	[tilespmem:s12+$0xFFFFFE90] =	vst v8;
	v8 =	vadd.f32 v13, v4;
	v13 =	vld [tilespmem:s12+$0xFFFFFF00]  }
0x304: {  	[tilespmem:s12+$0xFFFFFEA0] =	vst v9;
	v9 =	vadd.f32 v14, v3;
	v14 =	vld [tilespmem:s12+$0xFFFFFF10]  }
0x305: {  	[tilespmem:s12+$0xFFFFFEB0] =	vst v8;
	v8 =	vadd.f32 v11, v2;
	v11 =	vld [tilespmem:s12+$0xFFFFFF20]  }
0x306: {  	[tilespmem:s12+$0xFFFFFEC0] =	vst v9;
	v9 =	vadd.f32 v12, v1;
	v12 =	vld [tilespmem:s12+$0xFFFFFF30]  }
0x307: {  	[tilespmem:s12+$0xFFFFFED0] =	vst v8;
	v8 =	vadd.f32 v10, v7;
	v10 =	vld [tilespmem:s12+$0xFFFFFF40]  }
0x308: {  	[tilespmem:s12+$0xFFFFFEE0] =	vst v9;
	v9 =	vadd.f32 v13, v0;
	v13 =	vld [tilespmem:s12+$0xFFFFFF50]  }
0x309: {  	[tilespmem:s12+$0xFFFFFEF0] =	vst v8;
	v8 =	vadd.f32 v14, v5;
	v14 =	vld [tilespmem:s12+$0xFFFFFF60]  }
0x30a: {  	[tilespmem:s12+$0xFFFFFF00] =	vst v9;
	v9 =	vadd.f32 v11, v6;
	v11 =	vld [tilespmem:s12+$0xFFFFFF70]  }
0x30b: {  	[tilespmem:s12+$0xFFFFFF10] =	vst v8;
	v8 =	vadd.f32 v12, v4;
	v12 =	vld [tilespmem:s12+$0xFFFFFF80]  }
0x30c: {  	[tilespmem:s12+$0xFFFFFF20] =	vst v9;
	v9 =	vadd.f32 v10, v3;
	v10 =	vld [tilespmem:s12+$0xFFFFFF90]  }
0x30d: {  	[tilespmem:s12+$0xFFFFFF30] =	vst v8;
	v8 =	vadd.f32 v13, v2;
	v13 =	vld [tilespmem:s12+$0xFFFFFFA0]  }
0x30e: {  	[tilespmem:s12+$0xFFFFFF40] =	vst v9;
	v9 =	vadd.f32 v14, v1;
	v14 =	vld [tilespmem:s12+$0xFFFFFFB0]  }
0x30f: {  	[tilespmem:s12+$0xFFFFFF50] =	vst v8;
	v8 =	vadd.f32 v11, v7;
	v11 =	vld [tilespmem:s12+$0xFFFFFFC0]  }
0x310: {  	[tilespmem:s12+$0xFFFFFF60] =	vst v9;
	v9 =	vadd.f32 v12, v0;
	v12 =	vld [tilespmem:s12+$0xFFFFFFD0]  }
0x311: {  	[tilespmem:s12+$0xFFFFFF70] =	vst v8;
	v8 =	vadd.f32 v10, v5;
	v10 =	vld [tilespmem:s12+$0xFFFFFFE0]  }
0x312: {  	[tilespmem:s12+$0xFFFFFF80] =	vst v9;
	v9 =	vadd.f32 v13, v6;
	v13 =	vld [tilespmem:s12+$0xFFFFFFF0]  }
0x313: {  	[tilespmem:s12+$0xFFFFFF90] =	vst v8;
	v8 =	vadd.f32 v14, v4;
	v14 =	vld [tilespmem:s12+$0x0]  }
0x314: {  	[tilespmem:s12+$0xFFFFFFA0] =	vst v9;
	v9 =	vadd.f32 v11, v3;
	v11 =	vld [tilespmem:s12+$0x10]  }
0x315: {  	[tilespmem:s12+$0xFFFFFFB0] =	vst v8;
	v8 =	vadd.f32 v12, v2;
	v12 =	vld [tilespmem:s12+$0x20]  }
0x316: {  	[tilespmem:s12+$0xFFFFFFC0] =	vst v9;
	v9 =	vadd.f32 v10, v1;
	v10 =	vld [tilespmem:s12+$0x30]  }
0x317: {  	[tilespmem:s12+$0xFFFFFFD0] =	vst v8;
	v8 =	vadd.f32 v13, v7;
	v13 =	vld [tilespmem:s12+$0x40]  }
0x318: {  	[tilespmem:s12+$0xFFFFFFE0] =	vst v9;
	v9 =	vadd.f32 v14, v0;
	v14 =	vld [tilespmem:s12+$0x50]  }
0x319: {  	[tilespmem:s12+$0xFFFFFFF0] =	vst v8;
	v8 =	vadd.f32 v11, v5;
	v11 =	vld [tilespmem:s12+$0x60]  }
0x31a: {  	[tilespmem:s12+$0x0] =	vst v9;
	v9 =	vadd.f32 v12, v6;
	v12 =	vld [tilespmem:s12+$0x70]  }
0x31b: {  	[tilespmem:s12+$0x10] =	vst v8;
	v8 =	vadd.f32 v10, v4;
	v10 =	vld [tilespmem:s12+$0x80]  }
0x31c: {  	[tilespmem:s12+$0x20] =	vst v9;
	v9 =	vadd.f32 v13, v3;
	v13 =	vld [tilespmem:s12+$0x90]  }
0x31d: {  	[tilespmem:s12+$0x30] =	vst v8;
	v8 =	vadd.f32 v14, v2;
	v14 =	vld [tilespmem:s12+$0xA0]  }
0x31e: {  	[tilespmem:s12+$0x40] =	vst v9;
	v9 =	vadd.f32 v11, v1;
	v11 =	vld [tilespmem:s12+$0xB0]  }
0x31f: {  	[tilespmem:s12+$0x50] =	vst v8;
	v8 =	vadd.f32 v12, v7;
	v12 =	vld [tilespmem:s12+$0xC0]  }
0x320: {  	[tilespmem:s12+$0x60] =	vst v9;
	v9 =	vadd.f32 v10, v0;
	v10 =	vld [tilespmem:s12+$0xD0]  }
0x321: {  	[tilespmem:s12+$0x70] =	vst v8;
	v8 =	vadd.f32 v13, v5;
	v13 =	vld [tilespmem:s12+$0xE0]  }
0x322: {  	[tilespmem:s12+$0x80] =	vst v9;
	v9 =	vadd.f32 v14, v6;
	v14 =	vld [tilespmem:s12+$0xF0]  }
0x323: {  	[tilespmem:s12+$0x90] =	vst v8;
	v8 =	vadd.f32 v11, v4;
	v11 =	vld [tilespmem:s12+$0x100]  }
0x324: {  	[tilespmem:s12+$0xA0] =	vst v9;
	v9 =	vadd.f32 v12, v3;
	v12 =	vld [tilespmem:s12+$0x110]  }
0x325: {  	[tilespmem:s12+$0xB0] =	vst v8;
	v8 =	vadd.f32 v10, v2;
	v10 =	vld [tilespmem:s12+$0x120]  }
0x326: {  	[tilespmem:s12+$0xC0] =	vst v9;
	v9 =	vadd.f32 v13, v1;
	v13 =	vld [tilespmem:s12+$0x130]  }
0x327: {  	[tilespmem:s12+$0xD0] =	vst v8;
	v8 =	vadd.f32 v14, v7;
	v14 =	vld [tilespmem:s12+$0x140]  }
0x328: {  	[tilespmem:s12+$0xE0] =	vst v9;
	v9 =	vadd.f32 v11, v0;
	v11 =	vld [tilespmem:s12+$0x150]  }
0x329: {  	[tilespmem:s12+$0xF0] =	vst v8;
	v8 =	vadd.f32 v12, v5;
	v12 =	vld [tilespmem:s12+$0x160]  }
0x32a: {  	[tilespmem:s12+$0x100] =	vst v9;
	v9 =	vadd.f32 v10, v6;
	v10 =	vld [tilespmem:s12+$0x170]  }
0x32b: {  	[tilespmem:s12+$0x110] =	vst v8;
	v8 =	vadd.f32 v13, v4;
	v13 =	vld [tilespmem:s12+$0x180]  }
0x32c: {  	[tilespmem:s12+$0x120] =	vst v9;
	v9 =	vadd.f32 v14, v3;
	v14 =	vld [tilespmem:s12+$0x190]  }
0x32d: {  	[tilespmem:s12+$0x130] =	vst v8;
	v11 =	vadd.f32 v11, v2;
	v15 =	vld [tilespmem:s12+$0x1A0]  }
.Ltmp5:
0x32e: {  	[tilespmem:s12+$0x140] =	vst v9;
	v12 =	vadd.f32 v12, v1;
	v8 =	vld [tilespmem:s12+$0x1B0];
	(pc) =	sbr.rel @p1 .LBB2_13-.Ltmp5, $4  }
0x32f: {  	[tilespmem:s12+$0x150] =	vst v11;
	v11 =	vadd.f32 v10, v7;
	v9 =	vld [tilespmem:s12+$0x1C0]  }
0x330: {  	[tilespmem:s12+$0x160] =	vst v12;
	v16 =	vadd.f32 v13, v0;
	v10 =	vld [tilespmem:s12+$0x1D0]  }
0x331: {  	[tilespmem:s12+$0x170] =	vst v11;
	v13 =	vadd.f32 v14, v5;
	v11 =	vld [tilespmem:s12+$0x1E0]  }
0x332: {  	s12 =	sadd.s32 $0x400, s12;
	v12 =	vld [tilespmem:s8+$0xFFFFFE00];
	[tilespmem:s8+$0x180] =	vst v16;
	v14 =	vadd.f32 v15, v6  }
0x333: {  	[tilespmem:s8+$0x190] =	vst v13;
	v4 =	vadd.f32 v8, v4  }
0x334: {  	[tilespmem:s8+$0x1A0] =	vst v14;
	v3 =	vadd.f32 v9, v3  }
0x335: {  	[tilespmem:s8+$0x1B0] =	vst v4;
	v2 =	vadd.f32 v10, v2  }
0x336: {  	s7 =	sshll.u32 s19, $0x13;
	[tilespmem:s8+$0x1C0] =	vst v3;
	v1 =	vadd.f32 v11, v1  }
0x337: {  	s7 =	sor.u32 s9, s7;
	v0 =	vadd.f32 v12, v0;
	[tilespmem:s8+$0x1D0] =	vst v2  }
0x338: {  	s7 =	sshrl.u32 s7, $0x3;
	[tilespmem:s8+$0x1E0] =	vst v1  }
0x339: {  	s7 =	sadd.s32 s4, s7;
	[tilespmem:s8+$0xFFFFFE00] =	vst v0  }
0x33a: {  	[hbm4b:s7+s6] =	stream.linear.scatter [tilespmem:s26], [sflag:$0x5], $0x4000, $0x38;
	[tilespmem:$0x1C740] =	vst v63  }
0x33b: {  	_ =	swait.ge [sflag:s0], $0x4000  }
0x33c: {  	[sflag:s0] =	ssyncset.done $0x0  }
0x33d: {  	s22 =	sadd.s32 $0x3780, s11;
	[sflag:s0] =	ssyncadd.s32 $0xFFFFC000  }
0x33e: {  	[tilespmem:s1], [sflag:$0x4] =	stream.indirect.gather [spmem:s5], $0x80, s22, s25, $0xb8;
	[tilespmem:$0x1C740] =	vst v63  }
0x33f: {  	_ =	swait.ge [sflag:s2], $0x4000  }
0x340: {  	[sflag:s2] =	ssyncset.done $0x0  }
0x341: {  	[sflag:s2] =	ssyncadd.s32 $0xFFFFC000  }
0x342: {  	v0 =	vld [tilespmem:s13+$0x0]  }
0x343: {  	v5 =	vld [tilespmem:s13+$0x10]  }
0x344: {  	v6 =	vld [tilespmem:s13+$0x20]  }
0x345: {  	v4 =	vld [tilespmem:s13+$0x30]  }
0x346: {  	v3 =	vld [tilespmem:s13+$0x40]  }
0x347: {  	v2 =	vld [tilespmem:s13+$0x50]  }
0x348: {  	v1 =	vld [tilespmem:s13+$0x60]  }
0x349: {  	s8 =	simm.s32 $0xA800;
	v7 =	vld [tilespmem:s13+$0x70]  }
0x34a: {  	v8 =	vld [tilespmem:s8+$0x3F0]  }
0x34b: {  	v9 =	vld [tilespmem:s8+$0x10]  }
0x34c: {  	v10 =	vld [tilespmem:s8+$0x20]  }
0x34d: {  	v19 =	vld [tilespmem:s8+$0xB0]  }
0x34e: {  	v16 =	vld [tilespmem:s8+$0x80]  }
0x34f: {  	v12 =	vld [tilespmem:s8+$0x40];
	v8 =	vadd.f32 v8, v7  }
0x350: {  	v11 =	vld [tilespmem:s8+$0x30];
	v9 =	vadd.f32 v9, v5  }
0x351: {  	v14 =	vld [tilespmem:s8+$0x60];
	v10 =	vadd.f32 v10, v6;
	[tilespmem:s8+$0x3F0] =	vst v8  }
0x352: {  	v13 =	vld [tilespmem:s8+$0x50];
	v56 =	vadd.f32 v19, v4;
	[tilespmem:s8+$0x10] =	vst v9  }
0x353: {  	v17 =	vld [tilespmem:s8+$0x90];
	v8 =	vadd.f32 v16, v0;
	[tilespmem:s8+$0x20] =	vst v10  }
0x354: {  	v9 =	vld [tilespmem:s8+$0xE0];
	v10 =	vadd.f32 v12, v3;
	[tilespmem:s8+$0xB0] =	vst v56  }
0x355: {  	v15 =	vld [tilespmem:s8+$0x70];
	[tilespmem:s8+$0x80] =	vst v8;
	v8 =	vadd.f32 v11, v4  }
0x356: {  	v12 =	vld [tilespmem:s8+$0x100];
	[tilespmem:s8+$0x40] =	vst v10;
	v10 =	vadd.f32 v14, v1  }
0x357: {  	v11 =	vld [tilespmem:s8+$0xF0];
	[tilespmem:s8+$0x30] =	vst v8;
	v8 =	vadd.f32 v13, v2  }
0x358: {  	v20 =	vld [tilespmem:s8+$0xC0];
	[tilespmem:s8+$0x60] =	vst v10;
	v10 =	vadd.f32 v17, v5  }
0x359: {  	v18 =	vld [tilespmem:s8+$0xA0];
	v9 =	vadd.f32 v9, v1;
	[tilespmem:s8+$0x50] =	vst v8  }
0x35a: {  	v14 =	vld [tilespmem:s8+$0x120];
	v8 =	vadd.f32 v15, v7;
	[tilespmem:s8+$0x90] =	vst v10  }
0x35b: {  	v54 =	vld [tilespmem:s8+$0xD0];
	v10 =	vadd.f32 v12, v0;
	[tilespmem:s8+$0xE0] =	vst v9  }
0x35c: {  	v13 =	vld [tilespmem:s8+$0x110];
	v11 =	vadd.f32 v11, v7;
	[tilespmem:s8+$0x70] =	vst v8  }
0x35d: {  	v55 =	vld [tilespmem:s8+$0x140];
	[tilespmem:s8+$0x100] =	vst v10;
	v10 =	vadd.f32 v20, v3  }
0x35e: {  	v15 =	vld [tilespmem:s8+$0x130];
	v8 =	vadd.f32 v18, v6;
	[tilespmem:s8+$0xF0] =	vst v11  }
0x35f: {  	v11 =	vadd.f32 v14, v6;
	[tilespmem:s8+$0xC0] =	vst v10;
	v10 =	vld [tilespmem:s8+$0x180]  }
0x360: {  	v16 =	vadd.f32 v54, v2;
	[tilespmem:s8+$0xA0] =	vst v8;
	v8 =	vld [tilespmem:s8+$0x160]  }
0x361: {  	v9 =	vadd.f32 v13, v5;
	[tilespmem:s8+$0x120] =	vst v11;
	v11 =	vld [tilespmem:s8+$0x1D0]  }
0x362: {  	[tilespmem:s8+$0xD0] =	vst v16;
	v17 =	vadd.f32 v55, v3;
	v12 =	vld [tilespmem:s8+$0x150]  }
0x363: {  	v58 =	vld [tilespmem:s8+$0x190];
	[tilespmem:s8+$0x110] =	vst v9;
	v9 =	vadd.f32 v15, v4  }
0x364: {  	v57 =	vld [tilespmem:s8+$0x170];
	[tilespmem:s8+$0x140] =	vst v17;
	v10 =	vadd.f32 v10, v0  }
0x365: {  	v14 =	vld [tilespmem:s8+$0x1B0];
	[tilespmem:s8+$0x130] =	vst v9;
	v8 =	vadd.f32 v8, v1  }
0x366: {  	v13 =	vld [tilespmem:s8+$0x1A0];
	v11 =	vadd.f32 v11, v2;
	[tilespmem:s8+$0x180] =	vst v10  }
0x367: {  	v59 =	vld [tilespmem:s8+$0x200];
	v10 =	vadd.f32 v12, v2;
	[tilespmem:s8+$0x160] =	vst v8  }
0x368: {  	v15 =	vld [tilespmem:s8+$0x1C0];
	v8 =	vadd.f32 v58, v5;
	[tilespmem:s8+$0x1D0] =	vst v11  }
0x369: {  	v9 =	vld [tilespmem:s8+$0x1E0];
	[tilespmem:s8+$0x150] =	vst v10;
	v10 =	vadd.f32 v57, v7  }
0x36a: {  	v12 =	vld [tilespmem:s8+$0x1F0];
	[tilespmem:s8+$0x190] =	vst v8;
	v8 =	vadd.f32 v14, v4  }
0x36b: {  	v60 =	vld [tilespmem:s8+$0x210];
	[tilespmem:s8+$0x170] =	vst v10;
	v10 =	vadd.f32 v13, v6  }
0x36c: {  	v13 =	vld [tilespmem:s8+$0x220];
	[tilespmem:s8+$0x1B0] =	vst v8;
	v8 =	vadd.f32 v59, v0  }
0x36d: {  	v14 =	vld [tilespmem:s8+$0x230];
	[tilespmem:s8+$0x1A0] =	vst v10;
	v10 =	vadd.f32 v15, v3  }
0x36e: {  	v15 =	vld [tilespmem:s8+$0x240];
	[tilespmem:s8+$0x200] =	vst v8;
	v8 =	vadd.f32 v9, v1  }
0x36f: {  	v61 =	vld [tilespmem:s8+$0x250];
	v9 =	vadd.f32 v12, v7;
	[tilespmem:s8+$0x1C0] =	vst v10  }
0x370: {  	v12 =	vld [tilespmem:s8+$0x280];
	[tilespmem:s8+$0x1E0] =	vst v8;
	v8 =	vadd.f32 v60, v5  }
0x371: {  	v10 =	vld [tilespmem:s8+$0x260];
	[tilespmem:s8+$0x1F0] =	vst v9;
	v9 =	vadd.f32 v13, v6  }
0x372: {  	v11 =	vld [tilespmem:s8+$0x270];
	[tilespmem:s8+$0x210] =	vst v8;
	v8 =	vadd.f32 v14, v4  }
0x373: {  	v13 =	vld [tilespmem:s8+$0x290];
	[tilespmem:s8+$0x220] =	vst v9;
	v9 =	vadd.f32 v15, v3  }
0x374: {  	v14 =	vld [tilespmem:s8+$0x2A0];
	[tilespmem:s8+$0x230] =	vst v8;
	v8 =	vadd.f32 v61, v2  }
0x375: {  	v15 =	vld [tilespmem:s8+$0x2B0];
	[tilespmem:s8+$0x240] =	vst v9;
	v9 =	vadd.f32 v12, v0  }
0x376: {  	v62 =	vld [tilespmem:s8+$0x2C0];
	v10 =	vadd.f32 v10, v1;
	[tilespmem:s8+$0x250] =	vst v8  }
0x377: {  	v12 =	vld [tilespmem:s8+$0x2D0];
	[tilespmem:s8+$0x280] =	vst v9;
	v9 =	vadd.f32 v11, v7  }
0x378: {  	v8 =	vld [tilespmem:s8+$0x2E0];
	[tilespmem:s8+$0x260] =	vst v10;
	v10 =	vadd.f32 v13, v5  }
0x379: {  	v11 =	vld [tilespmem:s8+$0x2F0];
	[tilespmem:s8+$0x270] =	vst v9;
	v9 =	vadd.f32 v14, v6  }
0x37a: {  	v13 =	vld [tilespmem:s8+$0x300];
	[tilespmem:s8+$0x290] =	vst v10;
	v10 =	vadd.f32 v15, v4  }
0x37b: {  	v14 =	vld [tilespmem:s8+$0x310];
	[tilespmem:s8+$0x2A0] =	vst v9;
	v9 =	vadd.f32 v62, v3  }
0x37c: {  	v15 =	vld [tilespmem:s8+$0x320];
	[tilespmem:s8+$0x2B0] =	vst v10;
	v10 =	vadd.f32 v12, v2  }
0x37d: {  	v12 =	vld [tilespmem:s8+$0x330];
	v8 =	vadd.f32 v8, v1;
	[tilespmem:s8+$0x2C0] =	vst v9  }
0x37e: {  	v11 =	vadd.f32 v11, v7;
	v9 =	vld [tilespmem:s8+$0x340];
	[tilespmem:s8+$0x2D0] =	vst v10  }
0x37f: {  	v10 =	vadd.f32 v13, v0;
	v13 =	vld [tilespmem:s8+$0x350];
	[tilespmem:s8+$0x2E0] =	vst v8  }
0x380: {  	v8 =	vld [tilespmem:s8+$0x360];
	v14 =	vadd.f32 v14, v5;
	[tilespmem:s8+$0x2F0] =	vst v11  }
0x381: {  	v11 =	vld [tilespmem:s8+$0x370];
	[tilespmem:s8+$0x300] =	vst v10;
	v10 =	vadd.f32 v15, v6  }
0x382: {  	[tilespmem:s8+$0x310] =	vst v14;
	v12 =	vadd.f32 v12, v4;
	v14 =	vld [tilespmem:s8+$0x380]  }
0x383: {  	v15 =	vld [tilespmem:s8+$0x390];
	[tilespmem:s8+$0x320] =	vst v10;
	v9 =	vadd.f32 v9, v3  }
0x384: {  	v63 =	vld [tilespmem:s8+$0x3A0];
	[tilespmem:s8+$0x330] =	vst v12;
	v10 =	vadd.f32 v13, v2  }
0x385: {  	v12 =	vadd.f32 v8, v1;
	v8 =	vld [tilespmem:s8+$0x3B0];
	[tilespmem:s8+$0x340] =	vst v9  }
0x386: {  	v11 =	vadd.f32 v11, v7;
	[tilespmem:s8+$0x350] =	vst v10;
	v9 =	vld [tilespmem:s8+$0x3C0]  }
0x387: {  	[tilespmem:s8+$0x360] =	vst v12;
	v10 =	vld [tilespmem:s8+$0x3D0];
	v14 =	vadd.f32 v14, v0  }
0x388: {  	v13 =	vadd.f32 v15, v5;
	[tilespmem:s8+$0x370] =	vst v11;
	v11 =	vld [tilespmem:s8+$0x3E0]  }
0x389: {  	s11 =	simm.s32 $0xAC00;
	s7 =	simm.s32 $0x0;
	v12 =	vld [tilespmem:s8+$0x0];
	[tilespmem:s8+$0x380] =	vst v14;
	v14 =	vadd.f32 v63, v6  }
.LBB2_15:
0x38a: {  	v15 =	vld [tilespmem:s11+$0x3F0];
	s7 =	sadd.s32 $0x8, s7;
	[tilespmem:s8+$0x390] =	vst v13;
	v8 =	vadd.f32 v8, v4  }
0x38b: {  	v13 =	vld [tilespmem:s11+$0x10];
	p1 =	slt.u32 s7, $0x78;
	[tilespmem:s8+$0x3A0] =	vst v14;
	v9 =	vadd.f32 v9, v3  }
0x38c: {  	v14 =	vld [tilespmem:s11+$0x20];
	[tilespmem:s8+$0x3B0] =	vst v8;
	v8 =	vadd.f32 v10, v2  }
0x38d: {  	v10 =	vld [tilespmem:s11+$0x30];
	[tilespmem:s8+$0x3C0] =	vst v9;
	v9 =	vadd.f32 v11, v1  }
0x38e: {  	v11 =	vld [tilespmem:s11+$0x40];
	v12 =	vadd.f32 v12, v0;
	[tilespmem:s8+$0x3D0] =	vst v8  }
0x38f: {  	v8 =	vld [tilespmem:s11+$0x50];
	v15 =	vadd.f32 v15, v7;
	[tilespmem:s8+$0x3E0] =	vst v9  }
0x390: {  	v9 =	vadd.f32 v13, v5;
	v13 =	vld [tilespmem:s11+$0x60];
	[tilespmem:s8+$0x0] =	vst v12;
	s8 =	smov.u32 s11  }
0x391: {  	v12 =	vadd.f32 v14, v6;
	v14 =	vld [tilespmem:s11+$0x70];
	[tilespmem:s11+$0x3F0] =	vst v15  }
0x392: {  	[tilespmem:s11+$0x10] =	vst v9;
	v9 =	vadd.f32 v10, v4;
	v10 =	vld [tilespmem:s11+$0x80]  }
0x393: {  	[tilespmem:s11+$0x20] =	vst v12;
	v11 =	vadd.f32 v11, v3;
	v12 =	vld [tilespmem:s11+$0x90]  }
0x394: {  	[tilespmem:s11+$0x30] =	vst v9;
	v8 =	vadd.f32 v8, v2;
	v9 =	vld [tilespmem:s11+$0xA0]  }
0x395: {  	[tilespmem:s11+$0x40] =	vst v11;
	v11 =	vadd.f32 v13, v1;
	v13 =	vld [tilespmem:s11+$0xB0]  }
0x396: {  	[tilespmem:s11+$0x50] =	vst v8;
	v8 =	vadd.f32 v14, v7;
	v14 =	vld [tilespmem:s11+$0xC0]  }
0x397: {  	[tilespmem:s11+$0x60] =	vst v11;
	v10 =	vadd.f32 v10, v0;
	v11 =	vld [tilespmem:s11+$0xD0]  }
0x398: {  	[tilespmem:s11+$0x70] =	vst v8;
	v8 =	vadd.f32 v12, v5;
	v12 =	vld [tilespmem:s11+$0xE0]  }
0x399: {  	[tilespmem:s11+$0x80] =	vst v10;
	v9 =	vadd.f32 v9, v6;
	v10 =	vld [tilespmem:s11+$0xF0]  }
0x39a: {  	[tilespmem:s11+$0x90] =	vst v8;
	v8 =	vadd.f32 v13, v4;
	v13 =	vld [tilespmem:s11+$0x100]  }
0x39b: {  	[tilespmem:s11+$0xA0] =	vst v9;
	v9 =	vadd.f32 v14, v3;
	v14 =	vld [tilespmem:s11+$0x110]  }
0x39c: {  	[tilespmem:s11+$0xB0] =	vst v8;
	v8 =	vadd.f32 v11, v2;
	v11 =	vld [tilespmem:s11+$0x120]  }
0x39d: {  	[tilespmem:s11+$0xC0] =	vst v9;
	v9 =	vadd.f32 v12, v1;
	v12 =	vld [tilespmem:s11+$0x130]  }
0x39e: {  	[tilespmem:s11+$0xD0] =	vst v8;
	v8 =	vadd.f32 v10, v7;
	v10 =	vld [tilespmem:s11+$0x140]  }
0x39f: {  	[tilespmem:s11+$0xE0] =	vst v9;
	v9 =	vadd.f32 v13, v0;
	v13 =	vld [tilespmem:s11+$0x150]  }
0x3a0: {  	[tilespmem:s11+$0xF0] =	vst v8;
	v8 =	vadd.f32 v14, v5;
	v14 =	vld [tilespmem:s11+$0x160]  }
0x3a1: {  	[tilespmem:s11+$0x100] =	vst v9;
	v9 =	vadd.f32 v11, v6;
	v11 =	vld [tilespmem:s11+$0x170]  }
0x3a2: {  	[tilespmem:s11+$0x110] =	vst v8;
	v8 =	vadd.f32 v12, v4;
	v12 =	vld [tilespmem:s11+$0x180]  }
0x3a3: {  	[tilespmem:s11+$0x120] =	vst v9;
	v9 =	vadd.f32 v10, v3;
	v10 =	vld [tilespmem:s11+$0x190]  }
0x3a4: {  	[tilespmem:s11+$0x130] =	vst v8;
	v8 =	vadd.f32 v13, v2;
	v13 =	vld [tilespmem:s11+$0x1A0]  }
0x3a5: {  	[tilespmem:s11+$0x140] =	vst v9;
	v9 =	vadd.f32 v14, v1;
	v14 =	vld [tilespmem:s11+$0x1B0]  }
0x3a6: {  	[tilespmem:s11+$0x150] =	vst v8;
	v8 =	vadd.f32 v11, v7;
	v11 =	vld [tilespmem:s11+$0x1C0]  }
0x3a7: {  	[tilespmem:s11+$0x160] =	vst v9;
	v9 =	vadd.f32 v12, v0;
	v12 =	vld [tilespmem:s11+$0x1D0]  }
0x3a8: {  	[tilespmem:s11+$0x170] =	vst v8;
	v8 =	vadd.f32 v10, v5;
	v10 =	vld [tilespmem:s11+$0x1E0]  }
0x3a9: {  	[tilespmem:s11+$0x180] =	vst v9;
	v9 =	vadd.f32 v13, v6;
	v13 =	vld [tilespmem:s11+$0x1F0]  }
0x3aa: {  	[tilespmem:s11+$0x190] =	vst v8;
	v8 =	vadd.f32 v14, v4;
	v14 =	vld [tilespmem:s11+$0x200]  }
0x3ab: {  	[tilespmem:s11+$0x1A0] =	vst v9;
	v9 =	vadd.f32 v11, v3;
	v11 =	vld [tilespmem:s11+$0x210]  }
0x3ac: {  	[tilespmem:s11+$0x1B0] =	vst v8;
	v8 =	vadd.f32 v12, v2;
	v12 =	vld [tilespmem:s11+$0x220]  }
0x3ad: {  	[tilespmem:s11+$0x1C0] =	vst v9;
	v9 =	vadd.f32 v10, v1;
	v10 =	vld [tilespmem:s11+$0x230]  }
0x3ae: {  	[tilespmem:s11+$0x1D0] =	vst v8;
	v8 =	vadd.f32 v13, v7;
	v13 =	vld [tilespmem:s11+$0x240]  }
0x3af: {  	[tilespmem:s11+$0x1E0] =	vst v9;
	v9 =	vadd.f32 v14, v0;
	v14 =	vld [tilespmem:s11+$0x250]  }
0x3b0: {  	[tilespmem:s11+$0x1F0] =	vst v8;
	v8 =	vadd.f32 v11, v5;
	v11 =	vld [tilespmem:s11+$0x260]  }
0x3b1: {  	[tilespmem:s11+$0x200] =	vst v9;
	v9 =	vadd.f32 v12, v6;
	v12 =	vld [tilespmem:s11+$0x270]  }
0x3b2: {  	[tilespmem:s11+$0x210] =	vst v8;
	v8 =	vadd.f32 v10, v4;
	v10 =	vld [tilespmem:s11+$0x280]  }
0x3b3: {  	[tilespmem:s11+$0x220] =	vst v9;
	v9 =	vadd.f32 v13, v3;
	v13 =	vld [tilespmem:s11+$0x290]  }
0x3b4: {  	[tilespmem:s11+$0x230] =	vst v8;
	v8 =	vadd.f32 v14, v2;
	v14 =	vld [tilespmem:s11+$0x2A0]  }
0x3b5: {  	[tilespmem:s11+$0x240] =	vst v9;
	v9 =	vadd.f32 v11, v1;
	v11 =	vld [tilespmem:s11+$0x2B0]  }
0x3b6: {  	[tilespmem:s11+$0x250] =	vst v8;
	v8 =	vadd.f32 v12, v7;
	v12 =	vld [tilespmem:s11+$0x2C0]  }
0x3b7: {  	[tilespmem:s11+$0x260] =	vst v9;
	v9 =	vadd.f32 v10, v0;
	v10 =	vld [tilespmem:s11+$0x2D0]  }
0x3b8: {  	[tilespmem:s11+$0x270] =	vst v8;
	v8 =	vadd.f32 v13, v5;
	v13 =	vld [tilespmem:s11+$0x2E0]  }
0x3b9: {  	[tilespmem:s11+$0x280] =	vst v9;
	v9 =	vadd.f32 v14, v6;
	v14 =	vld [tilespmem:s11+$0x2F0]  }
0x3ba: {  	[tilespmem:s11+$0x290] =	vst v8;
	v8 =	vadd.f32 v11, v4;
	v11 =	vld [tilespmem:s11+$0x300]  }
0x3bb: {  	[tilespmem:s11+$0x2A0] =	vst v9;
	v9 =	vadd.f32 v12, v3;
	v12 =	vld [tilespmem:s11+$0x310]  }
0x3bc: {  	[tilespmem:s11+$0x2B0] =	vst v8;
	v8 =	vadd.f32 v10, v2;
	v10 =	vld [tilespmem:s11+$0x320]  }
0x3bd: {  	[tilespmem:s11+$0x2C0] =	vst v9;
	v9 =	vadd.f32 v13, v1;
	v13 =	vld [tilespmem:s11+$0x330]  }
0x3be: {  	[tilespmem:s11+$0x2D0] =	vst v8;
	v8 =	vadd.f32 v14, v7;
	v14 =	vld [tilespmem:s11+$0x340]  }
0x3bf: {  	[tilespmem:s11+$0x2E0] =	vst v9;
	v9 =	vadd.f32 v11, v0;
	v11 =	vld [tilespmem:s11+$0x350]  }
0x3c0: {  	[tilespmem:s11+$0x2F0] =	vst v8;
	v8 =	vadd.f32 v12, v5;
	v12 =	vld [tilespmem:s11+$0x360]  }
0x3c1: {  	[tilespmem:s11+$0x300] =	vst v9;
	v9 =	vadd.f32 v10, v6;
	v10 =	vld [tilespmem:s11+$0x370]  }
0x3c2: {  	[tilespmem:s11+$0x310] =	vst v8;
	v8 =	vadd.f32 v13, v4;
	v13 =	vld [tilespmem:s11+$0x380]  }
0x3c3: {  	[tilespmem:s11+$0x320] =	vst v9;
	v9 =	vadd.f32 v14, v3;
	v14 =	vld [tilespmem:s11+$0x390]  }
0x3c4: {  	[tilespmem:s11+$0x330] =	vst v8;
	v11 =	vadd.f32 v11, v2;
	v15 =	vld [tilespmem:s11+$0x3A0]  }
.Ltmp6:
0x3c5: {  	[tilespmem:s11+$0x340] =	vst v9;
	v12 =	vadd.f32 v12, v1;
	v8 =	vld [tilespmem:s11+$0x3B0];
	(pc) =	sbr.rel @p1 .LBB2_15-.Ltmp6, $4  }
0x3c6: {  	[tilespmem:s11+$0x350] =	vst v11;
	v11 =	vadd.f32 v10, v7;
	v9 =	vld [tilespmem:s11+$0x3C0]  }
0x3c7: {  	[tilespmem:s11+$0x360] =	vst v12;
	v16 =	vadd.f32 v13, v0;
	v10 =	vld [tilespmem:s11+$0x3D0]  }
0x3c8: {  	[tilespmem:s11+$0x370] =	vst v11;
	v13 =	vadd.f32 v14, v5;
	v11 =	vld [tilespmem:s11+$0x3E0]  }
0x3c9: {  	s11 =	sadd.s32 $0x400, s11;
	v12 =	vld [tilespmem:s8+$0x0];
	[tilespmem:s8+$0x380] =	vst v16;
	v14 =	vadd.f32 v15, v6  }
0x3ca: {  	[tilespmem:s8+$0x390] =	vst v13;
	v4 =	vadd.f32 v8, v4  }
0x3cb: {  	s10 =	sadd.s32 $0x1, s10;
	[tilespmem:s8+$0x3A0] =	vst v14;
	v3 =	vadd.f32 v9, v3  }
0x3cc: {  	p1 =	sne.s32 s10, $0x18;
	[tilespmem:s8+$0x3B0] =	vst v4;
	v2 =	vadd.f32 v10, v2  }
.Ltmp7:
0x3cd: {  	s7 =	sshll.u32 s14, $0x13;
	[tilespmem:s8+$0x3C0] =	vst v3;
	v1 =	vadd.f32 v11, v1;
	(pc) =	sbr.rel @p1 .LBB2_8-.Ltmp7, $4  }
0x3ce: {  	s7 =	sor.u32 s9, s7;
	v0 =	vadd.f32 v12, v0;
	[tilespmem:s8+$0x3D0] =	vst v2  }
0x3cf: {  	s7 =	sshrl.u32 s7, $0x3;
	[tilespmem:s8+$0x3E0] =	vst v1  }
0x3d0: {  	s7 =	sadd.s32 s4, s7;
	[tilespmem:s8+$0x0] =	vst v0  }
0x3d1: {  	[hbm4b:s7+s6] =	stream.linear.scatter [tilespmem:s29], [sflag:$0x6], $0x4000, $0x38;
	[tilespmem:$0x1C740] =	vst v63  }
0x3d2: {  	_ =	swait.ge [sflag:s16], $0x4000  }
0x3d3: {  	[sflag:s16] =	ssyncset.done $0x0  }
0x3d4: {  	[sflag:s16] =	ssyncadd.s32 $0xFFFFC000  }
0x3d5: {  	_ =	swait.ge [sflag:s17], $0x4000  }
0x3d6: {  	[sflag:s17] =	ssyncset.done $0x0  }
0x3d7: {  	[sflag:s17] =	ssyncadd.s32 $0xFFFFC000  }
0x3d8: {  	v0 =	vld [tilespmem:$0x3100]  }
0x3d9: {  	v5 =	vld [tilespmem:$0x3110]  }
0x3da: {  	v6 =	vld [tilespmem:$0x3120]  }
0x3db: {  	v4 =	vld [tilespmem:$0x3130]  }
0x3dc: {  	v3 =	vld [tilespmem:$0x3140]  }
0x3dd: {  	v2 =	vld [tilespmem:$0x3150]  }
0x3de: {  	v1 =	vld [tilespmem:$0x3160]  }
0x3df: {  	s8 =	simm.s32 $0xE800;
	v7 =	vld [tilespmem:$0x3170]  }
0x3e0: {  	v8 =	vld [tilespmem:s8+$0x3F0]  }
0x3e1: {  	v9 =	vld [tilespmem:s8+$0x10]  }
0x3e2: {  	v10 =	vld [tilespmem:s8+$0x20]  }
0x3e3: {  	v19 =	vld [tilespmem:s8+$0xB0]  }
0x3e4: {  	v16 =	vld [tilespmem:s8+$0x80]  }
0x3e5: {  	v12 =	vld [tilespmem:s8+$0x40];
	v8 =	vadd.f32 v8, v7  }
0x3e6: {  	v11 =	vld [tilespmem:s8+$0x30];
	v9 =	vadd.f32 v9, v5  }
0x3e7: {  	v14 =	vld [tilespmem:s8+$0x60];
	v10 =	vadd.f32 v10, v6;
	[tilespmem:s8+$0x3F0] =	vst v8  }
0x3e8: {  	v13 =	vld [tilespmem:s8+$0x50];
	v56 =	vadd.f32 v19, v4;
	[tilespmem:s8+$0x10] =	vst v9  }
0x3e9: {  	v17 =	vld [tilespmem:s8+$0x90];
	v8 =	vadd.f32 v16, v0;
	[tilespmem:s8+$0x20] =	vst v10  }
0x3ea: {  	v9 =	vld [tilespmem:s8+$0xE0];
	v10 =	vadd.f32 v12, v3;
	[tilespmem:s8+$0xB0] =	vst v56  }
0x3eb: {  	v15 =	vld [tilespmem:s8+$0x70];
	[tilespmem:s8+$0x80] =	vst v8;
	v8 =	vadd.f32 v11, v4  }
0x3ec: {  	v12 =	vld [tilespmem:s8+$0x100];
	[tilespmem:s8+$0x40] =	vst v10;
	v10 =	vadd.f32 v14, v1  }
0x3ed: {  	v11 =	vld [tilespmem:s8+$0xF0];
	[tilespmem:s8+$0x30] =	vst v8;
	v8 =	vadd.f32 v13, v2  }
0x3ee: {  	v20 =	vld [tilespmem:s8+$0xC0];
	[tilespmem:s8+$0x60] =	vst v10;
	v10 =	vadd.f32 v17, v5  }
0x3ef: {  	v18 =	vld [tilespmem:s8+$0xA0];
	v9 =	vadd.f32 v9, v1;
	[tilespmem:s8+$0x50] =	vst v8  }
0x3f0: {  	v14 =	vld [tilespmem:s8+$0x120];
	v8 =	vadd.f32 v15, v7;
	[tilespmem:s8+$0x90] =	vst v10  }
0x3f1: {  	v54 =	vld [tilespmem:s8+$0xD0];
	v10 =	vadd.f32 v12, v0;
	[tilespmem:s8+$0xE0] =	vst v9  }
0x3f2: {  	v13 =	vld [tilespmem:s8+$0x110];
	v11 =	vadd.f32 v11, v7;
	[tilespmem:s8+$0x70] =	vst v8  }
0x3f3: {  	v55 =	vld [tilespmem:s8+$0x140];
	[tilespmem:s8+$0x100] =	vst v10;
	v10 =	vadd.f32 v20, v3  }
0x3f4: {  	v15 =	vld [tilespmem:s8+$0x130];
	v8 =	vadd.f32 v18, v6;
	[tilespmem:s8+$0xF0] =	vst v11  }
0x3f5: {  	v11 =	vadd.f32 v14, v6;
	[tilespmem:s8+$0xC0] =	vst v10;
	v10 =	vld [tilespmem:s8+$0x180]  }
0x3f6: {  	v16 =	vadd.f32 v54, v2;
	[tilespmem:s8+$0xA0] =	vst v8;
	v8 =	vld [tilespmem:s8+$0x160]  }
0x3f7: {  	v9 =	vadd.f32 v13, v5;
	[tilespmem:s8+$0x120] =	vst v11;
	v11 =	vld [tilespmem:s8+$0x1D0]  }
0x3f8: {  	[tilespmem:s8+$0xD0] =	vst v16;
	v17 =	vadd.f32 v55, v3;
	v12 =	vld [tilespmem:s8+$0x150]  }
0x3f9: {  	v58 =	vld [tilespmem:s8+$0x190];
	[tilespmem:s8+$0x110] =	vst v9;
	v9 =	vadd.f32 v15, v4  }
0x3fa: {  	v57 =	vld [tilespmem:s8+$0x170];
	[tilespmem:s8+$0x140] =	vst v17;
	v10 =	vadd.f32 v10, v0  }
0x3fb: {  	v14 =	vld [tilespmem:s8+$0x1B0];
	[tilespmem:s8+$0x130] =	vst v9;
	v8 =	vadd.f32 v8, v1  }
0x3fc: {  	v13 =	vld [tilespmem:s8+$0x1A0];
	v11 =	vadd.f32 v11, v2;
	[tilespmem:s8+$0x180] =	vst v10  }
0x3fd: {  	v59 =	vld [tilespmem:s8+$0x200];
	v10 =	vadd.f32 v12, v2;
	[tilespmem:s8+$0x160] =	vst v8  }
0x3fe: {  	v15 =	vld [tilespmem:s8+$0x1C0];
	v8 =	vadd.f32 v58, v5;
	[tilespmem:s8+$0x1D0] =	vst v11  }
0x3ff: {  	v9 =	vld [tilespmem:s8+$0x1E0];
	[tilespmem:s8+$0x150] =	vst v10;
	v10 =	vadd.f32 v57, v7  }
0x400: {  	v12 =	vld [tilespmem:s8+$0x1F0];
	[tilespmem:s8+$0x190] =	vst v8;
	v8 =	vadd.f32 v14, v4  }
0x401: {  	v60 =	vld [tilespmem:s8+$0x210];
	[tilespmem:s8+$0x170] =	vst v10;
	v10 =	vadd.f32 v13, v6  }
0x402: {  	v13 =	vld [tilespmem:s8+$0x220];
	[tilespmem:s8+$0x1B0] =	vst v8;
	v8 =	vadd.f32 v59, v0  }
0x403: {  	v14 =	vld [tilespmem:s8+$0x230];
	[tilespmem:s8+$0x1A0] =	vst v10;
	v10 =	vadd.f32 v15, v3  }
0x404: {  	v15 =	vld [tilespmem:s8+$0x240];
	[tilespmem:s8+$0x200] =	vst v8;
	v8 =	vadd.f32 v9, v1  }
0x405: {  	v61 =	vld [tilespmem:s8+$0x250];
	v9 =	vadd.f32 v12, v7;
	[tilespmem:s8+$0x1C0] =	vst v10  }
0x406: {  	v12 =	vld [tilespmem:s8+$0x280];
	[tilespmem:s8+$0x1E0] =	vst v8;
	v8 =	vadd.f32 v60, v5  }
0x407: {  	v10 =	vld [tilespmem:s8+$0x260];
	[tilespmem:s8+$0x1F0] =	vst v9;
	v9 =	vadd.f32 v13, v6  }
0x408: {  	v11 =	vld [tilespmem:s8+$0x270];
	[tilespmem:s8+$0x210] =	vst v8;
	v8 =	vadd.f32 v14, v4  }
0x409: {  	v13 =	vld [tilespmem:s8+$0x290];
	[tilespmem:s8+$0x220] =	vst v9;
	v9 =	vadd.f32 v15, v3  }
0x40a: {  	v14 =	vld [tilespmem:s8+$0x2A0];
	[tilespmem:s8+$0x230] =	vst v8;
	v8 =	vadd.f32 v61, v2  }
0x40b: {  	v15 =	vld [tilespmem:s8+$0x2B0];
	[tilespmem:s8+$0x240] =	vst v9;
	v9 =	vadd.f32 v12, v0  }
0x40c: {  	v62 =	vld [tilespmem:s8+$0x2C0];
	v10 =	vadd.f32 v10, v1;
	[tilespmem:s8+$0x250] =	vst v8  }
0x40d: {  	v12 =	vld [tilespmem:s8+$0x2D0];
	[tilespmem:s8+$0x280] =	vst v9;
	v9 =	vadd.f32 v11, v7  }
0x40e: {  	v8 =	vld [tilespmem:s8+$0x2E0];
	[tilespmem:s8+$0x260] =	vst v10;
	v10 =	vadd.f32 v13, v5  }
0x40f: {  	v11 =	vld [tilespmem:s8+$0x2F0];
	[tilespmem:s8+$0x270] =	vst v9;
	v9 =	vadd.f32 v14, v6  }
0x410: {  	v13 =	vld [tilespmem:s8+$0x300];
	[tilespmem:s8+$0x290] =	vst v10;
	v10 =	vadd.f32 v15, v4  }
0x411: {  	v14 =	vld [tilespmem:s8+$0x310];
	[tilespmem:s8+$0x2A0] =	vst v9;
	v9 =	vadd.f32 v62, v3  }
0x412: {  	v15 =	vld [tilespmem:s8+$0x320];
	[tilespmem:s8+$0x2B0] =	vst v10;
	v10 =	vadd.f32 v12, v2  }
0x413: {  	v12 =	vld [tilespmem:s8+$0x330];
	v8 =	vadd.f32 v8, v1;
	[tilespmem:s8+$0x2C0] =	vst v9  }
0x414: {  	v11 =	vadd.f32 v11, v7;
	v9 =	vld [tilespmem:s8+$0x340];
	[tilespmem:s8+$0x2D0] =	vst v10  }
0x415: {  	v10 =	vadd.f32 v13, v0;
	v13 =	vld [tilespmem:s8+$0x350];
	[tilespmem:s8+$0x2E0] =	vst v8  }
0x416: {  	v8 =	vld [tilespmem:s8+$0x360];
	v14 =	vadd.f32 v14, v5;
	[tilespmem:s8+$0x2F0] =	vst v11  }
0x417: {  	v11 =	vld [tilespmem:s8+$0x370];
	[tilespmem:s8+$0x300] =	vst v10;
	v10 =	vadd.f32 v15, v6  }
0x418: {  	[tilespmem:s8+$0x310] =	vst v14;
	v12 =	vadd.f32 v12, v4;
	v14 =	vld [tilespmem:s8+$0x380]  }
0x419: {  	v15 =	vld [tilespmem:s8+$0x390];
	[tilespmem:s8+$0x320] =	vst v10;
	v9 =	vadd.f32 v9, v3  }
0x41a: {  	v63 =	vld [tilespmem:s8+$0x3A0];
	[tilespmem:s8+$0x330] =	vst v12;
	v10 =	vadd.f32 v13, v2  }
0x41b: {  	v12 =	vadd.f32 v8, v1;
	v8 =	vld [tilespmem:s8+$0x3B0];
	[tilespmem:s8+$0x340] =	vst v9  }
0x41c: {  	v11 =	vadd.f32 v11, v7;
	[tilespmem:s8+$0x350] =	vst v10;
	v9 =	vld [tilespmem:s8+$0x3C0]  }
0x41d: {  	[tilespmem:s8+$0x360] =	vst v12;
	v10 =	vld [tilespmem:s8+$0x3D0];
	v14 =	vadd.f32 v14, v0  }
0x41e: {  	v13 =	vadd.f32 v15, v5;
	[tilespmem:s8+$0x370] =	vst v11;
	v11 =	vld [tilespmem:s8+$0x3E0]  }
0x41f: {  	s7 =	simm.s32 $0x0;
	s10 =	simm.s32 $0xEC00;
	v12 =	vld [tilespmem:s8+$0x0];
	[tilespmem:s8+$0x380] =	vst v14;
	v14 =	vadd.f32 v63, v6  }
.LBB2_18:
0x420: {  	v15 =	vld [tilespmem:s10+$0x3F0];
	s7 =	sadd.s32 $0x8, s7;
	[tilespmem:s8+$0x390] =	vst v13;
	v8 =	vadd.f32 v8, v4  }
0x421: {  	v13 =	vld [tilespmem:s10+$0x10];
	p1 =	slt.u32 s7, $0x78;
	[tilespmem:s8+$0x3A0] =	vst v14;
	v9 =	vadd.f32 v9, v3  }
0x422: {  	v14 =	vld [tilespmem:s10+$0x20];
	[tilespmem:s8+$0x3B0] =	vst v8;
	v8 =	vadd.f32 v10, v2  }
0x423: {  	v10 =	vld [tilespmem:s10+$0x30];
	[tilespmem:s8+$0x3C0] =	vst v9;
	v9 =	vadd.f32 v11, v1  }
0x424: {  	v11 =	vld [tilespmem:s10+$0x40];
	v12 =	vadd.f32 v12, v0;
	[tilespmem:s8+$0x3D0] =	vst v8  }
0x425: {  	v8 =	vld [tilespmem:s10+$0x50];
	v15 =	vadd.f32 v15, v7;
	[tilespmem:s8+$0x3E0] =	vst v9  }
0x426: {  	v9 =	vadd.f32 v13, v5;
	v13 =	vld [tilespmem:s10+$0x60];
	[tilespmem:s8+$0x0] =	vst v12;
	s8 =	smov.u32 s10  }
0x427: {  	v12 =	vadd.f32 v14, v6;
	v14 =	vld [tilespmem:s10+$0x70];
	[tilespmem:s10+$0x3F0] =	vst v15  }
0x428: {  	[tilespmem:s10+$0x10] =	vst v9;
	v9 =	vadd.f32 v10, v4;
	v10 =	vld [tilespmem:s10+$0x80]  }
0x429: {  	[tilespmem:s10+$0x20] =	vst v12;
	v11 =	vadd.f32 v11, v3;
	v12 =	vld [tilespmem:s10+$0x90]  }
0x42a: {  	[tilespmem:s10+$0x30] =	vst v9;
	v8 =	vadd.f32 v8, v2;
	v9 =	vld [tilespmem:s10+$0xA0]  }
0x42b: {  	[tilespmem:s10+$0x40] =	vst v11;
	v11 =	vadd.f32 v13, v1;
	v13 =	vld [tilespmem:s10+$0xB0]  }
0x42c: {  	[tilespmem:s10+$0x50] =	vst v8;
	v8 =	vadd.f32 v14, v7;
	v14 =	vld [tilespmem:s10+$0xC0]  }
0x42d: {  	[tilespmem:s10+$0x60] =	vst v11;
	v10 =	vadd.f32 v10, v0;
	v11 =	vld [tilespmem:s10+$0xD0]  }
0x42e: {  	[tilespmem:s10+$0x70] =	vst v8;
	v8 =	vadd.f32 v12, v5;
	v12 =	vld [tilespmem:s10+$0xE0]  }
0x42f: {  	[tilespmem:s10+$0x80] =	vst v10;
	v9 =	vadd.f32 v9, v6;
	v10 =	vld [tilespmem:s10+$0xF0]  }
0x430: {  	[tilespmem:s10+$0x90] =	vst v8;
	v8 =	vadd.f32 v13, v4;
	v13 =	vld [tilespmem:s10+$0x100]  }
0x431: {  	[tilespmem:s10+$0xA0] =	vst v9;
	v9 =	vadd.f32 v14, v3;
	v14 =	vld [tilespmem:s10+$0x110]  }
0x432: {  	[tilespmem:s10+$0xB0] =	vst v8;
	v8 =	vadd.f32 v11, v2;
	v11 =	vld [tilespmem:s10+$0x120]  }
0x433: {  	[tilespmem:s10+$0xC0] =	vst v9;
	v9 =	vadd.f32 v12, v1;
	v12 =	vld [tilespmem:s10+$0x130]  }
0x434: {  	[tilespmem:s10+$0xD0] =	vst v8;
	v8 =	vadd.f32 v10, v7;
	v10 =	vld [tilespmem:s10+$0x140]  }
0x435: {  	[tilespmem:s10+$0xE0] =	vst v9;
	v9 =	vadd.f32 v13, v0;
	v13 =	vld [tilespmem:s10+$0x150]  }
0x436: {  	[tilespmem:s10+$0xF0] =	vst v8;
	v8 =	vadd.f32 v14, v5;
	v14 =	vld [tilespmem:s10+$0x160]  }
0x437: {  	[tilespmem:s10+$0x100] =	vst v9;
	v9 =	vadd.f32 v11, v6;
	v11 =	vld [tilespmem:s10+$0x170]  }
0x438: {  	[tilespmem:s10+$0x110] =	vst v8;
	v8 =	vadd.f32 v12, v4;
	v12 =	vld [tilespmem:s10+$0x180]  }
0x439: {  	[tilespmem:s10+$0x120] =	vst v9;
	v9 =	vadd.f32 v10, v3;
	v10 =	vld [tilespmem:s10+$0x190]  }
0x43a: {  	[tilespmem:s10+$0x130] =	vst v8;
	v8 =	vadd.f32 v13, v2;
	v13 =	vld [tilespmem:s10+$0x1A0]  }
0x43b: {  	[tilespmem:s10+$0x140] =	vst v9;
	v9 =	vadd.f32 v14, v1;
	v14 =	vld [tilespmem:s10+$0x1B0]  }
0x43c: {  	[tilespmem:s10+$0x150] =	vst v8;
	v8 =	vadd.f32 v11, v7;
	v11 =	vld [tilespmem:s10+$0x1C0]  }
0x43d: {  	[tilespmem:s10+$0x160] =	vst v9;
	v9 =	vadd.f32 v12, v0;
	v12 =	vld [tilespmem:s10+$0x1D0]  }
0x43e: {  	[tilespmem:s10+$0x170] =	vst v8;
	v8 =	vadd.f32 v10, v5;
	v10 =	vld [tilespmem:s10+$0x1E0]  }
0x43f: {  	[tilespmem:s10+$0x180] =	vst v9;
	v9 =	vadd.f32 v13, v6;
	v13 =	vld [tilespmem:s10+$0x1F0]  }
0x440: {  	[tilespmem:s10+$0x190] =	vst v8;
	v8 =	vadd.f32 v14, v4;
	v14 =	vld [tilespmem:s10+$0x200]  }
0x441: {  	[tilespmem:s10+$0x1A0] =	vst v9;
	v9 =	vadd.f32 v11, v3;
	v11 =	vld [tilespmem:s10+$0x210]  }
0x442: {  	[tilespmem:s10+$0x1B0] =	vst v8;
	v8 =	vadd.f32 v12, v2;
	v12 =	vld [tilespmem:s10+$0x220]  }
0x443: {  	[tilespmem:s10+$0x1C0] =	vst v9;
	v9 =	vadd.f32 v10, v1;
	v10 =	vld [tilespmem:s10+$0x230]  }
0x444: {  	[tilespmem:s10+$0x1D0] =	vst v8;
	v8 =	vadd.f32 v13, v7;
	v13 =	vld [tilespmem:s10+$0x240]  }
0x445: {  	[tilespmem:s10+$0x1E0] =	vst v9;
	v9 =	vadd.f32 v14, v0;
	v14 =	vld [tilespmem:s10+$0x250]  }
0x446: {  	[tilespmem:s10+$0x1F0] =	vst v8;
	v8 =	vadd.f32 v11, v5;
	v11 =	vld [tilespmem:s10+$0x260]  }
0x447: {  	[tilespmem:s10+$0x200] =	vst v9;
	v9 =	vadd.f32 v12, v6;
	v12 =	vld [tilespmem:s10+$0x270]  }
0x448: {  	[tilespmem:s10+$0x210] =	vst v8;
	v8 =	vadd.f32 v10, v4;
	v10 =	vld [tilespmem:s10+$0x280]  }
0x449: {  	[tilespmem:s10+$0x220] =	vst v9;
	v9 =	vadd.f32 v13, v3;
	v13 =	vld [tilespmem:s10+$0x290]  }
0x44a: {  	[tilespmem:s10+$0x230] =	vst v8;
	v8 =	vadd.f32 v14, v2;
	v14 =	vld [tilespmem:s10+$0x2A0]  }
0x44b: {  	[tilespmem:s10+$0x240] =	vst v9;
	v9 =	vadd.f32 v11, v1;
	v11 =	vld [tilespmem:s10+$0x2B0]  }
0x44c: {  	[tilespmem:s10+$0x250] =	vst v8;
	v8 =	vadd.f32 v12, v7;
	v12 =	vld [tilespmem:s10+$0x2C0]  }
0x44d: {  	[tilespmem:s10+$0x260] =	vst v9;
	v9 =	vadd.f32 v10, v0;
	v10 =	vld [tilespmem:s10+$0x2D0]  }
0x44e: {  	[tilespmem:s10+$0x270] =	vst v8;
	v8 =	vadd.f32 v13, v5;
	v13 =	vld [tilespmem:s10+$0x2E0]  }
0x44f: {  	[tilespmem:s10+$0x280] =	vst v9;
	v9 =	vadd.f32 v14, v6;
	v14 =	vld [tilespmem:s10+$0x2F0]  }
0x450: {  	[tilespmem:s10+$0x290] =	vst v8;
	v8 =	vadd.f32 v11, v4;
	v11 =	vld [tilespmem:s10+$0x300]  }
0x451: {  	[tilespmem:s10+$0x2A0] =	vst v9;
	v9 =	vadd.f32 v12, v3;
	v12 =	vld [tilespmem:s10+$0x310]  }
0x452: {  	[tilespmem:s10+$0x2B0] =	vst v8;
	v8 =	vadd.f32 v10, v2;
	v10 =	vld [tilespmem:s10+$0x320]  }
0x453: {  	[tilespmem:s10+$0x2C0] =	vst v9;
	v9 =	vadd.f32 v13, v1;
	v13 =	vld [tilespmem:s10+$0x330]  }
0x454: {  	[tilespmem:s10+$0x2D0] =	vst v8;
	v8 =	vadd.f32 v14, v7;
	v14 =	vld [tilespmem:s10+$0x340]  }
0x455: {  	[tilespmem:s10+$0x2E0] =	vst v9;
	v9 =	vadd.f32 v11, v0;
	v11 =	vld [tilespmem:s10+$0x350]  }
0x456: {  	[tilespmem:s10+$0x2F0] =	vst v8;
	v8 =	vadd.f32 v12, v5;
	v12 =	vld [tilespmem:s10+$0x360]  }
0x457: {  	[tilespmem:s10+$0x300] =	vst v9;
	v9 =	vadd.f32 v10, v6;
	v10 =	vld [tilespmem:s10+$0x370]  }
0x458: {  	[tilespmem:s10+$0x310] =	vst v8;
	v8 =	vadd.f32 v13, v4;
	v13 =	vld [tilespmem:s10+$0x380]  }
0x459: {  	[tilespmem:s10+$0x320] =	vst v9;
	v9 =	vadd.f32 v14, v3;
	v14 =	vld [tilespmem:s10+$0x390]  }
0x45a: {  	[tilespmem:s10+$0x330] =	vst v8;
	v11 =	vadd.f32 v11, v2;
	v15 =	vld [tilespmem:s10+$0x3A0]  }
.Ltmp8:
0x45b: {  	[tilespmem:s10+$0x340] =	vst v9;
	v12 =	vadd.f32 v12, v1;
	v8 =	vld [tilespmem:s10+$0x3B0];
	(pc) =	sbr.rel @p1 .LBB2_18-.Ltmp8, $4  }
0x45c: {  	[tilespmem:s10+$0x350] =	vst v11;
	v11 =	vadd.f32 v10, v7;
	v9 =	vld [tilespmem:s10+$0x3C0]  }
0x45d: {  	[tilespmem:s10+$0x360] =	vst v12;
	v16 =	vadd.f32 v13, v0;
	v10 =	vld [tilespmem:s10+$0x3D0]  }
0x45e: {  	[tilespmem:s10+$0x370] =	vst v11;
	v13 =	vadd.f32 v14, v5;
	v11 =	vld [tilespmem:s10+$0x3E0]  }
0x45f: {  	s10 =	sadd.s32 $0x400, s10;
	v12 =	vld [tilespmem:s8+$0x0];
	[tilespmem:s8+$0x380] =	vst v16;
	v14 =	vadd.f32 v15, v6  }
0x460: {  	[tilespmem:s8+$0x390] =	vst v13;
	v4 =	vadd.f32 v8, v4  }
0x461: {  	[tilespmem:s8+$0x3A0] =	vst v14;
	v3 =	vadd.f32 v9, v3  }
0x462: {  	[tilespmem:s8+$0x3B0] =	vst v4;
	v2 =	vadd.f32 v10, v2  }
0x463: {  	[tilespmem:s8+$0x3C0] =	vst v3;
	v1 =	vadd.f32 v11, v1  }
0x464: {  	v0 =	vadd.f32 v12, v0;
	[tilespmem:s8+$0x3D0] =	vst v2  }
0x465: {  	[tilespmem:s8+$0x3E0] =	vst v1  }
0x466: {  	[tilespmem:s8+$0x0] =	vst v0  }
0x467: {  	s7 =	rddreg [dreg:$0xb]  }
0x468: {  	[hbm4b:s7+s6] =	stream.linear.scatter [tilespmem:s31], [sflag:$0x7], $0x4000, $0x38;
	[tilespmem:$0x1C740] =	vst v63  }
0x469: {  	_ =	swait.ge [sflag:s20], $0x4000  }
0x46a: {  	[sflag:s20] =	ssyncset.done $0x0  }
0x46b: {  	[sflag:s20] =	ssyncadd.s32 $0xFFFFC000  }
0x46c: {  	_ =	swait.ge [sflag:s28], $0x4000  }
0x46d: {  	[sflag:s28] =	ssyncset.done $0x0  }
0x46e: {  	[sflag:s28] =	ssyncadd.s32 $0xFFFFC000  }
0x46f: {  	v0 =	vld [tilespmem:$0x3180]  }
0x470: {  	v5 =	vld [tilespmem:$0x3190]  }
0x471: {  	v6 =	vld [tilespmem:$0x31A0]  }
0x472: {  	v4 =	vld [tilespmem:$0x31B0]  }
0x473: {  	v3 =	vld [tilespmem:$0x31C0]  }
0x474: {  	v2 =	vld [tilespmem:$0x31D0]  }
0x475: {  	v1 =	vld [tilespmem:$0x31E0]  }
0x476: {  	s8 =	simm.s32 $0x12800;
	v7 =	vld [tilespmem:$0x31F0]  }
0x477: {  	v8 =	vld [tilespmem:s8+$0x3F0]  }
0x478: {  	v9 =	vld [tilespmem:s8+$0x10]  }
0x479: {  	v10 =	vld [tilespmem:s8+$0x20]  }
0x47a: {  	v19 =	vld [tilespmem:s8+$0xB0]  }
0x47b: {  	v16 =	vld [tilespmem:s8+$0x80]  }
0x47c: {  	v12 =	vld [tilespmem:s8+$0x40];
	v8 =	vadd.f32 v8, v7  }
0x47d: {  	v11 =	vld [tilespmem:s8+$0x30];
	v9 =	vadd.f32 v9, v5  }
0x47e: {  	v14 =	vld [tilespmem:s8+$0x60];
	v10 =	vadd.f32 v10, v6;
	[tilespmem:s8+$0x3F0] =	vst v8  }
0x47f: {  	v13 =	vld [tilespmem:s8+$0x50];
	v56 =	vadd.f32 v19, v4;
	[tilespmem:s8+$0x10] =	vst v9  }
0x480: {  	v17 =	vld [tilespmem:s8+$0x90];
	v8 =	vadd.f32 v16, v0;
	[tilespmem:s8+$0x20] =	vst v10  }
0x481: {  	v9 =	vld [tilespmem:s8+$0xE0];
	v10 =	vadd.f32 v12, v3;
	[tilespmem:s8+$0xB0] =	vst v56  }
0x482: {  	v15 =	vld [tilespmem:s8+$0x70];
	[tilespmem:s8+$0x80] =	vst v8;
	v8 =	vadd.f32 v11, v4  }
0x483: {  	v12 =	vld [tilespmem:s8+$0x100];
	[tilespmem:s8+$0x40] =	vst v10;
	v10 =	vadd.f32 v14, v1  }
0x484: {  	v11 =	vld [tilespmem:s8+$0xF0];
	[tilespmem:s8+$0x30] =	vst v8;
	v8 =	vadd.f32 v13, v2  }
0x485: {  	v20 =	vld [tilespmem:s8+$0xC0];
	[tilespmem:s8+$0x60] =	vst v10;
	v10 =	vadd.f32 v17, v5  }
0x486: {  	v18 =	vld [tilespmem:s8+$0xA0];
	v9 =	vadd.f32 v9, v1;
	[tilespmem:s8+$0x50] =	vst v8  }
0x487: {  	v14 =	vld [tilespmem:s8+$0x120];
	v8 =	vadd.f32 v15, v7;
	[tilespmem:s8+$0x90] =	vst v10  }
0x488: {  	v54 =	vld [tilespmem:s8+$0xD0];
	v10 =	vadd.f32 v12, v0;
	[tilespmem:s8+$0xE0] =	vst v9  }
0x489: {  	v13 =	vld [tilespmem:s8+$0x110];
	v11 =	vadd.f32 v11, v7;
	[tilespmem:s8+$0x70] =	vst v8  }
0x48a: {  	v55 =	vld [tilespmem:s8+$0x140];
	[tilespmem:s8+$0x100] =	vst v10;
	v10 =	vadd.f32 v20, v3  }
0x48b: {  	v15 =	vld [tilespmem:s8+$0x130];
	v8 =	vadd.f32 v18, v6;
	[tilespmem:s8+$0xF0] =	vst v11  }
0x48c: {  	v11 =	vadd.f32 v14, v6;
	[tilespmem:s8+$0xC0] =	vst v10;
	v10 =	vld [tilespmem:s8+$0x180]  }
0x48d: {  	v16 =	vadd.f32 v54, v2;
	[tilespmem:s8+$0xA0] =	vst v8;
	v8 =	vld [tilespmem:s8+$0x160]  }
0x48e: {  	v9 =	vadd.f32 v13, v5;
	[tilespmem:s8+$0x120] =	vst v11;
	v11 =	vld [tilespmem:s8+$0x1D0]  }
0x48f: {  	[tilespmem:s8+$0xD0] =	vst v16;
	v17 =	vadd.f32 v55, v3;
	v12 =	vld [tilespmem:s8+$0x150]  }
0x490: {  	v58 =	vld [tilespmem:s8+$0x190];
	[tilespmem:s8+$0x110] =	vst v9;
	v9 =	vadd.f32 v15, v4  }
0x491: {  	v57 =	vld [tilespmem:s8+$0x170];
	[tilespmem:s8+$0x140] =	vst v17;
	v10 =	vadd.f32 v10, v0  }
0x492: {  	v14 =	vld [tilespmem:s8+$0x1B0];
	[tilespmem:s8+$0x130] =	vst v9;
	v8 =	vadd.f32 v8, v1  }
0x493: {  	v13 =	vld [tilespmem:s8+$0x1A0];
	v11 =	vadd.f32 v11, v2;
	[tilespmem:s8+$0x180] =	vst v10  }
0x494: {  	v59 =	vld [tilespmem:s8+$0x200];
	v10 =	vadd.f32 v12, v2;
	[tilespmem:s8+$0x160] =	vst v8  }
0x495: {  	v15 =	vld [tilespmem:s8+$0x1C0];
	v8 =	vadd.f32 v58, v5;
	[tilespmem:s8+$0x1D0] =	vst v11  }
0x496: {  	v9 =	vld [tilespmem:s8+$0x1E0];
	[tilespmem:s8+$0x150] =	vst v10;
	v10 =	vadd.f32 v57, v7  }
0x497: {  	v12 =	vld [tilespmem:s8+$0x1F0];
	[tilespmem:s8+$0x190] =	vst v8;
	v8 =	vadd.f32 v14, v4  }
0x498: {  	v60 =	vld [tilespmem:s8+$0x210];
	[tilespmem:s8+$0x170] =	vst v10;
	v10 =	vadd.f32 v13, v6  }
0x499: {  	v13 =	vld [tilespmem:s8+$0x220];
	[tilespmem:s8+$0x1B0] =	vst v8;
	v8 =	vadd.f32 v59, v0  }
0x49a: {  	v14 =	vld [tilespmem:s8+$0x230];
	[tilespmem:s8+$0x1A0] =	vst v10;
	v10 =	vadd.f32 v15, v3  }
0x49b: {  	v15 =	vld [tilespmem:s8+$0x240];
	[tilespmem:s8+$0x200] =	vst v8;
	v8 =	vadd.f32 v9, v1  }
0x49c: {  	v61 =	vld [tilespmem:s8+$0x250];
	v9 =	vadd.f32 v12, v7;
	[tilespmem:s8+$0x1C0] =	vst v10  }
0x49d: {  	v12 =	vld [tilespmem:s8+$0x280];
	[tilespmem:s8+$0x1E0] =	vst v8;
	v8 =	vadd.f32 v60, v5  }
0x49e: {  	v10 =	vld [tilespmem:s8+$0x260];
	[tilespmem:s8+$0x1F0] =	vst v9;
	v9 =	vadd.f32 v13, v6  }
0x49f: {  	v11 =	vld [tilespmem:s8+$0x270];
	[tilespmem:s8+$0x210] =	vst v8;
	v8 =	vadd.f32 v14, v4  }
0x4a0: {  	v13 =	vld [tilespmem:s8+$0x290];
	[tilespmem:s8+$0x220] =	vst v9;
	v9 =	vadd.f32 v15, v3  }
0x4a1: {  	v14 =	vld [tilespmem:s8+$0x2A0];
	[tilespmem:s8+$0x230] =	vst v8;
	v8 =	vadd.f32 v61, v2  }
0x4a2: {  	v15 =	vld [tilespmem:s8+$0x2B0];
	[tilespmem:s8+$0x240] =	vst v9;
	v9 =	vadd.f32 v12, v0  }
0x4a3: {  	v62 =	vld [tilespmem:s8+$0x2C0];
	v10 =	vadd.f32 v10, v1;
	[tilespmem:s8+$0x250] =	vst v8  }
0x4a4: {  	v12 =	vld [tilespmem:s8+$0x2D0];
	[tilespmem:s8+$0x280] =	vst v9;
	v9 =	vadd.f32 v11, v7  }
0x4a5: {  	v8 =	vld [tilespmem:s8+$0x2E0];
	[tilespmem:s8+$0x260] =	vst v10;
	v10 =	vadd.f32 v13, v5  }
0x4a6: {  	v11 =	vld [tilespmem:s8+$0x2F0];
	[tilespmem:s8+$0x270] =	vst v9;
	v9 =	vadd.f32 v14, v6  }
0x4a7: {  	v13 =	vld [tilespmem:s8+$0x300];
	[tilespmem:s8+$0x290] =	vst v10;
	v10 =	vadd.f32 v15, v4  }
0x4a8: {  	v14 =	vld [tilespmem:s8+$0x310];
	[tilespmem:s8+$0x2A0] =	vst v9;
	v9 =	vadd.f32 v62, v3  }
0x4a9: {  	v15 =	vld [tilespmem:s8+$0x320];
	[tilespmem:s8+$0x2B0] =	vst v10;
	v10 =	vadd.f32 v12, v2  }
0x4aa: {  	v12 =	vld [tilespmem:s8+$0x330];
	v8 =	vadd.f32 v8, v1;
	[tilespmem:s8+$0x2C0] =	vst v9  }
0x4ab: {  	v11 =	vadd.f32 v11, v7;
	v9 =	vld [tilespmem:s8+$0x340];
	[tilespmem:s8+$0x2D0] =	vst v10  }
0x4ac: {  	v10 =	vadd.f32 v13, v0;
	v13 =	vld [tilespmem:s8+$0x350];
	[tilespmem:s8+$0x2E0] =	vst v8  }
0x4ad: {  	v8 =	vld [tilespmem:s8+$0x360];
	v14 =	vadd.f32 v14, v5;
	[tilespmem:s8+$0x2F0] =	vst v11  }
0x4ae: {  	v11 =	vld [tilespmem:s8+$0x370];
	[tilespmem:s8+$0x300] =	vst v10;
	v10 =	vadd.f32 v15, v6  }
0x4af: {  	[tilespmem:s8+$0x310] =	vst v14;
	v12 =	vadd.f32 v12, v4;
	v14 =	vld [tilespmem:s8+$0x380]  }
0x4b0: {  	v15 =	vld [tilespmem:s8+$0x390];
	[tilespmem:s8+$0x320] =	vst v10;
	v9 =	vadd.f32 v9, v3  }
0x4b1: {  	v63 =	vld [tilespmem:s8+$0x3A0];
	[tilespmem:s8+$0x330] =	vst v12;
	v10 =	vadd.f32 v13, v2  }
0x4b2: {  	v12 =	vadd.f32 v8, v1;
	v8 =	vld [tilespmem:s8+$0x3B0];
	[tilespmem:s8+$0x340] =	vst v9  }
0x4b3: {  	v11 =	vadd.f32 v11, v7;
	[tilespmem:s8+$0x350] =	vst v10;
	v9 =	vld [tilespmem:s8+$0x3C0]  }
0x4b4: {  	[tilespmem:s8+$0x360] =	vst v12;
	v10 =	vld [tilespmem:s8+$0x3D0];
	v14 =	vadd.f32 v14, v0  }
0x4b5: {  	s10 =	simm.s32 $0x12C00;
	v13 =	vadd.f32 v15, v5;
	[tilespmem:s8+$0x370] =	vst v11;
	v11 =	vld [tilespmem:s8+$0x3E0]  }
0x4b6: {  	s11 =	simm.s32 $0x3400;
	s12 =	simm.s32 $0x16800;
	s7 =	simm.s32 $0x0;
	v12 =	vld [tilespmem:s8+$0x0];
	[tilespmem:s8+$0x380] =	vst v14;
	v14 =	vadd.f32 v63, v6  }
.LBB2_20:
0x4b7: {  	v15 =	vld [tilespmem:s10+$0x3F0];
	s7 =	sadd.s32 $0x8, s7;
	[tilespmem:s8+$0x390] =	vst v13;
	v8 =	vadd.f32 v8, v4  }
0x4b8: {  	v13 =	vld [tilespmem:s10+$0x10];
	p1 =	slt.u32 s7, $0x78;
	[tilespmem:s8+$0x3A0] =	vst v14;
	v9 =	vadd.f32 v9, v3  }
0x4b9: {  	v14 =	vld [tilespmem:s10+$0x20];
	[tilespmem:s8+$0x3B0] =	vst v8;
	v8 =	vadd.f32 v10, v2  }
0x4ba: {  	v10 =	vld [tilespmem:s10+$0x30];
	[tilespmem:s8+$0x3C0] =	vst v9;
	v9 =	vadd.f32 v11, v1  }
0x4bb: {  	v11 =	vld [tilespmem:s10+$0x40];
	v12 =	vadd.f32 v12, v0;
	[tilespmem:s8+$0x3D0] =	vst v8  }
0x4bc: {  	v8 =	vld [tilespmem:s10+$0x50];
	v15 =	vadd.f32 v15, v7;
	[tilespmem:s8+$0x3E0] =	vst v9  }
0x4bd: {  	v9 =	vadd.f32 v13, v5;
	v13 =	vld [tilespmem:s10+$0x60];
	[tilespmem:s8+$0x0] =	vst v12;
	s8 =	smov.u32 s10  }
0x4be: {  	v12 =	vadd.f32 v14, v6;
	v14 =	vld [tilespmem:s10+$0x70];
	[tilespmem:s10+$0x3F0] =	vst v15  }
0x4bf: {  	[tilespmem:s10+$0x10] =	vst v9;
	v9 =	vadd.f32 v10, v4;
	v10 =	vld [tilespmem:s10+$0x80]  }
0x4c0: {  	[tilespmem:s10+$0x20] =	vst v12;
	v11 =	vadd.f32 v11, v3;
	v12 =	vld [tilespmem:s10+$0x90]  }
0x4c1: {  	[tilespmem:s10+$0x30] =	vst v9;
	v8 =	vadd.f32 v8, v2;
	v9 =	vld [tilespmem:s10+$0xA0]  }
0x4c2: {  	[tilespmem:s10+$0x40] =	vst v11;
	v11 =	vadd.f32 v13, v1;
	v13 =	vld [tilespmem:s10+$0xB0]  }
0x4c3: {  	[tilespmem:s10+$0x50] =	vst v8;
	v8 =	vadd.f32 v14, v7;
	v14 =	vld [tilespmem:s10+$0xC0]  }
0x4c4: {  	[tilespmem:s10+$0x60] =	vst v11;
	v10 =	vadd.f32 v10, v0;
	v11 =	vld [tilespmem:s10+$0xD0]  }
0x4c5: {  	[tilespmem:s10+$0x70] =	vst v8;
	v8 =	vadd.f32 v12, v5;
	v12 =	vld [tilespmem:s10+$0xE0]  }
0x4c6: {  	[tilespmem:s10+$0x80] =	vst v10;
	v9 =	vadd.f32 v9, v6;
	v10 =	vld [tilespmem:s10+$0xF0]  }
0x4c7: {  	[tilespmem:s10+$0x90] =	vst v8;
	v8 =	vadd.f32 v13, v4;
	v13 =	vld [tilespmem:s10+$0x100]  }
0x4c8: {  	[tilespmem:s10+$0xA0] =	vst v9;
	v9 =	vadd.f32 v14, v3;
	v14 =	vld [tilespmem:s10+$0x110]  }
0x4c9: {  	[tilespmem:s10+$0xB0] =	vst v8;
	v8 =	vadd.f32 v11, v2;
	v11 =	vld [tilespmem:s10+$0x120]  }
0x4ca: {  	[tilespmem:s10+$0xC0] =	vst v9;
	v9 =	vadd.f32 v12, v1;
	v12 =	vld [tilespmem:s10+$0x130]  }
0x4cb: {  	[tilespmem:s10+$0xD0] =	vst v8;
	v8 =	vadd.f32 v10, v7;
	v10 =	vld [tilespmem:s10+$0x140]  }
0x4cc: {  	[tilespmem:s10+$0xE0] =	vst v9;
	v9 =	vadd.f32 v13, v0;
	v13 =	vld [tilespmem:s10+$0x150]  }
0x4cd: {  	[tilespmem:s10+$0xF0] =	vst v8;
	v8 =	vadd.f32 v14, v5;
	v14 =	vld [tilespmem:s10+$0x160]  }
0x4ce: {  	[tilespmem:s10+$0x100] =	vst v9;
	v9 =	vadd.f32 v11, v6;
	v11 =	vld [tilespmem:s10+$0x170]  }
0x4cf: {  	[tilespmem:s10+$0x110] =	vst v8;
	v8 =	vadd.f32 v12, v4;
	v12 =	vld [tilespmem:s10+$0x180]  }
0x4d0: {  	[tilespmem:s10+$0x120] =	vst v9;
	v9 =	vadd.f32 v10, v3;
	v10 =	vld [tilespmem:s10+$0x190]  }
0x4d1: {  	[tilespmem:s10+$0x130] =	vst v8;
	v8 =	vadd.f32 v13, v2;
	v13 =	vld [tilespmem:s10+$0x1A0]  }
0x4d2: {  	[tilespmem:s10+$0x140] =	vst v9;
	v9 =	vadd.f32 v14, v1;
	v14 =	vld [tilespmem:s10+$0x1B0]  }
0x4d3: {  	[tilespmem:s10+$0x150] =	vst v8;
	v8 =	vadd.f32 v11, v7;
	v11 =	vld [tilespmem:s10+$0x1C0]  }
0x4d4: {  	[tilespmem:s10+$0x160] =	vst v9;
	v9 =	vadd.f32 v12, v0;
	v12 =	vld [tilespmem:s10+$0x1D0]  }
0x4d5: {  	[tilespmem:s10+$0x170] =	vst v8;
	v8 =	vadd.f32 v10, v5;
	v10 =	vld [tilespmem:s10+$0x1E0]  }
0x4d6: {  	[tilespmem:s10+$0x180] =	vst v9;
	v9 =	vadd.f32 v13, v6;
	v13 =	vld [tilespmem:s10+$0x1F0]  }
0x4d7: {  	[tilespmem:s10+$0x190] =	vst v8;
	v8 =	vadd.f32 v14, v4;
	v14 =	vld [tilespmem:s10+$0x200]  }
0x4d8: {  	[tilespmem:s10+$0x1A0] =	vst v9;
	v9 =	vadd.f32 v11, v3;
	v11 =	vld [tilespmem:s10+$0x210]  }
0x4d9: {  	[tilespmem:s10+$0x1B0] =	vst v8;
	v8 =	vadd.f32 v12, v2;
	v12 =	vld [tilespmem:s10+$0x220]  }
0x4da: {  	[tilespmem:s10+$0x1C0] =	vst v9;
	v9 =	vadd.f32 v10, v1;
	v10 =	vld [tilespmem:s10+$0x230]  }
0x4db: {  	[tilespmem:s10+$0x1D0] =	vst v8;
	v8 =	vadd.f32 v13, v7;
	v13 =	vld [tilespmem:s10+$0x240]  }
0x4dc: {  	[tilespmem:s10+$0x1E0] =	vst v9;
	v9 =	vadd.f32 v14, v0;
	v14 =	vld [tilespmem:s10+$0x250]  }
0x4dd: {  	[tilespmem:s10+$0x1F0] =	vst v8;
	v8 =	vadd.f32 v11, v5;
	v11 =	vld [tilespmem:s10+$0x260]  }
0x4de: {  	[tilespmem:s10+$0x200] =	vst v9;
	v9 =	vadd.f32 v12, v6;
	v12 =	vld [tilespmem:s10+$0x270]  }
0x4df: {  	[tilespmem:s10+$0x210] =	vst v8;
	v8 =	vadd.f32 v10, v4;
	v10 =	vld [tilespmem:s10+$0x280]  }
0x4e0: {  	[tilespmem:s10+$0x220] =	vst v9;
	v9 =	vadd.f32 v13, v3;
	v13 =	vld [tilespmem:s10+$0x290]  }
0x4e1: {  	[tilespmem:s10+$0x230] =	vst v8;
	v8 =	vadd.f32 v14, v2;
	v14 =	vld [tilespmem:s10+$0x2A0]  }
0x4e2: {  	[tilespmem:s10+$0x240] =	vst v9;
	v9 =	vadd.f32 v11, v1;
	v11 =	vld [tilespmem:s10+$0x2B0]  }
0x4e3: {  	[tilespmem:s10+$0x250] =	vst v8;
	v8 =	vadd.f32 v12, v7;
	v12 =	vld [tilespmem:s10+$0x2C0]  }
0x4e4: {  	[tilespmem:s10+$0x260] =	vst v9;
	v9 =	vadd.f32 v10, v0;
	v10 =	vld [tilespmem:s10+$0x2D0]  }
0x4e5: {  	[tilespmem:s10+$0x270] =	vst v8;
	v8 =	vadd.f32 v13, v5;
	v13 =	vld [tilespmem:s10+$0x2E0]  }
0x4e6: {  	[tilespmem:s10+$0x280] =	vst v9;
	v9 =	vadd.f32 v14, v6;
	v14 =	vld [tilespmem:s10+$0x2F0]  }
0x4e7: {  	[tilespmem:s10+$0x290] =	vst v8;
	v8 =	vadd.f32 v11, v4;
	v11 =	vld [tilespmem:s10+$0x300]  }
0x4e8: {  	[tilespmem:s10+$0x2A0] =	vst v9;
	v9 =	vadd.f32 v12, v3;
	v12 =	vld [tilespmem:s10+$0x310]  }
0x4e9: {  	[tilespmem:s10+$0x2B0] =	vst v8;
	v8 =	vadd.f32 v10, v2;
	v10 =	vld [tilespmem:s10+$0x320]  }
0x4ea: {  	[tilespmem:s10+$0x2C0] =	vst v9;
	v9 =	vadd.f32 v13, v1;
	v13 =	vld [tilespmem:s10+$0x330]  }
0x4eb: {  	[tilespmem:s10+$0x2D0] =	vst v8;
	v8 =	vadd.f32 v14, v7;
	v14 =	vld [tilespmem:s10+$0x340]  }
0x4ec: {  	[tilespmem:s10+$0x2E0] =	vst v9;
	v9 =	vadd.f32 v11, v0;
	v11 =	vld [tilespmem:s10+$0x350]  }
0x4ed: {  	[tilespmem:s10+$0x2F0] =	vst v8;
	v8 =	vadd.f32 v12, v5;
	v12 =	vld [tilespmem:s10+$0x360]  }
0x4ee: {  	[tilespmem:s10+$0x300] =	vst v9;
	v9 =	vadd.f32 v10, v6;
	v10 =	vld [tilespmem:s10+$0x370]  }
0x4ef: {  	[tilespmem:s10+$0x310] =	vst v8;
	v8 =	vadd.f32 v13, v4;
	v13 =	vld [tilespmem:s10+$0x380]  }
0x4f0: {  	[tilespmem:s10+$0x320] =	vst v9;
	v9 =	vadd.f32 v14, v3;
	v14 =	vld [tilespmem:s10+$0x390]  }
0x4f1: {  	[tilespmem:s10+$0x330] =	vst v8;
	v11 =	vadd.f32 v11, v2;
	v15 =	vld [tilespmem:s10+$0x3A0]  }
.Ltmp9:
0x4f2: {  	[tilespmem:s10+$0x340] =	vst v9;
	v12 =	vadd.f32 v12, v1;
	v8 =	vld [tilespmem:s10+$0x3B0];
	(pc) =	sbr.rel @p1 .LBB2_20-.Ltmp9, $4  }
0x4f3: {  	[tilespmem:s10+$0x350] =	vst v11;
	v11 =	vadd.f32 v10, v7;
	v9 =	vld [tilespmem:s10+$0x3C0]  }
0x4f4: {  	[tilespmem:s10+$0x360] =	vst v12;
	v16 =	vadd.f32 v13, v0;
	v10 =	vld [tilespmem:s10+$0x3D0]  }
0x4f5: {  	[tilespmem:s10+$0x370] =	vst v11;
	v13 =	vadd.f32 v14, v5;
	v11 =	vld [tilespmem:s10+$0x3E0]  }
0x4f6: {  	s10 =	sadd.s32 $0x400, s10;
	v12 =	vld [tilespmem:s8+$0x0];
	[tilespmem:s8+$0x380] =	vst v16;
	v14 =	vadd.f32 v15, v6  }
0x4f7: {  	[tilespmem:s8+$0x390] =	vst v13;
	v4 =	vadd.f32 v8, v4  }
0x4f8: {  	[tilespmem:s8+$0x3A0] =	vst v14;
	v3 =	vadd.f32 v9, v3  }
0x4f9: {  	[tilespmem:s8+$0x3B0] =	vst v4;
	v2 =	vadd.f32 v10, v2  }
0x4fa: {  	[tilespmem:s8+$0x3C0] =	vst v3;
	v1 =	vadd.f32 v11, v1  }
0x4fb: {  	v0 =	vadd.f32 v12, v0;
	[tilespmem:s8+$0x3D0] =	vst v2  }
0x4fc: {  	[tilespmem:s8+$0x3E0] =	vst v1  }
0x4fd: {  	[tilespmem:s8+$0x0] =	vst v0  }
0x4fe: {  	s7 =	rddreg [dreg:$0xc]  }
0x4ff: {  	[hbm4b:s7+s6] =	stream.linear.scatter [tilespmem:s1], [sflag:$0x8], $0x4000, $0x38;
	[tilespmem:$0x1C740] =	vst v63  }
0x500: {  	_ =	swait.ge [sflag:s30], $0x4000  }
0x501: {  	[sflag:s30] =	ssyncset.done $0x0  }
0x502: {  	[sflag:s30] =	ssyncadd.s32 $0xFFFFC000  }
0x503: {  	_ =	swait.ge [sflag:s0], $0x4000  }
0x504: {  	[sflag:s0] =	ssyncset.done $0x0  }
0x505: {  	[sflag:s0] =	ssyncadd.s32 $0xFFFFC000  }
0x506: {  	_ =	swait.ge [sflag:s18], $0x4000  }
0x507: {  	s21 =	sadd.s32 $0x1, s21;
	s22 =	rddreg [dreg:$0xd]  }
0x508: {  	p1 =	sne.s32 s21, s22  }
.Ltmp10:
0x509: {  	_ = 	snop;
	(pc) =	sbr.rel @p1 .LBB2_1-.Ltmp10, $3  }
0x50a: {  	_ =	sdelay $0x1  }
0x50b: {  	[sflag:s18] =	ssyncset.done $0x0  }
0x50c: {  	[sflag:s18] =	ssyncadd.s32 $0xFFFFC000  }
0x50d: {  	_ =	sfence.sel $0x180000  }
0x50e: {  	[bflag:$0x0] =	sbarrier.arrive $0xFFFF  }
0x50f: {  	_ =	strace $0x90000047  }
0x510: {  	[bflag:$0x2] =	sbarrier.arrive $0xFFFF  }
0x511: {  	s0 =	rddreg [dreg:$0x6]  }
0x512: {  	s0 =	sadd.s32 @!p0 $0x100000, s0  }
0x513: {  	[sflag:s0] =	ssyncadd.tile.s32 @!p0 $0x1;
	_ =	shalt  }
.Lfunc_end2:
_tile_overlayer_lowered:
.L_overlay_start_2:
0x514: {  	(tag) =	ssettag $0x2  }
0x515: {  	s0 =	rddreg [dreg:$0x0];
	s2 =	stileid.u32  }
0x516: {  	s1 =	rddreg [dreg:$0x1];
	p0 =	sne.s32 s2, $0x0  }
0x517: {  	s3 =	rddreg [dreg:$0x2];
	[bflag:$0x3] =	sbarrier.arrive $0xFFFF;
	s2 =	simm.s32 @!p0 $0x1C0D  }
0x518: {  	[timem:s3], [sflag:s2] =	dma.local @!p0 [hbm:s0], s1  }
0x519: {  	s0 =	simm.s32 @!p0 $0xD  }
0x51a: {  	_ =	swait.ge @!p0 [sflag:s0], s1  }
0x51b: {  	s1 =	ssub.s32 @!p0 $0x0, s1;
	[sflag:s0] =	ssyncset.done @!p0 $0x0  }
0x51c: {  	[sflag:s0] =	ssyncadd.s32 @!p0 s1  }
0x51d: {  	[bflag:$0x3] =	sbarrier.arrive $0xFFFF  }
0x51e: {  	_ =	shalt  }

</sc_bundles>
